<compile_context>
chip_gen: v7x
topology: tpu7x:2x2x1
jax: 0.10.2.dev20260603
libtpu: 0.0.44.dev20260713+nightly
codegen_flags: <defaults>
</compile_context>

<pallas_src>
import functools

import jax
import jax.numpy as jnp
from jax import lax
from jax.experimental import pallas as pl
from jax.experimental.pallas import tpu as pltpu
from jax.experimental.pallas import tpu_sc as plsc

BATCH = 16384
DIM = 64
ROWS = 1500000
LANE = 128
KTILE = 8
NUM_CORES = 2
NUM_SUBCORES = 16
NUM_WORKERS = NUM_CORES * NUM_SUBCORES
B_PER_W = BATCH // NUM_WORKERS
SUB = 4
NSLOT = 8

_mesh = plsc.VectorSubcoreMesh(core_axis_name="c", subcore_axis_name="s")


@functools.partial(
    pl.kernel,
    mesh=_mesh,
    out_type=jax.ShapeDtypeStruct((BATCH, DIM), jnp.float32),
    scratch_types=[
        pltpu.VMEM((B_PER_W,), jnp.int32),
        pltpu.VMEM((NSLOT * DIM, LANE), jnp.float32),
        pltpu.VMEM((B_PER_W // 2, DIM), jnp.float32),
        pltpu.SemaphoreType.DMA,
        pltpu.SemaphoreType.DMA,
    ],
    compiler_params=pltpu.CompilerParams(needs_layout_passes=False),
)
def _sc_gather(table_hbm, idx_hbm, out_hbm, idx_v, buf, slab, sema, semb):
    wid = lax.axis_index("s") * NUM_CORES + lax.axis_index("c")
    base = wid * B_PER_W
    pltpu.sync_copy(idx_hbm.at[pl.ds(base, B_PER_W)], idx_v)

    lane = lax.iota(jnp.int32, 16)
    sems = (sema, semb)
    buf4 = buf.reshape(NSLOT, KTILE, 8, LANE)

    def fire(cvec, i, st):
        prev_c, fire_cnt, prev_slot = st
        sem = sems[i % 2]
        meta = []
        for t in range(SUB):
            c = cvec[SUB * i + t]
            pred = c != prev_c
            slot = lax.select(pred, fire_cnt & (NSLOT - 1), prev_slot)

            @pl.when(pred)
            def _():
                pltpu.async_copy(
                    table_hbm.at[pl.ds(0, KTILE), pl.ds(0, 8),
                                 pl.ds(pl.multiple_of(c * LANE, LANE), LANE)],
                    buf4.at[slot],
                    sem,
                )

            meta.append((pred, slot))
            fire_cnt = fire_cnt + pred.astype(jnp.int32)
            prev_c, prev_slot = c, slot
        return meta, (prev_c, fire_cnt, prev_slot)

    def select(g, jvec, i, meta):
        sem = sems[i % 2]
        for t in range(SUB):
            pred, slot = meta[t]

            @pl.when(pred)
            def _():
                pltpu.make_async_copy(
                    table_hbm.at[pl.ds(0, KTILE), pl.ds(0, 8), pl.ds(0, LANE)],
                    buf4.at[slot], sem,
                ).wait()

            e = g * 16 + SUB * i + t
            col = lax.broadcast(jvec[SUB * i + t], (16,))
            for kq in range(DIM // 16):
                rows = slot * DIM + kq * 16 + lane
                vals = plsc.load_gather(buf, [rows, col])
                slab[e, pl.ds(kq * 16, 16)] = vals

    def make_body(g0):
        def body(g, st):
            ids = idx_v[pl.ds(g * 16, 16)]
            cvec = ids >> 7
            jvec = ids & (LANE - 1)
            m0, st = fire(cvec, 0, st)
            m1, st = fire(cvec, 1, st)
            select(g - g0, jvec, 0, m0)
            m2, st = fire(cvec, 2, st)
            select(g - g0, jvec, 1, m1)
            m3, st = fire(cvec, 3, st)
            select(g - g0, jvec, 2, m2)
            select(g - g0, jvec, 3, m3)
            return st
        return body

    half_g = B_PER_W // 32
    st = (jnp.int32(-1), jnp.int32(0), jnp.int32(0))
    st = lax.fori_loop(0, half_g, make_body(0), st)
    pltpu.sync_copy(slab, out_hbm.at[pl.ds(base, B_PER_W // 2), pl.ds(0, DIM)])
    st = lax.fori_loop(half_g, 2 * half_g, make_body(half_g), st)
    pltpu.sync_copy(
        slab, out_hbm.at[pl.ds(base + B_PER_W // 2, B_PER_W // 2),
                         pl.ds(0, DIM)])


def kernel(embedding_weight, batch):
    table4 = embedding_weight.T.reshape(KTILE, 8, ROWS)
    idx = batch.astype(jnp.int32)
    ids_sorted, srt = lax.sort(
        [idx, jnp.arange(BATCH, dtype=jnp.int32)], num_keys=1)
    out2 = _sc_gather(table4, ids_sorted)
    inv = jnp.zeros((BATCH,), jnp.int32).at[srt].set(
        jnp.arange(BATCH, dtype=jnp.int32))
    return out2[inv]

# --- scband reference (transcript-rebuilt; emitter-appended) ---
"""Pipeline reference for scband-meta-path2-vec-41343355191686 (READ-ONLY COPY).

The authoritative reference and input builder live on the scoring server;
editing this copy changes nothing except your own understanding.
"""

import jax, jax.numpy as jnp
import numpy as np

NUM_NODES_AUTHOR = 1000000
NUM_NODES_PAPER = 500000
TOTAL_NODES = NUM_NODES_AUTHOR + NUM_NODES_PAPER
EMBEDDING_DIM = 64
BATCH = 16384
# node type ordering follows metapath traversal: author first, then paper
START_OFFSET_AUTHOR = 0


def setup_inputs(seed: int = 0) -> dict:
    key = jax.random.key(seed)
    k_emb, k_batch = jax.random.split(key)
    # Learned parameter: single flat embedding table over all node types,
    # matching MetaPath2Vec's internal Embedding(count, embedding_dim).
    embedding_weight = jax.random.normal(k_emb, (TOTAL_NODES, EMBEDDING_DIM), dtype=jnp.float32)
    # batch of 'author' node ids (local ids within the node type)
    batch = jax.random.randint(k_batch, (BATCH,), 0, NUM_NODES_AUTHOR, dtype=jnp.int64)
    return {"embedding_weight": embedding_weight, "batch": batch}


def reference(embedding_weight, batch):
    # MetaPath2Vec.forward(node_type='author', batch):
    #   emb = self.embedding.weight[self.start[node_type] + batch]
    idx = batch + START_OFFSET_AUTHOR
    return jnp.take(embedding_weight, idx, axis=0)

if __name__ == "__main__":
    import jax
    _d = setup_inputs()
    print(jax.jit(kernel)(*tuple(_d.values())))

</pallas_src>

<mosaic_0001>
#map = affine_map<(d0, d1) -> (0, 0, 0)>
#map1 = affine_map<(d0, d1) -> (0)>
#map2 = affine_map<(d0, d1) -> (0, 0)>
module attributes {stable_mosaic.version = 14 : i64} {
  func.func @_sc_gather(%arg0: i32, %arg1: i32, %arg2: memref<8x8x1500000xf32, #tpu.memory_space<hbm>>, %arg3: memref<16384xi32, #tpu.memory_space<hbm>>, %arg4: memref<16384x64xf32, #tpu.memory_space<hbm>>, %arg5: memref<512xi32, #tpu.memory_space<vmem>>, %arg6: memref<512x128xf32, #tpu.memory_space<vmem>>, %arg7: memref<256x64xf32, #tpu.memory_space<vmem>>, %arg8: memref<!tpu.dma_semaphore, #tpu.memory_space<semaphore_mem>>, %arg9: memref<!tpu.dma_semaphore, #tpu.memory_space<semaphore_mem>>) attributes {dimension_semantics = [#tpu.dimension_semantics<core_parallel>, #tpu.dimension_semantics<subcore_parallel>], iteration_bounds = array<i64: 2, 16>, scalar_prefetch = 0 : i64, scratch_operands = 5 : i64, tpu.core_type = #tpu.core_type<sc_vector_subcore>, window_params = [{transform_indices = #map}, {transform_indices = #map1}, {transform_indices = #map2}]} {
    %mul3A = arith.constant 2 : i32
    %mul3A_0 = arith.muli %arg1, %mul3A : i32
    %add3A = arith.addi %mul3A_0, %arg0 : i32
    %mul3A_1 = arith.constant 512 : i32
    %mul3A_2 = arith.muli %add3A, %mul3A_1 : i32
    "tpu.region"() ({
      %run_scoped3A = tpu.sem_alloc : memref<!tpu.dma_semaphore, #tpu.memory_space<semaphore_mem>>
      %dma_start3A = tpu.memref_slice %arg3[%mul3A_2] : memref<16384xi32, #tpu.memory_space<hbm>> -> memref<512xi32, #tpu.memory_space<hbm>>
      %dma_start3A_19 = tpu.memref_slice %arg3[%mul3A_2] : memref<16384xi32, #tpu.memory_space<hbm>> -> memref<512xi32, #tpu.memory_space<hbm>>
      tpu.enqueue_dma source(%dma_start3A_19 : memref<512xi32, #tpu.memory_space<hbm>>) target(%arg5 : memref<512xi32, #tpu.memory_space<vmem>>) target_semaphore(%run_scoped3A : memref<!tpu.dma_semaphore, #tpu.memory_space<semaphore_mem>>)
      %dma_wait3A = tpu.memref_slice %arg3[%mul3A_2] : memref<16384xi32, #tpu.memory_space<hbm>> -> memref<512xi32, #tpu.memory_space<hbm>>
      %dma_wait3A_20 = tpu.memref_slice %arg3[%mul3A_2] : memref<16384xi32, #tpu.memory_space<hbm>> -> memref<512xi32, #tpu.memory_space<hbm>>
      tpu.wait_dma2 semaphore(%run_scoped3A : memref<!tpu.dma_semaphore, #tpu.memory_space<semaphore_mem>>) src(%dma_wait3A_20 : memref<512xi32, #tpu.memory_space<hbm>>) dst(%arg5 : memref<512xi32, #tpu.memory_space<vmem>>)
      tpu.yield
    }) : () -> ()
    %iota3A = tpu.iota {dimensions = array<i32: 0>} : vector<16xi32>
    %scan3A = arith.constant -1 : i32
    %scan3A_3 = arith.constant 0 : i32
    %scan3A_4 = arith.constant 0 : i32
    %scan3A_5 = arith.constant 0 : i32
    %scan3A_6 = arith.constant 16 : i32
    %scan3A_7 = arith.addi %scan3A_5, %scan3A_6 : i32
    %scan3A_8 = arith.constant 1 : i32
    %scan3A_9:3 = scf.for %scan3A_19 = %scan3A_5 to %scan3A_7 step %scan3A_8 iter_args(%scan3A_20 = %scan3A, %scan3A_21 = %scan3A_3, %scan3A_22 = %scan3A_4) -> (i32, i32, i32)  : i32 {
      %mul3A_23 = arith.constant 16 : i32
      %mul3A_24 = arith.muli %scan3A_19, %mul3A_23 : i32
      %get3A = arith.index_cast %mul3A_24 : i32 to index
      %get3A_25 = tpu.vector_load %arg5[%get3A] {strides = array<i32>} : memref<512xi32, #tpu.memory_space<vmem>>, vector<16xi32>,
      %shift_right_arithmetic3A = arith.constant 7 : i32
      %shift_right_arithmetic3A_26 = vector.broadcast %shift_right_arithmetic3A : i32 to vector<16xi32>
      %shift_right_arithmetic3A_27 = arith.shrsi %get3A_25, %shift_right_arithmetic3A_26 : vector<16xi32>
      %and3A = arith.constant 127 : i32
      %and3A_28 = vector.broadcast %and3A : i32 to vector<16xi32>
      %and3A_29 = arith.andi %get3A_25, %and3A_28 : vector<16xi32>
      %slice3A = vector.extract_strided_slice %shift_right_arithmetic3A_27 {offsets = [0], sizes = [1], strides = [1]} : vector<16xi32> to vector<1xi32>
      %squeeze3A = vector.extract %slice3A[0] : i32 from vector<1xi32>
      %ne3A = arith.cmpi ne, %squeeze3A, %scan3A_20 : i32
      %and3A_30 = arith.constant 7 : i32
      %and3A_31 = arith.andi %scan3A_21, %and3A_30 : i32
      %select_n3A = arith.select %ne3A, %and3A_31, %scan3A_22 : i32
      %convert_element_type3A = arith.extui %ne3A : i1 to i32
      %cond3A = arith.constant 0 : i32
      %cond3A_32 = arith.cmpi ne, %convert_element_type3A, %cond3A : i32
      scf.if %cond3A_32 {
        %mul3A_1036 = arith.constant 128 : i32
        %mul3A_1037 = arith.muli %squeeze3A, %mul3A_1036 : i32
        %multiple_of3A = tpu.assume_multiple %mul3A_1037, 128 : i32
        %dma_start3A = tpu.memref_reshape %arg6 : memref<512x128xf32, #tpu.memory_space<vmem>> -> memref<8x8x8x128xf32, #tpu.memory_space<vmem>>
        %dma_start3A_1038 = arith.constant 0 : i32
        %dma_start3A_1039 = arith.constant 0 : i32
        %dma_start3A_1040 = arith.constant 0 : i32
        %dma_start3A_1041 = tpu.memref_slice %dma_start3A[%select_n3A, %dma_start3A_1038, %dma_start3A_1039, %dma_start3A_1040] : memref<8x8x8x128xf32, #tpu.memory_space<vmem>> -> memref<1x8x8x128xf32, #tpu.memory_space<vmem>>
        %dma_start3A_1042 = tpu.memref_squeeze %dma_start3A_1041 : memref<1x8x8x128xf32, #tpu.memory_space<vmem>> -> memref<8x8x128xf32, #tpu.memory_space<vmem>>
        %dma_start3A_1043 = arith.constant 0 : i32
        %dma_start3A_1044 = arith.constant 0 : i32
        %dma_start3A_1045 = tpu.memref_slice %arg2[%dma_start3A_1043, %dma_start3A_1044, %multiple_of3A] : memref<8x8x1500000xf32, #tpu.memory_space<hbm>> -> memref<8x8x128xf32, #tpu.memory_space<hbm>>
        %dma_start3A_1046 = tpu.memref_reshape %arg6 : memref<512x128xf32, #tpu.memory_space<vmem>> -> memref<8x8x8x128xf32, #tpu.memory_space<vmem>>
        %dma_start3A_1047 = arith.constant 0 : i32
        %dma_start3A_1048 = arith.constant 0 : i32
        %dma_start3A_1049 = arith.constant 0 : i32
        %dma_start3A_1050 = tpu.memref_slice %dma_start3A_1046[%select_n3A, %dma_start3A_1047, %dma_start3A_1048, %dma_start3A_1049] : memref<8x8x8x128xf32, #tpu.memory_space<vmem>> -> memref<1x8x8x128xf32, #tpu.memory_space<vmem>>
        %dma_start3A_1051 = tpu.memref_squeeze %dma_start3A_1050 : memref<1x8x8x128xf32, #tpu.memory_space<vmem>> -> memref<8x8x128xf32, #tpu.memory_space<vmem>>
        %dma_start3A_1052 = arith.constant 0 : i32
        %dma_start3A_1053 = arith.constant 0 : i32
        %dma_start3A_1054 = tpu.memref_slice %arg2[%dma_start3A_1052, %dma_start3A_1053, %multiple_of3A] : memref<8x8x1500000xf32, #tpu.memory_space<hbm>> -> memref<8x8x128xf32, #tpu.memory_space<hbm>>
        tpu.enqueue_dma source(%dma_start3A_1054 : memref<8x8x128xf32, #tpu.memory_space<hbm>>) target(%dma_start3A_1051 : memref<8x8x128xf32, #tpu.memory_space<vmem>>) target_semaphore(%arg8 : memref<!tpu.dma_semaphore, #tpu.memory_space<semaphore_mem>>)
      } else {
      }
      %convert_element_type3A_33 = arith.extui %ne3A : i1 to i32
      %add3A_34 = arith.addi %scan3A_21, %convert_element_type3A_33 : i32
      %slice3A_35 = vector.extract_strided_slice %shift_right_arithmetic3A_27 {offsets = [1], sizes = [1], strides = [1]} : vector<16xi32> to vector<1xi32>
      %squeeze3A_36 = vector.extract %slice3A_35[0] : i32 from vector<1xi32>
      %ne3A_37 = arith.cmpi ne, %squeeze3A_36, %squeeze3A : i32
      %and3A_38 = arith.constant 7 : i32
      %and3A_39 = arith.andi %add3A_34, %and3A_38 : i32
      %select_n3A_40 = arith.select %ne3A_37, %and3A_39, %select_n3A : i32
      %convert_element_type3A_41 = arith.extui %ne3A_37 : i1 to i32
      %cond3A_42 = arith.constant 0 : i32
      %cond3A_43 = arith.cmpi ne, %convert_element_type3A_41, %cond3A_42 : i32
      scf.if %cond3A_43 {
        %mul3A_1036 = arith.constant 128 : i32
        %mul3A_1037 = arith.muli %squeeze3A_36, %mul3A_1036 : i32
        %multiple_of3A = tpu.assume_multiple %mul3A_1037, 128 : i32
        %dma_start3A = tpu.memref_reshape %arg6 : memref<512x128xf32, #tpu.memory_space<vmem>> -> memref<8x8x8x128xf32, #tpu.memory_space<vmem>>
        %dma_start3A_1038 = arith.constant 0 : i32
        %dma_start3A_1039 = arith.constant 0 : i32
        %dma_start3A_1040 = arith.constant 0 : i32
        %dma_start3A_1041 = tpu.memref_slice %dma_start3A[%select_n3A_40, %dma_start3A_1038, %dma_start3A_1039, %dma_start3A_1040] : memref<8x8x8x128xf32, #tpu.memory_space<vmem>> -> memref<1x8x8x128xf32, #tpu.memory_space<vmem>>
        %dma_start3A_1042 = tpu.memref_squeeze %dma_start3A_1041 : memref<1x8x8x128xf32, #tpu.memory_space<vmem>> -> memref<8x8x128xf32, #tpu.memory_space<vmem>>
        %dma_start3A_1043 = arith.constant 0 : i32
        %dma_start3A_1044 = arith.constant 0 : i32
        %dma_start3A_1045 = tpu.memref_slice %arg2[%dma_start3A_1043, %dma_start3A_1044, %multiple_of3A] : memref<8x8x1500000xf32, #tpu.memory_space<hbm>> -> memref<8x8x128xf32, #tpu.memory_space<hbm>>
        %dma_start3A_1046 = tpu.memref_reshape %arg6 : memref<512x128xf32, #tpu.memory_space<vmem>> -> memref<8x8x8x128xf32, #tpu.memory_space<vmem>>
        %dma_start3A_1047 = arith.constant 0 : i32
        %dma_start3A_1048 = arith.constant 0 : i32
        %dma_start3A_1049 = arith.constant 0 : i32
        %dma_start3A_1050 = tpu.memref_slice %dma_start3A_1046[%select_n3A_40, %dma_start3A_1047, %dma_start3A_1048, %dma_start3A_1049] : memref<8x8x8x128xf32, #tpu.memory_space<vmem>> -> memref<1x8x8x128xf32, #tpu.memory_space<vmem>>
        %dma_start3A_1051 = tpu.memref_squeeze %dma_start3A_1050 : memref<1x8x8x128xf32, #tpu.memory_space<vmem>> -> memref<8x8x128xf32, #tpu.memory_space<vmem>>
        %dma_start3A_1052 = arith.constant 0 : i32
        %dma_start3A_1053 = arith.constant 0 : i32
        %dma_start3A_1054 = tpu.memref_slice %arg2[%dma_start3A_1052, %dma_start3A_1053, %multiple_of3A] : memref<8x8x1500000xf32, #tpu.memory_space<hbm>> -> memref<8x8x128xf32, #tpu.memory_space<hbm>>
        tpu.enqueue_dma source(%dma_start3A_1054 : memref<8x8x128xf32, #tpu.memory_space<hbm>>) target(%dma_start3A_1051 : memref<8x8x128xf32, #tpu.memory_space<vmem>>) target_semaphore(%arg8 : memref<!tpu.dma_semaphore, #tpu.memory_space<semaphore_mem>>)
      } else {
      }
      %convert_element_type3A_44 = arith.extui %ne3A_37 : i1 to i32
      %add3A_45 = arith.addi %add3A_34, %convert_element_type3A_44 : i32
      %slice3A_46 = vector.extract_strided_slice %shift_right_arithmetic3A_27 {offsets = [2], sizes = [1], strides = [1]} : vector<16xi32> to vector<1xi32>
      %squeeze3A_47 = vector.extract %slice3A_46[0] : i32 from vector<1xi32>
      %ne3A_48 = arith.cmpi ne, %squeeze3A_47, %squeeze3A_36 : i32
      %and3A_49 = arith.constant 7 : i32
      %and3A_50 = arith.andi %add3A_45, %and3A_49 : i32
      %select_n3A_51 = arith.select %ne3A_48, %and3A_50, %select_n3A_40 : i32
      %convert_element_type3A_52 = arith.extui %ne3A_48 : i1 to i32
      %cond3A_53 = arith.constant 0 : i32
      %cond3A_54 = arith.cmpi ne, %convert_element_type3A_52, %cond3A_53 : i32
      scf.if %cond3A_54 {
        %mul3A_1036 = arith.constant 128 : i32
        %mul3A_1037 = arith.muli %squeeze3A_47, %mul3A_1036 : i32
        %multiple_of3A = tpu.assume_multiple %mul3A_1037, 128 : i32
        %dma_start3A = tpu.memref_reshape %arg6 : memref<512x128xf32, #tpu.memory_space<vmem>> -> memref<8x8x8x128xf32, #tpu.memory_space<vmem>>
        %dma_start3A_1038 = arith.constant 0 : i32
        %dma_start3A_1039 = arith.constant 0 : i32
        %dma_start3A_1040 = arith.constant 0 : i32
        %dma_start3A_1041 = tpu.memref_slice %dma_start3A[%select_n3A_51, %dma_start3A_1038, %dma_start3A_1039, %dma_start3A_1040] : memref<8x8x8x128xf32, #tpu.memory_space<vmem>> -> memref<1x8x8x128xf32, #tpu.memory_space<vmem>>
        %dma_start3A_1042 = tpu.memref_squeeze %dma_start3A_1041 : memref<1x8x8x128xf32, #tpu.memory_space<vmem>> -> memref<8x8x128xf32, #tpu.memory_space<vmem>>
        %dma_start3A_1043 = arith.constant 0 : i32
        %dma_start3A_1044 = arith.constant 0 : i32
        %dma_start3A_1045 = tpu.memref_slice %arg2[%dma_start3A_1043, %dma_start3A_1044, %multiple_of3A] : memref<8x8x1500000xf32, #tpu.memory_space<hbm>> -> memref<8x8x128xf32, #tpu.memory_space<hbm>>
        %dma_start3A_1046 = tpu.memref_reshape %arg6 : memref<512x128xf32, #tpu.memory_space<vmem>> -> memref<8x8x8x128xf32, #tpu.memory_space<vmem>>
        %dma_start3A_1047 = arith.constant 0 : i32
        %dma_start3A_1048 = arith.constant 0 : i32
        %dma_start3A_1049 = arith.constant 0 : i32
        %dma_start3A_1050 = tpu.memref_slice %dma_start3A_1046[%select_n3A_51, %dma_start3A_1047, %dma_start3A_1048, %dma_start3A_1049] : memref<8x8x8x128xf32, #tpu.memory_space<vmem>> -> memref<1x8x8x128xf32, #tpu.memory_space<vmem>>
        %dma_start3A_1051 = tpu.memref_squeeze %dma_start3A_1050 : memref<1x8x8x128xf32, #tpu.memory_space<vmem>> -> memref<8x8x128xf32, #tpu.memory_space<vmem>>
        %dma_start3A_1052 = arith.constant 0 : i32
        %dma_start3A_1053 = arith.constant 0 : i32
        %dma_start3A_1054 = tpu.memref_slice %arg2[%dma_start3A_1052, %dma_start3A_1053, %multiple_of3A] : memref<8x8x1500000xf32, #tpu.memory_space<hbm>> -> memref<8x8x128xf32, #tpu.memory_space<hbm>>
        tpu.enqueue_dma source(%dma_start3A_1054 : memref<8x8x128xf32, #tpu.memory_space<hbm>>) target(%dma_start3A_1051 : memref<8x8x128xf32, #tpu.memory_space<vmem>>) target_semaphore(%arg8 : memref<!tpu.dma_semaphore, #tpu.memory_space<semaphore_mem>>)
      } else {
      }
      %convert_element_type3A_55 = arith.extui %ne3A_48 : i1 to i32
      %add3A_56 = arith.addi %add3A_45, %convert_element_type3A_55 : i32
      %slice3A_57 = vector.extract_strided_slice %shift_right_arithmetic3A_27 {offsets = [3], sizes = [1], strides = [1]} : vector<16xi32> to vector<1xi32>
      %squeeze3A_58 = vector.extract %slice3A_57[0] : i32 from vector<1xi32>
      %ne3A_59 = arith.cmpi ne, %squeeze3A_58, %squeeze3A_47 : i32
      %and3A_60 = arith.constant 7 : i32
      %and3A_61 = arith.andi %add3A_56, %and3A_60 : i32
      %select_n3A_62 = arith.select %ne3A_59, %and3A_61, %select_n3A_51 : i32
      %convert_element_type3A_63 = arith.extui %ne3A_59 : i1 to i32
      %cond3A_64 = arith.constant 0 : i32
      %cond3A_65 = arith.cmpi ne, %convert_element_type3A_63, %cond3A_64 : i32
      scf.if %cond3A_65 {
        %mul3A_1036 = arith.constant 128 : i32
        %mul3A_1037 = arith.muli %squeeze3A_58, %mul3A_1036 : i32
        %multiple_of3A = tpu.assume_multiple %mul3A_1037, 128 : i32
        %dma_start3A = tpu.memref_reshape %arg6 : memref<512x128xf32, #tpu.memory_space<vmem>> -> memref<8x8x8x128xf32, #tpu.memory_space<vmem>>
        %dma_start3A_1038 = arith.constant 0 : i32
        %dma_start3A_1039 = arith.constant 0 : i32
        %dma_start3A_1040 = arith.constant 0 : i32
        %dma_start3A_1041 = tpu.memref_slice %dma_start3A[%select_n3A_62, %dma_start3A_1038, %dma_start3A_1039, %dma_start3A_1040] : memref<8x8x8x128xf32, #tpu.memory_space<vmem>> -> memref<1x8x8x128xf32, #tpu.memory_space<vmem>>
        %dma_start3A_1042 = tpu.memref_squeeze %dma_start3A_1041 : memref<1x8x8x128xf32, #tpu.memory_space<vmem>> -> memref<8x8x128xf32, #tpu.memory_space<vmem>>
        %dma_start3A_1043 = arith.constant 0 : i32
        %dma_start3A_1044 = arith.constant 0 : i32
        %dma_start3A_1045 = tpu.memref_slice %arg2[%dma_start3A_1043, %dma_start3A_1044, %multiple_of3A] : memref<8x8x1500000xf32, #tpu.memory_space<hbm>> -> memref<8x8x128xf32, #tpu.memory_space<hbm>>
        %dma_start3A_1046 = tpu.memref_reshape %arg6 : memref<512x128xf32, #tpu.memory_space<vmem>> -> memref<8x8x8x128xf32, #tpu.memory_space<vmem>>
        %dma_start3A_1047 = arith.constant 0 : i32
        %dma_start3A_1048 = arith.constant 0 : i32
        %dma_start3A_1049 = arith.constant 0 : i32
        %dma_start3A_1050 = tpu.memref_slice %dma_start3A_1046[%select_n3A_62, %dma_start3A_1047, %dma_start3A_1048, %dma_start3A_1049] : memref<8x8x8x128xf32, #tpu.memory_space<vmem>> -> memref<1x8x8x128xf32, #tpu.memory_space<vmem>>
        %dma_start3A_1051 = tpu.memref_squeeze %dma_start3A_1050 : memref<1x8x8x128xf32, #tpu.memory_space<vmem>> -> memref<8x8x128xf32, #tpu.memory_space<vmem>>
        %dma_start3A_1052 = arith.constant 0 : i32
        %dma_start3A_1053 = arith.constant 0 : i32
        %dma_start3A_1054 = tpu.memref_slice %arg2[%dma_start3A_1052, %dma_start3A_1053, %multiple_of3A] : memref<8x8x1500000xf32, #tpu.memory_space<hbm>> -> memref<8x8x128xf32, #tpu.memory_space<hbm>>
        tpu.enqueue_dma source(%dma_start3A_1054 : memref<8x8x128xf32, #tpu.memory_space<hbm>>) target(%dma_start3A_1051 : memref<8x8x128xf32, #tpu.memory_space<vmem>>) target_semaphore(%arg8 : memref<!tpu.dma_semaphore, #tpu.memory_space<semaphore_mem>>)
      } else {
      }
      %convert_element_type3A_66 = arith.extui %ne3A_59 : i1 to i32
      %add3A_67 = arith.addi %add3A_56, %convert_element_type3A_66 : i32
      %slice3A_68 = vector.extract_strided_slice %shift_right_arithmetic3A_27 {offsets = [4], sizes = [1], strides = [1]} : vector<16xi32> to vector<1xi32>
      %squeeze3A_69 = vector.extract %slice3A_68[0] : i32 from vector<1xi32>
      %ne3A_70 = arith.cmpi ne, %squeeze3A_69, %squeeze3A_58 : i32
      %and3A_71 = arith.constant 7 : i32
      %and3A_72 = arith.andi %add3A_67, %and3A_71 : i32
      %select_n3A_73 = arith.select %ne3A_70, %and3A_72, %select_n3A_62 : i32
      %convert_element_type3A_74 = arith.extui %ne3A_70 : i1 to i32
      %cond3A_75 = arith.constant 0 : i32
      %cond3A_76 = arith.cmpi ne, %convert_element_type3A_74, %cond3A_75 : i32
      scf.if %cond3A_76 {
        %mul3A_1036 = arith.constant 128 : i32
        %mul3A_1037 = arith.muli %squeeze3A_69, %mul3A_1036 : i32
        %multiple_of3A = tpu.assume_multiple %mul3A_1037, 128 : i32
        %dma_start3A = tpu.memref_reshape %arg6 : memref<512x128xf32, #tpu.memory_space<vmem>> -> memref<8x8x8x128xf32, #tpu.memory_space<vmem>>
        %dma_start3A_1038 = arith.constant 0 : i32
        %dma_start3A_1039 = arith.constant 0 : i32
        %dma_start3A_1040 = arith.constant 0 : i32
        %dma_start3A_1041 = tpu.memref_slice %dma_start3A[%select_n3A_73, %dma_start3A_1038, %dma_start3A_1039, %dma_start3A_1040] : memref<8x8x8x128xf32, #tpu.memory_space<vmem>> -> memref<1x8x8x128xf32, #tpu.memory_space<vmem>>
        %dma_start3A_1042 = tpu.memref_squeeze %dma_start3A_1041 : memref<1x8x8x128xf32, #tpu.memory_space<vmem>> -> memref<8x8x128xf32, #tpu.memory_space<vmem>>
        %dma_start3A_1043 = arith.constant 0 : i32
        %dma_start3A_1044 = arith.constant 0 : i32
        %dma_start3A_1045 = tpu.memref_slice %arg2[%dma_start3A_1043, %dma_start3A_1044, %multiple_of3A] : memref<8x8x1500000xf32, #tpu.memory_space<hbm>> -> memref<8x8x128xf32, #tpu.memory_space<hbm>>
        %dma_start3A_1046 = tpu.memref_reshape %arg6 : memref<512x128xf32, #tpu.memory_space<vmem>> -> memref<8x8x8x128xf32, #tpu.memory_space<vmem>>
        %dma_start3A_1047 = arith.constant 0 : i32
        %dma_start3A_1048 = arith.constant 0 : i32
        %dma_start3A_1049 = arith.constant 0 : i32
        %dma_start3A_1050 = tpu.memref_slice %dma_start3A_1046[%select_n3A_73, %dma_start3A_1047, %dma_start3A_1048, %dma_start3A_1049] : memref<8x8x8x128xf32, #tpu.memory_space<vmem>> -> memref<1x8x8x128xf32, #tpu.memory_space<vmem>>
        %dma_start3A_1051 = tpu.memref_squeeze %dma_start3A_1050 : memref<1x8x8x128xf32, #tpu.memory_space<vmem>> -> memref<8x8x128xf32, #tpu.memory_space<vmem>>
        %dma_start3A_1052 = arith.constant 0 : i32
        %dma_start3A_1053 = arith.constant 0 : i32
        %dma_start3A_1054 = tpu.memref_slice %arg2[%dma_start3A_1052, %dma_start3A_1053, %multiple_of3A] : memref<8x8x1500000xf32, #tpu.memory_space<hbm>> -> memref<8x8x128xf32, #tpu.memory_space<hbm>>
        tpu.enqueue_dma source(%dma_start3A_1054 : memref<8x8x128xf32, #tpu.memory_space<hbm>>) target(%dma_start3A_1051 : memref<8x8x128xf32, #tpu.memory_space<vmem>>) target_semaphore(%arg9 : memref<!tpu.dma_semaphore, #tpu.memory_space<semaphore_mem>>)
      } else {
      }
      %convert_element_type3A_77 = arith.extui %ne3A_70 : i1 to i32
      %add3A_78 = arith.addi %add3A_67, %convert_element_type3A_77 : i32
      %slice3A_79 = vector.extract_strided_slice %shift_right_arithmetic3A_27 {offsets = [5], sizes = [1], strides = [1]} : vector<16xi32> to vector<1xi32>
      %squeeze3A_80 = vector.extract %slice3A_79[0] : i32 from vector<1xi32>
      %ne3A_81 = arith.cmpi ne, %squeeze3A_80, %squeeze3A_69 : i32
      %and3A_82 = arith.constant 7 : i32
      %and3A_83 = arith.andi %add3A_78, %and3A_82 : i32
      %select_n3A_84 = arith.select %ne3A_81, %and3A_83, %select_n3A_73 : i32
      %convert_element_type3A_85 = arith.extui %ne3A_81 : i1 to i32
      %cond3A_86 = arith.constant 0 : i32
      %cond3A_87 = arith.cmpi ne, %convert_element_type3A_85, %cond3A_86 : i32
      scf.if %cond3A_87 {
        %mul3A_1036 = arith.constant 128 : i32
        %mul3A_1037 = arith.muli %squeeze3A_80, %mul3A_1036 : i32
        %multiple_of3A = tpu.assume_multiple %mul3A_1037, 128 : i32
        %dma_start3A = tpu.memref_reshape %arg6 : memref<512x128xf32, #tpu.memory_space<vmem>> -> memref<8x8x8x128xf32, #tpu.memory_space<vmem>>
        %dma_start3A_1038 = arith.constant 0 : i32
        %dma_start3A_1039 = arith.constant 0 : i32
        %dma_start3A_1040 = arith.constant 0 : i32
        %dma_start3A_1041 = tpu.memref_slice %dma_start3A[%select_n3A_84, %dma_start3A_1038, %dma_start3A_1039, %dma_start3A_1040] : memref<8x8x8x128xf32, #tpu.memory_space<vmem>> -> memref<1x8x8x128xf32, #tpu.memory_space<vmem>>
        %dma_start3A_1042 = tpu.memref_squeeze %dma_start3A_1041 : memref<1x8x8x128xf32, #tpu.memory_space<vmem>> -> memref<8x8x128xf32, #tpu.memory_space<vmem>>
        %dma_start3A_1043 = arith.constant 0 : i32
        %dma_start3A_1044 = arith.constant 0 : i32
        %dma_start3A_1045 = tpu.memref_slice %arg2[%dma_start3A_1043, %dma_start3A_1044, %multiple_of3A] : memref<8x8x1500000xf32, #tpu.memory_space<hbm>> -> memref<8x8x128xf32, #tpu.memory_space<hbm>>
        %dma_start3A_1046 = tpu.memref_reshape %arg6 : memref<512x128xf32, #tpu.memory_space<vmem>> -> memref<8x8x8x128xf32, #tpu.memory_space<vmem>>
        %dma_start3A_1047 = arith.constant 0 : i32
        %dma_start3A_1048 = arith.constant 0 : i32
        %dma_start3A_1049 = arith.constant 0 : i32
        %dma_start3A_1050 = tpu.memref_slice %dma_start3A_1046[%select_n3A_84, %dma_start3A_1047, %dma_start3A_1048, %dma_start3A_1049] : memref<8x8x8x128xf32, #tpu.memory_space<vmem>> -> memref<1x8x8x128xf32, #tpu.memory_space<vmem>>
        %dma_start3A_1051 = tpu.memref_squeeze %dma_start3A_1050 : memref<1x8x8x128xf32, #tpu.memory_space<vmem>> -> memref<8x8x128xf32, #tpu.memory_space<vmem>>
        %dma_start3A_1052 = arith.constant 0 : i32
        %dma_start3A_1053 = arith.constant 0 : i32
        %dma_start3A_1054 = tpu.memref_slice %arg2[%dma_start3A_1052, %dma_start3A_1053, %multiple_of3A] : memref<8x8x1500000xf32, #tpu.memory_space<hbm>> -> memref<8x8x128xf32, #tpu.memory_space<hbm>>
        tpu.enqueue_dma source(%dma_start3A_1054 : memref<8x8x128xf32, #tpu.memory_space<hbm>>) target(%dma_start3A_1051 : memref<8x8x128xf32, #tpu.memory_space<vmem>>) target_semaphore(%arg9 : memref<!tpu.dma_semaphore, #tpu.memory_space<semaphore_mem>>)
      } else {
      }
      %convert_element_type3A_88 = arith.extui %ne3A_81 : i1 to i32
      %add3A_89 = arith.addi %add3A_78, %convert_element_type3A_88 : i32
      %slice3A_90 = vector.extract_strided_slice %shift_right_arithmetic3A_27 {offsets = [6], sizes = [1], strides = [1]} : vector<16xi32> to vector<1xi32>
      %squeeze3A_91 = vector.extract %slice3A_90[0] : i32 from vector<1xi32>
      %ne3A_92 = arith.cmpi ne, %squeeze3A_91, %squeeze3A_80 : i32
      %and3A_93 = arith.constant 7 : i32
      %and3A_94 = arith.andi %add3A_89, %and3A_93 : i32
      %select_n3A_95 = arith.select %ne3A_92, %and3A_94, %select_n3A_84 : i32
      %convert_element_type3A_96 = arith.extui %ne3A_92 : i1 to i32
      %cond3A_97 = arith.constant 0 : i32
      %cond3A_98 = arith.cmpi ne, %convert_element_type3A_96, %cond3A_97 : i32
      scf.if %cond3A_98 {
        %mul3A_1036 = arith.constant 128 : i32
        %mul3A_1037 = arith.muli %squeeze3A_91, %mul3A_1036 : i32
        %multiple_of3A = tpu.assume_multiple %mul3A_1037, 128 : i32
        %dma_start3A = tpu.memref_reshape %arg6 : memref<512x128xf32, #tpu.memory_space<vmem>> -> memref<8x8x8x128xf32, #tpu.memory_space<vmem>>
        %dma_start3A_1038 = arith.constant 0 : i32
        %dma_start3A_1039 = arith.constant 0 : i32
        %dma_start3A_1040 = arith.constant 0 : i32
        %dma_start3A_1041 = tpu.memref_slice %dma_start3A[%select_n3A_95, %dma_start3A_1038, %dma_start3A_1039, %dma_start3A_1040] : memref<8x8x8x128xf32, #tpu.memory_space<vmem>> -> memref<1x8x8x128xf32, #tpu.memory_space<vmem>>
        %dma_start3A_1042 = tpu.memref_squeeze %dma_start3A_1041 : memref<1x8x8x128xf32, #tpu.memory_space<vmem>> -> memref<8x8x128xf32, #tpu.memory_space<vmem>>
        %dma_start3A_1043 = arith.constant 0 : i32
        %dma_start3A_1044 = arith.constant 0 : i32
        %dma_start3A_1045 = tpu.memref_slice %arg2[%dma_start3A_1043, %dma_start3A_1044, %multiple_of3A] : memref<8x8x1500000xf32, #tpu.memory_space<hbm>> -> memref<8x8x128xf32, #tpu.memory_space<hbm>>
        %dma_start3A_1046 = tpu.memref_reshape %arg6 : memref<512x128xf32, #tpu.memory_space<vmem>> -> memref<8x8x8x128xf32, #tpu.memory_space<vmem>>
        %dma_start3A_1047 = arith.constant 0 : i32
        %dma_start3A_1048 = arith.constant 0 : i32
        %dma_start3A_1049 = arith.constant 0 : i32
        %dma_start3A_1050 = tpu.memref_slice %dma_start3A_1046[%select_n3A_95, %dma_start3A_1047, %dma_start3A_1048, %dma_start3A_1049] : memref<8x8x8x128xf32, #tpu.memory_space<vmem>> -> memref<1x8x8x128xf32, #tpu.memory_space<vmem>>
        %dma_start3A_1051 = tpu.memref_squeeze %dma_start3A_1050 : memref<1x8x8x128xf32, #tpu.memory_space<vmem>> -> memref<8x8x128xf32, #tpu.memory_space<vmem>>
        %dma_start3A_1052 = arith.constant 0 : i32
        %dma_start3A_1053 = arith.constant 0 : i32
        %dma_start3A_1054 = tpu.memref_slice %arg2[%dma_start3A_1052, %dma_start3A_1053, %multiple_of3A] : memref<8x8x1500000xf32, #tpu.memory_space<hbm>> -> memref<8x8x128xf32, #tpu.memory_space<hbm>>
        tpu.enqueue_dma source(%dma_start3A_1054 : memref<8x8x128xf32, #tpu.memory_space<hbm>>) target(%dma_start3A_1051 : memref<8x8x128xf32, #tpu.memory_space<vmem>>) target_semaphore(%arg9 : memref<!tpu.dma_semaphore, #tpu.memory_space<semaphore_mem>>)
      } else {
      }
      %convert_element_type3A_99 = arith.extui %ne3A_92 : i1 to i32
      %add3A_100 = arith.addi %add3A_89, %convert_element_type3A_99 : i32
      %slice3A_101 = vector.extract_strided_slice %shift_right_arithmetic3A_27 {offsets = [7], sizes = [1], strides = [1]} : vector<16xi32> to vector<1xi32>
      %squeeze3A_102 = vector.extract %slice3A_101[0] : i32 from vector<1xi32>
      %ne3A_103 = arith.cmpi ne, %squeeze3A_102, %squeeze3A_91 : i32
      %and3A_104 = arith.constant 7 : i32
      %and3A_105 = arith.andi %add3A_100, %and3A_104 : i32
      %select_n3A_106 = arith.select %ne3A_103, %and3A_105, %select_n3A_95 : i32
      %convert_element_type3A_107 = arith.extui %ne3A_103 : i1 to i32
      %cond3A_108 = arith.constant 0 : i32
      %cond3A_109 = arith.cmpi ne, %convert_element_type3A_107, %cond3A_108 : i32
      scf.if %cond3A_109 {
        %mul3A_1036 = arith.constant 128 : i32
        %mul3A_1037 = arith.muli %squeeze3A_102, %mul3A_1036 : i32
        %multiple_of3A = tpu.assume_multiple %mul3A_1037, 128 : i32
        %dma_start3A = tpu.memref_reshape %arg6 : memref<512x128xf32, #tpu.memory_space<vmem>> -> memref<8x8x8x128xf32, #tpu.memory_space<vmem>>
        %dma_start3A_1038 = arith.constant 0 : i32
        %dma_start3A_1039 = arith.constant 0 : i32
        %dma_start3A_1040 = arith.constant 0 : i32
        %dma_start3A_1041 = tpu.memref_slice %dma_start3A[%select_n3A_106, %dma_start3A_1038, %dma_start3A_1039, %dma_start3A_1040] : memref<8x8x8x128xf32, #tpu.memory_space<vmem>> -> memref<1x8x8x128xf32, #tpu.memory_space<vmem>>
        %dma_start3A_1042 = tpu.memref_squeeze %dma_start3A_1041 : memref<1x8x8x128xf32, #tpu.memory_space<vmem>> -> memref<8x8x128xf32, #tpu.memory_space<vmem>>
        %dma_start3A_1043 = arith.constant 0 : i32
        %dma_start3A_1044 = arith.constant 0 : i32
        %dma_start3A_1045 = tpu.memref_slice %arg2[%dma_start3A_1043, %dma_start3A_1044, %multiple_of3A] : memref<8x8x1500000xf32, #tpu.memory_space<hbm>> -> memref<8x8x128xf32, #tpu.memory_space<hbm>>
        %dma_start3A_1046 = tpu.memref_reshape %arg6 : memref<512x128xf32, #tpu.memory_space<vmem>> -> memref<8x8x8x128xf32, #tpu.memory_space<vmem>>
        %dma_start3A_1047 = arith.constant 0 : i32
        %dma_start3A_1048 = arith.constant 0 : i32
        %dma_start3A_1049 = arith.constant 0 : i32
        %dma_start3A_1050 = tpu.memref_slice %dma_start3A_1046[%select_n3A_106, %dma_start3A_1047, %dma_start3A_1048, %dma_start3A_1049] : memref<8x8x8x128xf32, #tpu.memory_space<vmem>> -> memref<1x8x8x128xf32, #tpu.memory_space<vmem>>
        %dma_start3A_1051 = tpu.memref_squeeze %dma_start3A_1050 : memref<1x8x8x128xf32, #tpu.memory_space<vmem>> -> memref<8x8x128xf32, #tpu.memory_space<vmem>>
        %dma_start3A_1052 = arith.constant 0 : i32
        %dma_start3A_1053 = arith.constant 0 : i32
        %dma_start3A_1054 = tpu.memref_slice %arg2[%dma_start3A_1052, %dma_start3A_1053, %multiple_of3A] : memref<8x8x1500000xf32, #tpu.memory_space<hbm>> -> memref<8x8x128xf32, #tpu.memory_space<hbm>>
        tpu.enqueue_dma source(%dma_start3A_1054 : memref<8x8x128xf32, #tpu.memory_space<hbm>>) target(%dma_start3A_1051 : memref<8x8x128xf32, #tpu.memory_space<vmem>>) target_semaphore(%arg9 : memref<!tpu.dma_semaphore, #tpu.memory_space<semaphore_mem>>)
      } else {
      }
      %convert_element_type3A_110 = arith.extui %ne3A_103 : i1 to i32
      %add3A_111 = arith.addi %add3A_100, %convert_element_type3A_110 : i32
      %sub3A = arith.constant 0 : i32
      %sub3A_112 = arith.subi %scan3A_19, %sub3A : i32
      %convert_element_type3A_113 = arith.extui %ne3A : i1 to i32
      %cond3A_114 = arith.constant 0 : i32
      %cond3A_115 = arith.cmpi ne, %convert_element_type3A_113, %cond3A_114 : i32
      scf.if %cond3A_115 {
        %dma_wait3A = tpu.memref_reshape %arg6 : memref<512x128xf32, #tpu.memory_space<vmem>> -> memref<8x8x8x128xf32, #tpu.memory_space<vmem>>
        %dma_wait3A_1036 = arith.constant 0 : i32
        %dma_wait3A_1037 = arith.constant 0 : i32
        %dma_wait3A_1038 = arith.constant 0 : i32
        %dma_wait3A_1039 = tpu.memref_slice %dma_wait3A[%select_n3A, %dma_wait3A_1036, %dma_wait3A_1037, %dma_wait3A_1038] : memref<8x8x8x128xf32, #tpu.memory_space<vmem>> -> memref<1x8x8x128xf32, #tpu.memory_space<vmem>>
        %dma_wait3A_1040 = tpu.memref_squeeze %dma_wait3A_1039 : memref<1x8x8x128xf32, #tpu.memory_space<vmem>> -> memref<8x8x128xf32, #tpu.memory_space<vmem>>
        %dma_wait3A_1041 = arith.constant 0 : i32
        %dma_wait3A_1042 = arith.constant 0 : i32
        %dma_wait3A_1043 = arith.constant 0 : i32
        %dma_wait3A_1044 = tpu.memref_slice %arg2[%dma_wait3A_1041, %dma_wait3A_1042, %dma_wait3A_1043] : memref<8x8x1500000xf32, #tpu.memory_space<hbm>> -> memref<8x8x128xf32, #tpu.memory_space<hbm>>
        %dma_wait3A_1045 = tpu.memref_reshape %arg6 : memref<512x128xf32, #tpu.memory_space<vmem>> -> memref<8x8x8x128xf32, #tpu.memory_space<vmem>>
        %dma_wait3A_1046 = arith.constant 0 : i32
        %dma_wait3A_1047 = arith.constant 0 : i32
        %dma_wait3A_1048 = arith.constant 0 : i32
        %dma_wait3A_1049 = tpu.memref_slice %dma_wait3A_1045[%select_n3A, %dma_wait3A_1046, %dma_wait3A_1047, %dma_wait3A_1048] : memref<8x8x8x128xf32, #tpu.memory_space<vmem>> -> memref<1x8x8x128xf32, #tpu.memory_space<vmem>>
        %dma_wait3A_1050 = tpu.memref_squeeze %dma_wait3A_1049 : memref<1x8x8x128xf32, #tpu.memory_space<vmem>> -> memref<8x8x128xf32, #tpu.memory_space<vmem>>
        %dma_wait3A_1051 = arith.constant 0 : i32
        %dma_wait3A_1052 = arith.constant 0 : i32
        %dma_wait3A_1053 = arith.constant 0 : i32
        %dma_wait3A_1054 = tpu.memref_slice %arg2[%dma_wait3A_1051, %dma_wait3A_1052, %dma_wait3A_1053] : memref<8x8x1500000xf32, #tpu.memory_space<hbm>> -> memref<8x8x128xf32, #tpu.memory_space<hbm>>
        tpu.wait_dma2 semaphore(%arg8 : memref<!tpu.dma_semaphore, #tpu.memory_space<semaphore_mem>>) src(%dma_wait3A_1054 : memref<8x8x128xf32, #tpu.memory_space<hbm>>) dst(%dma_wait3A_1050 : memref<8x8x128xf32, #tpu.memory_space<vmem>>)
      } else {
      }
      %mul3A_116 = arith.constant 16 : i32
      %mul3A_117 = arith.muli %sub3A_112, %mul3A_116 : i32
      %add3A_118 = arith.constant 0 : i32
      %add3A_119 = arith.addi %mul3A_117, %add3A_118 : i32
      %add3A_120 = arith.constant 0 : i32
      %add3A_121 = arith.addi %add3A_119, %add3A_120 : i32
      %slice3A_122 = vector.extract_strided_slice %and3A_29 {offsets = [0], sizes = [1], strides = [1]} : vector<16xi32> to vector<1xi32>
      %squeeze3A_123 = vector.extract %slice3A_122[0] : i32 from vector<1xi32>
      %broadcast_in_dim3A = vector.broadcast %squeeze3A_123 : i32 to vector<16xi32>
      %mul3A_124 = arith.constant 64 : i32
      %mul3A_125 = arith.muli %select_n3A, %mul3A_124 : i32
      %add3A_126 = arith.constant 0 : i32
      %add3A_127 = arith.addi %mul3A_125, %add3A_126 : i32
      %add3A_128 = vector.broadcast %add3A_127 : i32 to vector<16xi32>
      %add3A_129 = arith.addi %add3A_128, %iota3A : vector<16xi32>
      %gather3A = tpu.vector_load_idx %arg6[%add3A_129, %broadcast_in_dim3A] : memref<512x128xf32, #tpu.memory_space<vmem>>[vector<16xi32>, vector<16xi32>], vector<16xf32>,
      %swap3A = arith.index_cast %add3A_121 : i32 to index
      %swap3A_130 = arith.constant 0 : index
      %swap3A_131 = tpu.vector_load %arg7[%swap3A, %swap3A_130] {strides = array<i32>} : memref<256x64xf32, #tpu.memory_space<vmem>>, vector<16xf32>,
      tpu.vector_store %arg7[%swap3A, %swap3A_130], %gather3A {strides = array<i32>} : memref<256x64xf32, #tpu.memory_space<vmem>>, vector<16xf32>,
      %mul3A_132 = arith.constant 64 : i32
      %mul3A_133 = arith.muli %select_n3A, %mul3A_132 : i32
      %add3A_134 = arith.constant 16 : i32
      %add3A_135 = arith.addi %mul3A_133, %add3A_134 : i32
      %add3A_136 = vector.broadcast %add3A_135 : i32 to vector<16xi32>
      %add3A_137 = arith.addi %add3A_136, %iota3A : vector<16xi32>
      %gather3A_138 = tpu.vector_load_idx %arg6[%add3A_137, %broadcast_in_dim3A] : memref<512x128xf32, #tpu.memory_space<vmem>>[vector<16xi32>, vector<16xi32>], vector<16xf32>,
      %swap3A_139 = arith.index_cast %add3A_121 : i32 to index
      %swap3A_140 = arith.constant 16 : index
      %swap3A_141 = tpu.vector_load %arg7[%swap3A_139, %swap3A_140] {strides = array<i32>} : memref<256x64xf32, #tpu.memory_space<vmem>>, vector<16xf32>,
      tpu.vector_store %arg7[%swap3A_139, %swap3A_140], %gather3A_138 {strides = array<i32>} : memref<256x64xf32, #tpu.memory_space<vmem>>, vector<16xf32>,
      %mul3A_142 = arith.constant 64 : i32
      %mul3A_143 = arith.muli %select_n3A, %mul3A_142 : i32
      %add3A_144 = arith.constant 32 : i32
      %add3A_145 = arith.addi %mul3A_143, %add3A_144 : i32
      %add3A_146 = vector.broadcast %add3A_145 : i32 to vector<16xi32>
      %add3A_147 = arith.addi %add3A_146, %iota3A : vector<16xi32>
      %gather3A_148 = tpu.vector_load_idx %arg6[%add3A_147, %broadcast_in_dim3A] : memref<512x128xf32, #tpu.memory_space<vmem>>[vector<16xi32>, vector<16xi32>], vector<16xf32>,
      %swap3A_149 = arith.index_cast %add3A_121 : i32 to index
      %swap3A_150 = arith.constant 32 : index
      %swap3A_151 = tpu.vector_load %arg7[%swap3A_149, %swap3A_150] {strides = array<i32>} : memref<256x64xf32, #tpu.memory_space<vmem>>, vector<16xf32>,
      tpu.vector_store %arg7[%swap3A_149, %swap3A_150], %gather3A_148 {strides = array<i32>} : memref<256x64xf32, #tpu.memory_space<vmem>>, vector<16xf32>,
      %mul3A_152 = arith.constant 64 : i32
      %mul3A_153 = arith.muli %select_n3A, %mul3A_152 : i32
      %add3A_154 = arith.constant 48 : i32
      %add3A_155 = arith.addi %mul3A_153, %add3A_154 : i32
      %add3A_156 = vector.broadcast %add3A_155 : i32 to vector<16xi32>
      %add3A_157 = arith.addi %add3A_156, %iota3A : vector<16xi32>
      %gather3A_158 = tpu.vector_load_idx %arg6[%add3A_157, %broadcast_in_dim3A] : memref<512x128xf32, #tpu.memory_space<vmem>>[vector<16xi32>, vector<16xi32>], vector<16xf32>,
      %swap3A_159 = arith.index_cast %add3A_121 : i32 to index
      %swap3A_160 = arith.constant 48 : index
      %swap3A_161 = tpu.vector_load %arg7[%swap3A_159, %swap3A_160] {strides = array<i32>} : memref<256x64xf32, #tpu.memory_space<vmem>>, vector<16xf32>,
      tpu.vector_store %arg7[%swap3A_159, %swap3A_160], %gather3A_158 {strides = array<i32>} : memref<256x64xf32, #tpu.memory_space<vmem>>, vector<16xf32>,
      %convert_element_type3A_162 = arith.extui %ne3A_37 : i1 to i32
      %cond3A_163 = arith.constant 0 : i32
      %cond3A_164 = arith.cmpi ne, %convert_element_type3A_162, %cond3A_163 : i32
      scf.if %cond3A_164 {
        %dma_wait3A = tpu.memref_reshape %arg6 : memref<512x128xf32, #tpu.memory_space<vmem>> -> memref<8x8x8x128xf32, #tpu.memory_space<vmem>>
        %dma_wait3A_1036 = arith.constant 0 : i32
        %dma_wait3A_1037 = arith.constant 0 : i32
        %dma_wait3A_1038 = arith.constant 0 : i32
        %dma_wait3A_1039 = tpu.memref_slice %dma_wait3A[%select_n3A_40, %dma_wait3A_1036, %dma_wait3A_1037, %dma_wait3A_1038] : memref<8x8x8x128xf32, #tpu.memory_space<vmem>> -> memref<1x8x8x128xf32, #tpu.memory_space<vmem>>
        %dma_wait3A_1040 = tpu.memref_squeeze %dma_wait3A_1039 : memref<1x8x8x128xf32, #tpu.memory_space<vmem>> -> memref<8x8x128xf32, #tpu.memory_space<vmem>>
        %dma_wait3A_1041 = arith.constant 0 : i32
        %dma_wait3A_1042 = arith.constant 0 : i32
        %dma_wait3A_1043 = arith.constant 0 : i32
        %dma_wait3A_1044 = tpu.memref_slice %arg2[%dma_wait3A_1041, %dma_wait3A_1042, %dma_wait3A_1043] : memref<8x8x1500000xf32, #tpu.memory_space<hbm>> -> memref<8x8x128xf32, #tpu.memory_space<hbm>>
        %dma_wait3A_1045 = tpu.memref_reshape %arg6 : memref<512x128xf32, #tpu.memory_space<vmem>> -> memref<8x8x8x128xf32, #tpu.memory_space<vmem>>
        %dma_wait3A_1046 = arith.constant 0 : i32
        %dma_wait3A_1047 = arith.constant 0 : i32
        %dma_wait3A_1048 = arith.constant 0 : i32
        %dma_wait3A_1049 = tpu.memref_slice %dma_wait3A_1045[%select_n3A_40, %dma_wait3A_1046, %dma_wait3A_1047, %dma_wait3A_1048] : memref<8x8x8x128xf32, #tpu.memory_space<vmem>> -> memref<1x8x8x128xf32, #tpu.memory_space<vmem>>
        %dma_wait3A_1050 = tpu.memref_squeeze %dma_wait3A_1049 : memref<1x8x8x128xf32, #tpu.memory_space<vmem>> -> memref<8x8x128xf32, #tpu.memory_space<vmem>>
        %dma_wait3A_1051 = arith.constant 0 : i32
        %dma_wait3A_1052 = arith.constant 0 : i32
        %dma_wait3A_1053 = arith.constant 0 : i32
        %dma_wait3A_1054 = tpu.memref_slice %arg2[%dma_wait3A_1051, %dma_wait3A_1052, %dma_wait3A_1053] : memref<8x8x1500000xf32, #tpu.memory_space<hbm>> -> memref<8x8x128xf32, #tpu.memory_space<hbm>>
        tpu.wait_dma2 semaphore(%arg8 : memref<!tpu.dma_semaphore, #tpu.memory_space<semaphore_mem>>) src(%dma_wait3A_1054 : memref<8x8x128xf32, #tpu.memory_space<hbm>>) dst(%dma_wait3A_1050 : memref<8x8x128xf32, #tpu.memory_space<vmem>>)
      } else {
      }
      %mul3A_165 = arith.constant 16 : i32
      %mul3A_166 = arith.muli %sub3A_112, %mul3A_165 : i32
      %add3A_167 = arith.constant 0 : i32
      %add3A_168 = arith.addi %mul3A_166, %add3A_167 : i32
      %add3A_169 = arith.constant 1 : i32
      %add3A_170 = arith.addi %add3A_168, %add3A_169 : i32
      %slice3A_171 = vector.extract_strided_slice %and3A_29 {offsets = [1], sizes = [1], strides = [1]} : vector<16xi32> to vector<1xi32>
      %squeeze3A_172 = vector.extract %slice3A_171[0] : i32 from vector<1xi32>
      %broadcast_in_dim3A_173 = vector.broadcast %squeeze3A_172 : i32 to vector<16xi32>
      %mul3A_174 = arith.constant 64 : i32
      %mul3A_175 = arith.muli %select_n3A_40, %mul3A_174 : i32
      %add3A_176 = arith.constant 0 : i32
      %add3A_177 = arith.addi %mul3A_175, %add3A_176 : i32
      %add3A_178 = vector.broadcast %add3A_177 : i32 to vector<16xi32>
      %add3A_179 = arith.addi %add3A_178, %iota3A : vector<16xi32>
      %gather3A_180 = tpu.vector_load_idx %arg6[%add3A_179, %broadcast_in_dim3A_173] : memref<512x128xf32, #tpu.memory_space<vmem>>[vector<16xi32>, vector<16xi32>], vector<16xf32>,
      %swap3A_181 = arith.index_cast %add3A_170 : i32 to index
      %swap3A_182 = arith.constant 0 : index
      %swap3A_183 = tpu.vector_load %arg7[%swap3A_181, %swap3A_182] {strides = array<i32>} : memref<256x64xf32, #tpu.memory_space<vmem>>, vector<16xf32>,
      tpu.vector_store %arg7[%swap3A_181, %swap3A_182], %gather3A_180 {strides = array<i32>} : memref<256x64xf32, #tpu.memory_space<vmem>>, vector<16xf32>,
      %mul3A_184 = arith.constant 64 : i32
      %mul3A_185 = arith.muli %select_n3A_40, %mul3A_184 : i32
      %add3A_186 = arith.constant 16 : i32
      %add3A_187 = arith.addi %mul3A_185, %add3A_186 : i32
      %add3A_188 = vector.broadcast %add3A_187 : i32 to vector<16xi32>
      %add3A_189 = arith.addi %add3A_188, %iota3A : vector<16xi32>
      %gather3A_190 = tpu.vector_load_idx %arg6[%add3A_189, %broadcast_in_dim3A_173] : memref<512x128xf32, #tpu.memory_space<vmem>>[vector<16xi32>, vector<16xi32>], vector<16xf32>,
      %swap3A_191 = arith.index_cast %add3A_170 : i32 to index
      %swap3A_192 = arith.constant 16 : index
      %swap3A_193 = tpu.vector_load %arg7[%swap3A_191, %swap3A_192] {strides = array<i32>} : memref<256x64xf32, #tpu.memory_space<vmem>>, vector<16xf32>,
      tpu.vector_store %arg7[%swap3A_191, %swap3A_192], %gather3A_190 {strides = array<i32>} : memref<256x64xf32, #tpu.memory_space<vmem>>, vector<16xf32>,
      %mul3A_194 = arith.constant 64 : i32
      %mul3A_195 = arith.muli %select_n3A_40, %mul3A_194 : i32
      %add3A_196 = arith.constant 32 : i32
      %add3A_197 = arith.addi %mul3A_195, %add3A_196 : i32
      %add3A_198 = vector.broadcast %add3A_197 : i32 to vector<16xi32>
      %add3A_199 = arith.addi %add3A_198, %iota3A : vector<16xi32>
      %gather3A_200 = tpu.vector_load_idx %arg6[%add3A_199, %broadcast_in_dim3A_173] : memref<512x128xf32, #tpu.memory_space<vmem>>[vector<16xi32>, vector<16xi32>], vector<16xf32>,
      %swap3A_201 = arith.index_cast %add3A_170 : i32 to index
      %swap3A_202 = arith.constant 32 : index
      %swap3A_203 = tpu.vector_load %arg7[%swap3A_201, %swap3A_202] {strides = array<i32>} : memref<256x64xf32, #tpu.memory_space<vmem>>, vector<16xf32>,
      tpu.vector_store %arg7[%swap3A_201, %swap3A_202], %gather3A_200 {strides = array<i32>} : memref<256x64xf32, #tpu.memory_space<vmem>>, vector<16xf32>,
      %mul3A_204 = arith.constant 64 : i32
      %mul3A_205 = arith.muli %select_n3A_40, %mul3A_204 : i32
      %add3A_206 = arith.constant 48 : i32
      %add3A_207 = arith.addi %mul3A_205, %add3A_206 : i32
      %add3A_208 = vector.broadcast %add3A_207 : i32 to vector<16xi32>
      %add3A_209 = arith.addi %add3A_208, %iota3A : vector<16xi32>
      %gather3A_210 = tpu.vector_load_idx %arg6[%add3A_209, %broadcast_in_dim3A_173] : memref<512x128xf32, #tpu.memory_space<vmem>>[vector<16xi32>, vector<16xi32>], vector<16xf32>,
      %swap3A_211 = arith.index_cast %add3A_170 : i32 to index
      %swap3A_212 = arith.constant 48 : index
      %swap3A_213 = tpu.vector_load %arg7[%swap3A_211, %swap3A_212] {strides = array<i32>} : memref<256x64xf32, #tpu.memory_space<vmem>>, vector<16xf32>,
      tpu.vector_store %arg7[%swap3A_211, %swap3A_212], %gather3A_210 {strides = array<i32>} : memref<256x64xf32, #tpu.memory_space<vmem>>, vector<16xf32>,
      %convert_element_type3A_214 = arith.extui %ne3A_48 : i1 to i32
      %cond3A_215 = arith.constant 0 : i32
      %cond3A_216 = arith.cmpi ne, %convert_element_type3A_214, %cond3A_215 : i32
      scf.if %cond3A_216 {
        %dma_wait3A = tpu.memref_reshape %arg6 : memref<512x128xf32, #tpu.memory_space<vmem>> -> memref<8x8x8x128xf32, #tpu.memory_space<vmem>>
        %dma_wait3A_1036 = arith.constant 0 : i32
        %dma_wait3A_1037 = arith.constant 0 : i32
        %dma_wait3A_1038 = arith.constant 0 : i32
        %dma_wait3A_1039 = tpu.memref_slice %dma_wait3A[%select_n3A_51, %dma_wait3A_1036, %dma_wait3A_1037, %dma_wait3A_1038] : memref<8x8x8x128xf32, #tpu.memory_space<vmem>> -> memref<1x8x8x128xf32, #tpu.memory_space<vmem>>
        %dma_wait3A_1040 = tpu.memref_squeeze %dma_wait3A_1039 : memref<1x8x8x128xf32, #tpu.memory_space<vmem>> -> memref<8x8x128xf32, #tpu.memory_space<vmem>>
        %dma_wait3A_1041 = arith.constant 0 : i32
        %dma_wait3A_1042 = arith.constant 0 : i32
        %dma_wait3A_1043 = arith.constant 0 : i32
        %dma_wait3A_1044 = tpu.memref_slice %arg2[%dma_wait3A_1041, %dma_wait3A_1042, %dma_wait3A_1043] : memref<8x8x1500000xf32, #tpu.memory_space<hbm>> -> memref<8x8x128xf32, #tpu.memory_space<hbm>>
        %dma_wait3A_1045 = tpu.memref_reshape %arg6 : memref<512x128xf32, #tpu.memory_space<vmem>> -> memref<8x8x8x128xf32, #tpu.memory_space<vmem>>
        %dma_wait3A_1046 = arith.constant 0 : i32
        %dma_wait3A_1047 = arith.constant 0 : i32
        %dma_wait3A_1048 = arith.constant 0 : i32
        %dma_wait3A_1049 = tpu.memref_slice %dma_wait3A_1045[%select_n3A_51, %dma_wait3A_1046, %dma_wait3A_1047, %dma_wait3A_1048] : memref<8x8x8x128xf32, #tpu.memory_space<vmem>> -> memref<1x8x8x128xf32, #tpu.memory_space<vmem>>
        %dma_wait3A_1050 = tpu.memref_squeeze %dma_wait3A_1049 : memref<1x8x8x128xf32, #tpu.memory_space<vmem>> -> memref<8x8x128xf32, #tpu.memory_space<vmem>>
        %dma_wait3A_1051 = arith.constant 0 : i32
        %dma_wait3A_1052 = arith.constant 0 : i32
        %dma_wait3A_1053 = arith.constant 0 : i32
        %dma_wait3A_1054 = tpu.memref_slice %arg2[%dma_wait3A_1051, %dma_wait3A_1052, %dma_wait3A_1053] : memref<8x8x1500000xf32, #tpu.memory_space<hbm>> -> memref<8x8x128xf32, #tpu.memory_space<hbm>>
        tpu.wait_dma2 semaphore(%arg8 : memref<!tpu.dma_semaphore, #tpu.memory_space<semaphore_mem>>) src(%dma_wait3A_1054 : memref<8x8x128xf32, #tpu.memory_space<hbm>>) dst(%dma_wait3A_1050 : memref<8x8x128xf32, #tpu.memory_space<vmem>>)
      } else {
      }
      %mul3A_217 = arith.constant 16 : i32
      %mul3A_218 = arith.muli %sub3A_112, %mul3A_217 : i32
      %add3A_219 = arith.constant 0 : i32
      %add3A_220 = arith.addi %mul3A_218, %add3A_219 : i32
      %add3A_221 = arith.constant 2 : i32
      %add3A_222 = arith.addi %add3A_220, %add3A_221 : i32
      %slice3A_223 = vector.extract_strided_slice %and3A_29 {offsets = [2], sizes = [1], strides = [1]} : vector<16xi32> to vector<1xi32>
      %squeeze3A_224 = vector.extract %slice3A_223[0] : i32 from vector<1xi32>
      %broadcast_in_dim3A_225 = vector.broadcast %squeeze3A_224 : i32 to vector<16xi32>
      %mul3A_226 = arith.constant 64 : i32
      %mul3A_227 = arith.muli %select_n3A_51, %mul3A_226 : i32
      %add3A_228 = arith.constant 0 : i32
      %add3A_229 = arith.addi %mul3A_227, %add3A_228 : i32
      %add3A_230 = vector.broadcast %add3A_229 : i32 to vector<16xi32>
      %add3A_231 = arith.addi %add3A_230, %iota3A : vector<16xi32>
      %gather3A_232 = tpu.vector_load_idx %arg6[%add3A_231, %broadcast_in_dim3A_225] : memref<512x128xf32, #tpu.memory_space<vmem>>[vector<16xi32>, vector<16xi32>], vector<16xf32>,
      %swap3A_233 = arith.index_cast %add3A_222 : i32 to index
      %swap3A_234 = arith.constant 0 : index
      %swap3A_235 = tpu.vector_load %arg7[%swap3A_233, %swap3A_234] {strides = array<i32>} : memref<256x64xf32, #tpu.memory_space<vmem>>, vector<16xf32>,
      tpu.vector_store %arg7[%swap3A_233, %swap3A_234], %gather3A_232 {strides = array<i32>} : memref<256x64xf32, #tpu.memory_space<vmem>>, vector<16xf32>,
      %mul3A_236 = arith.constant 64 : i32
      %mul3A_237 = arith.muli %select_n3A_51, %mul3A_236 : i32
      %add3A_238 = arith.constant 16 : i32
      %add3A_239 = arith.addi %mul3A_237, %add3A_238 : i32
      %add3A_240 = vector.broadcast %add3A_239 : i32 to vector<16xi32>
      %add3A_241 = arith.addi %add3A_240, %iota3A : vector<16xi32>
      %gather3A_242 = tpu.vector_load_idx %arg6[%add3A_241, %broadcast_in_dim3A_225] : memref<512x128xf32, #tpu.memory_space<vmem>>[vector<16xi32>, vector<16xi32>], vector<16xf32>,
      %swap3A_243 = arith.index_cast %add3A_222 : i32 to index
      %swap3A_244 = arith.constant 16 : index
      %swap3A_245 = tpu.vector_load %arg7[%swap3A_243, %swap3A_244] {strides = array<i32>} : memref<256x64xf32, #tpu.memory_space<vmem>>, vector<16xf32>,
      tpu.vector_store %arg7[%swap3A_243, %swap3A_244], %gather3A_242 {strides = array<i32>} : memref<256x64xf32, #tpu.memory_space<vmem>>, vector<16xf32>,
      %mul3A_246 = arith.constant 64 : i32
      %mul3A_247 = arith.muli %select_n3A_51, %mul3A_246 : i32
      %add3A_248 = arith.constant 32 : i32
      %add3A_249 = arith.addi %mul3A_247, %add3A_248 : i32
      %add3A_250 = vector.broadcast %add3A_249 : i32 to vector<16xi32>
      %add3A_251 = arith.addi %add3A_250, %iota3A : vector<16xi32>
      %gather3A_252 = tpu.vector_load_idx %arg6[%add3A_251, %broadcast_in_dim3A_225] : memref<512x128xf32, #tpu.memory_space<vmem>>[vector<16xi32>, vector<16xi32>], vector<16xf32>,
      %swap3A_253 = arith.index_cast %add3A_222 : i32 to index
      %swap3A_254 = arith.constant 32 : index
      %swap3A_255 = tpu.vector_load %arg7[%swap3A_253, %swap3A_254] {strides = array<i32>} : memref<256x64xf32, #tpu.memory_space<vmem>>, vector<16xf32>,
      tpu.vector_store %arg7[%swap3A_253, %swap3A_254], %gather3A_252 {strides = array<i32>} : memref<256x64xf32, #tpu.memory_space<vmem>>, vector<16xf32>,
      %mul3A_256 = arith.constant 64 : i32
      %mul3A_257 = arith.muli %select_n3A_51, %mul3A_256 : i32
      %add3A_258 = arith.constant 48 : i32
      %add3A_259 = arith.addi %mul3A_257, %add3A_258 : i32
      %add3A_260 = vector.broadcast %add3A_259 : i32 to vector<16xi32>
      %add3A_261 = arith.addi %add3A_260, %iota3A : vector<16xi32>
      %gather3A_262 = tpu.vector_load_idx %arg6[%add3A_261, %broadcast_in_dim3A_225] : memref<512x128xf32, #tpu.memory_space<vmem>>[vector<16xi32>, vector<16xi32>], vector<16xf32>,
      %swap3A_263 = arith.index_cast %add3A_222 : i32 to index
      %swap3A_264 = arith.constant 48 : index
      %swap3A_265 = tpu.vector_load %arg7[%swap3A_263, %swap3A_264] {strides = array<i32>} : memref<256x64xf32, #tpu.memory_space<vmem>>, vector<16xf32>,
      tpu.vector_store %arg7[%swap3A_263, %swap3A_264], %gather3A_262 {strides = array<i32>} : memref<256x64xf32, #tpu.memory_space<vmem>>, vector<16xf32>,
      %convert_element_type3A_266 = arith.extui %ne3A_59 : i1 to i32
      %cond3A_267 = arith.constant 0 : i32
      %cond3A_268 = arith.cmpi ne, %convert_element_type3A_266, %cond3A_267 : i32
      scf.if %cond3A_268 {
        %dma_wait3A = tpu.memref_reshape %arg6 : memref<512x128xf32, #tpu.memory_space<vmem>> -> memref<8x8x8x128xf32, #tpu.memory_space<vmem>>
        %dma_wait3A_1036 = arith.constant 0 : i32
        %dma_wait3A_1037 = arith.constant 0 : i32
        %dma_wait3A_1038 = arith.constant 0 : i32
        %dma_wait3A_1039 = tpu.memref_slice %dma_wait3A[%select_n3A_62, %dma_wait3A_1036, %dma_wait3A_1037, %dma_wait3A_1038] : memref<8x8x8x128xf32, #tpu.memory_space<vmem>> -> memref<1x8x8x128xf32, #tpu.memory_space<vmem>>
        %dma_wait3A_1040 = tpu.memref_squeeze %dma_wait3A_1039 : memref<1x8x8x128xf32, #tpu.memory_space<vmem>> -> memref<8x8x128xf32, #tpu.memory_space<vmem>>
        %dma_wait3A_1041 = arith.constant 0 : i32
        %dma_wait3A_1042 = arith.constant 0 : i32
        %dma_wait3A_1043 = arith.constant 0 : i32
        %dma_wait3A_1044 = tpu.memref_slice %arg2[%dma_wait3A_1041, %dma_wait3A_1042, %dma_wait3A_1043] : memref<8x8x1500000xf32, #tpu.memory_space<hbm>> -> memref<8x8x128xf32, #tpu.memory_space<hbm>>
        %dma_wait3A_1045 = tpu.memref_reshape %arg6 : memref<512x128xf32, #tpu.memory_space<vmem>> -> memref<8x8x8x128xf32, #tpu.memory_space<vmem>>
        %dma_wait3A_1046 = arith.constant 0 : i32
        %dma_wait3A_1047 = arith.constant 0 : i32
        %dma_wait3A_1048 = arith.constant 0 : i32
        %dma_wait3A_1049 = tpu.memref_slice %dma_wait3A_1045[%select_n3A_62, %dma_wait3A_1046, %dma_wait3A_1047, %dma_wait3A_1048] : memref<8x8x8x128xf32, #tpu.memory_space<vmem>> -> memref<1x8x8x128xf32, #tpu.memory_space<vmem>>
        %dma_wait3A_1050 = tpu.memref_squeeze %dma_wait3A_1049 : memref<1x8x8x128xf32, #tpu.memory_space<vmem>> -> memref<8x8x128xf32, #tpu.memory_space<vmem>>
        %dma_wait3A_1051 = arith.constant 0 : i32
        %dma_wait3A_1052 = arith.constant 0 : i32
        %dma_wait3A_1053 = arith.constant 0 : i32
        %dma_wait3A_1054 = tpu.memref_slice %arg2[%dma_wait3A_1051, %dma_wait3A_1052, %dma_wait3A_1053] : memref<8x8x1500000xf32, #tpu.memory_space<hbm>> -> memref<8x8x128xf32, #tpu.memory_space<hbm>>
        tpu.wait_dma2 semaphore(%arg8 : memref<!tpu.dma_semaphore, #tpu.memory_space<semaphore_mem>>) src(%dma_wait3A_1054 : memref<8x8x128xf32, #tpu.memory_space<hbm>>) dst(%dma_wait3A_1050 : memref<8x8x128xf32, #tpu.memory_space<vmem>>)
      } else {
      }
      %mul3A_269 = arith.constant 16 : i32
      %mul3A_270 = arith.muli %sub3A_112, %mul3A_269 : i32
      %add3A_271 = arith.constant 0 : i32
      %add3A_272 = arith.addi %mul3A_270, %add3A_271 : i32
      %add3A_273 = arith.constant 3 : i32
      %add3A_274 = arith.addi %add3A_272, %add3A_273 : i32
      %slice3A_275 = vector.extract_strided_slice %and3A_29 {offsets = [3], sizes = [1], strides = [1]} : vector<16xi32> to vector<1xi32>
      %squeeze3A_276 = vector.extract %slice3A_275[0] : i32 from vector<1xi32>
      %broadcast_in_dim3A_277 = vector.broadcast %squeeze3A_276 : i32 to vector<16xi32>
      %mul3A_278 = arith.constant 64 : i32
      %mul3A_279 = arith.muli %select_n3A_62, %mul3A_278 : i32
      %add3A_280 = arith.constant 0 : i32
      %add3A_281 = arith.addi %mul3A_279, %add3A_280 : i32
      %add3A_282 = vector.broadcast %add3A_281 : i32 to vector<16xi32>
      %add3A_283 = arith.addi %add3A_282, %iota3A : vector<16xi32>
      %gather3A_284 = tpu.vector_load_idx %arg6[%add3A_283, %broadcast_in_dim3A_277] : memref<512x128xf32, #tpu.memory_space<vmem>>[vector<16xi32>, vector<16xi32>], vector<16xf32>,
      %swap3A_285 = arith.index_cast %add3A_274 : i32 to index
      %swap3A_286 = arith.constant 0 : index
      %swap3A_287 = tpu.vector_load %arg7[%swap3A_285, %swap3A_286] {strides = array<i32>} : memref<256x64xf32, #tpu.memory_space<vmem>>, vector<16xf32>,
      tpu.vector_store %arg7[%swap3A_285, %swap3A_286], %gather3A_284 {strides = array<i32>} : memref<256x64xf32, #tpu.memory_space<vmem>>, vector<16xf32>,
      %mul3A_288 = arith.constant 64 : i32
      %mul3A_289 = arith.muli %select_n3A_62, %mul3A_288 : i32
      %add3A_290 = arith.constant 16 : i32
      %add3A_291 = arith.addi %mul3A_289, %add3A_290 : i32
      %add3A_292 = vector.broadcast %add3A_291 : i32 to vector<16xi32>
      %add3A_293 = arith.addi %add3A_292, %iota3A : vector<16xi32>
      %gather3A_294 = tpu.vector_load_idx %arg6[%add3A_293, %broadcast_in_dim3A_277] : memref<512x128xf32, #tpu.memory_space<vmem>>[vector<16xi32>, vector<16xi32>], vector<16xf32>,
      %swap3A_295 = arith.index_cast %add3A_274 : i32 to index
      %swap3A_296 = arith.constant 16 : index
      %swap3A_297 = tpu.vector_load %arg7[%swap3A_295, %swap3A_296] {strides = array<i32>} : memref<256x64xf32, #tpu.memory_space<vmem>>, vector<16xf32>,
      tpu.vector_store %arg7[%swap3A_295, %swap3A_296], %gather3A_294 {strides = array<i32>} : memref<256x64xf32, #tpu.memory_space<vmem>>, vector<16xf32>,
      %mul3A_298 = arith.constant 64 : i32
      %mul3A_299 = arith.muli %select_n3A_62, %mul3A_298 : i32
      %add3A_300 = arith.constant 32 : i32
      %add3A_301 = arith.addi %mul3A_299, %add3A_300 : i32
      %add3A_302 = vector.broadcast %add3A_301 : i32 to vector<16xi32>
      %add3A_303 = arith.addi %add3A_302, %iota3A : vector<16xi32>
      %gather3A_304 = tpu.vector_load_idx %arg6[%add3A_303, %broadcast_in_dim3A_277] : memref<512x128xf32, #tpu.memory_space<vmem>>[vector<16xi32>, vector<16xi32>], vector<16xf32>,
      %swap3A_305 = arith.index_cast %add3A_274 : i32 to index
      %swap3A_306 = arith.constant 32 : index
      %swap3A_307 = tpu.vector_load %arg7[%swap3A_305, %swap3A_306] {strides = array<i32>} : memref<256x64xf32, #tpu.memory_space<vmem>>, vector<16xf32>,
      tpu.vector_store %arg7[%swap3A_305, %swap3A_306], %gather3A_304 {strides = array<i32>} : memref<256x64xf32, #tpu.memory_space<vmem>>, vector<16xf32>,
      %mul3A_308 = arith.constant 64 : i32
      %mul3A_309 = arith.muli %select_n3A_62, %mul3A_308 : i32
      %add3A_310 = arith.constant 48 : i32
      %add3A_311 = arith.addi %mul3A_309, %add3A_310 : i32
      %add3A_312 = vector.broadcast %add3A_311 : i32 to vector<16xi32>
      %add3A_313 = arith.addi %add3A_312, %iota3A : vector<16xi32>
      %gather3A_314 = tpu.vector_load_idx %arg6[%add3A_313, %broadcast_in_dim3A_277] : memref<512x128xf32, #tpu.memory_space<vmem>>[vector<16xi32>, vector<16xi32>], vector<16xf32>,
      %swap3A_315 = arith.index_cast %add3A_274 : i32 to index
      %swap3A_316 = arith.constant 48 : index
      %swap3A_317 = tpu.vector_load %arg7[%swap3A_315, %swap3A_316] {strides = array<i32>} : memref<256x64xf32, #tpu.memory_space<vmem>>, vector<16xf32>,
      tpu.vector_store %arg7[%swap3A_315, %swap3A_316], %gather3A_314 {strides = array<i32>} : memref<256x64xf32, #tpu.memory_space<vmem>>, vector<16xf32>,
      %slice3A_318 = vector.extract_strided_slice %shift_right_arithmetic3A_27 {offsets = [8], sizes = [1], strides = [1]} : vector<16xi32> to vector<1xi32>
      %squeeze3A_319 = vector.extract %slice3A_318[0] : i32 from vector<1xi32>
      %ne3A_320 = arith.cmpi ne, %squeeze3A_319, %squeeze3A_102 : i32
      %and3A_321 = arith.constant 7 : i32
      %and3A_322 = arith.andi %add3A_111, %and3A_321 : i32
      %select_n3A_323 = arith.select %ne3A_320, %and3A_322, %select_n3A_106 : i32
      %convert_element_type3A_324 = arith.extui %ne3A_320 : i1 to i32
      %cond3A_325 = arith.constant 0 : i32
      %cond3A_326 = arith.cmpi ne, %convert_element_type3A_324, %cond3A_325 : i32
      scf.if %cond3A_326 {
        %mul3A_1036 = arith.constant 128 : i32
        %mul3A_1037 = arith.muli %squeeze3A_319, %mul3A_1036 : i32
        %multiple_of3A = tpu.assume_multiple %mul3A_1037, 128 : i32
        %dma_start3A = tpu.memref_reshape %arg6 : memref<512x128xf32, #tpu.memory_space<vmem>> -> memref<8x8x8x128xf32, #tpu.memory_space<vmem>>
        %dma_start3A_1038 = arith.constant 0 : i32
        %dma_start3A_1039 = arith.constant 0 : i32
        %dma_start3A_1040 = arith.constant 0 : i32
        %dma_start3A_1041 = tpu.memref_slice %dma_start3A[%select_n3A_323, %dma_start3A_1038, %dma_start3A_1039, %dma_start3A_1040] : memref<8x8x8x128xf32, #tpu.memory_space<vmem>> -> memref<1x8x8x128xf32, #tpu.memory_space<vmem>>
        %dma_start3A_1042 = tpu.memref_squeeze %dma_start3A_1041 : memref<1x8x8x128xf32, #tpu.memory_space<vmem>> -> memref<8x8x128xf32, #tpu.memory_space<vmem>>
        %dma_start3A_1043 = arith.constant 0 : i32
        %dma_start3A_1044 = arith.constant 0 : i32
        %dma_start3A_1045 = tpu.memref_slice %arg2[%dma_start3A_1043, %dma_start3A_1044, %multiple_of3A] : memref<8x8x1500000xf32, #tpu.memory_space<hbm>> -> memref<8x8x128xf32, #tpu.memory_space<hbm>>
        %dma_start3A_1046 = tpu.memref_reshape %arg6 : memref<512x128xf32, #tpu.memory_space<vmem>> -> memref<8x8x8x128xf32, #tpu.memory_space<vmem>>
        %dma_start3A_1047 = arith.constant 0 : i32
        %dma_start3A_1048 = arith.constant 0 : i32
        %dma_start3A_1049 = arith.constant 0 : i32
        %dma_start3A_1050 = tpu.memref_slice %dma_start3A_1046[%select_n3A_323, %dma_start3A_1047, %dma_start3A_1048, %dma_start3A_1049] : memref<8x8x8x128xf32, #tpu.memory_space<vmem>> -> memref<1x8x8x128xf32, #tpu.memory_space<vmem>>
        %dma_start3A_1051 = tpu.memref_squeeze %dma_start3A_1050 : memref<1x8x8x128xf32, #tpu.memory_space<vmem>> -> memref<8x8x128xf32, #tpu.memory_space<vmem>>
        %dma_start3A_1052 = arith.constant 0 : i32
        %dma_start3A_1053 = arith.constant 0 : i32
        %dma_start3A_1054 = tpu.memref_slice %arg2[%dma_start3A_1052, %dma_start3A_1053, %multiple_of3A] : memref<8x8x1500000xf32, #tpu.memory_space<hbm>> -> memref<8x8x128xf32, #tpu.memory_space<hbm>>
        tpu.enqueue_dma source(%dma_start3A_1054 : memref<8x8x128xf32, #tpu.memory_space<hbm>>) target(%dma_start3A_1051 : memref<8x8x128xf32, #tpu.memory_space<vmem>>) target_semaphore(%arg8 : memref<!tpu.dma_semaphore, #tpu.memory_space<semaphore_mem>>)
      } else {
      }
      %convert_element_type3A_327 = arith.extui %ne3A_320 : i1 to i32
      %add3A_328 = arith.addi %add3A_111, %convert_element_type3A_327 : i32
      %slice3A_329 = vector.extract_strided_slice %shift_right_arithmetic3A_27 {offsets = [9], sizes = [1], strides = [1]} : vector<16xi32> to vector<1xi32>
      %squeeze3A_330 = vector.extract %slice3A_329[0] : i32 from vector<1xi32>
      %ne3A_331 = arith.cmpi ne, %squeeze3A_330, %squeeze3A_319 : i32
      %and3A_332 = arith.constant 7 : i32
      %and3A_333 = arith.andi %add3A_328, %and3A_332 : i32
      %select_n3A_334 = arith.select %ne3A_331, %and3A_333, %select_n3A_323 : i32
      %convert_element_type3A_335 = arith.extui %ne3A_331 : i1 to i32
      %cond3A_336 = arith.constant 0 : i32
      %cond3A_337 = arith.cmpi ne, %convert_element_type3A_335, %cond3A_336 : i32
      scf.if %cond3A_337 {
        %mul3A_1036 = arith.constant 128 : i32
        %mul3A_1037 = arith.muli %squeeze3A_330, %mul3A_1036 : i32
        %multiple_of3A = tpu.assume_multiple %mul3A_1037, 128 : i32
        %dma_start3A = tpu.memref_reshape %arg6 : memref<512x128xf32, #tpu.memory_space<vmem>> -> memref<8x8x8x128xf32, #tpu.memory_space<vmem>>
        %dma_start3A_1038 = arith.constant 0 : i32
        %dma_start3A_1039 = arith.constant 0 : i32
        %dma_start3A_1040 = arith.constant 0 : i32
        %dma_start3A_1041 = tpu.memref_slice %dma_start3A[%select_n3A_334, %dma_start3A_1038, %dma_start3A_1039, %dma_start3A_1040] : memref<8x8x8x128xf32, #tpu.memory_space<vmem>> -> memref<1x8x8x128xf32, #tpu.memory_space<vmem>>
        %dma_start3A_1042 = tpu.memref_squeeze %dma_start3A_1041 : memref<1x8x8x128xf32, #tpu.memory_space<vmem>> -> memref<8x8x128xf32, #tpu.memory_space<vmem>>
        %dma_start3A_1043 = arith.constant 0 : i32
        %dma_start3A_1044 = arith.constant 0 : i32
        %dma_start3A_1045 = tpu.memref_slice %arg2[%dma_start3A_1043, %dma_start3A_1044, %multiple_of3A] : memref<8x8x1500000xf32, #tpu.memory_space<hbm>> -> memref<8x8x128xf32, #tpu.memory_space<hbm>>
        %dma_start3A_1046 = tpu.memref_reshape %arg6 : memref<512x128xf32, #tpu.memory_space<vmem>> -> memref<8x8x8x128xf32, #tpu.memory_space<vmem>>
        %dma_start3A_1047 = arith.constant 0 : i32
        %dma_start3A_1048 = arith.constant 0 : i32
        %dma_start3A_1049 = arith.constant 0 : i32
        %dma_start3A_1050 = tpu.memref_slice %dma_start3A_1046[%select_n3A_334, %dma_start3A_1047, %dma_start3A_1048, %dma_start3A_1049] : memref<8x8x8x128xf32, #tpu.memory_space<vmem>> -> memref<1x8x8x128xf32, #tpu.memory_space<vmem>>
        %dma_start3A_1051 = tpu.memref_squeeze %dma_start3A_1050 : memref<1x8x8x128xf32, #tpu.memory_space<vmem>> -> memref<8x8x128xf32, #tpu.memory_space<vmem>>
        %dma_start3A_1052 = arith.constant 0 : i32
        %dma_start3A_1053 = arith.constant 0 : i32
        %dma_start3A_1054 = tpu.memref_slice %arg2[%dma_start3A_1052, %dma_start3A_1053, %multiple_of3A] : memref<8x8x1500000xf32, #tpu.memory_space<hbm>> -> memref<8x8x128xf32, #tpu.memory_space<hbm>>
        tpu.enqueue_dma source(%dma_start3A_1054 : memref<8x8x128xf32, #tpu.memory_space<hbm>>) target(%dma_start3A_1051 : memref<8x8x128xf32, #tpu.memory_space<vmem>>) target_semaphore(%arg8 : memref<!tpu.dma_semaphore, #tpu.memory_space<semaphore_mem>>)
      } else {
      }
      %convert_element_type3A_338 = arith.extui %ne3A_331 : i1 to i32
      %add3A_339 = arith.addi %add3A_328, %convert_element_type3A_338 : i32
      %slice3A_340 = vector.extract_strided_slice %shift_right_arithmetic3A_27 {offsets = [10], sizes = [1], strides = [1]} : vector<16xi32> to vector<1xi32>
      %squeeze3A_341 = vector.extract %slice3A_340[0] : i32 from vector<1xi32>
      %ne3A_342 = arith.cmpi ne, %squeeze3A_341, %squeeze3A_330 : i32
      %and3A_343 = arith.constant 7 : i32
      %and3A_344 = arith.andi %add3A_339, %and3A_343 : i32
      %select_n3A_345 = arith.select %ne3A_342, %and3A_344, %select_n3A_334 : i32
      %convert_element_type3A_346 = arith.extui %ne3A_342 : i1 to i32
      %cond3A_347 = arith.constant 0 : i32
      %cond3A_348 = arith.cmpi ne, %convert_element_type3A_346, %cond3A_347 : i32
      scf.if %cond3A_348 {
        %mul3A_1036 = arith.constant 128 : i32
        %mul3A_1037 = arith.muli %squeeze3A_341, %mul3A_1036 : i32
        %multiple_of3A = tpu.assume_multiple %mul3A_1037, 128 : i32
        %dma_start3A = tpu.memref_reshape %arg6 : memref<512x128xf32, #tpu.memory_space<vmem>> -> memref<8x8x8x128xf32, #tpu.memory_space<vmem>>
        %dma_start3A_1038 = arith.constant 0 : i32
        %dma_start3A_1039 = arith.constant 0 : i32
        %dma_start3A_1040 = arith.constant 0 : i32
        %dma_start3A_1041 = tpu.memref_slice %dma_start3A[%select_n3A_345, %dma_start3A_1038, %dma_start3A_1039, %dma_start3A_1040] : memref<8x8x8x128xf32, #tpu.memory_space<vmem>> -> memref<1x8x8x128xf32, #tpu.memory_space<vmem>>
        %dma_start3A_1042 = tpu.memref_squeeze %dma_start3A_1041 : memref<1x8x8x128xf32, #tpu.memory_space<vmem>> -> memref<8x8x128xf32, #tpu.memory_space<vmem>>
        %dma_start3A_1043 = arith.constant 0 : i32
        %dma_start3A_1044 = arith.constant 0 : i32
        %dma_start3A_1045 = tpu.memref_slice %arg2[%dma_start3A_1043, %dma_start3A_1044, %multiple_of3A] : memref<8x8x1500000xf32, #tpu.memory_space<hbm>> -> memref<8x8x128xf32, #tpu.memory_space<hbm>>
        %dma_start3A_1046 = tpu.memref_reshape %arg6 : memref<512x128xf32, #tpu.memory_space<vmem>> -> memref<8x8x8x128xf32, #tpu.memory_space<vmem>>
        %dma_start3A_1047 = arith.constant 0 : i32
        %dma_start3A_1048 = arith.constant 0 : i32
        %dma_start3A_1049 = arith.constant 0 : i32
        %dma_start3A_1050 = tpu.memref_slice %dma_start3A_1046[%select_n3A_345, %dma_start3A_1047, %dma_start3A_1048, %dma_start3A_1049] : memref<8x8x8x128xf32, #tpu.memory_space<vmem>> -> memref<1x8x8x128xf32, #tpu.memory_space<vmem>>
        %dma_start3A_1051 = tpu.memref_squeeze %dma_start3A_1050 : memref<1x8x8x128xf32, #tpu.memory_space<vmem>> -> memref<8x8x128xf32, #tpu.memory_space<vmem>>
        %dma_start3A_1052 = arith.constant 0 : i32
        %dma_start3A_1053 = arith.constant 0 : i32
        %dma_start3A_1054 = tpu.memref_slice %arg2[%dma_start3A_1052, %dma_start3A_1053, %multiple_of3A] : memref<8x8x1500000xf32, #tpu.memory_space<hbm>> -> memref<8x8x128xf32, #tpu.memory_space<hbm>>
        tpu.enqueue_dma source(%dma_start3A_1054 : memref<8x8x128xf32, #tpu.memory_space<hbm>>) target(%dma_start3A_1051 : memref<8x8x128xf32, #tpu.memory_space<vmem>>) target_semaphore(%arg8 : memref<!tpu.dma_semaphore, #tpu.memory_space<semaphore_mem>>)
      } else {
      }
      %convert_element_type3A_349 = arith.extui %ne3A_342 : i1 to i32
      %add3A_350 = arith.addi %add3A_339, %convert_element_type3A_349 : i32
      %slice3A_351 = vector.extract_strided_slice %shift_right_arithmetic3A_27 {offsets = [11], sizes = [1], strides = [1]} : vector<16xi32> to vector<1xi32>
      %squeeze3A_352 = vector.extract %slice3A_351[0] : i32 from vector<1xi32>
      %ne3A_353 = arith.cmpi ne, %squeeze3A_352, %squeeze3A_341 : i32
      %and3A_354 = arith.constant 7 : i32
      %and3A_355 = arith.andi %add3A_350, %and3A_354 : i32
      %select_n3A_356 = arith.select %ne3A_353, %and3A_355, %select_n3A_345 : i32
      %convert_element_type3A_357 = arith.extui %ne3A_353 : i1 to i32
      %cond3A_358 = arith.constant 0 : i32
      %cond3A_359 = arith.cmpi ne, %convert_element_type3A_357, %cond3A_358 : i32
      scf.if %cond3A_359 {
        %mul3A_1036 = arith.constant 128 : i32
        %mul3A_1037 = arith.muli %squeeze3A_352, %mul3A_1036 : i32
        %multiple_of3A = tpu.assume_multiple %mul3A_1037, 128 : i32
        %dma_start3A = tpu.memref_reshape %arg6 : memref<512x128xf32, #tpu.memory_space<vmem>> -> memref<8x8x8x128xf32, #tpu.memory_space<vmem>>
        %dma_start3A_1038 = arith.constant 0 : i32
        %dma_start3A_1039 = arith.constant 0 : i32
        %dma_start3A_1040 = arith.constant 0 : i32
        %dma_start3A_1041 = tpu.memref_slice %dma_start3A[%select_n3A_356, %dma_start3A_1038, %dma_start3A_1039, %dma_start3A_1040] : memref<8x8x8x128xf32, #tpu.memory_space<vmem>> -> memref<1x8x8x128xf32, #tpu.memory_space<vmem>>
        %dma_start3A_1042 = tpu.memref_squeeze %dma_start3A_1041 : memref<1x8x8x128xf32, #tpu.memory_space<vmem>> -> memref<8x8x128xf32, #tpu.memory_space<vmem>>
        %dma_start3A_1043 = arith.constant 0 : i32
        %dma_start3A_1044 = arith.constant 0 : i32
        %dma_start3A_1045 = tpu.memref_slice %arg2[%dma_start3A_1043, %dma_start3A_1044, %multiple_of3A] : memref<8x8x1500000xf32, #tpu.memory_space<hbm>> -> memref<8x8x128xf32, #tpu.memory_space<hbm>>
        %dma_start3A_1046 = tpu.memref_reshape %arg6 : memref<512x128xf32, #tpu.memory_space<vmem>> -> memref<8x8x8x128xf32, #tpu.memory_space<vmem>>
        %dma_start3A_1047 = arith.constant 0 : i32
        %dma_start3A_1048 = arith.constant 0 : i32
        %dma_start3A_1049 = arith.constant 0 : i32
        %dma_start3A_1050 = tpu.memref_slice %dma_start3A_1046[%select_n3A_356, %dma_start3A_1047, %dma_start3A_1048, %dma_start3A_1049] : memref<8x8x8x128xf32, #tpu.memory_space<vmem>> -> memref<1x8x8x128xf32, #tpu.memory_space<vmem>>
        %dma_start3A_1051 = tpu.memref_squeeze %dma_start3A_1050 : memref<1x8x8x128xf32, #tpu.memory_space<vmem>> -> memref<8x8x128xf32, #tpu.memory_space<vmem>>
        %dma_start3A_1052 = arith.constant 0 : i32
        %dma_start3A_1053 = arith.constant 0 : i32
        %dma_start3A_1054 = tpu.memref_slice %arg2[%dma_start3A_1052, %dma_start3A_1053, %multiple_of3A] : memref<8x8x1500000xf32, #tpu.memory_space<hbm>> -> memref<8x8x128xf32, #tpu.memory_space<hbm>>
        tpu.enqueue_dma source(%dma_start3A_1054 : memref<8x8x128xf32, #tpu.memory_space<hbm>>) target(%dma_start3A_1051 : memref<8x8x128xf32, #tpu.memory_space<vmem>>) target_semaphore(%arg8 : memref<!tpu.dma_semaphore, #tpu.memory_space<semaphore_mem>>)
      } else {
      }
      %convert_element_type3A_360 = arith.extui %ne3A_353 : i1 to i32
      %add3A_361 = arith.addi %add3A_350, %convert_element_type3A_360 : i32
      %sub3A_362 = arith.constant 0 : i32
      %sub3A_363 = arith.subi %scan3A_19, %sub3A_362 : i32
      %convert_element_type3A_364 = arith.extui %ne3A_70 : i1 to i32
      %cond3A_365 = arith.constant 0 : i32
      %cond3A_366 = arith.cmpi ne, %convert_element_type3A_364, %cond3A_365 : i32
      scf.if %cond3A_366 {
        %dma_wait3A = tpu.memref_reshape %arg6 : memref<512x128xf32, #tpu.memory_space<vmem>> -> memref<8x8x8x128xf32, #tpu.memory_space<vmem>>
        %dma_wait3A_1036 = arith.constant 0 : i32
        %dma_wait3A_1037 = arith.constant 0 : i32
        %dma_wait3A_1038 = arith.constant 0 : i32
        %dma_wait3A_1039 = tpu.memref_slice %dma_wait3A[%select_n3A_73, %dma_wait3A_1036, %dma_wait3A_1037, %dma_wait3A_1038] : memref<8x8x8x128xf32, #tpu.memory_space<vmem>> -> memref<1x8x8x128xf32, #tpu.memory_space<vmem>>
        %dma_wait3A_1040 = tpu.memref_squeeze %dma_wait3A_1039 : memref<1x8x8x128xf32, #tpu.memory_space<vmem>> -> memref<8x8x128xf32, #tpu.memory_space<vmem>>
        %dma_wait3A_1041 = arith.constant 0 : i32
        %dma_wait3A_1042 = arith.constant 0 : i32
        %dma_wait3A_1043 = arith.constant 0 : i32
        %dma_wait3A_1044 = tpu.memref_slice %arg2[%dma_wait3A_1041, %dma_wait3A_1042, %dma_wait3A_1043] : memref<8x8x1500000xf32, #tpu.memory_space<hbm>> -> memref<8x8x128xf32, #tpu.memory_space<hbm>>
        %dma_wait3A_1045 = tpu.memref_reshape %arg6 : memref<512x128xf32, #tpu.memory_space<vmem>> -> memref<8x8x8x128xf32, #tpu.memory_space<vmem>>
        %dma_wait3A_1046 = arith.constant 0 : i32
        %dma_wait3A_1047 = arith.constant 0 : i32
        %dma_wait3A_1048 = arith.constant 0 : i32
        %dma_wait3A_1049 = tpu.memref_slice %dma_wait3A_1045[%select_n3A_73, %dma_wait3A_1046, %dma_wait3A_1047, %dma_wait3A_1048] : memref<8x8x8x128xf32, #tpu.memory_space<vmem>> -> memref<1x8x8x128xf32, #tpu.memory_space<vmem>>
        %dma_wait3A_1050 = tpu.memref_squeeze %dma_wait3A_1049 : memref<1x8x8x128xf32, #tpu.memory_space<vmem>> -> memref<8x8x128xf32, #tpu.memory_space<vmem>>
        %dma_wait3A_1051 = arith.constant 0 : i32
        %dma_wait3A_1052 = arith.constant 0 : i32
        %dma_wait3A_1053 = arith.constant 0 : i32
        %dma_wait3A_1054 = tpu.memref_slice %arg2[%dma_wait3A_1051, %dma_wait3A_1052, %dma_wait3A_1053] : memref<8x8x1500000xf32, #tpu.memory_space<hbm>> -> memref<8x8x128xf32, #tpu.memory_space<hbm>>
        tpu.wait_dma2 semaphore(%arg9 : memref<!tpu.dma_semaphore, #tpu.memory_space<semaphore_mem>>) src(%dma_wait3A_1054 : memref<8x8x128xf32, #tpu.memory_space<hbm>>) dst(%dma_wait3A_1050 : memref<8x8x128xf32, #tpu.memory_space<vmem>>)
      } else {
      }
      %mul3A_367 = arith.constant 16 : i32
      %mul3A_368 = arith.muli %sub3A_363, %mul3A_367 : i32
      %add3A_369 = arith.constant 4 : i32
      %add3A_370 = arith.addi %mul3A_368, %add3A_369 : i32
      %add3A_371 = arith.constant 0 : i32
      %add3A_372 = arith.addi %add3A_370, %add3A_371 : i32
      %slice3A_373 = vector.extract_strided_slice %and3A_29 {offsets = [4], sizes = [1], strides = [1]} : vector<16xi32> to vector<1xi32>
      %squeeze3A_374 = vector.extract %slice3A_373[0] : i32 from vector<1xi32>
      %broadcast_in_dim3A_375 = vector.broadcast %squeeze3A_374 : i32 to vector<16xi32>
      %mul3A_376 = arith.constant 64 : i32
      %mul3A_377 = arith.muli %select_n3A_73, %mul3A_376 : i32
      %add3A_378 = arith.constant 0 : i32
      %add3A_379 = arith.addi %mul3A_377, %add3A_378 : i32
      %add3A_380 = vector.broadcast %add3A_379 : i32 to vector<16xi32>
      %add3A_381 = arith.addi %add3A_380, %iota3A : vector<16xi32>
      %gather3A_382 = tpu.vector_load_idx %arg6[%add3A_381, %broadcast_in_dim3A_375] : memref<512x128xf32, #tpu.memory_space<vmem>>[vector<16xi32>, vector<16xi32>], vector<16xf32>,
      %swap3A_383 = arith.index_cast %add3A_372 : i32 to index
      %swap3A_384 = arith.constant 0 : index
      %swap3A_385 = tpu.vector_load %arg7[%swap3A_383, %swap3A_384] {strides = array<i32>} : memref<256x64xf32, #tpu.memory_space<vmem>>, vector<16xf32>,
      tpu.vector_store %arg7[%swap3A_383, %swap3A_384], %gather3A_382 {strides = array<i32>} : memref<256x64xf32, #tpu.memory_space<vmem>>, vector<16xf32>,
      %mul3A_386 = arith.constant 64 : i32
      %mul3A_387 = arith.muli %select_n3A_73, %mul3A_386 : i32
      %add3A_388 = arith.constant 16 : i32
      %add3A_389 = arith.addi %mul3A_387, %add3A_388 : i32
      %add3A_390 = vector.broadcast %add3A_389 : i32 to vector<16xi32>
      %add3A_391 = arith.addi %add3A_390, %iota3A : vector<16xi32>
      %gather3A_392 = tpu.vector_load_idx %arg6[%add3A_391, %broadcast_in_dim3A_375] : memref<512x128xf32, #tpu.memory_space<vmem>>[vector<16xi32>, vector<16xi32>], vector<16xf32>,
      %swap3A_393 = arith.index_cast %add3A_372 : i32 to index
      %swap3A_394 = arith.constant 16 : index
      %swap3A_395 = tpu.vector_load %arg7[%swap3A_393, %swap3A_394] {strides = array<i32>} : memref<256x64xf32, #tpu.memory_space<vmem>>, vector<16xf32>,
      tpu.vector_store %arg7[%swap3A_393, %swap3A_394], %gather3A_392 {strides = array<i32>} : memref<256x64xf32, #tpu.memory_space<vmem>>, vector<16xf32>,
      %mul3A_396 = arith.constant 64 : i32
      %mul3A_397 = arith.muli %select_n3A_73, %mul3A_396 : i32
      %add3A_398 = arith.constant 32 : i32
      %add3A_399 = arith.addi %mul3A_397, %add3A_398 : i32
      %add3A_400 = vector.broadcast %add3A_399 : i32 to vector<16xi32>
      %add3A_401 = arith.addi %add3A_400, %iota3A : vector<16xi32>
      %gather3A_402 = tpu.vector_load_idx %arg6[%add3A_401, %broadcast_in_dim3A_375] : memref<512x128xf32, #tpu.memory_space<vmem>>[vector<16xi32>, vector<16xi32>], vector<16xf32>,
      %swap3A_403 = arith.index_cast %add3A_372 : i32 to index
      %swap3A_404 = arith.constant 32 : index
      %swap3A_405 = tpu.vector_load %arg7[%swap3A_403, %swap3A_404] {strides = array<i32>} : memref<256x64xf32, #tpu.memory_space<vmem>>, vector<16xf32>,
      tpu.vector_store %arg7[%swap3A_403, %swap3A_404], %gather3A_402 {strides = array<i32>} : memref<256x64xf32, #tpu.memory_space<vmem>>, vector<16xf32>,
      %mul3A_406 = arith.constant 64 : i32
      %mul3A_407 = arith.muli %select_n3A_73, %mul3A_406 : i32
      %add3A_408 = arith.constant 48 : i32
      %add3A_409 = arith.addi %mul3A_407, %add3A_408 : i32
      %add3A_410 = vector.broadcast %add3A_409 : i32 to vector<16xi32>
      %add3A_411 = arith.addi %add3A_410, %iota3A : vector<16xi32>
      %gather3A_412 = tpu.vector_load_idx %arg6[%add3A_411, %broadcast_in_dim3A_375] : memref<512x128xf32, #tpu.memory_space<vmem>>[vector<16xi32>, vector<16xi32>], vector<16xf32>,
      %swap3A_413 = arith.index_cast %add3A_372 : i32 to index
      %swap3A_414 = arith.constant 48 : index
      %swap3A_415 = tpu.vector_load %arg7[%swap3A_413, %swap3A_414] {strides = array<i32>} : memref<256x64xf32, #tpu.memory_space<vmem>>, vector<16xf32>,
      tpu.vector_store %arg7[%swap3A_413, %swap3A_414], %gather3A_412 {strides = array<i32>} : memref<256x64xf32, #tpu.memory_space<vmem>>, vector<16xf32>,
      %convert_element_type3A_416 = arith.extui %ne3A_81 : i1 to i32
      %cond3A_417 = arith.constant 0 : i32
      %cond3A_418 = arith.cmpi ne, %convert_element_type3A_416, %cond3A_417 : i32
      scf.if %cond3A_418 {
        %dma_wait3A = tpu.memref_reshape %arg6 : memref<512x128xf32, #tpu.memory_space<vmem>> -> memref<8x8x8x128xf32, #tpu.memory_space<vmem>>
        %dma_wait3A_1036 = arith.constant 0 : i32
        %dma_wait3A_1037 = arith.constant 0 : i32
        %dma_wait3A_1038 = arith.constant 0 : i32
        %dma_wait3A_1039 = tpu.memref_slice %dma_wait3A[%select_n3A_84, %dma_wait3A_1036, %dma_wait3A_1037, %dma_wait3A_1038] : memref<8x8x8x128xf32, #tpu.memory_space<vmem>> -> memref<1x8x8x128xf32, #tpu.memory_space<vmem>>
        %dma_wait3A_1040 = tpu.memref_squeeze %dma_wait3A_1039 : memref<1x8x8x128xf32, #tpu.memory_space<vmem>> -> memref<8x8x128xf32, #tpu.memory_space<vmem>>
        %dma_wait3A_1041 = arith.constant 0 : i32
        %dma_wait3A_1042 = arith.constant 0 : i32
        %dma_wait3A_1043 = arith.constant 0 : i32
        %dma_wait3A_1044 = tpu.memref_slice %arg2[%dma_wait3A_1041, %dma_wait3A_1042, %dma_wait3A_1043] : memref<8x8x1500000xf32, #tpu.memory_space<hbm>> -> memref<8x8x128xf32, #tpu.memory_space<hbm>>
        %dma_wait3A_1045 = tpu.memref_reshape %arg6 : memref<512x128xf32, #tpu.memory_space<vmem>> -> memref<8x8x8x128xf32, #tpu.memory_space<vmem>>
        %dma_wait3A_1046 = arith.constant 0 : i32
        %dma_wait3A_1047 = arith.constant 0 : i32
        %dma_wait3A_1048 = arith.constant 0 : i32
        %dma_wait3A_1049 = tpu.memref_slice %dma_wait3A_1045[%select_n3A_84, %dma_wait3A_1046, %dma_wait3A_1047, %dma_wait3A_1048] : memref<8x8x8x128xf32, #tpu.memory_space<vmem>> -> memref<1x8x8x128xf32, #tpu.memory_space<vmem>>
        %dma_wait3A_1050 = tpu.memref_squeeze %dma_wait3A_1049 : memref<1x8x8x128xf32, #tpu.memory_space<vmem>> -> memref<8x8x128xf32, #tpu.memory_space<vmem>>
        %dma_wait3A_1051 = arith.constant 0 : i32
        %dma_wait3A_1052 = arith.constant 0 : i32
        %dma_wait3A_1053 = arith.constant 0 : i32
        %dma_wait3A_1054 = tpu.memref_slice %arg2[%dma_wait3A_1051, %dma_wait3A_1052, %dma_wait3A_1053] : memref<8x8x1500000xf32, #tpu.memory_space<hbm>> -> memref<8x8x128xf32, #tpu.memory_space<hbm>>
        tpu.wait_dma2 semaphore(%arg9 : memref<!tpu.dma_semaphore, #tpu.memory_space<semaphore_mem>>) src(%dma_wait3A_1054 : memref<8x8x128xf32, #tpu.memory_space<hbm>>) dst(%dma_wait3A_1050 : memref<8x8x128xf32, #tpu.memory_space<vmem>>)
      } else {
      }
      %mul3A_419 = arith.constant 16 : i32
      %mul3A_420 = arith.muli %sub3A_363, %mul3A_419 : i32
      %add3A_421 = arith.constant 4 : i32
      %add3A_422 = arith.addi %mul3A_420, %add3A_421 : i32
      %add3A_423 = arith.constant 1 : i32
      %add3A_424 = arith.addi %add3A_422, %add3A_423 : i32
      %slice3A_425 = vector.extract_strided_slice %and3A_29 {offsets = [5], sizes = [1], strides = [1]} : vector<16xi32> to vector<1xi32>
      %squeeze3A_426 = vector.extract %slice3A_425[0] : i32 from vector<1xi32>
      %broadcast_in_dim3A_427 = vector.broadcast %squeeze3A_426 : i32 to vector<16xi32>
      %mul3A_428 = arith.constant 64 : i32
      %mul3A_429 = arith.muli %select_n3A_84, %mul3A_428 : i32
      %add3A_430 = arith.constant 0 : i32
      %add3A_431 = arith.addi %mul3A_429, %add3A_430 : i32
      %add3A_432 = vector.broadcast %add3A_431 : i32 to vector<16xi32>
      %add3A_433 = arith.addi %add3A_432, %iota3A : vector<16xi32>
      %gather3A_434 = tpu.vector_load_idx %arg6[%add3A_433, %broadcast_in_dim3A_427] : memref<512x128xf32, #tpu.memory_space<vmem>>[vector<16xi32>, vector<16xi32>], vector<16xf32>,
      %swap3A_435 = arith.index_cast %add3A_424 : i32 to index
      %swap3A_436 = arith.constant 0 : index
      %swap3A_437 = tpu.vector_load %arg7[%swap3A_435, %swap3A_436] {strides = array<i32>} : memref<256x64xf32, #tpu.memory_space<vmem>>, vector<16xf32>,
      tpu.vector_store %arg7[%swap3A_435, %swap3A_436], %gather3A_434 {strides = array<i32>} : memref<256x64xf32, #tpu.memory_space<vmem>>, vector<16xf32>,
      %mul3A_438 = arith.constant 64 : i32
      %mul3A_439 = arith.muli %select_n3A_84, %mul3A_438 : i32
      %add3A_440 = arith.constant 16 : i32
      %add3A_441 = arith.addi %mul3A_439, %add3A_440 : i32
      %add3A_442 = vector.broadcast %add3A_441 : i32 to vector<16xi32>
      %add3A_443 = arith.addi %add3A_442, %iota3A : vector<16xi32>
      %gather3A_444 = tpu.vector_load_idx %arg6[%add3A_443, %broadcast_in_dim3A_427] : memref<512x128xf32, #tpu.memory_space<vmem>>[vector<16xi32>, vector<16xi32>], vector<16xf32>,
      %swap3A_445 = arith.index_cast %add3A_424 : i32 to index
      %swap3A_446 = arith.constant 16 : index
      %swap3A_447 = tpu.vector_load %arg7[%swap3A_445, %swap3A_446] {strides = array<i32>} : memref<256x64xf32, #tpu.memory_space<vmem>>, vector<16xf32>,
      tpu.vector_store %arg7[%swap3A_445, %swap3A_446], %gather3A_444 {strides = array<i32>} : memref<256x64xf32, #tpu.memory_space<vmem>>, vector<16xf32>,
      %mul3A_448 = arith.constant 64 : i32
      %mul3A_449 = arith.muli %select_n3A_84, %mul3A_448 : i32
      %add3A_450 = arith.constant 32 : i32
      %add3A_451 = arith.addi %mul3A_449, %add3A_450 : i32
      %add3A_452 = vector.broadcast %add3A_451 : i32 to vector<16xi32>
      %add3A_453 = arith.addi %add3A_452, %iota3A : vector<16xi32>
      %gather3A_454 = tpu.vector_load_idx %arg6[%add3A_453, %broadcast_in_dim3A_427] : memref<512x128xf32, #tpu.memory_space<vmem>>[vector<16xi32>, vector<16xi32>], vector<16xf32>,
      %swap3A_455 = arith.index_cast %add3A_424 : i32 to index
      %swap3A_456 = arith.constant 32 : index
      %swap3A_457 = tpu.vector_load %arg7[%swap3A_455, %swap3A_456] {strides = array<i32>} : memref<256x64xf32, #tpu.memory_space<vmem>>, vector<16xf32>,
      tpu.vector_store %arg7[%swap3A_455, %swap3A_456], %gather3A_454 {strides = array<i32>} : memref<256x64xf32, #tpu.memory_space<vmem>>, vector<16xf32>,
      %mul3A_458 = arith.constant 64 : i32
      %mul3A_459 = arith.muli %select_n3A_84, %mul3A_458 : i32
      %add3A_460 = arith.constant 48 : i32
      %add3A_461 = arith.addi %mul3A_459, %add3A_460 : i32
      %add3A_462 = vector.broadcast %add3A_461 : i32 to vector<16xi32>
      %add3A_463 = arith.addi %add3A_462, %iota3A : vector<16xi32>
      %gather3A_464 = tpu.vector_load_idx %arg6[%add3A_463, %broadcast_in_dim3A_427] : memref<512x128xf32, #tpu.memory_space<vmem>>[vector<16xi32>, vector<16xi32>], vector<16xf32>,
      %swap3A_465 = arith.index_cast %add3A_424 : i32 to index
      %swap3A_466 = arith.constant 48 : index
      %swap3A_467 = tpu.vector_load %arg7[%swap3A_465, %swap3A_466] {strides = array<i32>} : memref<256x64xf32, #tpu.memory_space<vmem>>, vector<16xf32>,
      tpu.vector_store %arg7[%swap3A_465, %swap3A_466], %gather3A_464 {strides = array<i32>} : memref<256x64xf32, #tpu.memory_space<vmem>>, vector<16xf32>,
      %convert_element_type3A_468 = arith.extui %ne3A_92 : i1 to i32
      %cond3A_469 = arith.constant 0 : i32
      %cond3A_470 = arith.cmpi ne, %convert_element_type3A_468, %cond3A_469 : i32
      scf.if %cond3A_470 {
        %dma_wait3A = tpu.memref_reshape %arg6 : memref<512x128xf32, #tpu.memory_space<vmem>> -> memref<8x8x8x128xf32, #tpu.memory_space<vmem>>
        %dma_wait3A_1036 = arith.constant 0 : i32
        %dma_wait3A_1037 = arith.constant 0 : i32
        %dma_wait3A_1038 = arith.constant 0 : i32
        %dma_wait3A_1039 = tpu.memref_slice %dma_wait3A[%select_n3A_95, %dma_wait3A_1036, %dma_wait3A_1037, %dma_wait3A_1038] : memref<8x8x8x128xf32, #tpu.memory_space<vmem>> -> memref<1x8x8x128xf32, #tpu.memory_space<vmem>>
        %dma_wait3A_1040 = tpu.memref_squeeze %dma_wait3A_1039 : memref<1x8x8x128xf32, #tpu.memory_space<vmem>> -> memref<8x8x128xf32, #tpu.memory_space<vmem>>
        %dma_wait3A_1041 = arith.constant 0 : i32
        %dma_wait3A_1042 = arith.constant 0 : i32
        %dma_wait3A_1043 = arith.constant 0 : i32
        %dma_wait3A_1044 = tpu.memref_slice %arg2[%dma_wait3A_1041, %dma_wait3A_1042, %dma_wait3A_1043] : memref<8x8x1500000xf32, #tpu.memory_space<hbm>> -> memref<8x8x128xf32, #tpu.memory_space<hbm>>
        %dma_wait3A_1045 = tpu.memref_reshape %arg6 : memref<512x128xf32, #tpu.memory_space<vmem>> -> memref<8x8x8x128xf32, #tpu.memory_space<vmem>>
        %dma_wait3A_1046 = arith.constant 0 : i32
        %dma_wait3A_1047 = arith.constant 0 : i32
        %dma_wait3A_1048 = arith.constant 0 : i32
        %dma_wait3A_1049 = tpu.memref_slice %dma_wait3A_1045[%select_n3A_95, %dma_wait3A_1046, %dma_wait3A_1047, %dma_wait3A_1048] : memref<8x8x8x128xf32, #tpu.memory_space<vmem>> -> memref<1x8x8x128xf32, #tpu.memory_space<vmem>>
        %dma_wait3A_1050 = tpu.memref_squeeze %dma_wait3A_1049 : memref<1x8x8x128xf32, #tpu.memory_space<vmem>> -> memref<8x8x128xf32, #tpu.memory_space<vmem>>
        %dma_wait3A_1051 = arith.constant 0 : i32
        %dma_wait3A_1052 = arith.constant 0 : i32
        %dma_wait3A_1053 = arith.constant 0 : i32
        %dma_wait3A_1054 = tpu.memref_slice %arg2[%dma_wait3A_1051, %dma_wait3A_1052, %dma_wait3A_1053] : memref<8x8x1500000xf32, #tpu.memory_space<hbm>> -> memref<8x8x128xf32, #tpu.memory_space<hbm>>
        tpu.wait_dma2 semaphore(%arg9 : memref<!tpu.dma_semaphore, #tpu.memory_space<semaphore_mem>>) src(%dma_wait3A_1054 : memref<8x8x128xf32, #tpu.memory_space<hbm>>) dst(%dma_wait3A_1050 : memref<8x8x128xf32, #tpu.memory_space<vmem>>)
      } else {
      }
      %mul3A_471 = arith.constant 16 : i32
      %mul3A_472 = arith.muli %sub3A_363, %mul3A_471 : i32
      %add3A_473 = arith.constant 4 : i32
      %add3A_474 = arith.addi %mul3A_472, %add3A_473 : i32
      %add3A_475 = arith.constant 2 : i32
      %add3A_476 = arith.addi %add3A_474, %add3A_475 : i32
      %slice3A_477 = vector.extract_strided_slice %and3A_29 {offsets = [6], sizes = [1], strides = [1]} : vector<16xi32> to vector<1xi32>
      %squeeze3A_478 = vector.extract %slice3A_477[0] : i32 from vector<1xi32>
      %broadcast_in_dim3A_479 = vector.broadcast %squeeze3A_478 : i32 to vector<16xi32>
      %mul3A_480 = arith.constant 64 : i32
      %mul3A_481 = arith.muli %select_n3A_95, %mul3A_480 : i32
      %add3A_482 = arith.constant 0 : i32
      %add3A_483 = arith.addi %mul3A_481, %add3A_482 : i32
      %add3A_484 = vector.broadcast %add3A_483 : i32 to vector<16xi32>
      %add3A_485 = arith.addi %add3A_484, %iota3A : vector<16xi32>
      %gather3A_486 = tpu.vector_load_idx %arg6[%add3A_485, %broadcast_in_dim3A_479] : memref<512x128xf32, #tpu.memory_space<vmem>>[vector<16xi32>, vector<16xi32>], vector<16xf32>,
      %swap3A_487 = arith.index_cast %add3A_476 : i32 to index
      %swap3A_488 = arith.constant 0 : index
      %swap3A_489 = tpu.vector_load %arg7[%swap3A_487, %swap3A_488] {strides = array<i32>} : memref<256x64xf32, #tpu.memory_space<vmem>>, vector<16xf32>,
      tpu.vector_store %arg7[%swap3A_487, %swap3A_488], %gather3A_486 {strides = array<i32>} : memref<256x64xf32, #tpu.memory_space<vmem>>, vector<16xf32>,
      %mul3A_490 = arith.constant 64 : i32
      %mul3A_491 = arith.muli %select_n3A_95, %mul3A_490 : i32
      %add3A_492 = arith.constant 16 : i32
      %add3A_493 = arith.addi %mul3A_491, %add3A_492 : i32
      %add3A_494 = vector.broadcast %add3A_493 : i32 to vector<16xi32>
      %add3A_495 = arith.addi %add3A_494, %iota3A : vector<16xi32>
      %gather3A_496 = tpu.vector_load_idx %arg6[%add3A_495, %broadcast_in_dim3A_479] : memref<512x128xf32, #tpu.memory_space<vmem>>[vector<16xi32>, vector<16xi32>], vector<16xf32>,
      %swap3A_497 = arith.index_cast %add3A_476 : i32 to index
      %swap3A_498 = arith.constant 16 : index
      %swap3A_499 = tpu.vector_load %arg7[%swap3A_497, %swap3A_498] {strides = array<i32>} : memref<256x64xf32, #tpu.memory_space<vmem>>, vector<16xf32>,
      tpu.vector_store %arg7[%swap3A_497, %swap3A_498], %gather3A_496 {strides = array<i32>} : memref<256x64xf32, #tpu.memory_space<vmem>>, vector<16xf32>,
      %mul3A_500 = arith.constant 64 : i32
      %mul3A_501 = arith.muli %select_n3A_95, %mul3A_500 : i32
      %add3A_502 = arith.constant 32 : i32
      %add3A_503 = arith.addi %mul3A_501, %add3A_502 : i32
      %add3A_504 = vector.broadcast %add3A_503 : i32 to vector<16xi32>
      %add3A_505 = arith.addi %add3A_504, %iota3A : vector<16xi32>
      %gather3A_506 = tpu.vector_load_idx %arg6[%add3A_505, %broadcast_in_dim3A_479] : memref<512x128xf32, #tpu.memory_space<vmem>>[vector<16xi32>, vector<16xi32>], vector<16xf32>,
      %swap3A_507 = arith.index_cast %add3A_476 : i32 to index
      %swap3A_508 = arith.constant 32 : index
      %swap3A_509 = tpu.vector_load %arg7[%swap3A_507, %swap3A_508] {strides = array<i32>} : memref<256x64xf32, #tpu.memory_space<vmem>>, vector<16xf32>,
      tpu.vector_store %arg7[%swap3A_507, %swap3A_508], %gather3A_506 {strides = array<i32>} : memref<256x64xf32, #tpu.memory_space<vmem>>, vector<16xf32>,
      %mul3A_510 = arith.constant 64 : i32
      %mul3A_511 = arith.muli %select_n3A_95, %mul3A_510 : i32
      %add3A_512 = arith.constant 48 : i32
      %add3A_513 = arith.addi %mul3A_511, %add3A_512 : i32
      %add3A_514 = vector.broadcast %add3A_513 : i32 to vector<16xi32>
      %add3A_515 = arith.addi %add3A_514, %iota3A : vector<16xi32>
      %gather3A_516 = tpu.vector_load_idx %arg6[%add3A_515, %broadcast_in_dim3A_479] : memref<512x128xf32, #tpu.memory_space<vmem>>[vector<16xi32>, vector<16xi32>], vector<16xf32>,
      %swap3A_517 = arith.index_cast %add3A_476 : i32 to index
      %swap3A_518 = arith.constant 48 : index
      %swap3A_519 = tpu.vector_load %arg7[%swap3A_517, %swap3A_518] {strides = array<i32>} : memref<256x64xf32, #tpu.memory_space<vmem>>, vector<16xf32>,
      tpu.vector_store %arg7[%swap3A_517, %swap3A_518], %gather3A_516 {strides = array<i32>} : memref<256x64xf32, #tpu.memory_space<vmem>>, vector<16xf32>,
      %convert_element_type3A_520 = arith.extui %ne3A_103 : i1 to i32
      %cond3A_521 = arith.constant 0 : i32
      %cond3A_522 = arith.cmpi ne, %convert_element_type3A_520, %cond3A_521 : i32
      scf.if %cond3A_522 {
        %dma_wait3A = tpu.memref_reshape %arg6 : memref<512x128xf32, #tpu.memory_space<vmem>> -> memref<8x8x8x128xf32, #tpu.memory_space<vmem>>
        %dma_wait3A_1036 = arith.constant 0 : i32
        %dma_wait3A_1037 = arith.constant 0 : i32
        %dma_wait3A_1038 = arith.constant 0 : i32
        %dma_wait3A_1039 = tpu.memref_slice %dma_wait3A[%select_n3A_106, %dma_wait3A_1036, %dma_wait3A_1037, %dma_wait3A_1038] : memref<8x8x8x128xf32, #tpu.memory_space<vmem>> -> memref<1x8x8x128xf32, #tpu.memory_space<vmem>>
        %dma_wait3A_1040 = tpu.memref_squeeze %dma_wait3A_1039 : memref<1x8x8x128xf32, #tpu.memory_space<vmem>> -> memref<8x8x128xf32, #tpu.memory_space<vmem>>
        %dma_wait3A_1041 = arith.constant 0 : i32
        %dma_wait3A_1042 = arith.constant 0 : i32
        %dma_wait3A_1043 = arith.constant 0 : i32
        %dma_wait3A_1044 = tpu.memref_slice %arg2[%dma_wait3A_1041, %dma_wait3A_1042, %dma_wait3A_1043] : memref<8x8x1500000xf32, #tpu.memory_space<hbm>> -> memref<8x8x128xf32, #tpu.memory_space<hbm>>
        %dma_wait3A_1045 = tpu.memref_reshape %arg6 : memref<512x128xf32, #tpu.memory_space<vmem>> -> memref<8x8x8x128xf32, #tpu.memory_space<vmem>>
        %dma_wait3A_1046 = arith.constant 0 : i32
        %dma_wait3A_1047 = arith.constant 0 : i32
        %dma_wait3A_1048 = arith.constant 0 : i32
        %dma_wait3A_1049 = tpu.memref_slice %dma_wait3A_1045[%select_n3A_106, %dma_wait3A_1046, %dma_wait3A_1047, %dma_wait3A_1048] : memref<8x8x8x128xf32, #tpu.memory_space<vmem>> -> memref<1x8x8x128xf32, #tpu.memory_space<vmem>>
        %dma_wait3A_1050 = tpu.memref_squeeze %dma_wait3A_1049 : memref<1x8x8x128xf32, #tpu.memory_space<vmem>> -> memref<8x8x128xf32, #tpu.memory_space<vmem>>
        %dma_wait3A_1051 = arith.constant 0 : i32
        %dma_wait3A_1052 = arith.constant 0 : i32
        %dma_wait3A_1053 = arith.constant 0 : i32
        %dma_wait3A_1054 = tpu.memref_slice %arg2[%dma_wait3A_1051, %dma_wait3A_1052, %dma_wait3A_1053] : memref<8x8x1500000xf32, #tpu.memory_space<hbm>> -> memref<8x8x128xf32, #tpu.memory_space<hbm>>
        tpu.wait_dma2 semaphore(%arg9 : memref<!tpu.dma_semaphore, #tpu.memory_space<semaphore_mem>>) src(%dma_wait3A_1054 : memref<8x8x128xf32, #tpu.memory_space<hbm>>) dst(%dma_wait3A_1050 : memref<8x8x128xf32, #tpu.memory_space<vmem>>)
      } else {
      }
      %mul3A_523 = arith.constant 16 : i32
      %mul3A_524 = arith.muli %sub3A_363, %mul3A_523 : i32
      %add3A_525 = arith.constant 4 : i32
      %add3A_526 = arith.addi %mul3A_524, %add3A_525 : i32
      %add3A_527 = arith.constant 3 : i32
      %add3A_528 = arith.addi %add3A_526, %add3A_527 : i32
      %slice3A_529 = vector.extract_strided_slice %and3A_29 {offsets = [7], sizes = [1], strides = [1]} : vector<16xi32> to vector<1xi32>
      %squeeze3A_530 = vector.extract %slice3A_529[0] : i32 from vector<1xi32>
      %broadcast_in_dim3A_531 = vector.broadcast %squeeze3A_530 : i32 to vector<16xi32>
      %mul3A_532 = arith.constant 64 : i32
      %mul3A_533 = arith.muli %select_n3A_106, %mul3A_532 : i32
      %add3A_534 = arith.constant 0 : i32
      %add3A_535 = arith.addi %mul3A_533, %add3A_534 : i32
      %add3A_536 = vector.broadcast %add3A_535 : i32 to vector<16xi32>
      %add3A_537 = arith.addi %add3A_536, %iota3A : vector<16xi32>
      %gather3A_538 = tpu.vector_load_idx %arg6[%add3A_537, %broadcast_in_dim3A_531] : memref<512x128xf32, #tpu.memory_space<vmem>>[vector<16xi32>, vector<16xi32>], vector<16xf32>,
      %swap3A_539 = arith.index_cast %add3A_528 : i32 to index
      %swap3A_540 = arith.constant 0 : index
      %swap3A_541 = tpu.vector_load %arg7[%swap3A_539, %swap3A_540] {strides = array<i32>} : memref<256x64xf32, #tpu.memory_space<vmem>>, vector<16xf32>,
      tpu.vector_store %arg7[%swap3A_539, %swap3A_540], %gather3A_538 {strides = array<i32>} : memref<256x64xf32, #tpu.memory_space<vmem>>, vector<16xf32>,
      %mul3A_542 = arith.constant 64 : i32
      %mul3A_543 = arith.muli %select_n3A_106, %mul3A_542 : i32
      %add3A_544 = arith.constant 16 : i32
      %add3A_545 = arith.addi %mul3A_543, %add3A_544 : i32
      %add3A_546 = vector.broadcast %add3A_545 : i32 to vector<16xi32>
      %add3A_547 = arith.addi %add3A_546, %iota3A : vector<16xi32>
      %gather3A_548 = tpu.vector_load_idx %arg6[%add3A_547, %broadcast_in_dim3A_531] : memref<512x128xf32, #tpu.memory_space<vmem>>[vector<16xi32>, vector<16xi32>], vector<16xf32>,
      %swap3A_549 = arith.index_cast %add3A_528 : i32 to index
      %swap3A_550 = arith.constant 16 : index
      %swap3A_551 = tpu.vector_load %arg7[%swap3A_549, %swap3A_550] {strides = array<i32>} : memref<256x64xf32, #tpu.memory_space<vmem>>, vector<16xf32>,
      tpu.vector_store %arg7[%swap3A_549, %swap3A_550], %gather3A_548 {strides = array<i32>} : memref<256x64xf32, #tpu.memory_space<vmem>>, vector<16xf32>,
      %mul3A_552 = arith.constant 64 : i32
      %mul3A_553 = arith.muli %select_n3A_106, %mul3A_552 : i32
      %add3A_554 = arith.constant 32 : i32
      %add3A_555 = arith.addi %mul3A_553, %add3A_554 : i32
      %add3A_556 = vector.broadcast %add3A_555 : i32 to vector<16xi32>
      %add3A_557 = arith.addi %add3A_556, %iota3A : vector<16xi32>
      %gather3A_558 = tpu.vector_load_idx %arg6[%add3A_557, %broadcast_in_dim3A_531] : memref<512x128xf32, #tpu.memory_space<vmem>>[vector<16xi32>, vector<16xi32>], vector<16xf32>,
      %swap3A_559 = arith.index_cast %add3A_528 : i32 to index
      %swap3A_560 = arith.constant 32 : index
      %swap3A_561 = tpu.vector_load %arg7[%swap3A_559, %swap3A_560] {strides = array<i32>} : memref<256x64xf32, #tpu.memory_space<vmem>>, vector<16xf32>,
      tpu.vector_store %arg7[%swap3A_559, %swap3A_560], %gather3A_558 {strides = array<i32>} : memref<256x64xf32, #tpu.memory_space<vmem>>, vector<16xf32>,
      %mul3A_562 = arith.constant 64 : i32
      %mul3A_563 = arith.muli %select_n3A_106, %mul3A_562 : i32
      %add3A_564 = arith.constant 48 : i32
      %add3A_565 = arith.addi %mul3A_563, %add3A_564 : i32
      %add3A_566 = vector.broadcast %add3A_565 : i32 to vector<16xi32>
      %add3A_567 = arith.addi %add3A_566, %iota3A : vector<16xi32>
      %gather3A_568 = tpu.vector_load_idx %arg6[%add3A_567, %broadcast_in_dim3A_531] : memref<512x128xf32, #tpu.memory_space<vmem>>[vector<16xi32>, vector<16xi32>], vector<16xf32>,
      %swap3A_569 = arith.index_cast %add3A_528 : i32 to index
      %swap3A_570 = arith.constant 48 : index
      %swap3A_571 = tpu.vector_load %arg7[%swap3A_569, %swap3A_570] {strides = array<i32>} : memref<256x64xf32, #tpu.memory_space<vmem>>, vector<16xf32>,
      tpu.vector_store %arg7[%swap3A_569, %swap3A_570], %gather3A_568 {strides = array<i32>} : memref<256x64xf32, #tpu.memory_space<vmem>>, vector<16xf32>,
      %slice3A_572 = vector.extract_strided_slice %shift_right_arithmetic3A_27 {offsets = [12], sizes = [1], strides = [1]} : vector<16xi32> to vector<1xi32>
      %squeeze3A_573 = vector.extract %slice3A_572[0] : i32 from vector<1xi32>
      %ne3A_574 = arith.cmpi ne, %squeeze3A_573, %squeeze3A_352 : i32
      %and3A_575 = arith.constant 7 : i32
      %and3A_576 = arith.andi %add3A_361, %and3A_575 : i32
      %select_n3A_577 = arith.select %ne3A_574, %and3A_576, %select_n3A_356 : i32
      %convert_element_type3A_578 = arith.extui %ne3A_574 : i1 to i32
      %cond3A_579 = arith.constant 0 : i32
      %cond3A_580 = arith.cmpi ne, %convert_element_type3A_578, %cond3A_579 : i32
      scf.if %cond3A_580 {
        %mul3A_1036 = arith.constant 128 : i32
        %mul3A_1037 = arith.muli %squeeze3A_573, %mul3A_1036 : i32
        %multiple_of3A = tpu.assume_multiple %mul3A_1037, 128 : i32
        %dma_start3A = tpu.memref_reshape %arg6 : memref<512x128xf32, #tpu.memory_space<vmem>> -> memref<8x8x8x128xf32, #tpu.memory_space<vmem>>
        %dma_start3A_1038 = arith.constant 0 : i32
        %dma_start3A_1039 = arith.constant 0 : i32
        %dma_start3A_1040 = arith.constant 0 : i32
        %dma_start3A_1041 = tpu.memref_slice %dma_start3A[%select_n3A_577, %dma_start3A_1038, %dma_start3A_1039, %dma_start3A_1040] : memref<8x8x8x128xf32, #tpu.memory_space<vmem>> -> memref<1x8x8x128xf32, #tpu.memory_space<vmem>>
        %dma_start3A_1042 = tpu.memref_squeeze %dma_start3A_1041 : memref<1x8x8x128xf32, #tpu.memory_space<vmem>> -> memref<8x8x128xf32, #tpu.memory_space<vmem>>
        %dma_start3A_1043 = arith.constant 0 : i32
        %dma_start3A_1044 = arith.constant 0 : i32
        %dma_start3A_1045 = tpu.memref_slice %arg2[%dma_start3A_1043, %dma_start3A_1044, %multiple_of3A] : memref<8x8x1500000xf32, #tpu.memory_space<hbm>> -> memref<8x8x128xf32, #tpu.memory_space<hbm>>
        %dma_start3A_1046 = tpu.memref_reshape %arg6 : memref<512x128xf32, #tpu.memory_space<vmem>> -> memref<8x8x8x128xf32, #tpu.memory_space<vmem>>
        %dma_start3A_1047 = arith.constant 0 : i32
        %dma_start3A_1048 = arith.constant 0 : i32
        %dma_start3A_1049 = arith.constant 0 : i32
        %dma_start3A_1050 = tpu.memref_slice %dma_start3A_1046[%select_n3A_577, %dma_start3A_1047, %dma_start3A_1048, %dma_start3A_1049] : memref<8x8x8x128xf32, #tpu.memory_space<vmem>> -> memref<1x8x8x128xf32, #tpu.memory_space<vmem>>
        %dma_start3A_1051 = tpu.memref_squeeze %dma_start3A_1050 : memref<1x8x8x128xf32, #tpu.memory_space<vmem>> -> memref<8x8x128xf32, #tpu.memory_space<vmem>>
        %dma_start3A_1052 = arith.constant 0 : i32
        %dma_start3A_1053 = arith.constant 0 : i32
        %dma_start3A_1054 = tpu.memref_slice %arg2[%dma_start3A_1052, %dma_start3A_1053, %multiple_of3A] : memref<8x8x1500000xf32, #tpu.memory_space<hbm>> -> memref<8x8x128xf32, #tpu.memory_space<hbm>>
        tpu.enqueue_dma source(%dma_start3A_1054 : memref<8x8x128xf32, #tpu.memory_space<hbm>>) target(%dma_start3A_1051 : memref<8x8x128xf32, #tpu.memory_space<vmem>>) target_semaphore(%arg9 : memref<!tpu.dma_semaphore, #tpu.memory_space<semaphore_mem>>)
      } else {
      }
      %convert_element_type3A_581 = arith.extui %ne3A_574 : i1 to i32
      %add3A_582 = arith.addi %add3A_361, %convert_element_type3A_581 : i32
      %slice3A_583 = vector.extract_strided_slice %shift_right_arithmetic3A_27 {offsets = [13], sizes = [1], strides = [1]} : vector<16xi32> to vector<1xi32>
      %squeeze3A_584 = vector.extract %slice3A_583[0] : i32 from vector<1xi32>
      %ne3A_585 = arith.cmpi ne, %squeeze3A_584, %squeeze3A_573 : i32
      %and3A_586 = arith.constant 7 : i32
      %and3A_587 = arith.andi %add3A_582, %and3A_586 : i32
      %select_n3A_588 = arith.select %ne3A_585, %and3A_587, %select_n3A_577 : i32
      %convert_element_type3A_589 = arith.extui %ne3A_585 : i1 to i32
      %cond3A_590 = arith.constant 0 : i32
      %cond3A_591 = arith.cmpi ne, %convert_element_type3A_589, %cond3A_590 : i32
      scf.if %cond3A_591 {
        %mul3A_1036 = arith.constant 128 : i32
        %mul3A_1037 = arith.muli %squeeze3A_584, %mul3A_1036 : i32
        %multiple_of3A = tpu.assume_multiple %mul3A_1037, 128 : i32
        %dma_start3A = tpu.memref_reshape %arg6 : memref<512x128xf32, #tpu.memory_space<vmem>> -> memref<8x8x8x128xf32, #tpu.memory_space<vmem>>
        %dma_start3A_1038 = arith.constant 0 : i32
        %dma_start3A_1039 = arith.constant 0 : i32
        %dma_start3A_1040 = arith.constant 0 : i32
        %dma_start3A_1041 = tpu.memref_slice %dma_start3A[%select_n3A_588, %dma_start3A_1038, %dma_start3A_1039, %dma_start3A_1040] : memref<8x8x8x128xf32, #tpu.memory_space<vmem>> -> memref<1x8x8x128xf32, #tpu.memory_space<vmem>>
        %dma_start3A_1042 = tpu.memref_squeeze %dma_start3A_1041 : memref<1x8x8x128xf32, #tpu.memory_space<vmem>> -> memref<8x8x128xf32, #tpu.memory_space<vmem>>
        %dma_start3A_1043 = arith.constant 0 : i32
        %dma_start3A_1044 = arith.constant 0 : i32
        %dma_start3A_1045 = tpu.memref_slice %arg2[%dma_start3A_1043, %dma_start3A_1044, %multiple_of3A] : memref<8x8x1500000xf32, #tpu.memory_space<hbm>> -> memref<8x8x128xf32, #tpu.memory_space<hbm>>
        %dma_start3A_1046 = tpu.memref_reshape %arg6 : memref<512x128xf32, #tpu.memory_space<vmem>> -> memref<8x8x8x128xf32, #tpu.memory_space<vmem>>
        %dma_start3A_1047 = arith.constant 0 : i32
        %dma_start3A_1048 = arith.constant 0 : i32
        %dma_start3A_1049 = arith.constant 0 : i32
        %dma_start3A_1050 = tpu.memref_slice %dma_start3A_1046[%select_n3A_588, %dma_start3A_1047, %dma_start3A_1048, %dma_start3A_1049] : memref<8x8x8x128xf32, #tpu.memory_space<vmem>> -> memref<1x8x8x128xf32, #tpu.memory_space<vmem>>
        %dma_start3A_1051 = tpu.memref_squeeze %dma_start3A_1050 : memref<1x8x8x128xf32, #tpu.memory_space<vmem>> -> memref<8x8x128xf32, #tpu.memory_space<vmem>>
        %dma_start3A_1052 = arith.constant 0 : i32
        %dma_start3A_1053 = arith.constant 0 : i32
        %dma_start3A_1054 = tpu.memref_slice %arg2[%dma_start3A_1052, %dma_start3A_1053, %multiple_of3A] : memref<8x8x1500000xf32, #tpu.memory_space<hbm>> -> memref<8x8x128xf32, #tpu.memory_space<hbm>>
        tpu.enqueue_dma source(%dma_start3A_1054 : memref<8x8x128xf32, #tpu.memory_space<hbm>>) target(%dma_start3A_1051 : memref<8x8x128xf32, #tpu.memory_space<vmem>>) target_semaphore(%arg9 : memref<!tpu.dma_semaphore, #tpu.memory_space<semaphore_mem>>)
      } else {
      }
      %convert_element_type3A_592 = arith.extui %ne3A_585 : i1 to i32
      %add3A_593 = arith.addi %add3A_582, %convert_element_type3A_592 : i32
      %slice3A_594 = vector.extract_strided_slice %shift_right_arithmetic3A_27 {offsets = [14], sizes = [1], strides = [1]} : vector<16xi32> to vector<1xi32>
      %squeeze3A_595 = vector.extract %slice3A_594[0] : i32 from vector<1xi32>
      %ne3A_596 = arith.cmpi ne, %squeeze3A_595, %squeeze3A_584 : i32
      %and3A_597 = arith.constant 7 : i32
      %and3A_598 = arith.andi %add3A_593, %and3A_597 : i32
      %select_n3A_599 = arith.select %ne3A_596, %and3A_598, %select_n3A_588 : i32
      %convert_element_type3A_600 = arith.extui %ne3A_596 : i1 to i32
      %cond3A_601 = arith.constant 0 : i32
      %cond3A_602 = arith.cmpi ne, %convert_element_type3A_600, %cond3A_601 : i32
      scf.if %cond3A_602 {
        %mul3A_1036 = arith.constant 128 : i32
        %mul3A_1037 = arith.muli %squeeze3A_595, %mul3A_1036 : i32
        %multiple_of3A = tpu.assume_multiple %mul3A_1037, 128 : i32
        %dma_start3A = tpu.memref_reshape %arg6 : memref<512x128xf32, #tpu.memory_space<vmem>> -> memref<8x8x8x128xf32, #tpu.memory_space<vmem>>
        %dma_start3A_1038 = arith.constant 0 : i32
        %dma_start3A_1039 = arith.constant 0 : i32
        %dma_start3A_1040 = arith.constant 0 : i32
        %dma_start3A_1041 = tpu.memref_slice %dma_start3A[%select_n3A_599, %dma_start3A_1038, %dma_start3A_1039, %dma_start3A_1040] : memref<8x8x8x128xf32, #tpu.memory_space<vmem>> -> memref<1x8x8x128xf32, #tpu.memory_space<vmem>>
        %dma_start3A_1042 = tpu.memref_squeeze %dma_start3A_1041 : memref<1x8x8x128xf32, #tpu.memory_space<vmem>> -> memref<8x8x128xf32, #tpu.memory_space<vmem>>
        %dma_start3A_1043 = arith.constant 0 : i32
        %dma_start3A_1044 = arith.constant 0 : i32
        %dma_start3A_1045 = tpu.memref_slice %arg2[%dma_start3A_1043, %dma_start3A_1044, %multiple_of3A] : memref<8x8x1500000xf32, #tpu.memory_space<hbm>> -> memref<8x8x128xf32, #tpu.memory_space<hbm>>
        %dma_start3A_1046 = tpu.memref_reshape %arg6 : memref<512x128xf32, #tpu.memory_space<vmem>> -> memref<8x8x8x128xf32, #tpu.memory_space<vmem>>
        %dma_start3A_1047 = arith.constant 0 : i32
        %dma_start3A_1048 = arith.constant 0 : i32
        %dma_start3A_1049 = arith.constant 0 : i32
        %dma_start3A_1050 = tpu.memref_slice %dma_start3A_1046[%select_n3A_599, %dma_start3A_1047, %dma_start3A_1048, %dma_start3A_1049] : memref<8x8x8x128xf32, #tpu.memory_space<vmem>> -> memref<1x8x8x128xf32, #tpu.memory_space<vmem>>
        %dma_start3A_1051 = tpu.memref_squeeze %dma_start3A_1050 : memref<1x8x8x128xf32, #tpu.memory_space<vmem>> -> memref<8x8x128xf32, #tpu.memory_space<vmem>>
        %dma_start3A_1052 = arith.constant 0 : i32
        %dma_start3A_1053 = arith.constant 0 : i32
        %dma_start3A_1054 = tpu.memref_slice %arg2[%dma_start3A_1052, %dma_start3A_1053, %multiple_of3A] : memref<8x8x1500000xf32, #tpu.memory_space<hbm>> -> memref<8x8x128xf32, #tpu.memory_space<hbm>>
        tpu.enqueue_dma source(%dma_start3A_1054 : memref<8x8x128xf32, #tpu.memory_space<hbm>>) target(%dma_start3A_1051 : memref<8x8x128xf32, #tpu.memory_space<vmem>>) target_semaphore(%arg9 : memref<!tpu.dma_semaphore, #tpu.memory_space<semaphore_mem>>)
      } else {
      }
      %convert_element_type3A_603 = arith.extui %ne3A_596 : i1 to i32
      %add3A_604 = arith.addi %add3A_593, %convert_element_type3A_603 : i32
      %slice3A_605 = vector.extract_strided_slice %shift_right_arithmetic3A_27 {offsets = [15], sizes = [1], strides = [1]} : vector<16xi32> to vector<1xi32>
      %squeeze3A_606 = vector.extract %slice3A_605[0] : i32 from vector<1xi32>
      %ne3A_607 = arith.cmpi ne, %squeeze3A_606, %squeeze3A_595 : i32
      %and3A_608 = arith.constant 7 : i32
      %and3A_609 = arith.andi %add3A_604, %and3A_608 : i32
      %select_n3A_610 = arith.select %ne3A_607, %and3A_609, %select_n3A_599 : i32
      %convert_element_type3A_611 = arith.extui %ne3A_607 : i1 to i32
      %cond3A_612 = arith.constant 0 : i32
      %cond3A_613 = arith.cmpi ne, %convert_element_type3A_611, %cond3A_612 : i32
      scf.if %cond3A_613 {
        %mul3A_1036 = arith.constant 128 : i32
        %mul3A_1037 = arith.muli %squeeze3A_606, %mul3A_1036 : i32
        %multiple_of3A = tpu.assume_multiple %mul3A_1037, 128 : i32
        %dma_start3A = tpu.memref_reshape %arg6 : memref<512x128xf32, #tpu.memory_space<vmem>> -> memref<8x8x8x128xf32, #tpu.memory_space<vmem>>
        %dma_start3A_1038 = arith.constant 0 : i32
        %dma_start3A_1039 = arith.constant 0 : i32
        %dma_start3A_1040 = arith.constant 0 : i32
        %dma_start3A_1041 = tpu.memref_slice %dma_start3A[%select_n3A_610, %dma_start3A_1038, %dma_start3A_1039, %dma_start3A_1040] : memref<8x8x8x128xf32, #tpu.memory_space<vmem>> -> memref<1x8x8x128xf32, #tpu.memory_space<vmem>>
        %dma_start3A_1042 = tpu.memref_squeeze %dma_start3A_1041 : memref<1x8x8x128xf32, #tpu.memory_space<vmem>> -> memref<8x8x128xf32, #tpu.memory_space<vmem>>
        %dma_start3A_1043 = arith.constant 0 : i32
        %dma_start3A_1044 = arith.constant 0 : i32
        %dma_start3A_1045 = tpu.memref_slice %arg2[%dma_start3A_1043, %dma_start3A_1044, %multiple_of3A] : memref<8x8x1500000xf32, #tpu.memory_space<hbm>> -> memref<8x8x128xf32, #tpu.memory_space<hbm>>
        %dma_start3A_1046 = tpu.memref_reshape %arg6 : memref<512x128xf32, #tpu.memory_space<vmem>> -> memref<8x8x8x128xf32, #tpu.memory_space<vmem>>
        %dma_start3A_1047 = arith.constant 0 : i32
        %dma_start3A_1048 = arith.constant 0 : i32
        %dma_start3A_1049 = arith.constant 0 : i32
        %dma_start3A_1050 = tpu.memref_slice %dma_start3A_1046[%select_n3A_610, %dma_start3A_1047, %dma_start3A_1048, %dma_start3A_1049] : memref<8x8x8x128xf32, #tpu.memory_space<vmem>> -> memref<1x8x8x128xf32, #tpu.memory_space<vmem>>
        %dma_start3A_1051 = tpu.memref_squeeze %dma_start3A_1050 : memref<1x8x8x128xf32, #tpu.memory_space<vmem>> -> memref<8x8x128xf32, #tpu.memory_space<vmem>>
        %dma_start3A_1052 = arith.constant 0 : i32
        %dma_start3A_1053 = arith.constant 0 : i32
        %dma_start3A_1054 = tpu.memref_slice %arg2[%dma_start3A_1052, %dma_start3A_1053, %multiple_of3A] : memref<8x8x1500000xf32, #tpu.memory_space<hbm>> -> memref<8x8x128xf32, #tpu.memory_space<hbm>>
        tpu.enqueue_dma source(%dma_start3A_1054 : memref<8x8x128xf32, #tpu.memory_space<hbm>>) target(%dma_start3A_1051 : memref<8x8x128xf32, #tpu.memory_space<vmem>>) target_semaphore(%arg9 : memref<!tpu.dma_semaphore, #tpu.memory_space<semaphore_mem>>)
      } else {
      }
      %convert_element_type3A_614 = arith.extui %ne3A_607 : i1 to i32
      %add3A_615 = arith.addi %add3A_604, %convert_element_type3A_614 : i32
      %sub3A_616 = arith.constant 0 : i32
      %sub3A_617 = arith.subi %scan3A_19, %sub3A_616 : i32
      %convert_element_type3A_618 = arith.extui %ne3A_320 : i1 to i32
      %cond3A_619 = arith.constant 0 : i32
      %cond3A_620 = arith.cmpi ne, %convert_element_type3A_618, %cond3A_619 : i32
      scf.if %cond3A_620 {
        %dma_wait3A = tpu.memref_reshape %arg6 : memref<512x128xf32, #tpu.memory_space<vmem>> -> memref<8x8x8x128xf32, #tpu.memory_space<vmem>>
        %dma_wait3A_1036 = arith.constant 0 : i32
        %dma_wait3A_1037 = arith.constant 0 : i32
        %dma_wait3A_1038 = arith.constant 0 : i32
        %dma_wait3A_1039 = tpu.memref_slice %dma_wait3A[%select_n3A_323, %dma_wait3A_1036, %dma_wait3A_1037, %dma_wait3A_1038] : memref<8x8x8x128xf32, #tpu.memory_space<vmem>> -> memref<1x8x8x128xf32, #tpu.memory_space<vmem>>
        %dma_wait3A_1040 = tpu.memref_squeeze %dma_wait3A_1039 : memref<1x8x8x128xf32, #tpu.memory_space<vmem>> -> memref<8x8x128xf32, #tpu.memory_space<vmem>>
        %dma_wait3A_1041 = arith.constant 0 : i32
        %dma_wait3A_1042 = arith.constant 0 : i32
        %dma_wait3A_1043 = arith.constant 0 : i32
        %dma_wait3A_1044 = tpu.memref_slice %arg2[%dma_wait3A_1041, %dma_wait3A_1042, %dma_wait3A_1043] : memref<8x8x1500000xf32, #tpu.memory_space<hbm>> -> memref<8x8x128xf32, #tpu.memory_space<hbm>>
        %dma_wait3A_1045 = tpu.memref_reshape %arg6 : memref<512x128xf32, #tpu.memory_space<vmem>> -> memref<8x8x8x128xf32, #tpu.memory_space<vmem>>
        %dma_wait3A_1046 = arith.constant 0 : i32
        %dma_wait3A_1047 = arith.constant 0 : i32
        %dma_wait3A_1048 = arith.constant 0 : i32
        %dma_wait3A_1049 = tpu.memref_slice %dma_wait3A_1045[%select_n3A_323, %dma_wait3A_1046, %dma_wait3A_1047, %dma_wait3A_1048] : memref<8x8x8x128xf32, #tpu.memory_space<vmem>> -> memref<1x8x8x128xf32, #tpu.memory_space<vmem>>
        %dma_wait3A_1050 = tpu.memref_squeeze %dma_wait3A_1049 : memref<1x8x8x128xf32, #tpu.memory_space<vmem>> -> memref<8x8x128xf32, #tpu.memory_space<vmem>>
        %dma_wait3A_1051 = arith.constant 0 : i32
        %dma_wait3A_1052 = arith.constant 0 : i32
        %dma_wait3A_1053 = arith.constant 0 : i32
        %dma_wait3A_1054 = tpu.memref_slice %arg2[%dma_wait3A_1051, %dma_wait3A_1052, %dma_wait3A_1053] : memref<8x8x1500000xf32, #tpu.memory_space<hbm>> -> memref<8x8x128xf32, #tpu.memory_space<hbm>>
        tpu.wait_dma2 semaphore(%arg8 : memref<!tpu.dma_semaphore, #tpu.memory_space<semaphore_mem>>) src(%dma_wait3A_1054 : memref<8x8x128xf32, #tpu.memory_space<hbm>>) dst(%dma_wait3A_1050 : memref<8x8x128xf32, #tpu.memory_space<vmem>>)
      } else {
      }
      %mul3A_621 = arith.constant 16 : i32
      %mul3A_622 = arith.muli %sub3A_617, %mul3A_621 : i32
      %add3A_623 = arith.constant 8 : i32
      %add3A_624 = arith.addi %mul3A_622, %add3A_623 : i32
      %add3A_625 = arith.constant 0 : i32
      %add3A_626 = arith.addi %add3A_624, %add3A_625 : i32
      %slice3A_627 = vector.extract_strided_slice %and3A_29 {offsets = [8], sizes = [1], strides = [1]} : vector<16xi32> to vector<1xi32>
      %squeeze3A_628 = vector.extract %slice3A_627[0] : i32 from vector<1xi32>
      %broadcast_in_dim3A_629 = vector.broadcast %squeeze3A_628 : i32 to vector<16xi32>
      %mul3A_630 = arith.constant 64 : i32
      %mul3A_631 = arith.muli %select_n3A_323, %mul3A_630 : i32
      %add3A_632 = arith.constant 0 : i32
      %add3A_633 = arith.addi %mul3A_631, %add3A_632 : i32
      %add3A_634 = vector.broadcast %add3A_633 : i32 to vector<16xi32>
      %add3A_635 = arith.addi %add3A_634, %iota3A : vector<16xi32>
      %gather3A_636 = tpu.vector_load_idx %arg6[%add3A_635, %broadcast_in_dim3A_629] : memref<512x128xf32, #tpu.memory_space<vmem>>[vector<16xi32>, vector<16xi32>], vector<16xf32>,
      %swap3A_637 = arith.index_cast %add3A_626 : i32 to index
      %swap3A_638 = arith.constant 0 : index
      %swap3A_639 = tpu.vector_load %arg7[%swap3A_637, %swap3A_638] {strides = array<i32>} : memref<256x64xf32, #tpu.memory_space<vmem>>, vector<16xf32>,
      tpu.vector_store %arg7[%swap3A_637, %swap3A_638], %gather3A_636 {strides = array<i32>} : memref<256x64xf32, #tpu.memory_space<vmem>>, vector<16xf32>,
      %mul3A_640 = arith.constant 64 : i32
      %mul3A_641 = arith.muli %select_n3A_323, %mul3A_640 : i32
      %add3A_642 = arith.constant 16 : i32
      %add3A_643 = arith.addi %mul3A_641, %add3A_642 : i32
      %add3A_644 = vector.broadcast %add3A_643 : i32 to vector<16xi32>
      %add3A_645 = arith.addi %add3A_644, %iota3A : vector<16xi32>
      %gather3A_646 = tpu.vector_load_idx %arg6[%add3A_645, %broadcast_in_dim3A_629] : memref<512x128xf32, #tpu.memory_space<vmem>>[vector<16xi32>, vector<16xi32>], vector<16xf32>,
      %swap3A_647 = arith.index_cast %add3A_626 : i32 to index
      %swap3A_648 = arith.constant 16 : index
      %swap3A_649 = tpu.vector_load %arg7[%swap3A_647, %swap3A_648] {strides = array<i32>} : memref<256x64xf32, #tpu.memory_space<vmem>>, vector<16xf32>,
      tpu.vector_store %arg7[%swap3A_647, %swap3A_648], %gather3A_646 {strides = array<i32>} : memref<256x64xf32, #tpu.memory_space<vmem>>, vector<16xf32>,
      %mul3A_650 = arith.constant 64 : i32
      %mul3A_651 = arith.muli %select_n3A_323, %mul3A_650 : i32
      %add3A_652 = arith.constant 32 : i32
      %add3A_653 = arith.addi %mul3A_651, %add3A_652 : i32
      %add3A_654 = vector.broadcast %add3A_653 : i32 to vector<16xi32>
      %add3A_655 = arith.addi %add3A_654, %iota3A : vector<16xi32>
      %gather3A_656 = tpu.vector_load_idx %arg6[%add3A_655, %broadcast_in_dim3A_629] : memref<512x128xf32, #tpu.memory_space<vmem>>[vector<16xi32>, vector<16xi32>], vector<16xf32>,
      %swap3A_657 = arith.index_cast %add3A_626 : i32 to index
      %swap3A_658 = arith.constant 32 : index
      %swap3A_659 = tpu.vector_load %arg7[%swap3A_657, %swap3A_658] {strides = array<i32>} : memref<256x64xf32, #tpu.memory_space<vmem>>, vector<16xf32>,
      tpu.vector_store %arg7[%swap3A_657, %swap3A_658], %gather3A_656 {strides = array<i32>} : memref<256x64xf32, #tpu.memory_space<vmem>>, vector<16xf32>,
      %mul3A_660 = arith.constant 64 : i32
      %mul3A_661 = arith.muli %select_n3A_323, %mul3A_660 : i32
      %add3A_662 = arith.constant 48 : i32
      %add3A_663 = arith.addi %mul3A_661, %add3A_662 : i32
      %add3A_664 = vector.broadcast %add3A_663 : i32 to vector<16xi32>
      %add3A_665 = arith.addi %add3A_664, %iota3A : vector<16xi32>
      %gather3A_666 = tpu.vector_load_idx %arg6[%add3A_665, %broadcast_in_dim3A_629] : memref<512x128xf32, #tpu.memory_space<vmem>>[vector<16xi32>, vector<16xi32>], vector<16xf32>,
      %swap3A_667 = arith.index_cast %add3A_626 : i32 to index
      %swap3A_668 = arith.constant 48 : index
      %swap3A_669 = tpu.vector_load %arg7[%swap3A_667, %swap3A_668] {strides = array<i32>} : memref<256x64xf32, #tpu.memory_space<vmem>>, vector<16xf32>,
      tpu.vector_store %arg7[%swap3A_667, %swap3A_668], %gather3A_666 {strides = array<i32>} : memref<256x64xf32, #tpu.memory_space<vmem>>, vector<16xf32>,
      %convert_element_type3A_670 = arith.extui %ne3A_331 : i1 to i32
      %cond3A_671 = arith.constant 0 : i32
      %cond3A_672 = arith.cmpi ne, %convert_element_type3A_670, %cond3A_671 : i32
      scf.if %cond3A_672 {
        %dma_wait3A = tpu.memref_reshape %arg6 : memref<512x128xf32, #tpu.memory_space<vmem>> -> memref<8x8x8x128xf32, #tpu.memory_space<vmem>>
        %dma_wait3A_1036 = arith.constant 0 : i32
        %dma_wait3A_1037 = arith.constant 0 : i32
        %dma_wait3A_1038 = arith.constant 0 : i32
        %dma_wait3A_1039 = tpu.memref_slice %dma_wait3A[%select_n3A_334, %dma_wait3A_1036, %dma_wait3A_1037, %dma_wait3A_1038] : memref<8x8x8x128xf32, #tpu.memory_space<vmem>> -> memref<1x8x8x128xf32, #tpu.memory_space<vmem>>
        %dma_wait3A_1040 = tpu.memref_squeeze %dma_wait3A_1039 : memref<1x8x8x128xf32, #tpu.memory_space<vmem>> -> memref<8x8x128xf32, #tpu.memory_space<vmem>>
        %dma_wait3A_1041 = arith.constant 0 : i32
        %dma_wait3A_1042 = arith.constant 0 : i32
        %dma_wait3A_1043 = arith.constant 0 : i32
        %dma_wait3A_1044 = tpu.memref_slice %arg2[%dma_wait3A_1041, %dma_wait3A_1042, %dma_wait3A_1043] : memref<8x8x1500000xf32, #tpu.memory_space<hbm>> -> memref<8x8x128xf32, #tpu.memory_space<hbm>>
        %dma_wait3A_1045 = tpu.memref_reshape %arg6 : memref<512x128xf32, #tpu.memory_space<vmem>> -> memref<8x8x8x128xf32, #tpu.memory_space<vmem>>
        %dma_wait3A_1046 = arith.constant 0 : i32
        %dma_wait3A_1047 = arith.constant 0 : i32
        %dma_wait3A_1048 = arith.constant 0 : i32
        %dma_wait3A_1049 = tpu.memref_slice %dma_wait3A_1045[%select_n3A_334, %dma_wait3A_1046, %dma_wait3A_1047, %dma_wait3A_1048] : memref<8x8x8x128xf32, #tpu.memory_space<vmem>> -> memref<1x8x8x128xf32, #tpu.memory_space<vmem>>
        %dma_wait3A_1050 = tpu.memref_squeeze %dma_wait3A_1049 : memref<1x8x8x128xf32, #tpu.memory_space<vmem>> -> memref<8x8x128xf32, #tpu.memory_space<vmem>>
        %dma_wait3A_1051 = arith.constant 0 : i32
        %dma_wait3A_1052 = arith.constant 0 : i32
        %dma_wait3A_1053 = arith.constant 0 : i32
        %dma_wait3A_1054 = tpu.memref_slice %arg2[%dma_wait3A_1051, %dma_wait3A_1052, %dma_wait3A_1053] : memref<8x8x1500000xf32, #tpu.memory_space<hbm>> -> memref<8x8x128xf32, #tpu.memory_space<hbm>>
        tpu.wait_dma2 semaphore(%arg8 : memref<!tpu.dma_semaphore, #tpu.memory_space<semaphore_mem>>) src(%dma_wait3A_1054 : memref<8x8x128xf32, #tpu.memory_space<hbm>>) dst(%dma_wait3A_1050 : memref<8x8x128xf32, #tpu.memory_space<vmem>>)
      } else {
      }
      %mul3A_673 = arith.constant 16 : i32
      %mul3A_674 = arith.muli %sub3A_617, %mul3A_673 : i32
      %add3A_675 = arith.constant 8 : i32
      %add3A_676 = arith.addi %mul3A_674, %add3A_675 : i32
      %add3A_677 = arith.constant 1 : i32
      %add3A_678 = arith.addi %add3A_676, %add3A_677 : i32
      %slice3A_679 = vector.extract_strided_slice %and3A_29 {offsets = [9], sizes = [1], strides = [1]} : vector<16xi32> to vector<1xi32>
      %squeeze3A_680 = vector.extract %slice3A_679[0] : i32 from vector<1xi32>
      %broadcast_in_dim3A_681 = vector.broadcast %squeeze3A_680 : i32 to vector<16xi32>
      %mul3A_682 = arith.constant 64 : i32
      %mul3A_683 = arith.muli %select_n3A_334, %mul3A_682 : i32
      %add3A_684 = arith.constant 0 : i32
      %add3A_685 = arith.addi %mul3A_683, %add3A_684 : i32
      %add3A_686 = vector.broadcast %add3A_685 : i32 to vector<16xi32>
      %add3A_687 = arith.addi %add3A_686, %iota3A : vector<16xi32>
      %gather3A_688 = tpu.vector_load_idx %arg6[%add3A_687, %broadcast_in_dim3A_681] : memref<512x128xf32, #tpu.memory_space<vmem>>[vector<16xi32>, vector<16xi32>], vector<16xf32>,
      %swap3A_689 = arith.index_cast %add3A_678 : i32 to index
      %swap3A_690 = arith.constant 0 : index
      %swap3A_691 = tpu.vector_load %arg7[%swap3A_689, %swap3A_690] {strides = array<i32>} : memref<256x64xf32, #tpu.memory_space<vmem>>, vector<16xf32>,
      tpu.vector_store %arg7[%swap3A_689, %swap3A_690], %gather3A_688 {strides = array<i32>} : memref<256x64xf32, #tpu.memory_space<vmem>>, vector<16xf32>,
      %mul3A_692 = arith.constant 64 : i32
      %mul3A_693 = arith.muli %select_n3A_334, %mul3A_692 : i32
      %add3A_694 = arith.constant 16 : i32
      %add3A_695 = arith.addi %mul3A_693, %add3A_694 : i32
      %add3A_696 = vector.broadcast %add3A_695 : i32 to vector<16xi32>
      %add3A_697 = arith.addi %add3A_696, %iota3A : vector<16xi32>
      %gather3A_698 = tpu.vector_load_idx %arg6[%add3A_697, %broadcast_in_dim3A_681] : memref<512x128xf32, #tpu.memory_space<vmem>>[vector<16xi32>, vector<16xi32>], vector<16xf32>,
      %swap3A_699 = arith.index_cast %add3A_678 : i32 to index
      %swap3A_700 = arith.constant 16 : index
      %swap3A_701 = tpu.vector_load %arg7[%swap3A_699, %swap3A_700] {strides = array<i32>} : memref<256x64xf32, #tpu.memory_space<vmem>>, vector<16xf32>,
      tpu.vector_store %arg7[%swap3A_699, %swap3A_700], %gather3A_698 {strides = array<i32>} : memref<256x64xf32, #tpu.memory_space<vmem>>, vector<16xf32>,
      %mul3A_702 = arith.constant 64 : i32
      %mul3A_703 = arith.muli %select_n3A_334, %mul3A_702 : i32
      %add3A_704 = arith.constant 32 : i32
      %add3A_705 = arith.addi %mul3A_703, %add3A_704 : i32
      %add3A_706 = vector.broadcast %add3A_705 : i32 to vector<16xi32>
      %add3A_707 = arith.addi %add3A_706, %iota3A : vector<16xi32>
      %gather3A_708 = tpu.vector_load_idx %arg6[%add3A_707, %broadcast_in_dim3A_681] : memref<512x128xf32, #tpu.memory_space<vmem>>[vector<16xi32>, vector<16xi32>], vector<16xf32>,
      %swap3A_709 = arith.index_cast %add3A_678 : i32 to index
      %swap3A_710 = arith.constant 32 : index
      %swap3A_711 = tpu.vector_load %arg7[%swap3A_709, %swap3A_710] {strides = array<i32>} : memref<256x64xf32, #tpu.memory_space<vmem>>, vector<16xf32>,
      tpu.vector_store %arg7[%swap3A_709, %swap3A_710], %gather3A_708 {strides = array<i32>} : memref<256x64xf32, #tpu.memory_space<vmem>>, vector<16xf32>,
      %mul3A_712 = arith.constant 64 : i32
      %mul3A_713 = arith.muli %select_n3A_334, %mul3A_712 : i32
      %add3A_714 = arith.constant 48 : i32
      %add3A_715 = arith.addi %mul3A_713, %add3A_714 : i32
      %add3A_716 = vector.broadcast %add3A_715 : i32 to vector<16xi32>
      %add3A_717 = arith.addi %add3A_716, %iota3A : vector<16xi32>
      %gather3A_718 = tpu.vector_load_idx %arg6[%add3A_717, %broadcast_in_dim3A_681] : memref<512x128xf32, #tpu.memory_space<vmem>>[vector<16xi32>, vector<16xi32>], vector<16xf32>,
      %swap3A_719 = arith.index_cast %add3A_678 : i32 to index
      %swap3A_720 = arith.constant 48 : index
      %swap3A_721 = tpu.vector_load %arg7[%swap3A_719, %swap3A_720] {strides = array<i32>} : memref<256x64xf32, #tpu.memory_space<vmem>>, vector<16xf32>,
      tpu.vector_store %arg7[%swap3A_719, %swap3A_720], %gather3A_718 {strides = array<i32>} : memref<256x64xf32, #tpu.memory_space<vmem>>, vector<16xf32>,
      %convert_element_type3A_722 = arith.extui %ne3A_342 : i1 to i32
      %cond3A_723 = arith.constant 0 : i32
      %cond3A_724 = arith.cmpi ne, %convert_element_type3A_722, %cond3A_723 : i32
      scf.if %cond3A_724 {
        %dma_wait3A = tpu.memref_reshape %arg6 : memref<512x128xf32, #tpu.memory_space<vmem>> -> memref<8x8x8x128xf32, #tpu.memory_space<vmem>>
        %dma_wait3A_1036 = arith.constant 0 : i32
        %dma_wait3A_1037 = arith.constant 0 : i32
        %dma_wait3A_1038 = arith.constant 0 : i32
        %dma_wait3A_1039 = tpu.memref_slice %dma_wait3A[%select_n3A_345, %dma_wait3A_1036, %dma_wait3A_1037, %dma_wait3A_1038] : memref<8x8x8x128xf32, #tpu.memory_space<vmem>> -> memref<1x8x8x128xf32, #tpu.memory_space<vmem>>
        %dma_wait3A_1040 = tpu.memref_squeeze %dma_wait3A_1039 : memref<1x8x8x128xf32, #tpu.memory_space<vmem>> -> memref<8x8x128xf32, #tpu.memory_space<vmem>>
        %dma_wait3A_1041 = arith.constant 0 : i32
        %dma_wait3A_1042 = arith.constant 0 : i32
        %dma_wait3A_1043 = arith.constant 0 : i32
        %dma_wait3A_1044 = tpu.memref_slice %arg2[%dma_wait3A_1041, %dma_wait3A_1042, %dma_wait3A_1043] : memref<8x8x1500000xf32, #tpu.memory_space<hbm>> -> memref<8x8x128xf32, #tpu.memory_space<hbm>>
        %dma_wait3A_1045 = tpu.memref_reshape %arg6 : memref<512x128xf32, #tpu.memory_space<vmem>> -> memref<8x8x8x128xf32, #tpu.memory_space<vmem>>
        %dma_wait3A_1046 = arith.constant 0 : i32
        %dma_wait3A_1047 = arith.constant 0 : i32
        %dma_wait3A_1048 = arith.constant 0 : i32
        %dma_wait3A_1049 = tpu.memref_slice %dma_wait3A_1045[%select_n3A_345, %dma_wait3A_1046, %dma_wait3A_1047, %dma_wait3A_1048] : memref<8x8x8x128xf32, #tpu.memory_space<vmem>> -> memref<1x8x8x128xf32, #tpu.memory_space<vmem>>
        %dma_wait3A_1050 = tpu.memref_squeeze %dma_wait3A_1049 : memref<1x8x8x128xf32, #tpu.memory_space<vmem>> -> memref<8x8x128xf32, #tpu.memory_space<vmem>>
        %dma_wait3A_1051 = arith.constant 0 : i32
        %dma_wait3A_1052 = arith.constant 0 : i32
        %dma_wait3A_1053 = arith.constant 0 : i32
        %dma_wait3A_1054 = tpu.memref_slice %arg2[%dma_wait3A_1051, %dma_wait3A_1052, %dma_wait3A_1053] : memref<8x8x1500000xf32, #tpu.memory_space<hbm>> -> memref<8x8x128xf32, #tpu.memory_space<hbm>>
        tpu.wait_dma2 semaphore(%arg8 : memref<!tpu.dma_semaphore, #tpu.memory_space<semaphore_mem>>) src(%dma_wait3A_1054 : memref<8x8x128xf32, #tpu.memory_space<hbm>>) dst(%dma_wait3A_1050 : memref<8x8x128xf32, #tpu.memory_space<vmem>>)
      } else {
      }
      %mul3A_725 = arith.constant 16 : i32
      %mul3A_726 = arith.muli %sub3A_617, %mul3A_725 : i32
      %add3A_727 = arith.constant 8 : i32
      %add3A_728 = arith.addi %mul3A_726, %add3A_727 : i32
      %add3A_729 = arith.constant 2 : i32
      %add3A_730 = arith.addi %add3A_728, %add3A_729 : i32
      %slice3A_731 = vector.extract_strided_slice %and3A_29 {offsets = [10], sizes = [1], strides = [1]} : vector<16xi32> to vector<1xi32>
      %squeeze3A_732 = vector.extract %slice3A_731[0] : i32 from vector<1xi32>
      %broadcast_in_dim3A_733 = vector.broadcast %squeeze3A_732 : i32 to vector<16xi32>
      %mul3A_734 = arith.constant 64 : i32
      %mul3A_735 = arith.muli %select_n3A_345, %mul3A_734 : i32
      %add3A_736 = arith.constant 0 : i32
      %add3A_737 = arith.addi %mul3A_735, %add3A_736 : i32
      %add3A_738 = vector.broadcast %add3A_737 : i32 to vector<16xi32>
      %add3A_739 = arith.addi %add3A_738, %iota3A : vector<16xi32>
      %gather3A_740 = tpu.vector_load_idx %arg6[%add3A_739, %broadcast_in_dim3A_733] : memref<512x128xf32, #tpu.memory_space<vmem>>[vector<16xi32>, vector<16xi32>], vector<16xf32>,
      %swap3A_741 = arith.index_cast %add3A_730 : i32 to index
      %swap3A_742 = arith.constant 0 : index
      %swap3A_743 = tpu.vector_load %arg7[%swap3A_741, %swap3A_742] {strides = array<i32>} : memref<256x64xf32, #tpu.memory_space<vmem>>, vector<16xf32>,
      tpu.vector_store %arg7[%swap3A_741, %swap3A_742], %gather3A_740 {strides = array<i32>} : memref<256x64xf32, #tpu.memory_space<vmem>>, vector<16xf32>,
      %mul3A_744 = arith.constant 64 : i32
      %mul3A_745 = arith.muli %select_n3A_345, %mul3A_744 : i32
      %add3A_746 = arith.constant 16 : i32
      %add3A_747 = arith.addi %mul3A_745, %add3A_746 : i32
      %add3A_748 = vector.broadcast %add3A_747 : i32 to vector<16xi32>
      %add3A_749 = arith.addi %add3A_748, %iota3A : vector<16xi32>
      %gather3A_750 = tpu.vector_load_idx %arg6[%add3A_749, %broadcast_in_dim3A_733] : memref<512x128xf32, #tpu.memory_space<vmem>>[vector<16xi32>, vector<16xi32>], vector<16xf32>,
      %swap3A_751 = arith.index_cast %add3A_730 : i32 to index
      %swap3A_752 = arith.constant 16 : index
      %swap3A_753 = tpu.vector_load %arg7[%swap3A_751, %swap3A_752] {strides = array<i32>} : memref<256x64xf32, #tpu.memory_space<vmem>>, vector<16xf32>,
      tpu.vector_store %arg7[%swap3A_751, %swap3A_752], %gather3A_750 {strides = array<i32>} : memref<256x64xf32, #tpu.memory_space<vmem>>, vector<16xf32>,
      %mul3A_754 = arith.constant 64 : i32
      %mul3A_755 = arith.muli %select_n3A_345, %mul3A_754 : i32
      %add3A_756 = arith.constant 32 : i32
      %add3A_757 = arith.addi %mul3A_755, %add3A_756 : i32
      %add3A_758 = vector.broadcast %add3A_757 : i32 to vector<16xi32>
      %add3A_759 = arith.addi %add3A_758, %iota3A : vector<16xi32>
      %gather3A_760 = tpu.vector_load_idx %arg6[%add3A_759, %broadcast_in_dim3A_733] : memref<512x128xf32, #tpu.memory_space<vmem>>[vector<16xi32>, vector<16xi32>], vector<16xf32>,
      %swap3A_761 = arith.index_cast %add3A_730 : i32 to index
      %swap3A_762 = arith.constant 32 : index
      %swap3A_763 = tpu.vector_load %arg7[%swap3A_761, %swap3A_762] {strides = array<i32>} : memref<256x64xf32, #tpu.memory_space<vmem>>, vector<16xf32>,
      tpu.vector_store %arg7[%swap3A_761, %swap3A_762], %gather3A_760 {strides = array<i32>} : memref<256x64xf32, #tpu.memory_space<vmem>>, vector<16xf32>,
      %mul3A_764 = arith.constant 64 : i32
      %mul3A_765 = arith.muli %select_n3A_345, %mul3A_764 : i32
      %add3A_766 = arith.constant 48 : i32
      %add3A_767 = arith.addi %mul3A_765, %add3A_766 : i32
      %add3A_768 = vector.broadcast %add3A_767 : i32 to vector<16xi32>
      %add3A_769 = arith.addi %add3A_768, %iota3A : vector<16xi32>
      %gather3A_770 = tpu.vector_load_idx %arg6[%add3A_769, %broadcast_in_dim3A_733] : memref<512x128xf32, #tpu.memory_space<vmem>>[vector<16xi32>, vector<16xi32>], vector<16xf32>,
      %swap3A_771 = arith.index_cast %add3A_730 : i32 to index
      %swap3A_772 = arith.constant 48 : index
      %swap3A_773 = tpu.vector_load %arg7[%swap3A_771, %swap3A_772] {strides = array<i32>} : memref<256x64xf32, #tpu.memory_space<vmem>>, vector<16xf32>,
      tpu.vector_store %arg7[%swap3A_771, %swap3A_772], %gather3A_770 {strides = array<i32>} : memref<256x64xf32, #tpu.memory_space<vmem>>, vector<16xf32>,
      %convert_element_type3A_774 = arith.extui %ne3A_353 : i1 to i32
      %cond3A_775 = arith.constant 0 : i32
      %cond3A_776 = arith.cmpi ne, %convert_element_type3A_774, %cond3A_775 : i32
      scf.if %cond3A_776 {
        %dma_wait3A = tpu.memref_reshape %arg6 : memref<512x128xf32, #tpu.memory_space<vmem>> -> memref<8x8x8x128xf32, #tpu.memory_space<vmem>>
        %dma_wait3A_1036 = arith.constant 0 : i32
        %dma_wait3A_1037 = arith.constant 0 : i32
        %dma_wait3A_1038 = arith.constant 0 : i32
        %dma_wait3A_1039 = tpu.memref_slice %dma_wait3A[%select_n3A_356, %dma_wait3A_1036, %dma_wait3A_1037, %dma_wait3A_1038] : memref<8x8x8x128xf32, #tpu.memory_space<vmem>> -> memref<1x8x8x128xf32, #tpu.memory_space<vmem>>
        %dma_wait3A_1040 = tpu.memref_squeeze %dma_wait3A_1039 : memref<1x8x8x128xf32, #tpu.memory_space<vmem>> -> memref<8x8x128xf32, #tpu.memory_space<vmem>>
        %dma_wait3A_1041 = arith.constant 0 : i32
        %dma_wait3A_1042 = arith.constant 0 : i32
        %dma_wait3A_1043 = arith.constant 0 : i32
        %dma_wait3A_1044 = tpu.memref_slice %arg2[%dma_wait3A_1041, %dma_wait3A_1042, %dma_wait3A_1043] : memref<8x8x1500000xf32, #tpu.memory_space<hbm>> -> memref<8x8x128xf32, #tpu.memory_space<hbm>>
        %dma_wait3A_1045 = tpu.memref_reshape %arg6 : memref<512x128xf32, #tpu.memory_space<vmem>> -> memref<8x8x8x128xf32, #tpu.memory_space<vmem>>
        %dma_wait3A_1046 = arith.constant 0 : i32
        %dma_wait3A_1047 = arith.constant 0 : i32
        %dma_wait3A_1048 = arith.constant 0 : i32
        %dma_wait3A_1049 = tpu.memref_slice %dma_wait3A_1045[%select_n3A_356, %dma_wait3A_1046, %dma_wait3A_1047, %dma_wait3A_1048] : memref<8x8x8x128xf32, #tpu.memory_space<vmem>> -> memref<1x8x8x128xf32, #tpu.memory_space<vmem>>
        %dma_wait3A_1050 = tpu.memref_squeeze %dma_wait3A_1049 : memref<1x8x8x128xf32, #tpu.memory_space<vmem>> -> memref<8x8x128xf32, #tpu.memory_space<vmem>>
        %dma_wait3A_1051 = arith.constant 0 : i32
        %dma_wait3A_1052 = arith.constant 0 : i32
        %dma_wait3A_1053 = arith.constant 0 : i32
        %dma_wait3A_1054 = tpu.memref_slice %arg2[%dma_wait3A_1051, %dma_wait3A_1052, %dma_wait3A_1053] : memref<8x8x1500000xf32, #tpu.memory_space<hbm>> -> memref<8x8x128xf32, #tpu.memory_space<hbm>>
        tpu.wait_dma2 semaphore(%arg8 : memref<!tpu.dma_semaphore, #tpu.memory_space<semaphore_mem>>) src(%dma_wait3A_1054 : memref<8x8x128xf32, #tpu.memory_space<hbm>>) dst(%dma_wait3A_1050 : memref<8x8x128xf32, #tpu.memory_space<vmem>>)
      } else {
      }
      %mul3A_777 = arith.constant 16 : i32
      %mul3A_778 = arith.muli %sub3A_617, %mul3A_777 : i32
      %add3A_779 = arith.constant 8 : i32
      %add3A_780 = arith.addi %mul3A_778, %add3A_779 : i32
      %add3A_781 = arith.constant 3 : i32
      %add3A_782 = arith.addi %add3A_780, %add3A_781 : i32
      %slice3A_783 = vector.extract_strided_slice %and3A_29 {offsets = [11], sizes = [1], strides = [1]} : vector<16xi32> to vector<1xi32>
      %squeeze3A_784 = vector.extract %slice3A_783[0] : i32 from vector<1xi32>
      %broadcast_in_dim3A_785 = vector.broadcast %squeeze3A_784 : i32 to vector<16xi32>
      %mul3A_786 = arith.constant 64 : i32
      %mul3A_787 = arith.muli %select_n3A_356, %mul3A_786 : i32
      %add3A_788 = arith.constant 0 : i32
      %add3A_789 = arith.addi %mul3A_787, %add3A_788 : i32
      %add3A_790 = vector.broadcast %add3A_789 : i32 to vector<16xi32>
      %add3A_791 = arith.addi %add3A_790, %iota3A : vector<16xi32>
      %gather3A_792 = tpu.vector_load_idx %arg6[%add3A_791, %broadcast_in_dim3A_785] : memref<512x128xf32, #tpu.memory_space<vmem>>[vector<16xi32>, vector<16xi32>], vector<16xf32>,
      %swap3A_793 = arith.index_cast %add3A_782 : i32 to index
      %swap3A_794 = arith.constant 0 : index
      %swap3A_795 = tpu.vector_load %arg7[%swap3A_793, %swap3A_794] {strides = array<i32>} : memref<256x64xf32, #tpu.memory_space<vmem>>, vector<16xf32>,
      tpu.vector_store %arg7[%swap3A_793, %swap3A_794], %gather3A_792 {strides = array<i32>} : memref<256x64xf32, #tpu.memory_space<vmem>>, vector<16xf32>,
      %mul3A_796 = arith.constant 64 : i32
      %mul3A_797 = arith.muli %select_n3A_356, %mul3A_796 : i32
      %add3A_798 = arith.constant 16 : i32
      %add3A_799 = arith.addi %mul3A_797, %add3A_798 : i32
      %add3A_800 = vector.broadcast %add3A_799 : i32 to vector<16xi32>
      %add3A_801 = arith.addi %add3A_800, %iota3A : vector<16xi32>
      %gather3A_802 = tpu.vector_load_idx %arg6[%add3A_801, %broadcast_in_dim3A_785] : memref<512x128xf32, #tpu.memory_space<vmem>>[vector<16xi32>, vector<16xi32>], vector<16xf32>,
      %swap3A_803 = arith.index_cast %add3A_782 : i32 to index
      %swap3A_804 = arith.constant 16 : index
      %swap3A_805 = tpu.vector_load %arg7[%swap3A_803, %swap3A_804] {strides = array<i32>} : memref<256x64xf32, #tpu.memory_space<vmem>>, vector<16xf32>,
      tpu.vector_store %arg7[%swap3A_803, %swap3A_804], %gather3A_802 {strides = array<i32>} : memref<256x64xf32, #tpu.memory_space<vmem>>, vector<16xf32>,
      %mul3A_806 = arith.constant 64 : i32
      %mul3A_807 = arith.muli %select_n3A_356, %mul3A_806 : i32
      %add3A_808 = arith.constant 32 : i32
      %add3A_809 = arith.addi %mul3A_807, %add3A_808 : i32
      %add3A_810 = vector.broadcast %add3A_809 : i32 to vector<16xi32>
      %add3A_811 = arith.addi %add3A_810, %iota3A : vector<16xi32>
      %gather3A_812 = tpu.vector_load_idx %arg6[%add3A_811, %broadcast_in_dim3A_785] : memref<512x128xf32, #tpu.memory_space<vmem>>[vector<16xi32>, vector<16xi32>], vector<16xf32>,
      %swap3A_813 = arith.index_cast %add3A_782 : i32 to index
      %swap3A_814 = arith.constant 32 : index
      %swap3A_815 = tpu.vector_load %arg7[%swap3A_813, %swap3A_814] {strides = array<i32>} : memref<256x64xf32, #tpu.memory_space<vmem>>, vector<16xf32>,
      tpu.vector_store %arg7[%swap3A_813, %swap3A_814], %gather3A_812 {strides = array<i32>} : memref<256x64xf32, #tpu.memory_space<vmem>>, vector<16xf32>,
      %mul3A_816 = arith.constant 64 : i32
      %mul3A_817 = arith.muli %select_n3A_356, %mul3A_816 : i32
      %add3A_818 = arith.constant 48 : i32
      %add3A_819 = arith.addi %mul3A_817, %add3A_818 : i32
      %add3A_820 = vector.broadcast %add3A_819 : i32 to vector<16xi32>
      %add3A_821 = arith.addi %add3A_820, %iota3A : vector<16xi32>
      %gather3A_822 = tpu.vector_load_idx %arg6[%add3A_821, %broadcast_in_dim3A_785] : memref<512x128xf32, #tpu.memory_space<vmem>>[vector<16xi32>, vector<16xi32>], vector<16xf32>,
      %swap3A_823 = arith.index_cast %add3A_782 : i32 to index
      %swap3A_824 = arith.constant 48 : index
      %swap3A_825 = tpu.vector_load %arg7[%swap3A_823, %swap3A_824] {strides = array<i32>} : memref<256x64xf32, #tpu.memory_space<vmem>>, vector<16xf32>,
      tpu.vector_store %arg7[%swap3A_823, %swap3A_824], %gather3A_822 {strides = array<i32>} : memref<256x64xf32, #tpu.memory_space<vmem>>, vector<16xf32>,
      %sub3A_826 = arith.constant 0 : i32
      %sub3A_827 = arith.subi %scan3A_19, %sub3A_826 : i32
      %convert_element_type3A_828 = arith.extui %ne3A_574 : i1 to i32
      %cond3A_829 = arith.constant 0 : i32
      %cond3A_830 = arith.cmpi ne, %convert_element_type3A_828, %cond3A_829 : i32
      scf.if %cond3A_830 {
        %dma_wait3A = tpu.memref_reshape %arg6 : memref<512x128xf32, #tpu.memory_space<vmem>> -> memref<8x8x8x128xf32, #tpu.memory_space<vmem>>
        %dma_wait3A_1036 = arith.constant 0 : i32
        %dma_wait3A_1037 = arith.constant 0 : i32
        %dma_wait3A_1038 = arith.constant 0 : i32
        %dma_wait3A_1039 = tpu.memref_slice %dma_wait3A[%select_n3A_577, %dma_wait3A_1036, %dma_wait3A_1037, %dma_wait3A_1038] : memref<8x8x8x128xf32, #tpu.memory_space<vmem>> -> memref<1x8x8x128xf32, #tpu.memory_space<vmem>>
        %dma_wait3A_1040 = tpu.memref_squeeze %dma_wait3A_1039 : memref<1x8x8x128xf32, #tpu.memory_space<vmem>> -> memref<8x8x128xf32, #tpu.memory_space<vmem>>
        %dma_wait3A_1041 = arith.constant 0 : i32
        %dma_wait3A_1042 = arith.constant 0 : i32
        %dma_wait3A_1043 = arith.constant 0 : i32
        %dma_wait3A_1044 = tpu.memref_slice %arg2[%dma_wait3A_1041, %dma_wait3A_1042, %dma_wait3A_1043] : memref<8x8x1500000xf32, #tpu.memory_space<hbm>> -> memref<8x8x128xf32, #tpu.memory_space<hbm>>
        %dma_wait3A_1045 = tpu.memref_reshape %arg6 : memref<512x128xf32, #tpu.memory_space<vmem>> -> memref<8x8x8x128xf32, #tpu.memory_space<vmem>>
        %dma_wait3A_1046 = arith.constant 0 : i32
        %dma_wait3A_1047 = arith.constant 0 : i32
        %dma_wait3A_1048 = arith.constant 0 : i32
        %dma_wait3A_1049 = tpu.memref_slice %dma_wait3A_1045[%select_n3A_577, %dma_wait3A_1046, %dma_wait3A_1047, %dma_wait3A_1048] : memref<8x8x8x128xf32, #tpu.memory_space<vmem>> -> memref<1x8x8x128xf32, #tpu.memory_space<vmem>>
        %dma_wait3A_1050 = tpu.memref_squeeze %dma_wait3A_1049 : memref<1x8x8x128xf32, #tpu.memory_space<vmem>> -> memref<8x8x128xf32, #tpu.memory_space<vmem>>
        %dma_wait3A_1051 = arith.constant 0 : i32
        %dma_wait3A_1052 = arith.constant 0 : i32
        %dma_wait3A_1053 = arith.constant 0 : i32
        %dma_wait3A_1054 = tpu.memref_slice %arg2[%dma_wait3A_1051, %dma_wait3A_1052, %dma_wait3A_1053] : memref<8x8x1500000xf32, #tpu.memory_space<hbm>> -> memref<8x8x128xf32, #tpu.memory_space<hbm>>
        tpu.wait_dma2 semaphore(%arg9 : memref<!tpu.dma_semaphore, #tpu.memory_space<semaphore_mem>>) src(%dma_wait3A_1054 : memref<8x8x128xf32, #tpu.memory_space<hbm>>) dst(%dma_wait3A_1050 : memref<8x8x128xf32, #tpu.memory_space<vmem>>)
      } else {
      }
      %mul3A_831 = arith.constant 16 : i32
      %mul3A_832 = arith.muli %sub3A_827, %mul3A_831 : i32
      %add3A_833 = arith.constant 12 : i32
      %add3A_834 = arith.addi %mul3A_832, %add3A_833 : i32
      %add3A_835 = arith.constant 0 : i32
      %add3A_836 = arith.addi %add3A_834, %add3A_835 : i32
      %slice3A_837 = vector.extract_strided_slice %and3A_29 {offsets = [12], sizes = [1], strides = [1]} : vector<16xi32> to vector<1xi32>
      %squeeze3A_838 = vector.extract %slice3A_837[0] : i32 from vector<1xi32>
      %broadcast_in_dim3A_839 = vector.broadcast %squeeze3A_838 : i32 to vector<16xi32>
      %mul3A_840 = arith.constant 64 : i32
      %mul3A_841 = arith.muli %select_n3A_577, %mul3A_840 : i32
      %add3A_842 = arith.constant 0 : i32
      %add3A_843 = arith.addi %mul3A_841, %add3A_842 : i32
      %add3A_844 = vector.broadcast %add3A_843 : i32 to vector<16xi32>
      %add3A_845 = arith.addi %add3A_844, %iota3A : vector<16xi32>
      %gather3A_846 = tpu.vector_load_idx %arg6[%add3A_845, %broadcast_in_dim3A_839] : memref<512x128xf32, #tpu.memory_space<vmem>>[vector<16xi32>, vector<16xi32>], vector<16xf32>,
      %swap3A_847 = arith.index_cast %add3A_836 : i32 to index
      %swap3A_848 = arith.constant 0 : index
      %swap3A_849 = tpu.vector_load %arg7[%swap3A_847, %swap3A_848] {strides = array<i32>} : memref<256x64xf32, #tpu.memory_space<vmem>>, vector<16xf32>,
      tpu.vector_store %arg7[%swap3A_847, %swap3A_848], %gather3A_846 {strides = array<i32>} : memref<256x64xf32, #tpu.memory_space<vmem>>, vector<16xf32>,
      %mul3A_850 = arith.constant 64 : i32
      %mul3A_851 = arith.muli %select_n3A_577, %mul3A_850 : i32
      %add3A_852 = arith.constant 16 : i32
      %add3A_853 = arith.addi %mul3A_851, %add3A_852 : i32
      %add3A_854 = vector.broadcast %add3A_853 : i32 to vector<16xi32>
      %add3A_855 = arith.addi %add3A_854, %iota3A : vector<16xi32>
      %gather3A_856 = tpu.vector_load_idx %arg6[%add3A_855, %broadcast_in_dim3A_839] : memref<512x128xf32, #tpu.memory_space<vmem>>[vector<16xi32>, vector<16xi32>], vector<16xf32>,
      %swap3A_857 = arith.index_cast %add3A_836 : i32 to index
      %swap3A_858 = arith.constant 16 : index
      %swap3A_859 = tpu.vector_load %arg7[%swap3A_857, %swap3A_858] {strides = array<i32>} : memref<256x64xf32, #tpu.memory_space<vmem>>, vector<16xf32>,
      tpu.vector_store %arg7[%swap3A_857, %swap3A_858], %gather3A_856 {strides = array<i32>} : memref<256x64xf32, #tpu.memory_space<vmem>>, vector<16xf32>,
      %mul3A_860 = arith.constant 64 : i32
      %mul3A_861 = arith.muli %select_n3A_577, %mul3A_860 : i32
      %add3A_862 = arith.constant 32 : i32
      %add3A_863 = arith.addi %mul3A_861, %add3A_862 : i32
      %add3A_864 = vector.broadcast %add3A_863 : i32 to vector<16xi32>
      %add3A_865 = arith.addi %add3A_864, %iota3A : vector<16xi32>
      %gather3A_866 = tpu.vector_load_idx %arg6[%add3A_865, %broadcast_in_dim3A_839] : memref<512x128xf32, #tpu.memory_space<vmem>>[vector<16xi32>, vector<16xi32>], vector<16xf32>,
      %swap3A_867 = arith.index_cast %add3A_836 : i32 to index
      %swap3A_868 = arith.constant 32 : index
      %swap3A_869 = tpu.vector_load %arg7[%swap3A_867, %swap3A_868] {strides = array<i32>} : memref<256x64xf32, #tpu.memory_space<vmem>>, vector<16xf32>,
      tpu.vector_store %arg7[%swap3A_867, %swap3A_868], %gather3A_866 {strides = array<i32>} : memref<256x64xf32, #tpu.memory_space<vmem>>, vector<16xf32>,
      %mul3A_870 = arith.constant 64 : i32
      %mul3A_871 = arith.muli %select_n3A_577, %mul3A_870 : i32
      %add3A_872 = arith.constant 48 : i32
      %add3A_873 = arith.addi %mul3A_871, %add3A_872 : i32
      %add3A_874 = vector.broadcast %add3A_873 : i32 to vector<16xi32>
      %add3A_875 = arith.addi %add3A_874, %iota3A : vector<16xi32>
      %gather3A_876 = tpu.vector_load_idx %arg6[%add3A_875, %broadcast_in_dim3A_839] : memref<512x128xf32, #tpu.memory_space<vmem>>[vector<16xi32>, vector<16xi32>], vector<16xf32>,
      %swap3A_877 = arith.index_cast %add3A_836 : i32 to index
      %swap3A_878 = arith.constant 48 : index
      %swap3A_879 = tpu.vector_load %arg7[%swap3A_877, %swap3A_878] {strides = array<i32>} : memref<256x64xf32, #tpu.memory_space<vmem>>, vector<16xf32>,
      tpu.vector_store %arg7[%swap3A_877, %swap3A_878], %gather3A_876 {strides = array<i32>} : memref<256x64xf32, #tpu.memory_space<vmem>>, vector<16xf32>,
      %convert_element_type3A_880 = arith.extui %ne3A_585 : i1 to i32
      %cond3A_881 = arith.constant 0 : i32
      %cond3A_882 = arith.cmpi ne, %convert_element_type3A_880, %cond3A_881 : i32
      scf.if %cond3A_882 {
        %dma_wait3A = tpu.memref_reshape %arg6 : memref<512x128xf32, #tpu.memory_space<vmem>> -> memref<8x8x8x128xf32, #tpu.memory_space<vmem>>
        %dma_wait3A_1036 = arith.constant 0 : i32
        %dma_wait3A_1037 = arith.constant 0 : i32
        %dma_wait3A_1038 = arith.constant 0 : i32
        %dma_wait3A_1039 = tpu.memref_slice %dma_wait3A[%select_n3A_588, %dma_wait3A_1036, %dma_wait3A_1037, %dma_wait3A_1038] : memref<8x8x8x128xf32, #tpu.memory_space<vmem>> -> memref<1x8x8x128xf32, #tpu.memory_space<vmem>>
        %dma_wait3A_1040 = tpu.memref_squeeze %dma_wait3A_1039 : memref<1x8x8x128xf32, #tpu.memory_space<vmem>> -> memref<8x8x128xf32, #tpu.memory_space<vmem>>
        %dma_wait3A_1041 = arith.constant 0 : i32
        %dma_wait3A_1042 = arith.constant 0 : i32
        %dma_wait3A_1043 = arith.constant 0 : i32
        %dma_wait3A_1044 = tpu.memref_slice %arg2[%dma_wait3A_1041, %dma_wait3A_1042, %dma_wait3A_1043] : memref<8x8x1500000xf32, #tpu.memory_space<hbm>> -> memref<8x8x128xf32, #tpu.memory_space<hbm>>
        %dma_wait3A_1045 = tpu.memref_reshape %arg6 : memref<512x128xf32, #tpu.memory_space<vmem>> -> memref<8x8x8x128xf32, #tpu.memory_space<vmem>>
        %dma_wait3A_1046 = arith.constant 0 : i32
        %dma_wait3A_1047 = arith.constant 0 : i32
        %dma_wait3A_1048 = arith.constant 0 : i32
        %dma_wait3A_1049 = tpu.memref_slice %dma_wait3A_1045[%select_n3A_588, %dma_wait3A_1046, %dma_wait3A_1047, %dma_wait3A_1048] : memref<8x8x8x128xf32, #tpu.memory_space<vmem>> -> memref<1x8x8x128xf32, #tpu.memory_space<vmem>>
        %dma_wait3A_1050 = tpu.memref_squeeze %dma_wait3A_1049 : memref<1x8x8x128xf32, #tpu.memory_space<vmem>> -> memref<8x8x128xf32, #tpu.memory_space<vmem>>
        %dma_wait3A_1051 = arith.constant 0 : i32
        %dma_wait3A_1052 = arith.constant 0 : i32
        %dma_wait3A_1053 = arith.constant 0 : i32
        %dma_wait3A_1054 = tpu.memref_slice %arg2[%dma_wait3A_1051, %dma_wait3A_1052, %dma_wait3A_1053] : memref<8x8x1500000xf32, #tpu.memory_space<hbm>> -> memref<8x8x128xf32, #tpu.memory_space<hbm>>
        tpu.wait_dma2 semaphore(%arg9 : memref<!tpu.dma_semaphore, #tpu.memory_space<semaphore_mem>>) src(%dma_wait3A_1054 : memref<8x8x128xf32, #tpu.memory_space<hbm>>) dst(%dma_wait3A_1050 : memref<8x8x128xf32, #tpu.memory_space<vmem>>)
      } else {
      }
      %mul3A_883 = arith.constant 16 : i32
      %mul3A_884 = arith.muli %sub3A_827, %mul3A_883 : i32
      %add3A_885 = arith.constant 12 : i32
      %add3A_886 = arith.addi %mul3A_884, %add3A_885 : i32
      %add3A_887 = arith.constant 1 : i32
      %add3A_888 = arith.addi %add3A_886, %add3A_887 : i32
      %slice3A_889 = vector.extract_strided_slice %and3A_29 {offsets = [13], sizes = [1], strides = [1]} : vector<16xi32> to vector<1xi32>
      %squeeze3A_890 = vector.extract %slice3A_889[0] : i32 from vector<1xi32>
      %broadcast_in_dim3A_891 = vector.broadcast %squeeze3A_890 : i32 to vector<16xi32>
      %mul3A_892 = arith.constant 64 : i32
      %mul3A_893 = arith.muli %select_n3A_588, %mul3A_892 : i32
      %add3A_894 = arith.constant 0 : i32
      %add3A_895 = arith.addi %mul3A_893, %add3A_894 : i32
      %add3A_896 = vector.broadcast %add3A_895 : i32 to vector<16xi32>
      %add3A_897 = arith.addi %add3A_896, %iota3A : vector<16xi32>
      %gather3A_898 = tpu.vector_load_idx %arg6[%add3A_897, %broadcast_in_dim3A_891] : memref<512x128xf32, #tpu.memory_space<vmem>>[vector<16xi32>, vector<16xi32>], vector<16xf32>,
      %swap3A_899 = arith.index_cast %add3A_888 : i32 to index
      %swap3A_900 = arith.constant 0 : index
      %swap3A_901 = tpu.vector_load %arg7[%swap3A_899, %swap3A_900] {strides = array<i32>} : memref<256x64xf32, #tpu.memory_space<vmem>>, vector<16xf32>,
      tpu.vector_store %arg7[%swap3A_899, %swap3A_900], %gather3A_898 {strides = array<i32>} : memref<256x64xf32, #tpu.memory_space<vmem>>, vector<16xf32>,
      %mul3A_902 = arith.constant 64 : i32
      %mul3A_903 = arith.muli %select_n3A_588, %mul3A_902 : i32
      %add3A_904 = arith.constant 16 : i32
      %add3A_905 = arith.addi %mul3A_903, %add3A_904 : i32
      %add3A_906 = vector.broadcast %add3A_905 : i32 to vector<16xi32>
      %add3A_907 = arith.addi %add3A_906, %iota3A : vector<16xi32>
      %gather3A_908 = tpu.vector_load_idx %arg6[%add3A_907, %broadcast_in_dim3A_891] : memref<512x128xf32, #tpu.memory_space<vmem>>[vector<16xi32>, vector<16xi32>], vector<16xf32>,
      %swap3A_909 = arith.index_cast %add3A_888 : i32 to index
      %swap3A_910 = arith.constant 16 : index
      %swap3A_911 = tpu.vector_load %arg7[%swap3A_909, %swap3A_910] {strides = array<i32>} : memref<256x64xf32, #tpu.memory_space<vmem>>, vector<16xf32>,
      tpu.vector_store %arg7[%swap3A_909, %swap3A_910], %gather3A_908 {strides = array<i32>} : memref<256x64xf32, #tpu.memory_space<vmem>>, vector<16xf32>,
      %mul3A_912 = arith.constant 64 : i32
      %mul3A_913 = arith.muli %select_n3A_588, %mul3A_912 : i32
      %add3A_914 = arith.constant 32 : i32
      %add3A_915 = arith.addi %mul3A_913, %add3A_914 : i32
      %add3A_916 = vector.broadcast %add3A_915 : i32 to vector<16xi32>
      %add3A_917 = arith.addi %add3A_916, %iota3A : vector<16xi32>
      %gather3A_918 = tpu.vector_load_idx %arg6[%add3A_917, %broadcast_in_dim3A_891] : memref<512x128xf32, #tpu.memory_space<vmem>>[vector<16xi32>, vector<16xi32>], vector<16xf32>,
      %swap3A_919 = arith.index_cast %add3A_888 : i32 to index
      %swap3A_920 = arith.constant 32 : index
      %swap3A_921 = tpu.vector_load %arg7[%swap3A_919, %swap3A_920] {strides = array<i32>} : memref<256x64xf32, #tpu.memory_space<vmem>>, vector<16xf32>,
      tpu.vector_store %arg7[%swap3A_919, %swap3A_920], %gather3A_918 {strides = array<i32>} : memref<256x64xf32, #tpu.memory_space<vmem>>, vector<16xf32>,
      %mul3A_922 = arith.constant 64 : i32
      %mul3A_923 = arith.muli %select_n3A_588, %mul3A_922 : i32
      %add3A_924 = arith.constant 48 : i32
      %add3A_925 = arith.addi %mul3A_923, %add3A_924 : i32
      %add3A_926 = vector.broadcast %add3A_925 : i32 to vector<16xi32>
      %add3A_927 = arith.addi %add3A_926, %iota3A : vector<16xi32>
      %gather3A_928 = tpu.vector_load_idx %arg6[%add3A_927, %broadcast_in_dim3A_891] : memref<512x128xf32, #tpu.memory_space<vmem>>[vector<16xi32>, vector<16xi32>], vector<16xf32>,
      %swap3A_929 = arith.index_cast %add3A_888 : i32 to index
      %swap3A_930 = arith.constant 48 : index
      %swap3A_931 = tpu.vector_load %arg7[%swap3A_929, %swap3A_930] {strides = array<i32>} : memref<256x64xf32, #tpu.memory_space<vmem>>, vector<16xf32>,
      tpu.vector_store %arg7[%swap3A_929, %swap3A_930], %gather3A_928 {strides = array<i32>} : memref<256x64xf32, #tpu.memory_space<vmem>>, vector<16xf32>,
      %convert_element_type3A_932 = arith.extui %ne3A_596 : i1 to i32
      %cond3A_933 = arith.constant 0 : i32
      %cond3A_934 = arith.cmpi ne, %convert_element_type3A_932, %cond3A_933 : i32
      scf.if %cond3A_934 {
        %dma_wait3A = tpu.memref_reshape %arg6 : memref<512x128xf32, #tpu.memory_space<vmem>> -> memref<8x8x8x128xf32, #tpu.memory_space<vmem>>
        %dma_wait3A_1036 = arith.constant 0 : i32
        %dma_wait3A_1037 = arith.constant 0 : i32
        %dma_wait3A_1038 = arith.constant 0 : i32
        %dma_wait3A_1039 = tpu.memref_slice %dma_wait3A[%select_n3A_599, %dma_wait3A_1036, %dma_wait3A_1037, %dma_wait3A_1038] : memref<8x8x8x128xf32, #tpu.memory_space<vmem>> -> memref<1x8x8x128xf32, #tpu.memory_space<vmem>>
        %dma_wait3A_1040 = tpu.memref_squeeze %dma_wait3A_1039 : memref<1x8x8x128xf32, #tpu.memory_space<vmem>> -> memref<8x8x128xf32, #tpu.memory_space<vmem>>
        %dma_wait3A_1041 = arith.constant 0 : i32
        %dma_wait3A_1042 = arith.constant 0 : i32
        %dma_wait3A_1043 = arith.constant 0 : i32
        %dma_wait3A_1044 = tpu.memref_slice %arg2[%dma_wait3A_1041, %dma_wait3A_1042, %dma_wait3A_1043] : memref<8x8x1500000xf32, #tpu.memory_space<hbm>> -> memref<8x8x128xf32, #tpu.memory_space<hbm>>
        %dma_wait3A_1045 = tpu.memref_reshape %arg6 : memref<512x128xf32, #tpu.memory_space<vmem>> -> memref<8x8x8x128xf32, #tpu.memory_space<vmem>>
        %dma_wait3A_1046 = arith.constant 0 : i32
        %dma_wait3A_1047 = arith.constant 0 : i32
        %dma_wait3A_1048 = arith.constant 0 : i32
        %dma_wait3A_1049 = tpu.memref_slice %dma_wait3A_1045[%select_n3A_599, %dma_wait3A_1046, %dma_wait3A_1047, %dma_wait3A_1048] : memref<8x8x8x128xf32, #tpu.memory_space<vmem>> -> memref<1x8x8x128xf32, #tpu.memory_space<vmem>>
        %dma_wait3A_1050 = tpu.memref_squeeze %dma_wait3A_1049 : memref<1x8x8x128xf32, #tpu.memory_space<vmem>> -> memref<8x8x128xf32, #tpu.memory_space<vmem>>
        %dma_wait3A_1051 = arith.constant 0 : i32
        %dma_wait3A_1052 = arith.constant 0 : i32
        %dma_wait3A_1053 = arith.constant 0 : i32
        %dma_wait3A_1054 = tpu.memref_slice %arg2[%dma_wait3A_1051, %dma_wait3A_1052, %dma_wait3A_1053] : memref<8x8x1500000xf32, #tpu.memory_space<hbm>> -> memref<8x8x128xf32, #tpu.memory_space<hbm>>
        tpu.wait_dma2 semaphore(%arg9 : memref<!tpu.dma_semaphore, #tpu.memory_space<semaphore_mem>>) src(%dma_wait3A_1054 : memref<8x8x128xf32, #tpu.memory_space<hbm>>) dst(%dma_wait3A_1050 : memref<8x8x128xf32, #tpu.memory_space<vmem>>)
      } else {
      }
      %mul3A_935 = arith.constant 16 : i32
      %mul3A_936 = arith.muli %sub3A_827, %mul3A_935 : i32
      %add3A_937 = arith.constant 12 : i32
      %add3A_938 = arith.addi %mul3A_936, %add3A_937 : i32
      %add3A_939 = arith.constant 2 : i32
      %add3A_940 = arith.addi %add3A_938, %add3A_939 : i32
      %slice3A_941 = vector.extract_strided_slice %and3A_29 {offsets = [14], sizes = [1], strides = [1]} : vector<16xi32> to vector<1xi32>
      %squeeze3A_942 = vector.extract %slice3A_941[0] : i32 from vector<1xi32>
      %broadcast_in_dim3A_943 = vector.broadcast %squeeze3A_942 : i32 to vector<16xi32>
      %mul3A_944 = arith.constant 64 : i32
      %mul3A_945 = arith.muli %select_n3A_599, %mul3A_944 : i32
      %add3A_946 = arith.constant 0 : i32
      %add3A_947 = arith.addi %mul3A_945, %add3A_946 : i32
      %add3A_948 = vector.broadcast %add3A_947 : i32 to vector<16xi32>
      %add3A_949 = arith.addi %add3A_948, %iota3A : vector<16xi32>
      %gather3A_950 = tpu.vector_load_idx %arg6[%add3A_949, %broadcast_in_dim3A_943] : memref<512x128xf32, #tpu.memory_space<vmem>>[vector<16xi32>, vector<16xi32>], vector<16xf32>,
      %swap3A_951 = arith.index_cast %add3A_940 : i32 to index
      %swap3A_952 = arith.constant 0 : index
      %swap3A_953 = tpu.vector_load %arg7[%swap3A_951, %swap3A_952] {strides = array<i32>} : memref<256x64xf32, #tpu.memory_space<vmem>>, vector<16xf32>,
      tpu.vector_store %arg7[%swap3A_951, %swap3A_952], %gather3A_950 {strides = array<i32>} : memref<256x64xf32, #tpu.memory_space<vmem>>, vector<16xf32>,
      %mul3A_954 = arith.constant 64 : i32
      %mul3A_955 = arith.muli %select_n3A_599, %mul3A_954 : i32
      %add3A_956 = arith.constant 16 : i32
      %add3A_957 = arith.addi %mul3A_955, %add3A_956 : i32
      %add3A_958 = vector.broadcast %add3A_957 : i32 to vector<16xi32>
      %add3A_959 = arith.addi %add3A_958, %iota3A : vector<16xi32>
      %gather3A_960 = tpu.vector_load_idx %arg6[%add3A_959, %broadcast_in_dim3A_943] : memref<512x128xf32, #tpu.memory_space<vmem>>[vector<16xi32>, vector<16xi32>], vector<16xf32>,
      %swap3A_961 = arith.index_cast %add3A_940 : i32 to index
      %swap3A_962 = arith.constant 16 : index
      %swap3A_963 = tpu.vector_load %arg7[%swap3A_961, %swap3A_962] {strides = array<i32>} : memref<256x64xf32, #tpu.memory_space<vmem>>, vector<16xf32>,
      tpu.vector_store %arg7[%swap3A_961, %swap3A_962], %gather3A_960 {strides = array<i32>} : memref<256x64xf32, #tpu.memory_space<vmem>>, vector<16xf32>,
      %mul3A_964 = arith.constant 64 : i32
      %mul3A_965 = arith.muli %select_n3A_599, %mul3A_964 : i32
      %add3A_966 = arith.constant 32 : i32
      %add3A_967 = arith.addi %mul3A_965, %add3A_966 : i32
      %add3A_968 = vector.broadcast %add3A_967 : i32 to vector<16xi32>
      %add3A_969 = arith.addi %add3A_968, %iota3A : vector<16xi32>
      %gather3A_970 = tpu.vector_load_idx %arg6[%add3A_969, %broadcast_in_dim3A_943] : memref<512x128xf32, #tpu.memory_space<vmem>>[vector<16xi32>, vector<16xi32>], vector<16xf32>,
      %swap3A_971 = arith.index_cast %add3A_940 : i32 to index
      %swap3A_972 = arith.constant 32 : index
      %swap3A_973 = tpu.vector_load %arg7[%swap3A_971, %swap3A_972] {strides = array<i32>} : memref<256x64xf32, #tpu.memory_space<vmem>>, vector<16xf32>,
      tpu.vector_store %arg7[%swap3A_971, %swap3A_972], %gather3A_970 {strides = array<i32>} : memref<256x64xf32, #tpu.memory_space<vmem>>, vector<16xf32>,
      %mul3A_974 = arith.constant 64 : i32
      %mul3A_975 = arith.muli %select_n3A_599, %mul3A_974 : i32
      %add3A_976 = arith.constant 48 : i32
      %add3A_977 = arith.addi %mul3A_975, %add3A_976 : i32
      %add3A_978 = vector.broadcast %add3A_977 : i32 to vector<16xi32>
      %add3A_979 = arith.addi %add3A_978, %iota3A : vector<16xi32>
      %gather3A_980 = tpu.vector_load_idx %arg6[%add3A_979, %broadcast_in_dim3A_943] : memref<512x128xf32, #tpu.memory_space<vmem>>[vector<16xi32>, vector<16xi32>], vector<16xf32>,
      %swap3A_981 = arith.index_cast %add3A_940 : i32 to index
      %swap3A_982 = arith.constant 48 : index
      %swap3A_983 = tpu.vector_load %arg7[%swap3A_981, %swap3A_982] {strides = array<i32>} : memref<256x64xf32, #tpu.memory_space<vmem>>, vector<16xf32>,
      tpu.vector_store %arg7[%swap3A_981, %swap3A_982], %gather3A_980 {strides = array<i32>} : memref<256x64xf32, #tpu.memory_space<vmem>>, vector<16xf32>,
      %convert_element_type3A_984 = arith.extui %ne3A_607 : i1 to i32
      %cond3A_985 = arith.constant 0 : i32
      %cond3A_986 = arith.cmpi ne, %convert_element_type3A_984, %cond3A_985 : i32
      scf.if %cond3A_986 {
        %dma_wait3A = tpu.memref_reshape %arg6 : memref<512x128xf32, #tpu.memory_space<vmem>> -> memref<8x8x8x128xf32, #tpu.memory_space<vmem>>
        %dma_wait3A_1036 = arith.constant 0 : i32
        %dma_wait3A_1037 = arith.constant 0 : i32
        %dma_wait3A_1038 = arith.constant 0 : i32
        %dma_wait3A_1039 = tpu.memref_slice %dma_wait3A[%select_n3A_610, %dma_wait3A_1036, %dma_wait3A_1037, %dma_wait3A_1038] : memref<8x8x8x128xf32, #tpu.memory_space<vmem>> -> memref<1x8x8x128xf32, #tpu.memory_space<vmem>>
        %dma_wait3A_1040 = tpu.memref_squeeze %dma_wait3A_1039 : memref<1x8x8x128xf32, #tpu.memory_space<vmem>> -> memref<8x8x128xf32, #tpu.memory_space<vmem>>
        %dma_wait3A_1041 = arith.constant 0 : i32
        %dma_wait3A_1042 = arith.constant 0 : i32
        %dma_wait3A_1043 = arith.constant 0 : i32
        %dma_wait3A_1044 = tpu.memref_slice %arg2[%dma_wait3A_1041, %dma_wait3A_1042, %dma_wait3A_1043] : memref<8x8x1500000xf32, #tpu.memory_space<hbm>> -> memref<8x8x128xf32, #tpu.memory_space<hbm>>
        %dma_wait3A_1045 = tpu.memref_reshape %arg6 : memref<512x128xf32, #tpu.memory_space<vmem>> -> memref<8x8x8x128xf32, #tpu.memory_space<vmem>>
        %dma_wait3A_1046 = arith.constant 0 : i32
        %dma_wait3A_1047 = arith.constant 0 : i32
        %dma_wait3A_1048 = arith.constant 0 : i32
        %dma_wait3A_1049 = tpu.memref_slice %dma_wait3A_1045[%select_n3A_610, %dma_wait3A_1046, %dma_wait3A_1047, %dma_wait3A_1048] : memref<8x8x8x128xf32, #tpu.memory_space<vmem>> -> memref<1x8x8x128xf32, #tpu.memory_space<vmem>>
        %dma_wait3A_1050 = tpu.memref_squeeze %dma_wait3A_1049 : memref<1x8x8x128xf32, #tpu.memory_space<vmem>> -> memref<8x8x128xf32, #tpu.memory_space<vmem>>
        %dma_wait3A_1051 = arith.constant 0 : i32
        %dma_wait3A_1052 = arith.constant 0 : i32
        %dma_wait3A_1053 = arith.constant 0 : i32
        %dma_wait3A_1054 = tpu.memref_slice %arg2[%dma_wait3A_1051, %dma_wait3A_1052, %dma_wait3A_1053] : memref<8x8x1500000xf32, #tpu.memory_space<hbm>> -> memref<8x8x128xf32, #tpu.memory_space<hbm>>
        tpu.wait_dma2 semaphore(%arg9 : memref<!tpu.dma_semaphore, #tpu.memory_space<semaphore_mem>>) src(%dma_wait3A_1054 : memref<8x8x128xf32, #tpu.memory_space<hbm>>) dst(%dma_wait3A_1050 : memref<8x8x128xf32, #tpu.memory_space<vmem>>)
      } else {
      }
      %mul3A_987 = arith.constant 16 : i32
      %mul3A_988 = arith.muli %sub3A_827, %mul3A_987 : i32
      %add3A_989 = arith.constant 12 : i32
      %add3A_990 = arith.addi %mul3A_988, %add3A_989 : i32
      %add3A_991 = arith.constant 3 : i32
      %add3A_992 = arith.addi %add3A_990, %add3A_991 : i32
      %slice3A_993 = vector.extract_strided_slice %and3A_29 {offsets = [15], sizes = [1], strides = [1]} : vector<16xi32> to vector<1xi32>
      %squeeze3A_994 = vector.extract %slice3A_993[0] : i32 from vector<1xi32>
      %broadcast_in_dim3A_995 = vector.broadcast %squeeze3A_994 : i32 to vector<16xi32>
      %mul3A_996 = arith.constant 64 : i32
      %mul3A_997 = arith.muli %select_n3A_610, %mul3A_996 : i32
      %add3A_998 = arith.constant 0 : i32
      %add3A_999 = arith.addi %mul3A_997, %add3A_998 : i32
      %add3A_1000 = vector.broadcast %add3A_999 : i32 to vector<16xi32>
      %add3A_1001 = arith.addi %add3A_1000, %iota3A : vector<16xi32>
      %gather3A_1002 = tpu.vector_load_idx %arg6[%add3A_1001, %broadcast_in_dim3A_995] : memref<512x128xf32, #tpu.memory_space<vmem>>[vector<16xi32>, vector<16xi32>], vector<16xf32>,
      %swap3A_1003 = arith.index_cast %add3A_992 : i32 to index
      %swap3A_1004 = arith.constant 0 : index
      %swap3A_1005 = tpu.vector_load %arg7[%swap3A_1003, %swap3A_1004] {strides = array<i32>} : memref<256x64xf32, #tpu.memory_space<vmem>>, vector<16xf32>,
      tpu.vector_store %arg7[%swap3A_1003, %swap3A_1004], %gather3A_1002 {strides = array<i32>} : memref<256x64xf32, #tpu.memory_space<vmem>>, vector<16xf32>,
      %mul3A_1006 = arith.constant 64 : i32
      %mul3A_1007 = arith.muli %select_n3A_610, %mul3A_1006 : i32
      %add3A_1008 = arith.constant 16 : i32
      %add3A_1009 = arith.addi %mul3A_1007, %add3A_1008 : i32
      %add3A_1010 = vector.broadcast %add3A_1009 : i32 to vector<16xi32>
      %add3A_1011 = arith.addi %add3A_1010, %iota3A : vector<16xi32>
      %gather3A_1012 = tpu.vector_load_idx %arg6[%add3A_1011, %broadcast_in_dim3A_995] : memref<512x128xf32, #tpu.memory_space<vmem>>[vector<16xi32>, vector<16xi32>], vector<16xf32>,
      %swap3A_1013 = arith.index_cast %add3A_992 : i32 to index
      %swap3A_1014 = arith.constant 16 : index
      %swap3A_1015 = tpu.vector_load %arg7[%swap3A_1013, %swap3A_1014] {strides = array<i32>} : memref<256x64xf32, #tpu.memory_space<vmem>>, vector<16xf32>,
      tpu.vector_store %arg7[%swap3A_1013, %swap3A_1014], %gather3A_1012 {strides = array<i32>} : memref<256x64xf32, #tpu.memory_space<vmem>>, vector<16xf32>,
      %mul3A_1016 = arith.constant 64 : i32
      %mul3A_1017 = arith.muli %select_n3A_610, %mul3A_1016 : i32
      %add3A_1018 = arith.constant 32 : i32
      %add3A_1019 = arith.addi %mul3A_1017, %add3A_1018 : i32
      %add3A_1020 = vector.broadcast %add3A_1019 : i32 to vector<16xi32>
      %add3A_1021 = arith.addi %add3A_1020, %iota3A : vector<16xi32>
      %gather3A_1022 = tpu.vector_load_idx %arg6[%add3A_1021, %broadcast_in_dim3A_995] : memref<512x128xf32, #tpu.memory_space<vmem>>[vector<16xi32>, vector<16xi32>], vector<16xf32>,
      %swap3A_1023 = arith.index_cast %add3A_992 : i32 to index
      %swap3A_1024 = arith.constant 32 : index
      %swap3A_1025 = tpu.vector_load %arg7[%swap3A_1023, %swap3A_1024] {strides = array<i32>} : memref<256x64xf32, #tpu.memory_space<vmem>>, vector<16xf32>,
      tpu.vector_store %arg7[%swap3A_1023, %swap3A_1024], %gather3A_1022 {strides = array<i32>} : memref<256x64xf32, #tpu.memory_space<vmem>>, vector<16xf32>,
      %mul3A_1026 = arith.constant 64 : i32
      %mul3A_1027 = arith.muli %select_n3A_610, %mul3A_1026 : i32
      %add3A_1028 = arith.constant 48 : i32
      %add3A_1029 = arith.addi %mul3A_1027, %add3A_1028 : i32
      %add3A_1030 = vector.broadcast %add3A_1029 : i32 to vector<16xi32>
      %add3A_1031 = arith.addi %add3A_1030, %iota3A : vector<16xi32>
      %gather3A_1032 = tpu.vector_load_idx %arg6[%add3A_1031, %broadcast_in_dim3A_995] : memref<512x128xf32, #tpu.memory_space<vmem>>[vector<16xi32>, vector<16xi32>], vector<16xf32>,
      %swap3A_1033 = arith.index_cast %add3A_992 : i32 to index
      %swap3A_1034 = arith.constant 48 : index
      %swap3A_1035 = tpu.vector_load %arg7[%swap3A_1033, %swap3A_1034] {strides = array<i32>} : memref<256x64xf32, #tpu.memory_space<vmem>>, vector<16xf32>,
      tpu.vector_store %arg7[%swap3A_1033, %swap3A_1034], %gather3A_1032 {strides = array<i32>} : memref<256x64xf32, #tpu.memory_space<vmem>>, vector<16xf32>,
      scf.yield %squeeze3A_606, %add3A_615, %select_n3A_610 : i32, i32, i32
    }
    %scan3A_10 = arith.constant 16 : i32
    "tpu.region"() ({
      %run_scoped3A = tpu.sem_alloc : memref<!tpu.dma_semaphore, #tpu.memory_space<semaphore_mem>>
      %dma_start3A = arith.constant 0 : i32
      %dma_start3A_19 = tpu.memref_slice %arg4[%mul3A_2, %dma_start3A] : memref<16384x64xf32, #tpu.memory_space<hbm>> -> memref<256x64xf32, #tpu.memory_space<hbm>>
      %dma_start3A_20 = arith.constant 0 : i32
      %dma_start3A_21 = tpu.memref_slice %arg4[%mul3A_2, %dma_start3A_20] : memref<16384x64xf32, #tpu.memory_space<hbm>> -> memref<256x64xf32, #tpu.memory_space<hbm>>
      tpu.enqueue_dma source(%arg7 : memref<256x64xf32, #tpu.memory_space<vmem>>) target(%dma_start3A_21 : memref<256x64xf32, #tpu.memory_space<hbm>>) target_semaphore(%run_scoped3A : memref<!tpu.dma_semaphore, #tpu.memory_space<semaphore_mem>>)
      %dma_wait3A = arith.constant 0 : i32
      %dma_wait3A_22 = tpu.memref_slice %arg4[%mul3A_2, %dma_wait3A] : memref<16384x64xf32, #tpu.memory_space<hbm>> -> memref<256x64xf32, #tpu.memory_space<hbm>>
      %dma_wait3A_23 = arith.constant 0 : i32
      %dma_wait3A_24 = tpu.memref_slice %arg4[%mul3A_2, %dma_wait3A_23] : memref<16384x64xf32, #tpu.memory_space<hbm>> -> memref<256x64xf32, #tpu.memory_space<hbm>>
      tpu.wait_dma2 semaphore(%run_scoped3A : memref<!tpu.dma_semaphore, #tpu.memory_space<semaphore_mem>>) src(%arg7 : memref<256x64xf32, #tpu.memory_space<vmem>>) dst(%dma_wait3A_24 : memref<256x64xf32, #tpu.memory_space<hbm>>)
      tpu.yield
    }) : () -> ()
    %scan3A_11 = arith.constant 16 : i32
    %scan3A_12 = arith.constant 16 : i32
    %scan3A_13 = arith.addi %scan3A_11, %scan3A_12 : i32
    %scan3A_14 = arith.constant 1 : i32
    %scan3A_15:3 = scf.for %scan3A_19 = %scan3A_11 to %scan3A_13 step %scan3A_14 iter_args(%scan3A_20 = %scan3A_9#0, %scan3A_21 = %scan3A_9#1, %scan3A_22 = %scan3A_9#2) -> (i32, i32, i32)  : i32 {
      %mul3A_23 = arith.constant 16 : i32
      %mul3A_24 = arith.muli %scan3A_19, %mul3A_23 : i32
      %get3A = arith.index_cast %mul3A_24 : i32 to index
      %get3A_25 = tpu.vector_load %arg5[%get3A] {strides = array<i32>} : memref<512xi32, #tpu.memory_space<vmem>>, vector<16xi32>,
      %shift_right_arithmetic3A = arith.constant 7 : i32
      %shift_right_arithmetic3A_26 = vector.broadcast %shift_right_arithmetic3A : i32 to vector<16xi32>
      %shift_right_arithmetic3A_27 = arith.shrsi %get3A_25, %shift_right_arithmetic3A_26 : vector<16xi32>
      %and3A = arith.constant 127 : i32
      %and3A_28 = vector.broadcast %and3A : i32 to vector<16xi32>
      %and3A_29 = arith.andi %get3A_25, %and3A_28 : vector<16xi32>
      %slice3A = vector.extract_strided_slice %shift_right_arithmetic3A_27 {offsets = [0], sizes = [1], strides = [1]} : vector<16xi32> to vector<1xi32>
      %squeeze3A = vector.extract %slice3A[0] : i32 from vector<1xi32>
      %ne3A = arith.cmpi ne, %squeeze3A, %scan3A_20 : i32
      %and3A_30 = arith.constant 7 : i32
      %and3A_31 = arith.andi %scan3A_21, %and3A_30 : i32
      %select_n3A = arith.select %ne3A, %and3A_31, %scan3A_22 : i32
      %convert_element_type3A = arith.extui %ne3A : i1 to i32
      %cond3A = arith.constant 0 : i32
      %cond3A_32 = arith.cmpi ne, %convert_element_type3A, %cond3A : i32
      scf.if %cond3A_32 {
        %mul3A_1036 = arith.constant 128 : i32
        %mul3A_1037 = arith.muli %squeeze3A, %mul3A_1036 : i32
        %multiple_of3A = tpu.assume_multiple %mul3A_1037, 128 : i32
        %dma_start3A = tpu.memref_reshape %arg6 : memref<512x128xf32, #tpu.memory_space<vmem>> -> memref<8x8x8x128xf32, #tpu.memory_space<vmem>>
        %dma_start3A_1038 = arith.constant 0 : i32
        %dma_start3A_1039 = arith.constant 0 : i32
        %dma_start3A_1040 = arith.constant 0 : i32
        %dma_start3A_1041 = tpu.memref_slice %dma_start3A[%select_n3A, %dma_start3A_1038, %dma_start3A_1039, %dma_start3A_1040] : memref<8x8x8x128xf32, #tpu.memory_space<vmem>> -> memref<1x8x8x128xf32, #tpu.memory_space<vmem>>
        %dma_start3A_1042 = tpu.memref_squeeze %dma_start3A_1041 : memref<1x8x8x128xf32, #tpu.memory_space<vmem>> -> memref<8x8x128xf32, #tpu.memory_space<vmem>>
        %dma_start3A_1043 = arith.constant 0 : i32
        %dma_start3A_1044 = arith.constant 0 : i32
        %dma_start3A_1045 = tpu.memref_slice %arg2[%dma_start3A_1043, %dma_start3A_1044, %multiple_of3A] : memref<8x8x1500000xf32, #tpu.memory_space<hbm>> -> memref<8x8x128xf32, #tpu.memory_space<hbm>>
        %dma_start3A_1046 = tpu.memref_reshape %arg6 : memref<512x128xf32, #tpu.memory_space<vmem>> -> memref<8x8x8x128xf32, #tpu.memory_space<vmem>>
        %dma_start3A_1047 = arith.constant 0 : i32
        %dma_start3A_1048 = arith.constant 0 : i32
        %dma_start3A_1049 = arith.constant 0 : i32
        %dma_start3A_1050 = tpu.memref_slice %dma_start3A_1046[%select_n3A, %dma_start3A_1047, %dma_start3A_1048, %dma_start3A_1049] : memref<8x8x8x128xf32, #tpu.memory_space<vmem>> -> memref<1x8x8x128xf32, #tpu.memory_space<vmem>>
        %dma_start3A_1051 = tpu.memref_squeeze %dma_start3A_1050 : memref<1x8x8x128xf32, #tpu.memory_space<vmem>> -> memref<8x8x128xf32, #tpu.memory_space<vmem>>
        %dma_start3A_1052 = arith.constant 0 : i32
        %dma_start3A_1053 = arith.constant 0 : i32
        %dma_start3A_1054 = tpu.memref_slice %arg2[%dma_start3A_1052, %dma_start3A_1053, %multiple_of3A] : memref<8x8x1500000xf32, #tpu.memory_space<hbm>> -> memref<8x8x128xf32, #tpu.memory_space<hbm>>
        tpu.enqueue_dma source(%dma_start3A_1054 : memref<8x8x128xf32, #tpu.memory_space<hbm>>) target(%dma_start3A_1051 : memref<8x8x128xf32, #tpu.memory_space<vmem>>) target_semaphore(%arg8 : memref<!tpu.dma_semaphore, #tpu.memory_space<semaphore_mem>>)
      } else {
      }
      %convert_element_type3A_33 = arith.extui %ne3A : i1 to i32
      %add3A_34 = arith.addi %scan3A_21, %convert_element_type3A_33 : i32
      %slice3A_35 = vector.extract_strided_slice %shift_right_arithmetic3A_27 {offsets = [1], sizes = [1], strides = [1]} : vector<16xi32> to vector<1xi32>
      %squeeze3A_36 = vector.extract %slice3A_35[0] : i32 from vector<1xi32>
      %ne3A_37 = arith.cmpi ne, %squeeze3A_36, %squeeze3A : i32
      %and3A_38 = arith.constant 7 : i32
      %and3A_39 = arith.andi %add3A_34, %and3A_38 : i32
      %select_n3A_40 = arith.select %ne3A_37, %and3A_39, %select_n3A : i32
      %convert_element_type3A_41 = arith.extui %ne3A_37 : i1 to i32
      %cond3A_42 = arith.constant 0 : i32
      %cond3A_43 = arith.cmpi ne, %convert_element_type3A_41, %cond3A_42 : i32
      scf.if %cond3A_43 {
        %mul3A_1036 = arith.constant 128 : i32
        %mul3A_1037 = arith.muli %squeeze3A_36, %mul3A_1036 : i32
        %multiple_of3A = tpu.assume_multiple %mul3A_1037, 128 : i32
        %dma_start3A = tpu.memref_reshape %arg6 : memref<512x128xf32, #tpu.memory_space<vmem>> -> memref<8x8x8x128xf32, #tpu.memory_space<vmem>>
        %dma_start3A_1038 = arith.constant 0 : i32
        %dma_start3A_1039 = arith.constant 0 : i32
        %dma_start3A_1040 = arith.constant 0 : i32
        %dma_start3A_1041 = tpu.memref_slice %dma_start3A[%select_n3A_40, %dma_start3A_1038, %dma_start3A_1039, %dma_start3A_1040] : memref<8x8x8x128xf32, #tpu.memory_space<vmem>> -> memref<1x8x8x128xf32, #tpu.memory_space<vmem>>
        %dma_start3A_1042 = tpu.memref_squeeze %dma_start3A_1041 : memref<1x8x8x128xf32, #tpu.memory_space<vmem>> -> memref<8x8x128xf32, #tpu.memory_space<vmem>>
        %dma_start3A_1043 = arith.constant 0 : i32
        %dma_start3A_1044 = arith.constant 0 : i32
        %dma_start3A_1045 = tpu.memref_slice %arg2[%dma_start3A_1043, %dma_start3A_1044, %multiple_of3A] : memref<8x8x1500000xf32, #tpu.memory_space<hbm>> -> memref<8x8x128xf32, #tpu.memory_space<hbm>>
        %dma_start3A_1046 = tpu.memref_reshape %arg6 : memref<512x128xf32, #tpu.memory_space<vmem>> -> memref<8x8x8x128xf32, #tpu.memory_space<vmem>>
        %dma_start3A_1047 = arith.constant 0 : i32
        %dma_start3A_1048 = arith.constant 0 : i32
        %dma_start3A_1049 = arith.constant 0 : i32
        %dma_start3A_1050 = tpu.memref_slice %dma_start3A_1046[%select_n3A_40, %dma_start3A_1047, %dma_start3A_1048, %dma_start3A_1049] : memref<8x8x8x128xf32, #tpu.memory_space<vmem>> -> memref<1x8x8x128xf32, #tpu.memory_space<vmem>>
        %dma_start3A_1051 = tpu.memref_squeeze %dma_start3A_1050 : memref<1x8x8x128xf32, #tpu.memory_space<vmem>> -> memref<8x8x128xf32, #tpu.memory_space<vmem>>
        %dma_start3A_1052 = arith.constant 0 : i32
        %dma_start3A_1053 = arith.constant 0 : i32
        %dma_start3A_1054 = tpu.memref_slice %arg2[%dma_start3A_1052, %dma_start3A_1053, %multiple_of3A] : memref<8x8x1500000xf32, #tpu.memory_space<hbm>> -> memref<8x8x128xf32, #tpu.memory_space<hbm>>
        tpu.enqueue_dma source(%dma_start3A_1054 : memref<8x8x128xf32, #tpu.memory_space<hbm>>) target(%dma_start3A_1051 : memref<8x8x128xf32, #tpu.memory_space<vmem>>) target_semaphore(%arg8 : memref<!tpu.dma_semaphore, #tpu.memory_space<semaphore_mem>>)
      } else {
      }
      %convert_element_type3A_44 = arith.extui %ne3A_37 : i1 to i32
      %add3A_45 = arith.addi %add3A_34, %convert_element_type3A_44 : i32
      %slice3A_46 = vector.extract_strided_slice %shift_right_arithmetic3A_27 {offsets = [2], sizes = [1], strides = [1]} : vector<16xi32> to vector<1xi32>
      %squeeze3A_47 = vector.extract %slice3A_46[0] : i32 from vector<1xi32>
      %ne3A_48 = arith.cmpi ne, %squeeze3A_47, %squeeze3A_36 : i32
      %and3A_49 = arith.constant 7 : i32
      %and3A_50 = arith.andi %add3A_45, %and3A_49 : i32
      %select_n3A_51 = arith.select %ne3A_48, %and3A_50, %select_n3A_40 : i32
      %convert_element_type3A_52 = arith.extui %ne3A_48 : i1 to i32
      %cond3A_53 = arith.constant 0 : i32
      %cond3A_54 = arith.cmpi ne, %convert_element_type3A_52, %cond3A_53 : i32
      scf.if %cond3A_54 {
        %mul3A_1036 = arith.constant 128 : i32
        %mul3A_1037 = arith.muli %squeeze3A_47, %mul3A_1036 : i32
        %multiple_of3A = tpu.assume_multiple %mul3A_1037, 128 : i32
        %dma_start3A = tpu.memref_reshape %arg6 : memref<512x128xf32, #tpu.memory_space<vmem>> -> memref<8x8x8x128xf32, #tpu.memory_space<vmem>>
        %dma_start3A_1038 = arith.constant 0 : i32
        %dma_start3A_1039 = arith.constant 0 : i32
        %dma_start3A_1040 = arith.constant 0 : i32
        %dma_start3A_1041 = tpu.memref_slice %dma_start3A[%select_n3A_51, %dma_start3A_1038, %dma_start3A_1039, %dma_start3A_1040] : memref<8x8x8x128xf32, #tpu.memory_space<vmem>> -> memref<1x8x8x128xf32, #tpu.memory_space<vmem>>
        %dma_start3A_1042 = tpu.memref_squeeze %dma_start3A_1041 : memref<1x8x8x128xf32, #tpu.memory_space<vmem>> -> memref<8x8x128xf32, #tpu.memory_space<vmem>>
        %dma_start3A_1043 = arith.constant 0 : i32
        %dma_start3A_1044 = arith.constant 0 : i32
        %dma_start3A_1045 = tpu.memref_slice %arg2[%dma_start3A_1043, %dma_start3A_1044, %multiple_of3A] : memref<8x8x1500000xf32, #tpu.memory_space<hbm>> -> memref<8x8x128xf32, #tpu.memory_space<hbm>>
        %dma_start3A_1046 = tpu.memref_reshape %arg6 : memref<512x128xf32, #tpu.memory_space<vmem>> -> memref<8x8x8x128xf32, #tpu.memory_space<vmem>>
        %dma_start3A_1047 = arith.constant 0 : i32
        %dma_start3A_1048 = arith.constant 0 : i32
        %dma_start3A_1049 = arith.constant 0 : i32
        %dma_start3A_1050 = tpu.memref_slice %dma_start3A_1046[%select_n3A_51, %dma_start3A_1047, %dma_start3A_1048, %dma_start3A_1049] : memref<8x8x8x128xf32, #tpu.memory_space<vmem>> -> memref<1x8x8x128xf32, #tpu.memory_space<vmem>>
        %dma_start3A_1051 = tpu.memref_squeeze %dma_start3A_1050 : memref<1x8x8x128xf32, #tpu.memory_space<vmem>> -> memref<8x8x128xf32, #tpu.memory_space<vmem>>
        %dma_start3A_1052 = arith.constant 0 : i32
        %dma_start3A_1053 = arith.constant 0 : i32
        %dma_start3A_1054 = tpu.memref_slice %arg2[%dma_start3A_1052, %dma_start3A_1053, %multiple_of3A] : memref<8x8x1500000xf32, #tpu.memory_space<hbm>> -> memref<8x8x128xf32, #tpu.memory_space<hbm>>
        tpu.enqueue_dma source(%dma_start3A_1054 : memref<8x8x128xf32, #tpu.memory_space<hbm>>) target(%dma_start3A_1051 : memref<8x8x128xf32, #tpu.memory_space<vmem>>) target_semaphore(%arg8 : memref<!tpu.dma_semaphore, #tpu.memory_space<semaphore_mem>>)
      } else {
      }
      %convert_element_type3A_55 = arith.extui %ne3A_48 : i1 to i32
      %add3A_56 = arith.addi %add3A_45, %convert_element_type3A_55 : i32
      %slice3A_57 = vector.extract_strided_slice %shift_right_arithmetic3A_27 {offsets = [3], sizes = [1], strides = [1]} : vector<16xi32> to vector<1xi32>
      %squeeze3A_58 = vector.extract %slice3A_57[0] : i32 from vector<1xi32>
      %ne3A_59 = arith.cmpi ne, %squeeze3A_58, %squeeze3A_47 : i32
      %and3A_60 = arith.constant 7 : i32
      %and3A_61 = arith.andi %add3A_56, %and3A_60 : i32
      %select_n3A_62 = arith.select %ne3A_59, %and3A_61, %select_n3A_51 : i32
      %convert_element_type3A_63 = arith.extui %ne3A_59 : i1 to i32
      %cond3A_64 = arith.constant 0 : i32
      %cond3A_65 = arith.cmpi ne, %convert_element_type3A_63, %cond3A_64 : i32
      scf.if %cond3A_65 {
        %mul3A_1036 = arith.constant 128 : i32
        %mul3A_1037 = arith.muli %squeeze3A_58, %mul3A_1036 : i32
        %multiple_of3A = tpu.assume_multiple %mul3A_1037, 128 : i32
        %dma_start3A = tpu.memref_reshape %arg6 : memref<512x128xf32, #tpu.memory_space<vmem>> -> memref<8x8x8x128xf32, #tpu.memory_space<vmem>>
        %dma_start3A_1038 = arith.constant 0 : i32
        %dma_start3A_1039 = arith.constant 0 : i32
        %dma_start3A_1040 = arith.constant 0 : i32
        %dma_start3A_1041 = tpu.memref_slice %dma_start3A[%select_n3A_62, %dma_start3A_1038, %dma_start3A_1039, %dma_start3A_1040] : memref<8x8x8x128xf32, #tpu.memory_space<vmem>> -> memref<1x8x8x128xf32, #tpu.memory_space<vmem>>
        %dma_start3A_1042 = tpu.memref_squeeze %dma_start3A_1041 : memref<1x8x8x128xf32, #tpu.memory_space<vmem>> -> memref<8x8x128xf32, #tpu.memory_space<vmem>>
        %dma_start3A_1043 = arith.constant 0 : i32
        %dma_start3A_1044 = arith.constant 0 : i32
        %dma_start3A_1045 = tpu.memref_slice %arg2[%dma_start3A_1043, %dma_start3A_1044, %multiple_of3A] : memref<8x8x1500000xf32, #tpu.memory_space<hbm>> -> memref<8x8x128xf32, #tpu.memory_space<hbm>>
        %dma_start3A_1046 = tpu.memref_reshape %arg6 : memref<512x128xf32, #tpu.memory_space<vmem>> -> memref<8x8x8x128xf32, #tpu.memory_space<vmem>>
        %dma_start3A_1047 = arith.constant 0 : i32
        %dma_start3A_1048 = arith.constant 0 : i32
        %dma_start3A_1049 = arith.constant 0 : i32
        %dma_start3A_1050 = tpu.memref_slice %dma_start3A_1046[%select_n3A_62, %dma_start3A_1047, %dma_start3A_1048, %dma_start3A_1049] : memref<8x8x8x128xf32, #tpu.memory_space<vmem>> -> memref<1x8x8x128xf32, #tpu.memory_space<vmem>>
        %dma_start3A_1051 = tpu.memref_squeeze %dma_start3A_1050 : memref<1x8x8x128xf32, #tpu.memory_space<vmem>> -> memref<8x8x128xf32, #tpu.memory_space<vmem>>
        %dma_start3A_1052 = arith.constant 0 : i32
        %dma_start3A_1053 = arith.constant 0 : i32
        %dma_start3A_1054 = tpu.memref_slice %arg2[%dma_start3A_1052, %dma_start3A_1053, %multiple_of3A] : memref<8x8x1500000xf32, #tpu.memory_space<hbm>> -> memref<8x8x128xf32, #tpu.memory_space<hbm>>
        tpu.enqueue_dma source(%dma_start3A_1054 : memref<8x8x128xf32, #tpu.memory_space<hbm>>) target(%dma_start3A_1051 : memref<8x8x128xf32, #tpu.memory_space<vmem>>) target_semaphore(%arg8 : memref<!tpu.dma_semaphore, #tpu.memory_space<semaphore_mem>>)
      } else {
      }
      %convert_element_type3A_66 = arith.extui %ne3A_59 : i1 to i32
      %add3A_67 = arith.addi %add3A_56, %convert_element_type3A_66 : i32
      %slice3A_68 = vector.extract_strided_slice %shift_right_arithmetic3A_27 {offsets = [4], sizes = [1], strides = [1]} : vector<16xi32> to vector<1xi32>
      %squeeze3A_69 = vector.extract %slice3A_68[0] : i32 from vector<1xi32>
      %ne3A_70 = arith.cmpi ne, %squeeze3A_69, %squeeze3A_58 : i32
      %and3A_71 = arith.constant 7 : i32
      %and3A_72 = arith.andi %add3A_67, %and3A_71 : i32
      %select_n3A_73 = arith.select %ne3A_70, %and3A_72, %select_n3A_62 : i32
      %convert_element_type3A_74 = arith.extui %ne3A_70 : i1 to i32
      %cond3A_75 = arith.constant 0 : i32
      %cond3A_76 = arith.cmpi ne, %convert_element_type3A_74, %cond3A_75 : i32
      scf.if %cond3A_76 {
        %mul3A_1036 = arith.constant 128 : i32
        %mul3A_1037 = arith.muli %squeeze3A_69, %mul3A_1036 : i32
        %multiple_of3A = tpu.assume_multiple %mul3A_1037, 128 : i32
        %dma_start3A = tpu.memref_reshape %arg6 : memref<512x128xf32, #tpu.memory_space<vmem>> -> memref<8x8x8x128xf32, #tpu.memory_space<vmem>>
        %dma_start3A_1038 = arith.constant 0 : i32
        %dma_start3A_1039 = arith.constant 0 : i32
        %dma_start3A_1040 = arith.constant 0 : i32
        %dma_start3A_1041 = tpu.memref_slice %dma_start3A[%select_n3A_73, %dma_start3A_1038, %dma_start3A_1039, %dma_start3A_1040] : memref<8x8x8x128xf32, #tpu.memory_space<vmem>> -> memref<1x8x8x128xf32, #tpu.memory_space<vmem>>
        %dma_start3A_1042 = tpu.memref_squeeze %dma_start3A_1041 : memref<1x8x8x128xf32, #tpu.memory_space<vmem>> -> memref<8x8x128xf32, #tpu.memory_space<vmem>>
        %dma_start3A_1043 = arith.constant 0 : i32
        %dma_start3A_1044 = arith.constant 0 : i32
        %dma_start3A_1045 = tpu.memref_slice %arg2[%dma_start3A_1043, %dma_start3A_1044, %multiple_of3A] : memref<8x8x1500000xf32, #tpu.memory_space<hbm>> -> memref<8x8x128xf32, #tpu.memory_space<hbm>>
        %dma_start3A_1046 = tpu.memref_reshape %arg6 : memref<512x128xf32, #tpu.memory_space<vmem>> -> memref<8x8x8x128xf32, #tpu.memory_space<vmem>>
        %dma_start3A_1047 = arith.constant 0 : i32
        %dma_start3A_1048 = arith.constant 0 : i32
        %dma_start3A_1049 = arith.constant 0 : i32
        %dma_start3A_1050 = tpu.memref_slice %dma_start3A_1046[%select_n3A_73, %dma_start3A_1047, %dma_start3A_1048, %dma_start3A_1049] : memref<8x8x8x128xf32, #tpu.memory_space<vmem>> -> memref<1x8x8x128xf32, #tpu.memory_space<vmem>>
        %dma_start3A_1051 = tpu.memref_squeeze %dma_start3A_1050 : memref<1x8x8x128xf32, #tpu.memory_space<vmem>> -> memref<8x8x128xf32, #tpu.memory_space<vmem>>
        %dma_start3A_1052 = arith.constant 0 : i32
        %dma_start3A_1053 = arith.constant 0 : i32
        %dma_start3A_1054 = tpu.memref_slice %arg2[%dma_start3A_1052, %dma_start3A_1053, %multiple_of3A] : memref<8x8x1500000xf32, #tpu.memory_space<hbm>> -> memref<8x8x128xf32, #tpu.memory_space<hbm>>
        tpu.enqueue_dma source(%dma_start3A_1054 : memref<8x8x128xf32, #tpu.memory_space<hbm>>) target(%dma_start3A_1051 : memref<8x8x128xf32, #tpu.memory_space<vmem>>) target_semaphore(%arg9 : memref<!tpu.dma_semaphore, #tpu.memory_space<semaphore_mem>>)
      } else {
      }
      %convert_element_type3A_77 = arith.extui %ne3A_70 : i1 to i32
      %add3A_78 = arith.addi %add3A_67, %convert_element_type3A_77 : i32
      %slice3A_79 = vector.extract_strided_slice %shift_right_arithmetic3A_27 {offsets = [5], sizes = [1], strides = [1]} : vector<16xi32> to vector<1xi32>
      %squeeze3A_80 = vector.extract %slice3A_79[0] : i32 from vector<1xi32>
      %ne3A_81 = arith.cmpi ne, %squeeze3A_80, %squeeze3A_69 : i32
      %and3A_82 = arith.constant 7 : i32
      %and3A_83 = arith.andi %add3A_78, %and3A_82 : i32
      %select_n3A_84 = arith.select %ne3A_81, %and3A_83, %select_n3A_73 : i32
      %convert_element_type3A_85 = arith.extui %ne3A_81 : i1 to i32
      %cond3A_86 = arith.constant 0 : i32
      %cond3A_87 = arith.cmpi ne, %convert_element_type3A_85, %cond3A_86 : i32
      scf.if %cond3A_87 {
        %mul3A_1036 = arith.constant 128 : i32
        %mul3A_1037 = arith.muli %squeeze3A_80, %mul3A_1036 : i32
        %multiple_of3A = tpu.assume_multiple %mul3A_1037, 128 : i32
        %dma_start3A = tpu.memref_reshape %arg6 : memref<512x128xf32, #tpu.memory_space<vmem>> -> memref<8x8x8x128xf32, #tpu.memory_space<vmem>>
        %dma_start3A_1038 = arith.constant 0 : i32
        %dma_start3A_1039 = arith.constant 0 : i32
        %dma_start3A_1040 = arith.constant 0 : i32
        %dma_start3A_1041 = tpu.memref_slice %dma_start3A[%select_n3A_84, %dma_start3A_1038, %dma_start3A_1039, %dma_start3A_1040] : memref<8x8x8x128xf32, #tpu.memory_space<vmem>> -> memref<1x8x8x128xf32, #tpu.memory_space<vmem>>
        %dma_start3A_1042 = tpu.memref_squeeze %dma_start3A_1041 : memref<1x8x8x128xf32, #tpu.memory_space<vmem>> -> memref<8x8x128xf32, #tpu.memory_space<vmem>>
        %dma_start3A_1043 = arith.constant 0 : i32
        %dma_start3A_1044 = arith.constant 0 : i32
        %dma_start3A_1045 = tpu.memref_slice %arg2[%dma_start3A_1043, %dma_start3A_1044, %multiple_of3A] : memref<8x8x1500000xf32, #tpu.memory_space<hbm>> -> memref<8x8x128xf32, #tpu.memory_space<hbm>>
        %dma_start3A_1046 = tpu.memref_reshape %arg6 : memref<512x128xf32, #tpu.memory_space<vmem>> -> memref<8x8x8x128xf32, #tpu.memory_space<vmem>>
        %dma_start3A_1047 = arith.constant 0 : i32
        %dma_start3A_1048 = arith.constant 0 : i32
        %dma_start3A_1049 = arith.constant 0 : i32
        %dma_start3A_1050 = tpu.memref_slice %dma_start3A_1046[%select_n3A_84, %dma_start3A_1047, %dma_start3A_1048, %dma_start3A_1049] : memref<8x8x8x128xf32, #tpu.memory_space<vmem>> -> memref<1x8x8x128xf32, #tpu.memory_space<vmem>>
        %dma_start3A_1051 = tpu.memref_squeeze %dma_start3A_1050 : memref<1x8x8x128xf32, #tpu.memory_space<vmem>> -> memref<8x8x128xf32, #tpu.memory_space<vmem>>
        %dma_start3A_1052 = arith.constant 0 : i32
        %dma_start3A_1053 = arith.constant 0 : i32
        %dma_start3A_1054 = tpu.memref_slice %arg2[%dma_start3A_1052, %dma_start3A_1053, %multiple_of3A] : memref<8x8x1500000xf32, #tpu.memory_space<hbm>> -> memref<8x8x128xf32, #tpu.memory_space<hbm>>
        tpu.enqueue_dma source(%dma_start3A_1054 : memref<8x8x128xf32, #tpu.memory_space<hbm>>) target(%dma_start3A_1051 : memref<8x8x128xf32, #tpu.memory_space<vmem>>) target_semaphore(%arg9 : memref<!tpu.dma_semaphore, #tpu.memory_space<semaphore_mem>>)
      } else {
      }
      %convert_element_type3A_88 = arith.extui %ne3A_81 : i1 to i32
      %add3A_89 = arith.addi %add3A_78, %convert_element_type3A_88 : i32
      %slice3A_90 = vector.extract_strided_slice %shift_right_arithmetic3A_27 {offsets = [6], sizes = [1], strides = [1]} : vector<16xi32> to vector<1xi32>
      %squeeze3A_91 = vector.extract %slice3A_90[0] : i32 from vector<1xi32>
      %ne3A_92 = arith.cmpi ne, %squeeze3A_91, %squeeze3A_80 : i32
      %and3A_93 = arith.constant 7 : i32
      %and3A_94 = arith.andi %add3A_89, %and3A_93 : i32
      %select_n3A_95 = arith.select %ne3A_92, %and3A_94, %select_n3A_84 : i32
      %convert_element_type3A_96 = arith.extui %ne3A_92 : i1 to i32
      %cond3A_97 = arith.constant 0 : i32
      %cond3A_98 = arith.cmpi ne, %convert_element_type3A_96, %cond3A_97 : i32
      scf.if %cond3A_98 {
        %mul3A_1036 = arith.constant 128 : i32
        %mul3A_1037 = arith.muli %squeeze3A_91, %mul3A_1036 : i32
        %multiple_of3A = tpu.assume_multiple %mul3A_1037, 128 : i32
        %dma_start3A = tpu.memref_reshape %arg6 : memref<512x128xf32, #tpu.memory_space<vmem>> -> memref<8x8x8x128xf32, #tpu.memory_space<vmem>>
        %dma_start3A_1038 = arith.constant 0 : i32
        %dma_start3A_1039 = arith.constant 0 : i32
        %dma_start3A_1040 = arith.constant 0 : i32
        %dma_start3A_1041 = tpu.memref_slice %dma_start3A[%select_n3A_95, %dma_start3A_1038, %dma_start3A_1039, %dma_start3A_1040] : memref<8x8x8x128xf32, #tpu.memory_space<vmem>> -> memref<1x8x8x128xf32, #tpu.memory_space<vmem>>
        %dma_start3A_1042 = tpu.memref_squeeze %dma_start3A_1041 : memref<1x8x8x128xf32, #tpu.memory_space<vmem>> -> memref<8x8x128xf32, #tpu.memory_space<vmem>>
        %dma_start3A_1043 = arith.constant 0 : i32
        %dma_start3A_1044 = arith.constant 0 : i32
        %dma_start3A_1045 = tpu.memref_slice %arg2[%dma_start3A_1043, %dma_start3A_1044, %multiple_of3A] : memref<8x8x1500000xf32, #tpu.memory_space<hbm>> -> memref<8x8x128xf32, #tpu.memory_space<hbm>>
        %dma_start3A_1046 = tpu.memref_reshape %arg6 : memref<512x128xf32, #tpu.memory_space<vmem>> -> memref<8x8x8x128xf32, #tpu.memory_space<vmem>>
        %dma_start3A_1047 = arith.constant 0 : i32
        %dma_start3A_1048 = arith.constant 0 : i32
        %dma_start3A_1049 = arith.constant 0 : i32
        %dma_start3A_1050 = tpu.memref_slice %dma_start3A_1046[%select_n3A_95, %dma_start3A_1047, %dma_start3A_1048, %dma_start3A_1049] : memref<8x8x8x128xf32, #tpu.memory_space<vmem>> -> memref<1x8x8x128xf32, #tpu.memory_space<vmem>>
        %dma_start3A_1051 = tpu.memref_squeeze %dma_start3A_1050 : memref<1x8x8x128xf32, #tpu.memory_space<vmem>> -> memref<8x8x128xf32, #tpu.memory_space<vmem>>
        %dma_start3A_1052 = arith.constant 0 : i32
        %dma_start3A_1053 = arith.constant 0 : i32
        %dma_start3A_1054 = tpu.memref_slice %arg2[%dma_start3A_1052, %dma_start3A_1053, %multiple_of3A] : memref<8x8x1500000xf32, #tpu.memory_space<hbm>> -> memref<8x8x128xf32, #tpu.memory_space<hbm>>
        tpu.enqueue_dma source(%dma_start3A_1054 : memref<8x8x128xf32, #tpu.memory_space<hbm>>) target(%dma_start3A_1051 : memref<8x8x128xf32, #tpu.memory_space<vmem>>) target_semaphore(%arg9 : memref<!tpu.dma_semaphore, #tpu.memory_space<semaphore_mem>>)
      } else {
      }
      %convert_element_type3A_99 = arith.extui %ne3A_92 : i1 to i32
      %add3A_100 = arith.addi %add3A_89, %convert_element_type3A_99 : i32
      %slice3A_101 = vector.extract_strided_slice %shift_right_arithmetic3A_27 {offsets = [7], sizes = [1], strides = [1]} : vector<16xi32> to vector<1xi32>
      %squeeze3A_102 = vector.extract %slice3A_101[0] : i32 from vector<1xi32>
      %ne3A_103 = arith.cmpi ne, %squeeze3A_102, %squeeze3A_91 : i32
      %and3A_104 = arith.constant 7 : i32
      %and3A_105 = arith.andi %add3A_100, %and3A_104 : i32
      %select_n3A_106 = arith.select %ne3A_103, %and3A_105, %select_n3A_95 : i32
      %convert_element_type3A_107 = arith.extui %ne3A_103 : i1 to i32
      %cond3A_108 = arith.constant 0 : i32
      %cond3A_109 = arith.cmpi ne, %convert_element_type3A_107, %cond3A_108 : i32
      scf.if %cond3A_109 {
        %mul3A_1036 = arith.constant 128 : i32
        %mul3A_1037 = arith.muli %squeeze3A_102, %mul3A_1036 : i32
        %multiple_of3A = tpu.assume_multiple %mul3A_1037, 128 : i32
        %dma_start3A = tpu.memref_reshape %arg6 : memref<512x128xf32, #tpu.memory_space<vmem>> -> memref<8x8x8x128xf32, #tpu.memory_space<vmem>>
        %dma_start3A_1038 = arith.constant 0 : i32
        %dma_start3A_1039 = arith.constant 0 : i32
        %dma_start3A_1040 = arith.constant 0 : i32
        %dma_start3A_1041 = tpu.memref_slice %dma_start3A[%select_n3A_106, %dma_start3A_1038, %dma_start3A_1039, %dma_start3A_1040] : memref<8x8x8x128xf32, #tpu.memory_space<vmem>> -> memref<1x8x8x128xf32, #tpu.memory_space<vmem>>
        %dma_start3A_1042 = tpu.memref_squeeze %dma_start3A_1041 : memref<1x8x8x128xf32, #tpu.memory_space<vmem>> -> memref<8x8x128xf32, #tpu.memory_space<vmem>>
        %dma_start3A_1043 = arith.constant 0 : i32
        %dma_start3A_1044 = arith.constant 0 : i32
        %dma_start3A_1045 = tpu.memref_slice %arg2[%dma_start3A_1043, %dma_start3A_1044, %multiple_of3A] : memref<8x8x1500000xf32, #tpu.memory_space<hbm>> -> memref<8x8x128xf32, #tpu.memory_space<hbm>>
        %dma_start3A_1046 = tpu.memref_reshape %arg6 : memref<512x128xf32, #tpu.memory_space<vmem>> -> memref<8x8x8x128xf32, #tpu.memory_space<vmem>>
        %dma_start3A_1047 = arith.constant 0 : i32
        %dma_start3A_1048 = arith.constant 0 : i32
        %dma_start3A_1049 = arith.constant 0 : i32
        %dma_start3A_1050 = tpu.memref_slice %dma_start3A_1046[%select_n3A_106, %dma_start3A_1047, %dma_start3A_1048, %dma_start3A_1049] : memref<8x8x8x128xf32, #tpu.memory_space<vmem>> -> memref<1x8x8x128xf32, #tpu.memory_space<vmem>>
        %dma_start3A_1051 = tpu.memref_squeeze %dma_start3A_1050 : memref<1x8x8x128xf32, #tpu.memory_space<vmem>> -> memref<8x8x128xf32, #tpu.memory_space<vmem>>
        %dma_start3A_1052 = arith.constant 0 : i32
        %dma_start3A_1053 = arith.constant 0 : i32
        %dma_start3A_1054 = tpu.memref_slice %arg2[%dma_start3A_1052, %dma_start3A_1053, %multiple_of3A] : memref<8x8x1500000xf32, #tpu.memory_space<hbm>> -> memref<8x8x128xf32, #tpu.memory_space<hbm>>
        tpu.enqueue_dma source(%dma_start3A_1054 : memref<8x8x128xf32, #tpu.memory_space<hbm>>) target(%dma_start3A_1051 : memref<8x8x128xf32, #tpu.memory_space<vmem>>) target_semaphore(%arg9 : memref<!tpu.dma_semaphore, #tpu.memory_space<semaphore_mem>>)
      } else {
      }
      %convert_element_type3A_110 = arith.extui %ne3A_103 : i1 to i32
      %add3A_111 = arith.addi %add3A_100, %convert_element_type3A_110 : i32
      %sub3A = arith.constant 16 : i32
      %sub3A_112 = arith.subi %scan3A_19, %sub3A : i32
      %convert_element_type3A_113 = arith.extui %ne3A : i1 to i32
      %cond3A_114 = arith.constant 0 : i32
      %cond3A_115 = arith.cmpi ne, %convert_element_type3A_113, %cond3A_114 : i32
      scf.if %cond3A_115 {
        %dma_wait3A = tpu.memref_reshape %arg6 : memref<512x128xf32, #tpu.memory_space<vmem>> -> memref<8x8x8x128xf32, #tpu.memory_space<vmem>>
        %dma_wait3A_1036 = arith.constant 0 : i32
        %dma_wait3A_1037 = arith.constant 0 : i32
        %dma_wait3A_1038 = arith.constant 0 : i32
        %dma_wait3A_1039 = tpu.memref_slice %dma_wait3A[%select_n3A, %dma_wait3A_1036, %dma_wait3A_1037, %dma_wait3A_1038] : memref<8x8x8x128xf32, #tpu.memory_space<vmem>> -> memref<1x8x8x128xf32, #tpu.memory_space<vmem>>
        %dma_wait3A_1040 = tpu.memref_squeeze %dma_wait3A_1039 : memref<1x8x8x128xf32, #tpu.memory_space<vmem>> -> memref<8x8x128xf32, #tpu.memory_space<vmem>>
        %dma_wait3A_1041 = arith.constant 0 : i32
        %dma_wait3A_1042 = arith.constant 0 : i32
        %dma_wait3A_1043 = arith.constant 0 : i32
        %dma_wait3A_1044 = tpu.memref_slice %arg2[%dma_wait3A_1041, %dma_wait3A_1042, %dma_wait3A_1043] : memref<8x8x1500000xf32, #tpu.memory_space<hbm>> -> memref<8x8x128xf32, #tpu.memory_space<hbm>>
        %dma_wait3A_1045 = tpu.memref_reshape %arg6 : memref<512x128xf32, #tpu.memory_space<vmem>> -> memref<8x8x8x128xf32, #tpu.memory_space<vmem>>
        %dma_wait3A_1046 = arith.constant 0 : i32
        %dma_wait3A_1047 = arith.constant 0 : i32
        %dma_wait3A_1048 = arith.constant 0 : i32
        %dma_wait3A_1049 = tpu.memref_slice %dma_wait3A_1045[%select_n3A, %dma_wait3A_1046, %dma_wait3A_1047, %dma_wait3A_1048] : memref<8x8x8x128xf32, #tpu.memory_space<vmem>> -> memref<1x8x8x128xf32, #tpu.memory_space<vmem>>
        %dma_wait3A_1050 = tpu.memref_squeeze %dma_wait3A_1049 : memref<1x8x8x128xf32, #tpu.memory_space<vmem>> -> memref<8x8x128xf32, #tpu.memory_space<vmem>>
        %dma_wait3A_1051 = arith.constant 0 : i32
        %dma_wait3A_1052 = arith.constant 0 : i32
        %dma_wait3A_1053 = arith.constant 0 : i32
        %dma_wait3A_1054 = tpu.memref_slice %arg2[%dma_wait3A_1051, %dma_wait3A_1052, %dma_wait3A_1053] : memref<8x8x1500000xf32, #tpu.memory_space<hbm>> -> memref<8x8x128xf32, #tpu.memory_space<hbm>>
        tpu.wait_dma2 semaphore(%arg8 : memref<!tpu.dma_semaphore, #tpu.memory_space<semaphore_mem>>) src(%dma_wait3A_1054 : memref<8x8x128xf32, #tpu.memory_space<hbm>>) dst(%dma_wait3A_1050 : memref<8x8x128xf32, #tpu.memory_space<vmem>>)
      } else {
      }
      %mul3A_116 = arith.constant 16 : i32
      %mul3A_117 = arith.muli %sub3A_112, %mul3A_116 : i32
      %add3A_118 = arith.constant 0 : i32
      %add3A_119 = arith.addi %mul3A_117, %add3A_118 : i32
      %add3A_120 = arith.constant 0 : i32
      %add3A_121 = arith.addi %add3A_119, %add3A_120 : i32
      %slice3A_122 = vector.extract_strided_slice %and3A_29 {offsets = [0], sizes = [1], strides = [1]} : vector<16xi32> to vector<1xi32>
      %squeeze3A_123 = vector.extract %slice3A_122[0] : i32 from vector<1xi32>
      %broadcast_in_dim3A = vector.broadcast %squeeze3A_123 : i32 to vector<16xi32>
      %mul3A_124 = arith.constant 64 : i32
      %mul3A_125 = arith.muli %select_n3A, %mul3A_124 : i32
      %add3A_126 = arith.constant 0 : i32
      %add3A_127 = arith.addi %mul3A_125, %add3A_126 : i32
      %add3A_128 = vector.broadcast %add3A_127 : i32 to vector<16xi32>
      %add3A_129 = arith.addi %add3A_128, %iota3A : vector<16xi32>
      %gather3A = tpu.vector_load_idx %arg6[%add3A_129, %broadcast_in_dim3A] : memref<512x128xf32, #tpu.memory_space<vmem>>[vector<16xi32>, vector<16xi32>], vector<16xf32>,
      %swap3A = arith.index_cast %add3A_121 : i32 to index
      %swap3A_130 = arith.constant 0 : index
      %swap3A_131 = tpu.vector_load %arg7[%swap3A, %swap3A_130] {strides = array<i32>} : memref<256x64xf32, #tpu.memory_space<vmem>>, vector<16xf32>,
      tpu.vector_store %arg7[%swap3A, %swap3A_130], %gather3A {strides = array<i32>} : memref<256x64xf32, #tpu.memory_space<vmem>>, vector<16xf32>,
      %mul3A_132 = arith.constant 64 : i32
      %mul3A_133 = arith.muli %select_n3A, %mul3A_132 : i32
      %add3A_134 = arith.constant 16 : i32
      %add3A_135 = arith.addi %mul3A_133, %add3A_134 : i32
      %add3A_136 = vector.broadcast %add3A_135 : i32 to vector<16xi32>
      %add3A_137 = arith.addi %add3A_136, %iota3A : vector<16xi32>
      %gather3A_138 = tpu.vector_load_idx %arg6[%add3A_137, %broadcast_in_dim3A] : memref<512x128xf32, #tpu.memory_space<vmem>>[vector<16xi32>, vector<16xi32>], vector<16xf32>,
      %swap3A_139 = arith.index_cast %add3A_121 : i32 to index
      %swap3A_140 = arith.constant 16 : index
      %swap3A_141 = tpu.vector_load %arg7[%swap3A_139, %swap3A_140] {strides = array<i32>} : memref<256x64xf32, #tpu.memory_space<vmem>>, vector<16xf32>,
      tpu.vector_store %arg7[%swap3A_139, %swap3A_140], %gather3A_138 {strides = array<i32>} : memref<256x64xf32, #tpu.memory_space<vmem>>, vector<16xf32>,
      %mul3A_142 = arith.constant 64 : i32
      %mul3A_143 = arith.muli %select_n3A, %mul3A_142 : i32
      %add3A_144 = arith.constant 32 : i32
      %add3A_145 = arith.addi %mul3A_143, %add3A_144 : i32
      %add3A_146 = vector.broadcast %add3A_145 : i32 to vector<16xi32>
      %add3A_147 = arith.addi %add3A_146, %iota3A : vector<16xi32>
      %gather3A_148 = tpu.vector_load_idx %arg6[%add3A_147, %broadcast_in_dim3A] : memref<512x128xf32, #tpu.memory_space<vmem>>[vector<16xi32>, vector<16xi32>], vector<16xf32>,
      %swap3A_149 = arith.index_cast %add3A_121 : i32 to index
      %swap3A_150 = arith.constant 32 : index
      %swap3A_151 = tpu.vector_load %arg7[%swap3A_149, %swap3A_150] {strides = array<i32>} : memref<256x64xf32, #tpu.memory_space<vmem>>, vector<16xf32>,
      tpu.vector_store %arg7[%swap3A_149, %swap3A_150], %gather3A_148 {strides = array<i32>} : memref<256x64xf32, #tpu.memory_space<vmem>>, vector<16xf32>,
      %mul3A_152 = arith.constant 64 : i32
      %mul3A_153 = arith.muli %select_n3A, %mul3A_152 : i32
      %add3A_154 = arith.constant 48 : i32
      %add3A_155 = arith.addi %mul3A_153, %add3A_154 : i32
      %add3A_156 = vector.broadcast %add3A_155 : i32 to vector<16xi32>
      %add3A_157 = arith.addi %add3A_156, %iota3A : vector<16xi32>
      %gather3A_158 = tpu.vector_load_idx %arg6[%add3A_157, %broadcast_in_dim3A] : memref<512x128xf32, #tpu.memory_space<vmem>>[vector<16xi32>, vector<16xi32>], vector<16xf32>,
      %swap3A_159 = arith.index_cast %add3A_121 : i32 to index
      %swap3A_160 = arith.constant 48 : index
      %swap3A_161 = tpu.vector_load %arg7[%swap3A_159, %swap3A_160] {strides = array<i32>} : memref<256x64xf32, #tpu.memory_space<vmem>>, vector<16xf32>,
      tpu.vector_store %arg7[%swap3A_159, %swap3A_160], %gather3A_158 {strides = array<i32>} : memref<256x64xf32, #tpu.memory_space<vmem>>, vector<16xf32>,
      %convert_element_type3A_162 = arith.extui %ne3A_37 : i1 to i32
      %cond3A_163 = arith.constant 0 : i32
      %cond3A_164 = arith.cmpi ne, %convert_element_type3A_162, %cond3A_163 : i32
      scf.if %cond3A_164 {
        %dma_wait3A = tpu.memref_reshape %arg6 : memref<512x128xf32, #tpu.memory_space<vmem>> -> memref<8x8x8x128xf32, #tpu.memory_space<vmem>>
        %dma_wait3A_1036 = arith.constant 0 : i32
        %dma_wait3A_1037 = arith.constant 0 : i32
        %dma_wait3A_1038 = arith.constant 0 : i32
        %dma_wait3A_1039 = tpu.memref_slice %dma_wait3A[%select_n3A_40, %dma_wait3A_1036, %dma_wait3A_1037, %dma_wait3A_1038] : memref<8x8x8x128xf32, #tpu.memory_space<vmem>> -> memref<1x8x8x128xf32, #tpu.memory_space<vmem>>
        %dma_wait3A_1040 = tpu.memref_squeeze %dma_wait3A_1039 : memref<1x8x8x128xf32, #tpu.memory_space<vmem>> -> memref<8x8x128xf32, #tpu.memory_space<vmem>>
        %dma_wait3A_1041 = arith.constant 0 : i32
        %dma_wait3A_1042 = arith.constant 0 : i32
        %dma_wait3A_1043 = arith.constant 0 : i32
        %dma_wait3A_1044 = tpu.memref_slice %arg2[%dma_wait3A_1041, %dma_wait3A_1042, %dma_wait3A_1043] : memref<8x8x1500000xf32, #tpu.memory_space<hbm>> -> memref<8x8x128xf32, #tpu.memory_space<hbm>>
        %dma_wait3A_1045 = tpu.memref_reshape %arg6 : memref<512x128xf32, #tpu.memory_space<vmem>> -> memref<8x8x8x128xf32, #tpu.memory_space<vmem>>
        %dma_wait3A_1046 = arith.constant 0 : i32
        %dma_wait3A_1047 = arith.constant 0 : i32
        %dma_wait3A_1048 = arith.constant 0 : i32
        %dma_wait3A_1049 = tpu.memref_slice %dma_wait3A_1045[%select_n3A_40, %dma_wait3A_1046, %dma_wait3A_1047, %dma_wait3A_1048] : memref<8x8x8x128xf32, #tpu.memory_space<vmem>> -> memref<1x8x8x128xf32, #tpu.memory_space<vmem>>
        %dma_wait3A_1050 = tpu.memref_squeeze %dma_wait3A_1049 : memref<1x8x8x128xf32, #tpu.memory_space<vmem>> -> memref<8x8x128xf32, #tpu.memory_space<vmem>>
        %dma_wait3A_1051 = arith.constant 0 : i32
        %dma_wait3A_1052 = arith.constant 0 : i32
        %dma_wait3A_1053 = arith.constant 0 : i32
        %dma_wait3A_1054 = tpu.memref_slice %arg2[%dma_wait3A_1051, %dma_wait3A_1052, %dma_wait3A_1053] : memref<8x8x1500000xf32, #tpu.memory_space<hbm>> -> memref<8x8x128xf32, #tpu.memory_space<hbm>>
        tpu.wait_dma2 semaphore(%arg8 : memref<!tpu.dma_semaphore, #tpu.memory_space<semaphore_mem>>) src(%dma_wait3A_1054 : memref<8x8x128xf32, #tpu.memory_space<hbm>>) dst(%dma_wait3A_1050 : memref<8x8x128xf32, #tpu.memory_space<vmem>>)
      } else {
      }
      %mul3A_165 = arith.constant 16 : i32
      %mul3A_166 = arith.muli %sub3A_112, %mul3A_165 : i32
      %add3A_167 = arith.constant 0 : i32
      %add3A_168 = arith.addi %mul3A_166, %add3A_167 : i32
      %add3A_169 = arith.constant 1 : i32
      %add3A_170 = arith.addi %add3A_168, %add3A_169 : i32
      %slice3A_171 = vector.extract_strided_slice %and3A_29 {offsets = [1], sizes = [1], strides = [1]} : vector<16xi32> to vector<1xi32>
      %squeeze3A_172 = vector.extract %slice3A_171[0] : i32 from vector<1xi32>
      %broadcast_in_dim3A_173 = vector.broadcast %squeeze3A_172 : i32 to vector<16xi32>
      %mul3A_174 = arith.constant 64 : i32
      %mul3A_175 = arith.muli %select_n3A_40, %mul3A_174 : i32
      %add3A_176 = arith.constant 0 : i32
      %add3A_177 = arith.addi %mul3A_175, %add3A_176 : i32
      %add3A_178 = vector.broadcast %add3A_177 : i32 to vector<16xi32>
      %add3A_179 = arith.addi %add3A_178, %iota3A : vector<16xi32>
      %gather3A_180 = tpu.vector_load_idx %arg6[%add3A_179, %broadcast_in_dim3A_173] : memref<512x128xf32, #tpu.memory_space<vmem>>[vector<16xi32>, vector<16xi32>], vector<16xf32>,
      %swap3A_181 = arith.index_cast %add3A_170 : i32 to index
      %swap3A_182 = arith.constant 0 : index
      %swap3A_183 = tpu.vector_load %arg7[%swap3A_181, %swap3A_182] {strides = array<i32>} : memref<256x64xf32, #tpu.memory_space<vmem>>, vector<16xf32>,
      tpu.vector_store %arg7[%swap3A_181, %swap3A_182], %gather3A_180 {strides = array<i32>} : memref<256x64xf32, #tpu.memory_space<vmem>>, vector<16xf32>,
      %mul3A_184 = arith.constant 64 : i32
      %mul3A_185 = arith.muli %select_n3A_40, %mul3A_184 : i32
      %add3A_186 = arith.constant 16 : i32
      %add3A_187 = arith.addi %mul3A_185, %add3A_186 : i32
      %add3A_188 = vector.broadcast %add3A_187 : i32 to vector<16xi32>
      %add3A_189 = arith.addi %add3A_188, %iota3A : vector<16xi32>
      %gather3A_190 = tpu.vector_load_idx %arg6[%add3A_189, %broadcast_in_dim3A_173] : memref<512x128xf32, #tpu.memory_space<vmem>>[vector<16xi32>, vector<16xi32>], vector<16xf32>,
      %swap3A_191 = arith.index_cast %add3A_170 : i32 to index
      %swap3A_192 = arith.constant 16 : index
      %swap3A_193 = tpu.vector_load %arg7[%swap3A_191, %swap3A_192] {strides = array<i32>} : memref<256x64xf32, #tpu.memory_space<vmem>>, vector<16xf32>,
      tpu.vector_store %arg7[%swap3A_191, %swap3A_192], %gather3A_190 {strides = array<i32>} : memref<256x64xf32, #tpu.memory_space<vmem>>, vector<16xf32>,
      %mul3A_194 = arith.constant 64 : i32
      %mul3A_195 = arith.muli %select_n3A_40, %mul3A_194 : i32
      %add3A_196 = arith.constant 32 : i32
      %add3A_197 = arith.addi %mul3A_195, %add3A_196 : i32
      %add3A_198 = vector.broadcast %add3A_197 : i32 to vector<16xi32>
      %add3A_199 = arith.addi %add3A_198, %iota3A : vector<16xi32>
      %gather3A_200 = tpu.vector_load_idx %arg6[%add3A_199, %broadcast_in_dim3A_173] : memref<512x128xf32, #tpu.memory_space<vmem>>[vector<16xi32>, vector<16xi32>], vector<16xf32>,
      %swap3A_201 = arith.index_cast %add3A_170 : i32 to index
      %swap3A_202 = arith.constant 32 : index
      %swap3A_203 = tpu.vector_load %arg7[%swap3A_201, %swap3A_202] {strides = array<i32>} : memref<256x64xf32, #tpu.memory_space<vmem>>, vector<16xf32>,
      tpu.vector_store %arg7[%swap3A_201, %swap3A_202], %gather3A_200 {strides = array<i32>} : memref<256x64xf32, #tpu.memory_space<vmem>>, vector<16xf32>,
      %mul3A_204 = arith.constant 64 : i32
      %mul3A_205 = arith.muli %select_n3A_40, %mul3A_204 : i32
      %add3A_206 = arith.constant 48 : i32
      %add3A_207 = arith.addi %mul3A_205, %add3A_206 : i32
      %add3A_208 = vector.broadcast %add3A_207 : i32 to vector<16xi32>
      %add3A_209 = arith.addi %add3A_208, %iota3A : vector<16xi32>
      %gather3A_210 = tpu.vector_load_idx %arg6[%add3A_209, %broadcast_in_dim3A_173] : memref<512x128xf32, #tpu.memory_space<vmem>>[vector<16xi32>, vector<16xi32>], vector<16xf32>,
      %swap3A_211 = arith.index_cast %add3A_170 : i32 to index
      %swap3A_212 = arith.constant 48 : index
      %swap3A_213 = tpu.vector_load %arg7[%swap3A_211, %swap3A_212] {strides = array<i32>} : memref<256x64xf32, #tpu.memory_space<vmem>>, vector<16xf32>,
      tpu.vector_store %arg7[%swap3A_211, %swap3A_212], %gather3A_210 {strides = array<i32>} : memref<256x64xf32, #tpu.memory_space<vmem>>, vector<16xf32>,
      %convert_element_type3A_214 = arith.extui %ne3A_48 : i1 to i32
      %cond3A_215 = arith.constant 0 : i32
      %cond3A_216 = arith.cmpi ne, %convert_element_type3A_214, %cond3A_215 : i32
      scf.if %cond3A_216 {
        %dma_wait3A = tpu.memref_reshape %arg6 : memref<512x128xf32, #tpu.memory_space<vmem>> -> memref<8x8x8x128xf32, #tpu.memory_space<vmem>>
        %dma_wait3A_1036 = arith.constant 0 : i32
        %dma_wait3A_1037 = arith.constant 0 : i32
        %dma_wait3A_1038 = arith.constant 0 : i32
        %dma_wait3A_1039 = tpu.memref_slice %dma_wait3A[%select_n3A_51, %dma_wait3A_1036, %dma_wait3A_1037, %dma_wait3A_1038] : memref<8x8x8x128xf32, #tpu.memory_space<vmem>> -> memref<1x8x8x128xf32, #tpu.memory_space<vmem>>
        %dma_wait3A_1040 = tpu.memref_squeeze %dma_wait3A_1039 : memref<1x8x8x128xf32, #tpu.memory_space<vmem>> -> memref<8x8x128xf32, #tpu.memory_space<vmem>>
        %dma_wait3A_1041 = arith.constant 0 : i32
        %dma_wait3A_1042 = arith.constant 0 : i32
        %dma_wait3A_1043 = arith.constant 0 : i32
        %dma_wait3A_1044 = tpu.memref_slice %arg2[%dma_wait3A_1041, %dma_wait3A_1042, %dma_wait3A_1043] : memref<8x8x1500000xf32, #tpu.memory_space<hbm>> -> memref<8x8x128xf32, #tpu.memory_space<hbm>>
        %dma_wait3A_1045 = tpu.memref_reshape %arg6 : memref<512x128xf32, #tpu.memory_space<vmem>> -> memref<8x8x8x128xf32, #tpu.memory_space<vmem>>
        %dma_wait3A_1046 = arith.constant 0 : i32
        %dma_wait3A_1047 = arith.constant 0 : i32
        %dma_wait3A_1048 = arith.constant 0 : i32
        %dma_wait3A_1049 = tpu.memref_slice %dma_wait3A_1045[%select_n3A_51, %dma_wait3A_1046, %dma_wait3A_1047, %dma_wait3A_1048] : memref<8x8x8x128xf32, #tpu.memory_space<vmem>> -> memref<1x8x8x128xf32, #tpu.memory_space<vmem>>
        %dma_wait3A_1050 = tpu.memref_squeeze %dma_wait3A_1049 : memref<1x8x8x128xf32, #tpu.memory_space<vmem>> -> memref<8x8x128xf32, #tpu.memory_space<vmem>>
        %dma_wait3A_1051 = arith.constant 0 : i32
        %dma_wait3A_1052 = arith.constant 0 : i32
        %dma_wait3A_1053 = arith.constant 0 : i32
        %dma_wait3A_1054 = tpu.memref_slice %arg2[%dma_wait3A_1051, %dma_wait3A_1052, %dma_wait3A_1053] : memref<8x8x1500000xf32, #tpu.memory_space<hbm>> -> memref<8x8x128xf32, #tpu.memory_space<hbm>>
        tpu.wait_dma2 semaphore(%arg8 : memref<!tpu.dma_semaphore, #tpu.memory_space<semaphore_mem>>) src(%dma_wait3A_1054 : memref<8x8x128xf32, #tpu.memory_space<hbm>>) dst(%dma_wait3A_1050 : memref<8x8x128xf32, #tpu.memory_space<vmem>>)
      } else {
      }
      %mul3A_217 = arith.constant 16 : i32
      %mul3A_218 = arith.muli %sub3A_112, %mul3A_217 : i32
      %add3A_219 = arith.constant 0 : i32
      %add3A_220 = arith.addi %mul3A_218, %add3A_219 : i32
      %add3A_221 = arith.constant 2 : i32
      %add3A_222 = arith.addi %add3A_220, %add3A_221 : i32
      %slice3A_223 = vector.extract_strided_slice %and3A_29 {offsets = [2], sizes = [1], strides = [1]} : vector<16xi32> to vector<1xi32>
      %squeeze3A_224 = vector.extract %slice3A_223[0] : i32 from vector<1xi32>
      %broadcast_in_dim3A_225 = vector.broadcast %squeeze3A_224 : i32 to vector<16xi32>
      %mul3A_226 = arith.constant 64 : i32
      %mul3A_227 = arith.muli %select_n3A_51, %mul3A_226 : i32
      %add3A_228 = arith.constant 0 : i32
      %add3A_229 = arith.addi %mul3A_227, %add3A_228 : i32
      %add3A_230 = vector.broadcast %add3A_229 : i32 to vector<16xi32>
      %add3A_231 = arith.addi %add3A_230, %iota3A : vector<16xi32>
      %gather3A_232 = tpu.vector_load_idx %arg6[%add3A_231, %broadcast_in_dim3A_225] : memref<512x128xf32, #tpu.memory_space<vmem>>[vector<16xi32>, vector<16xi32>], vector<16xf32>,
      %swap3A_233 = arith.index_cast %add3A_222 : i32 to index
      %swap3A_234 = arith.constant 0 : index
      %swap3A_235 = tpu.vector_load %arg7[%swap3A_233, %swap3A_234] {strides = array<i32>} : memref<256x64xf32, #tpu.memory_space<vmem>>, vector<16xf32>,
      tpu.vector_store %arg7[%swap3A_233, %swap3A_234], %gather3A_232 {strides = array<i32>} : memref<256x64xf32, #tpu.memory_space<vmem>>, vector<16xf32>,
      %mul3A_236 = arith.constant 64 : i32
      %mul3A_237 = arith.muli %select_n3A_51, %mul3A_236 : i32
      %add3A_238 = arith.constant 16 : i32
      %add3A_239 = arith.addi %mul3A_237, %add3A_238 : i32
      %add3A_240 = vector.broadcast %add3A_239 : i32 to vector<16xi32>
      %add3A_241 = arith.addi %add3A_240, %iota3A : vector<16xi32>
      %gather3A_242 = tpu.vector_load_idx %arg6[%add3A_241, %broadcast_in_dim3A_225] : memref<512x128xf32, #tpu.memory_space<vmem>>[vector<16xi32>, vector<16xi32>], vector<16xf32>,
      %swap3A_243 = arith.index_cast %add3A_222 : i32 to index
      %swap3A_244 = arith.constant 16 : index
      %swap3A_245 = tpu.vector_load %arg7[%swap3A_243, %swap3A_244] {strides = array<i32>} : memref<256x64xf32, #tpu.memory_space<vmem>>, vector<16xf32>,
      tpu.vector_store %arg7[%swap3A_243, %swap3A_244], %gather3A_242 {strides = array<i32>} : memref<256x64xf32, #tpu.memory_space<vmem>>, vector<16xf32>,
      %mul3A_246 = arith.constant 64 : i32
      %mul3A_247 = arith.muli %select_n3A_51, %mul3A_246 : i32
      %add3A_248 = arith.constant 32 : i32
      %add3A_249 = arith.addi %mul3A_247, %add3A_248 : i32
      %add3A_250 = vector.broadcast %add3A_249 : i32 to vector<16xi32>
      %add3A_251 = arith.addi %add3A_250, %iota3A : vector<16xi32>
      %gather3A_252 = tpu.vector_load_idx %arg6[%add3A_251, %broadcast_in_dim3A_225] : memref<512x128xf32, #tpu.memory_space<vmem>>[vector<16xi32>, vector<16xi32>], vector<16xf32>,
      %swap3A_253 = arith.index_cast %add3A_222 : i32 to index
      %swap3A_254 = arith.constant 32 : index
      %swap3A_255 = tpu.vector_load %arg7[%swap3A_253, %swap3A_254] {strides = array<i32>} : memref<256x64xf32, #tpu.memory_space<vmem>>, vector<16xf32>,
      tpu.vector_store %arg7[%swap3A_253, %swap3A_254], %gather3A_252 {strides = array<i32>} : memref<256x64xf32, #tpu.memory_space<vmem>>, vector<16xf32>,
      %mul3A_256 = arith.constant 64 : i32
      %mul3A_257 = arith.muli %select_n3A_51, %mul3A_256 : i32
      %add3A_258 = arith.constant 48 : i32
      %add3A_259 = arith.addi %mul3A_257, %add3A_258 : i32
      %add3A_260 = vector.broadcast %add3A_259 : i32 to vector<16xi32>
      %add3A_261 = arith.addi %add3A_260, %iota3A : vector<16xi32>
      %gather3A_262 = tpu.vector_load_idx %arg6[%add3A_261, %broadcast_in_dim3A_225] : memref<512x128xf32, #tpu.memory_space<vmem>>[vector<16xi32>, vector<16xi32>], vector<16xf32>,
      %swap3A_263 = arith.index_cast %add3A_222 : i32 to index
      %swap3A_264 = arith.constant 48 : index
      %swap3A_265 = tpu.vector_load %arg7[%swap3A_263, %swap3A_264] {strides = array<i32>} : memref<256x64xf32, #tpu.memory_space<vmem>>, vector<16xf32>,
      tpu.vector_store %arg7[%swap3A_263, %swap3A_264], %gather3A_262 {strides = array<i32>} : memref<256x64xf32, #tpu.memory_space<vmem>>, vector<16xf32>,
      %convert_element_type3A_266 = arith.extui %ne3A_59 : i1 to i32
      %cond3A_267 = arith.constant 0 : i32
      %cond3A_268 = arith.cmpi ne, %convert_element_type3A_266, %cond3A_267 : i32
      scf.if %cond3A_268 {
        %dma_wait3A = tpu.memref_reshape %arg6 : memref<512x128xf32, #tpu.memory_space<vmem>> -> memref<8x8x8x128xf32, #tpu.memory_space<vmem>>
        %dma_wait3A_1036 = arith.constant 0 : i32
        %dma_wait3A_1037 = arith.constant 0 : i32
        %dma_wait3A_1038 = arith.constant 0 : i32
        %dma_wait3A_1039 = tpu.memref_slice %dma_wait3A[%select_n3A_62, %dma_wait3A_1036, %dma_wait3A_1037, %dma_wait3A_1038] : memref<8x8x8x128xf32, #tpu.memory_space<vmem>> -> memref<1x8x8x128xf32, #tpu.memory_space<vmem>>
        %dma_wait3A_1040 = tpu.memref_squeeze %dma_wait3A_1039 : memref<1x8x8x128xf32, #tpu.memory_space<vmem>> -> memref<8x8x128xf32, #tpu.memory_space<vmem>>
        %dma_wait3A_1041 = arith.constant 0 : i32
        %dma_wait3A_1042 = arith.constant 0 : i32
        %dma_wait3A_1043 = arith.constant 0 : i32
        %dma_wait3A_1044 = tpu.memref_slice %arg2[%dma_wait3A_1041, %dma_wait3A_1042, %dma_wait3A_1043] : memref<8x8x1500000xf32, #tpu.memory_space<hbm>> -> memref<8x8x128xf32, #tpu.memory_space<hbm>>
        %dma_wait3A_1045 = tpu.memref_reshape %arg6 : memref<512x128xf32, #tpu.memory_space<vmem>> -> memref<8x8x8x128xf32, #tpu.memory_space<vmem>>
        %dma_wait3A_1046 = arith.constant 0 : i32
        %dma_wait3A_1047 = arith.constant 0 : i32
        %dma_wait3A_1048 = arith.constant 0 : i32
        %dma_wait3A_1049 = tpu.memref_slice %dma_wait3A_1045[%select_n3A_62, %dma_wait3A_1046, %dma_wait3A_1047, %dma_wait3A_1048] : memref<8x8x8x128xf32, #tpu.memory_space<vmem>> -> memref<1x8x8x128xf32, #tpu.memory_space<vmem>>
        %dma_wait3A_1050 = tpu.memref_squeeze %dma_wait3A_1049 : memref<1x8x8x128xf32, #tpu.memory_space<vmem>> -> memref<8x8x128xf32, #tpu.memory_space<vmem>>
        %dma_wait3A_1051 = arith.constant 0 : i32
        %dma_wait3A_1052 = arith.constant 0 : i32
        %dma_wait3A_1053 = arith.constant 0 : i32
        %dma_wait3A_1054 = tpu.memref_slice %arg2[%dma_wait3A_1051, %dma_wait3A_1052, %dma_wait3A_1053] : memref<8x8x1500000xf32, #tpu.memory_space<hbm>> -> memref<8x8x128xf32, #tpu.memory_space<hbm>>
        tpu.wait_dma2 semaphore(%arg8 : memref<!tpu.dma_semaphore, #tpu.memory_space<semaphore_mem>>) src(%dma_wait3A_1054 : memref<8x8x128xf32, #tpu.memory_space<hbm>>) dst(%dma_wait3A_1050 : memref<8x8x128xf32, #tpu.memory_space<vmem>>)
      } else {
      }
      %mul3A_269 = arith.constant 16 : i32
      %mul3A_270 = arith.muli %sub3A_112, %mul3A_269 : i32
      %add3A_271 = arith.constant 0 : i32
      %add3A_272 = arith.addi %mul3A_270, %add3A_271 : i32
      %add3A_273 = arith.constant 3 : i32
      %add3A_274 = arith.addi %add3A_272, %add3A_273 : i32
      %slice3A_275 = vector.extract_strided_slice %and3A_29 {offsets = [3], sizes = [1], strides = [1]} : vector<16xi32> to vector<1xi32>
      %squeeze3A_276 = vector.extract %slice3A_275[0] : i32 from vector<1xi32>
      %broadcast_in_dim3A_277 = vector.broadcast %squeeze3A_276 : i32 to vector<16xi32>
      %mul3A_278 = arith.constant 64 : i32
      %mul3A_279 = arith.muli %select_n3A_62, %mul3A_278 : i32
      %add3A_280 = arith.constant 0 : i32
      %add3A_281 = arith.addi %mul3A_279, %add3A_280 : i32
      %add3A_282 = vector.broadcast %add3A_281 : i32 to vector<16xi32>
      %add3A_283 = arith.addi %add3A_282, %iota3A : vector<16xi32>
      %gather3A_284 = tpu.vector_load_idx %arg6[%add3A_283, %broadcast_in_dim3A_277] : memref<512x128xf32, #tpu.memory_space<vmem>>[vector<16xi32>, vector<16xi32>], vector<16xf32>,
      %swap3A_285 = arith.index_cast %add3A_274 : i32 to index
      %swap3A_286 = arith.constant 0 : index
      %swap3A_287 = tpu.vector_load %arg7[%swap3A_285, %swap3A_286] {strides = array<i32>} : memref<256x64xf32, #tpu.memory_space<vmem>>, vector<16xf32>,
      tpu.vector_store %arg7[%swap3A_285, %swap3A_286], %gather3A_284 {strides = array<i32>} : memref<256x64xf32, #tpu.memory_space<vmem>>, vector<16xf32>,
      %mul3A_288 = arith.constant 64 : i32
      %mul3A_289 = arith.muli %select_n3A_62, %mul3A_288 : i32
      %add3A_290 = arith.constant 16 : i32
      %add3A_291 = arith.addi %mul3A_289, %add3A_290 : i32
      %add3A_292 = vector.broadcast %add3A_291 : i32 to vector<16xi32>
      %add3A_293 = arith.addi %add3A_292, %iota3A : vector<16xi32>
      %gather3A_294 = tpu.vector_load_idx %arg6[%add3A_293, %broadcast_in_dim3A_277] : memref<512x128xf32, #tpu.memory_space<vmem>>[vector<16xi32>, vector<16xi32>], vector<16xf32>,
      %swap3A_295 = arith.index_cast %add3A_274 : i32 to index
      %swap3A_296 = arith.constant 16 : index
      %swap3A_297 = tpu.vector_load %arg7[%swap3A_295, %swap3A_296] {strides = array<i32>} : memref<256x64xf32, #tpu.memory_space<vmem>>, vector<16xf32>,
      tpu.vector_store %arg7[%swap3A_295, %swap3A_296], %gather3A_294 {strides = array<i32>} : memref<256x64xf32, #tpu.memory_space<vmem>>, vector<16xf32>,
      %mul3A_298 = arith.constant 64 : i32
      %mul3A_299 = arith.muli %select_n3A_62, %mul3A_298 : i32
      %add3A_300 = arith.constant 32 : i32
      %add3A_301 = arith.addi %mul3A_299, %add3A_300 : i32
      %add3A_302 = vector.broadcast %add3A_301 : i32 to vector<16xi32>
      %add3A_303 = arith.addi %add3A_302, %iota3A : vector<16xi32>
      %gather3A_304 = tpu.vector_load_idx %arg6[%add3A_303, %broadcast_in_dim3A_277] : memref<512x128xf32, #tpu.memory_space<vmem>>[vector<16xi32>, vector<16xi32>], vector<16xf32>,
      %swap3A_305 = arith.index_cast %add3A_274 : i32 to index
      %swap3A_306 = arith.constant 32 : index
      %swap3A_307 = tpu.vector_load %arg7[%swap3A_305, %swap3A_306] {strides = array<i32>} : memref<256x64xf32, #tpu.memory_space<vmem>>, vector<16xf32>,
      tpu.vector_store %arg7[%swap3A_305, %swap3A_306], %gather3A_304 {strides = array<i32>} : memref<256x64xf32, #tpu.memory_space<vmem>>, vector<16xf32>,
      %mul3A_308 = arith.constant 64 : i32
      %mul3A_309 = arith.muli %select_n3A_62, %mul3A_308 : i32
      %add3A_310 = arith.constant 48 : i32
      %add3A_311 = arith.addi %mul3A_309, %add3A_310 : i32
      %add3A_312 = vector.broadcast %add3A_311 : i32 to vector<16xi32>
      %add3A_313 = arith.addi %add3A_312, %iota3A : vector<16xi32>
      %gather3A_314 = tpu.vector_load_idx %arg6[%add3A_313, %broadcast_in_dim3A_277] : memref<512x128xf32, #tpu.memory_space<vmem>>[vector<16xi32>, vector<16xi32>], vector<16xf32>,
      %swap3A_315 = arith.index_cast %add3A_274 : i32 to index
      %swap3A_316 = arith.constant 48 : index
      %swap3A_317 = tpu.vector_load %arg7[%swap3A_315, %swap3A_316] {strides = array<i32>} : memref<256x64xf32, #tpu.memory_space<vmem>>, vector<16xf32>,
      tpu.vector_store %arg7[%swap3A_315, %swap3A_316], %gather3A_314 {strides = array<i32>} : memref<256x64xf32, #tpu.memory_space<vmem>>, vector<16xf32>,
      %slice3A_318 = vector.extract_strided_slice %shift_right_arithmetic3A_27 {offsets = [8], sizes = [1], strides = [1]} : vector<16xi32> to vector<1xi32>
      %squeeze3A_319 = vector.extract %slice3A_318[0] : i32 from vector<1xi32>
      %ne3A_320 = arith.cmpi ne, %squeeze3A_319, %squeeze3A_102 : i32
      %and3A_321 = arith.constant 7 : i32
      %and3A_322 = arith.andi %add3A_111, %and3A_321 : i32
      %select_n3A_323 = arith.select %ne3A_320, %and3A_322, %select_n3A_106 : i32
      %convert_element_type3A_324 = arith.extui %ne3A_320 : i1 to i32
      %cond3A_325 = arith.constant 0 : i32
      %cond3A_326 = arith.cmpi ne, %convert_element_type3A_324, %cond3A_325 : i32
      scf.if %cond3A_326 {
        %mul3A_1036 = arith.constant 128 : i32
        %mul3A_1037 = arith.muli %squeeze3A_319, %mul3A_1036 : i32
        %multiple_of3A = tpu.assume_multiple %mul3A_1037, 128 : i32
        %dma_start3A = tpu.memref_reshape %arg6 : memref<512x128xf32, #tpu.memory_space<vmem>> -> memref<8x8x8x128xf32, #tpu.memory_space<vmem>>
        %dma_start3A_1038 = arith.constant 0 : i32
        %dma_start3A_1039 = arith.constant 0 : i32
        %dma_start3A_1040 = arith.constant 0 : i32
        %dma_start3A_1041 = tpu.memref_slice %dma_start3A[%select_n3A_323, %dma_start3A_1038, %dma_start3A_1039, %dma_start3A_1040] : memref<8x8x8x128xf32, #tpu.memory_space<vmem>> -> memref<1x8x8x128xf32, #tpu.memory_space<vmem>>
        %dma_start3A_1042 = tpu.memref_squeeze %dma_start3A_1041 : memref<1x8x8x128xf32, #tpu.memory_space<vmem>> -> memref<8x8x128xf32, #tpu.memory_space<vmem>>
        %dma_start3A_1043 = arith.constant 0 : i32
        %dma_start3A_1044 = arith.constant 0 : i32
        %dma_start3A_1045 = tpu.memref_slice %arg2[%dma_start3A_1043, %dma_start3A_1044, %multiple_of3A] : memref<8x8x1500000xf32, #tpu.memory_space<hbm>> -> memref<8x8x128xf32, #tpu.memory_space<hbm>>
        %dma_start3A_1046 = tpu.memref_reshape %arg6 : memref<512x128xf32, #tpu.memory_space<vmem>> -> memref<8x8x8x128xf32, #tpu.memory_space<vmem>>
        %dma_start3A_1047 = arith.constant 0 : i32
        %dma_start3A_1048 = arith.constant 0 : i32
        %dma_start3A_1049 = arith.constant 0 : i32
        %dma_start3A_1050 = tpu.memref_slice %dma_start3A_1046[%select_n3A_323, %dma_start3A_1047, %dma_start3A_1048, %dma_start3A_1049] : memref<8x8x8x128xf32, #tpu.memory_space<vmem>> -> memref<1x8x8x128xf32, #tpu.memory_space<vmem>>
        %dma_start3A_1051 = tpu.memref_squeeze %dma_start3A_1050 : memref<1x8x8x128xf32, #tpu.memory_space<vmem>> -> memref<8x8x128xf32, #tpu.memory_space<vmem>>
        %dma_start3A_1052 = arith.constant 0 : i32
        %dma_start3A_1053 = arith.constant 0 : i32
        %dma_start3A_1054 = tpu.memref_slice %arg2[%dma_start3A_1052, %dma_start3A_1053, %multiple_of3A] : memref<8x8x1500000xf32, #tpu.memory_space<hbm>> -> memref<8x8x128xf32, #tpu.memory_space<hbm>>
        tpu.enqueue_dma source(%dma_start3A_1054 : memref<8x8x128xf32, #tpu.memory_space<hbm>>) target(%dma_start3A_1051 : memref<8x8x128xf32, #tpu.memory_space<vmem>>) target_semaphore(%arg8 : memref<!tpu.dma_semaphore, #tpu.memory_space<semaphore_mem>>)
      } else {
      }
      %convert_element_type3A_327 = arith.extui %ne3A_320 : i1 to i32
      %add3A_328 = arith.addi %add3A_111, %convert_element_type3A_327 : i32
      %slice3A_329 = vector.extract_strided_slice %shift_right_arithmetic3A_27 {offsets = [9], sizes = [1], strides = [1]} : vector<16xi32> to vector<1xi32>
      %squeeze3A_330 = vector.extract %slice3A_329[0] : i32 from vector<1xi32>
      %ne3A_331 = arith.cmpi ne, %squeeze3A_330, %squeeze3A_319 : i32
      %and3A_332 = arith.constant 7 : i32
      %and3A_333 = arith.andi %add3A_328, %and3A_332 : i32
      %select_n3A_334 = arith.select %ne3A_331, %and3A_333, %select_n3A_323 : i32
      %convert_element_type3A_335 = arith.extui %ne3A_331 : i1 to i32
      %cond3A_336 = arith.constant 0 : i32
      %cond3A_337 = arith.cmpi ne, %convert_element_type3A_335, %cond3A_336 : i32
      scf.if %cond3A_337 {
        %mul3A_1036 = arith.constant 128 : i32
        %mul3A_1037 = arith.muli %squeeze3A_330, %mul3A_1036 : i32
        %multiple_of3A = tpu.assume_multiple %mul3A_1037, 128 : i32
        %dma_start3A = tpu.memref_reshape %arg6 : memref<512x128xf32, #tpu.memory_space<vmem>> -> memref<8x8x8x128xf32, #tpu.memory_space<vmem>>
        %dma_start3A_1038 = arith.constant 0 : i32
        %dma_start3A_1039 = arith.constant 0 : i32
        %dma_start3A_1040 = arith.constant 0 : i32
        %dma_start3A_1041 = tpu.memref_slice %dma_start3A[%select_n3A_334, %dma_start3A_1038, %dma_start3A_1039, %dma_start3A_1040] : memref<8x8x8x128xf32, #tpu.memory_space<vmem>> -> memref<1x8x8x128xf32, #tpu.memory_space<vmem>>
        %dma_start3A_1042 = tpu.memref_squeeze %dma_start3A_1041 : memref<1x8x8x128xf32, #tpu.memory_space<vmem>> -> memref<8x8x128xf32, #tpu.memory_space<vmem>>
        %dma_start3A_1043 = arith.constant 0 : i32
        %dma_start3A_1044 = arith.constant 0 : i32
        %dma_start3A_1045 = tpu.memref_slice %arg2[%dma_start3A_1043, %dma_start3A_1044, %multiple_of3A] : memref<8x8x1500000xf32, #tpu.memory_space<hbm>> -> memref<8x8x128xf32, #tpu.memory_space<hbm>>
        %dma_start3A_1046 = tpu.memref_reshape %arg6 : memref<512x128xf32, #tpu.memory_space<vmem>> -> memref<8x8x8x128xf32, #tpu.memory_space<vmem>>
        %dma_start3A_1047 = arith.constant 0 : i32
        %dma_start3A_1048 = arith.constant 0 : i32
        %dma_start3A_1049 = arith.constant 0 : i32
        %dma_start3A_1050 = tpu.memref_slice %dma_start3A_1046[%select_n3A_334, %dma_start3A_1047, %dma_start3A_1048, %dma_start3A_1049] : memref<8x8x8x128xf32, #tpu.memory_space<vmem>> -> memref<1x8x8x128xf32, #tpu.memory_space<vmem>>
        %dma_start3A_1051 = tpu.memref_squeeze %dma_start3A_1050 : memref<1x8x8x128xf32, #tpu.memory_space<vmem>> -> memref<8x8x128xf32, #tpu.memory_space<vmem>>
        %dma_start3A_1052 = arith.constant 0 : i32
        %dma_start3A_1053 = arith.constant 0 : i32
        %dma_start3A_1054 = tpu.memref_slice %arg2[%dma_start3A_1052, %dma_start3A_1053, %multiple_of3A] : memref<8x8x1500000xf32, #tpu.memory_space<hbm>> -> memref<8x8x128xf32, #tpu.memory_space<hbm>>
        tpu.enqueue_dma source(%dma_start3A_1054 : memref<8x8x128xf32, #tpu.memory_space<hbm>>) target(%dma_start3A_1051 : memref<8x8x128xf32, #tpu.memory_space<vmem>>) target_semaphore(%arg8 : memref<!tpu.dma_semaphore, #tpu.memory_space<semaphore_mem>>)
      } else {
      }
      %convert_element_type3A_338 = arith.extui %ne3A_331 : i1 to i32
      %add3A_339 = arith.addi %add3A_328, %convert_element_type3A_338 : i32
      %slice3A_340 = vector.extract_strided_slice %shift_right_arithmetic3A_27 {offsets = [10], sizes = [1], strides = [1]} : vector<16xi32> to vector<1xi32>
      %squeeze3A_341 = vector.extract %slice3A_340[0] : i32 from vector<1xi32>
      %ne3A_342 = arith.cmpi ne, %squeeze3A_341, %squeeze3A_330 : i32
      %and3A_343 = arith.constant 7 : i32
      %and3A_344 = arith.andi %add3A_339, %and3A_343 : i32
      %select_n3A_345 = arith.select %ne3A_342, %and3A_344, %select_n3A_334 : i32
      %convert_element_type3A_346 = arith.extui %ne3A_342 : i1 to i32
      %cond3A_347 = arith.constant 0 : i32
      %cond3A_348 = arith.cmpi ne, %convert_element_type3A_346, %cond3A_347 : i32
      scf.if %cond3A_348 {
        %mul3A_1036 = arith.constant 128 : i32
        %mul3A_1037 = arith.muli %squeeze3A_341, %mul3A_1036 : i32
        %multiple_of3A = tpu.assume_multiple %mul3A_1037, 128 : i32
        %dma_start3A = tpu.memref_reshape %arg6 : memref<512x128xf32, #tpu.memory_space<vmem>> -> memref<8x8x8x128xf32, #tpu.memory_space<vmem>>
        %dma_start3A_1038 = arith.constant 0 : i32
        %dma_start3A_1039 = arith.constant 0 : i32
        %dma_start3A_1040 = arith.constant 0 : i32
        %dma_start3A_1041 = tpu.memref_slice %dma_start3A[%select_n3A_345, %dma_start3A_1038, %dma_start3A_1039, %dma_start3A_1040] : memref<8x8x8x128xf32, #tpu.memory_space<vmem>> -> memref<1x8x8x128xf32, #tpu.memory_space<vmem>>
        %dma_start3A_1042 = tpu.memref_squeeze %dma_start3A_1041 : memref<1x8x8x128xf32, #tpu.memory_space<vmem>> -> memref<8x8x128xf32, #tpu.memory_space<vmem>>
        %dma_start3A_1043 = arith.constant 0 : i32
        %dma_start3A_1044 = arith.constant 0 : i32
        %dma_start3A_1045 = tpu.memref_slice %arg2[%dma_start3A_1043, %dma_start3A_1044, %multiple_of3A] : memref<8x8x1500000xf32, #tpu.memory_space<hbm>> -> memref<8x8x128xf32, #tpu.memory_space<hbm>>
        %dma_start3A_1046 = tpu.memref_reshape %arg6 : memref<512x128xf32, #tpu.memory_space<vmem>> -> memref<8x8x8x128xf32, #tpu.memory_space<vmem>>
        %dma_start3A_1047 = arith.constant 0 : i32
        %dma_start3A_1048 = arith.constant 0 : i32
        %dma_start3A_1049 = arith.constant 0 : i32
        %dma_start3A_1050 = tpu.memref_slice %dma_start3A_1046[%select_n3A_345, %dma_start3A_1047, %dma_start3A_1048, %dma_start3A_1049] : memref<8x8x8x128xf32, #tpu.memory_space<vmem>> -> memref<1x8x8x128xf32, #tpu.memory_space<vmem>>
        %dma_start3A_1051 = tpu.memref_squeeze %dma_start3A_1050 : memref<1x8x8x128xf32, #tpu.memory_space<vmem>> -> memref<8x8x128xf32, #tpu.memory_space<vmem>>
        %dma_start3A_1052 = arith.constant 0 : i32
        %dma_start3A_1053 = arith.constant 0 : i32
        %dma_start3A_1054 = tpu.memref_slice %arg2[%dma_start3A_1052, %dma_start3A_1053, %multiple_of3A] : memref<8x8x1500000xf32, #tpu.memory_space<hbm>> -> memref<8x8x128xf32, #tpu.memory_space<hbm>>
        tpu.enqueue_dma source(%dma_start3A_1054 : memref<8x8x128xf32, #tpu.memory_space<hbm>>) target(%dma_start3A_1051 : memref<8x8x128xf32, #tpu.memory_space<vmem>>) target_semaphore(%arg8 : memref<!tpu.dma_semaphore, #tpu.memory_space<semaphore_mem>>)
      } else {
      }
      %convert_element_type3A_349 = arith.extui %ne3A_342 : i1 to i32
      %add3A_350 = arith.addi %add3A_339, %convert_element_type3A_349 : i32
      %slice3A_351 = vector.extract_strided_slice %shift_right_arithmetic3A_27 {offsets = [11], sizes = [1], strides = [1]} : vector<16xi32> to vector<1xi32>
      %squeeze3A_352 = vector.extract %slice3A_351[0] : i32 from vector<1xi32>
      %ne3A_353 = arith.cmpi ne, %squeeze3A_352, %squeeze3A_341 : i32
      %and3A_354 = arith.constant 7 : i32
      %and3A_355 = arith.andi %add3A_350, %and3A_354 : i32
      %select_n3A_356 = arith.select %ne3A_353, %and3A_355, %select_n3A_345 : i32
      %convert_element_type3A_357 = arith.extui %ne3A_353 : i1 to i32
      %cond3A_358 = arith.constant 0 : i32
      %cond3A_359 = arith.cmpi ne, %convert_element_type3A_357, %cond3A_358 : i32
      scf.if %cond3A_359 {
        %mul3A_1036 = arith.constant 128 : i32
        %mul3A_1037 = arith.muli %squeeze3A_352, %mul3A_1036 : i32
        %multiple_of3A = tpu.assume_multiple %mul3A_1037, 128 : i32
        %dma_start3A = tpu.memref_reshape %arg6 : memref<512x128xf32, #tpu.memory_space<vmem>> -> memref<8x8x8x128xf32, #tpu.memory_space<vmem>>
        %dma_start3A_1038 = arith.constant 0 : i32
        %dma_start3A_1039 = arith.constant 0 : i32
        %dma_start3A_1040 = arith.constant 0 : i32
        %dma_start3A_1041 = tpu.memref_slice %dma_start3A[%select_n3A_356, %dma_start3A_1038, %dma_start3A_1039, %dma_start3A_1040] : memref<8x8x8x128xf32, #tpu.memory_space<vmem>> -> memref<1x8x8x128xf32, #tpu.memory_space<vmem>>
        %dma_start3A_1042 = tpu.memref_squeeze %dma_start3A_1041 : memref<1x8x8x128xf32, #tpu.memory_space<vmem>> -> memref<8x8x128xf32, #tpu.memory_space<vmem>>
        %dma_start3A_1043 = arith.constant 0 : i32
        %dma_start3A_1044 = arith.constant 0 : i32
        %dma_start3A_1045 = tpu.memref_slice %arg2[%dma_start3A_1043, %dma_start3A_1044, %multiple_of3A] : memref<8x8x1500000xf32, #tpu.memory_space<hbm>> -> memref<8x8x128xf32, #tpu.memory_space<hbm>>
        %dma_start3A_1046 = tpu.memref_reshape %arg6 : memref<512x128xf32, #tpu.memory_space<vmem>> -> memref<8x8x8x128xf32, #tpu.memory_space<vmem>>
        %dma_start3A_1047 = arith.constant 0 : i32
        %dma_start3A_1048 = arith.constant 0 : i32
        %dma_start3A_1049 = arith.constant 0 : i32
        %dma_start3A_1050 = tpu.memref_slice %dma_start3A_1046[%select_n3A_356, %dma_start3A_1047, %dma_start3A_1048, %dma_start3A_1049] : memref<8x8x8x128xf32, #tpu.memory_space<vmem>> -> memref<1x8x8x128xf32, #tpu.memory_space<vmem>>
        %dma_start3A_1051 = tpu.memref_squeeze %dma_start3A_1050 : memref<1x8x8x128xf32, #tpu.memory_space<vmem>> -> memref<8x8x128xf32, #tpu.memory_space<vmem>>
        %dma_start3A_1052 = arith.constant 0 : i32
        %dma_start3A_1053 = arith.constant 0 : i32
        %dma_start3A_1054 = tpu.memref_slice %arg2[%dma_start3A_1052, %dma_start3A_1053, %multiple_of3A] : memref<8x8x1500000xf32, #tpu.memory_space<hbm>> -> memref<8x8x128xf32, #tpu.memory_space<hbm>>
        tpu.enqueue_dma source(%dma_start3A_1054 : memref<8x8x128xf32, #tpu.memory_space<hbm>>) target(%dma_start3A_1051 : memref<8x8x128xf32, #tpu.memory_space<vmem>>) target_semaphore(%arg8 : memref<!tpu.dma_semaphore, #tpu.memory_space<semaphore_mem>>)
      } else {
      }
      %convert_element_type3A_360 = arith.extui %ne3A_353 : i1 to i32
      %add3A_361 = arith.addi %add3A_350, %convert_element_type3A_360 : i32
      %sub3A_362 = arith.constant 16 : i32
      %sub3A_363 = arith.subi %scan3A_19, %sub3A_362 : i32
      %convert_element_type3A_364 = arith.extui %ne3A_70 : i1 to i32
      %cond3A_365 = arith.constant 0 : i32
      %cond3A_366 = arith.cmpi ne, %convert_element_type3A_364, %cond3A_365 : i32
      scf.if %cond3A_366 {
        %dma_wait3A = tpu.memref_reshape %arg6 : memref<512x128xf32, #tpu.memory_space<vmem>> -> memref<8x8x8x128xf32, #tpu.memory_space<vmem>>
        %dma_wait3A_1036 = arith.constant 0 : i32
        %dma_wait3A_1037 = arith.constant 0 : i32
        %dma_wait3A_1038 = arith.constant 0 : i32
        %dma_wait3A_1039 = tpu.memref_slice %dma_wait3A[%select_n3A_73, %dma_wait3A_1036, %dma_wait3A_1037, %dma_wait3A_1038] : memref<8x8x8x128xf32, #tpu.memory_space<vmem>> -> memref<1x8x8x128xf32, #tpu.memory_space<vmem>>
        %dma_wait3A_1040 = tpu.memref_squeeze %dma_wait3A_1039 : memref<1x8x8x128xf32, #tpu.memory_space<vmem>> -> memref<8x8x128xf32, #tpu.memory_space<vmem>>
        %dma_wait3A_1041 = arith.constant 0 : i32
        %dma_wait3A_1042 = arith.constant 0 : i32
        %dma_wait3A_1043 = arith.constant 0 : i32
        %dma_wait3A_1044 = tpu.memref_slice %arg2[%dma_wait3A_1041, %dma_wait3A_1042, %dma_wait3A_1043] : memref<8x8x1500000xf32, #tpu.memory_space<hbm>> -> memref<8x8x128xf32, #tpu.memory_space<hbm>>
        %dma_wait3A_1045 = tpu.memref_reshape %arg6 : memref<512x128xf32, #tpu.memory_space<vmem>> -> memref<8x8x8x128xf32, #tpu.memory_space<vmem>>
        %dma_wait3A_1046 = arith.constant 0 : i32
        %dma_wait3A_1047 = arith.constant 0 : i32
        %dma_wait3A_1048 = arith.constant 0 : i32
        %dma_wait3A_1049 = tpu.memref_slice %dma_wait3A_1045[%select_n3A_73, %dma_wait3A_1046, %dma_wait3A_1047, %dma_wait3A_1048] : memref<8x8x8x128xf32, #tpu.memory_space<vmem>> -> memref<1x8x8x128xf32, #tpu.memory_space<vmem>>
        %dma_wait3A_1050 = tpu.memref_squeeze %dma_wait3A_1049 : memref<1x8x8x128xf32, #tpu.memory_space<vmem>> -> memref<8x8x128xf32, #tpu.memory_space<vmem>>
        %dma_wait3A_1051 = arith.constant 0 : i32
        %dma_wait3A_1052 = arith.constant 0 : i32
        %dma_wait3A_1053 = arith.constant 0 : i32
        %dma_wait3A_1054 = tpu.memref_slice %arg2[%dma_wait3A_1051, %dma_wait3A_1052, %dma_wait3A_1053] : memref<8x8x1500000xf32, #tpu.memory_space<hbm>> -> memref<8x8x128xf32, #tpu.memory_space<hbm>>
        tpu.wait_dma2 semaphore(%arg9 : memref<!tpu.dma_semaphore, #tpu.memory_space<semaphore_mem>>) src(%dma_wait3A_1054 : memref<8x8x128xf32, #tpu.memory_space<hbm>>) dst(%dma_wait3A_1050 : memref<8x8x128xf32, #tpu.memory_space<vmem>>)
      } else {
      }
      %mul3A_367 = arith.constant 16 : i32
      %mul3A_368 = arith.muli %sub3A_363, %mul3A_367 : i32
      %add3A_369 = arith.constant 4 : i32
      %add3A_370 = arith.addi %mul3A_368, %add3A_369 : i32
      %add3A_371 = arith.constant 0 : i32
      %add3A_372 = arith.addi %add3A_370, %add3A_371 : i32
      %slice3A_373 = vector.extract_strided_slice %and3A_29 {offsets = [4], sizes = [1], strides = [1]} : vector<16xi32> to vector<1xi32>
      %squeeze3A_374 = vector.extract %slice3A_373[0] : i32 from vector<1xi32>
      %broadcast_in_dim3A_375 = vector.broadcast %squeeze3A_374 : i32 to vector<16xi32>
      %mul3A_376 = arith.constant 64 : i32
      %mul3A_377 = arith.muli %select_n3A_73, %mul3A_376 : i32
      %add3A_378 = arith.constant 0 : i32
      %add3A_379 = arith.addi %mul3A_377, %add3A_378 : i32
      %add3A_380 = vector.broadcast %add3A_379 : i32 to vector<16xi32>
      %add3A_381 = arith.addi %add3A_380, %iota3A : vector<16xi32>
      %gather3A_382 = tpu.vector_load_idx %arg6[%add3A_381, %broadcast_in_dim3A_375] : memref<512x128xf32, #tpu.memory_space<vmem>>[vector<16xi32>, vector<16xi32>], vector<16xf32>,
      %swap3A_383 = arith.index_cast %add3A_372 : i32 to index
      %swap3A_384 = arith.constant 0 : index
      %swap3A_385 = tpu.vector_load %arg7[%swap3A_383, %swap3A_384] {strides = array<i32>} : memref<256x64xf32, #tpu.memory_space<vmem>>, vector<16xf32>,
      tpu.vector_store %arg7[%swap3A_383, %swap3A_384], %gather3A_382 {strides = array<i32>} : memref<256x64xf32, #tpu.memory_space<vmem>>, vector<16xf32>,
      %mul3A_386 = arith.constant 64 : i32
      %mul3A_387 = arith.muli %select_n3A_73, %mul3A_386 : i32
      %add3A_388 = arith.constant 16 : i32
      %add3A_389 = arith.addi %mul3A_387, %add3A_388 : i32
      %add3A_390 = vector.broadcast %add3A_389 : i32 to vector<16xi32>
      %add3A_391 = arith.addi %add3A_390, %iota3A : vector<16xi32>
      %gather3A_392 = tpu.vector_load_idx %arg6[%add3A_391, %broadcast_in_dim3A_375] : memref<512x128xf32, #tpu.memory_space<vmem>>[vector<16xi32>, vector<16xi32>], vector<16xf32>,
      %swap3A_393 = arith.index_cast %add3A_372 : i32 to index
      %swap3A_394 = arith.constant 16 : index
      %swap3A_395 = tpu.vector_load %arg7[%swap3A_393, %swap3A_394] {strides = array<i32>} : memref<256x64xf32, #tpu.memory_space<vmem>>, vector<16xf32>,
      tpu.vector_store %arg7[%swap3A_393, %swap3A_394], %gather3A_392 {strides = array<i32>} : memref<256x64xf32, #tpu.memory_space<vmem>>, vector<16xf32>,
      %mul3A_396 = arith.constant 64 : i32
      %mul3A_397 = arith.muli %select_n3A_73, %mul3A_396 : i32
      %add3A_398 = arith.constant 32 : i32
      %add3A_399 = arith.addi %mul3A_397, %add3A_398 : i32
      %add3A_400 = vector.broadcast %add3A_399 : i32 to vector<16xi32>
      %add3A_401 = arith.addi %add3A_400, %iota3A : vector<16xi32>
      %gather3A_402 = tpu.vector_load_idx %arg6[%add3A_401, %broadcast_in_dim3A_375] : memref<512x128xf32, #tpu.memory_space<vmem>>[vector<16xi32>, vector<16xi32>], vector<16xf32>,
      %swap3A_403 = arith.index_cast %add3A_372 : i32 to index
      %swap3A_404 = arith.constant 32 : index
      %swap3A_405 = tpu.vector_load %arg7[%swap3A_403, %swap3A_404] {strides = array<i32>} : memref<256x64xf32, #tpu.memory_space<vmem>>, vector<16xf32>,
      tpu.vector_store %arg7[%swap3A_403, %swap3A_404], %gather3A_402 {strides = array<i32>} : memref<256x64xf32, #tpu.memory_space<vmem>>, vector<16xf32>,
      %mul3A_406 = arith.constant 64 : i32
      %mul3A_407 = arith.muli %select_n3A_73, %mul3A_406 : i32
      %add3A_408 = arith.constant 48 : i32
      %add3A_409 = arith.addi %mul3A_407, %add3A_408 : i32
      %add3A_410 = vector.broadcast %add3A_409 : i32 to vector<16xi32>
      %add3A_411 = arith.addi %add3A_410, %iota3A : vector<16xi32>
      %gather3A_412 = tpu.vector_load_idx %arg6[%add3A_411, %broadcast_in_dim3A_375] : memref<512x128xf32, #tpu.memory_space<vmem>>[vector<16xi32>, vector<16xi32>], vector<16xf32>,
      %swap3A_413 = arith.index_cast %add3A_372 : i32 to index
      %swap3A_414 = arith.constant 48 : index
      %swap3A_415 = tpu.vector_load %arg7[%swap3A_413, %swap3A_414] {strides = array<i32>} : memref<256x64xf32, #tpu.memory_space<vmem>>, vector<16xf32>,
      tpu.vector_store %arg7[%swap3A_413, %swap3A_414], %gather3A_412 {strides = array<i32>} : memref<256x64xf32, #tpu.memory_space<vmem>>, vector<16xf32>,
      %convert_element_type3A_416 = arith.extui %ne3A_81 : i1 to i32
      %cond3A_417 = arith.constant 0 : i32
      %cond3A_418 = arith.cmpi ne, %convert_element_type3A_416, %cond3A_417 : i32
      scf.if %cond3A_418 {
        %dma_wait3A = tpu.memref_reshape %arg6 : memref<512x128xf32, #tpu.memory_space<vmem>> -> memref<8x8x8x128xf32, #tpu.memory_space<vmem>>
        %dma_wait3A_1036 = arith.constant 0 : i32
        %dma_wait3A_1037 = arith.constant 0 : i32
        %dma_wait3A_1038 = arith.constant 0 : i32
        %dma_wait3A_1039 = tpu.memref_slice %dma_wait3A[%select_n3A_84, %dma_wait3A_1036, %dma_wait3A_1037, %dma_wait3A_1038] : memref<8x8x8x128xf32, #tpu.memory_space<vmem>> -> memref<1x8x8x128xf32, #tpu.memory_space<vmem>>
        %dma_wait3A_1040 = tpu.memref_squeeze %dma_wait3A_1039 : memref<1x8x8x128xf32, #tpu.memory_space<vmem>> -> memref<8x8x128xf32, #tpu.memory_space<vmem>>
        %dma_wait3A_1041 = arith.constant 0 : i32
        %dma_wait3A_1042 = arith.constant 0 : i32
        %dma_wait3A_1043 = arith.constant 0 : i32
        %dma_wait3A_1044 = tpu.memref_slice %arg2[%dma_wait3A_1041, %dma_wait3A_1042, %dma_wait3A_1043] : memref<8x8x1500000xf32, #tpu.memory_space<hbm>> -> memref<8x8x128xf32, #tpu.memory_space<hbm>>
        %dma_wait3A_1045 = tpu.memref_reshape %arg6 : memref<512x128xf32, #tpu.memory_space<vmem>> -> memref<8x8x8x128xf32, #tpu.memory_space<vmem>>
        %dma_wait3A_1046 = arith.constant 0 : i32
        %dma_wait3A_1047 = arith.constant 0 : i32
        %dma_wait3A_1048 = arith.constant 0 : i32
        %dma_wait3A_1049 = tpu.memref_slice %dma_wait3A_1045[%select_n3A_84, %dma_wait3A_1046, %dma_wait3A_1047, %dma_wait3A_1048] : memref<8x8x8x128xf32, #tpu.memory_space<vmem>> -> memref<1x8x8x128xf32, #tpu.memory_space<vmem>>
        %dma_wait3A_1050 = tpu.memref_squeeze %dma_wait3A_1049 : memref<1x8x8x128xf32, #tpu.memory_space<vmem>> -> memref<8x8x128xf32, #tpu.memory_space<vmem>>
        %dma_wait3A_1051 = arith.constant 0 : i32
        %dma_wait3A_1052 = arith.constant 0 : i32
        %dma_wait3A_1053 = arith.constant 0 : i32
        %dma_wait3A_1054 = tpu.memref_slice %arg2[%dma_wait3A_1051, %dma_wait3A_1052, %dma_wait3A_1053] : memref<8x8x1500000xf32, #tpu.memory_space<hbm>> -> memref<8x8x128xf32, #tpu.memory_space<hbm>>
        tpu.wait_dma2 semaphore(%arg9 : memref<!tpu.dma_semaphore, #tpu.memory_space<semaphore_mem>>) src(%dma_wait3A_1054 : memref<8x8x128xf32, #tpu.memory_space<hbm>>) dst(%dma_wait3A_1050 : memref<8x8x128xf32, #tpu.memory_space<vmem>>)
      } else {
      }
      %mul3A_419 = arith.constant 16 : i32
      %mul3A_420 = arith.muli %sub3A_363, %mul3A_419 : i32
      %add3A_421 = arith.constant 4 : i32
      %add3A_422 = arith.addi %mul3A_420, %add3A_421 : i32
      %add3A_423 = arith.constant 1 : i32
      %add3A_424 = arith.addi %add3A_422, %add3A_423 : i32
      %slice3A_425 = vector.extract_strided_slice %and3A_29 {offsets = [5], sizes = [1], strides = [1]} : vector<16xi32> to vector<1xi32>
      %squeeze3A_426 = vector.extract %slice3A_425[0] : i32 from vector<1xi32>
      %broadcast_in_dim3A_427 = vector.broadcast %squeeze3A_426 : i32 to vector<16xi32>
      %mul3A_428 = arith.constant 64 : i32
      %mul3A_429 = arith.muli %select_n3A_84, %mul3A_428 : i32
      %add3A_430 = arith.constant 0 : i32
      %add3A_431 = arith.addi %mul3A_429, %add3A_430 : i32
      %add3A_432 = vector.broadcast %add3A_431 : i32 to vector<16xi32>
      %add3A_433 = arith.addi %add3A_432, %iota3A : vector<16xi32>
      %gather3A_434 = tpu.vector_load_idx %arg6[%add3A_433, %broadcast_in_dim3A_427] : memref<512x128xf32, #tpu.memory_space<vmem>>[vector<16xi32>, vector<16xi32>], vector<16xf32>,
      %swap3A_435 = arith.index_cast %add3A_424 : i32 to index
      %swap3A_436 = arith.constant 0 : index
      %swap3A_437 = tpu.vector_load %arg7[%swap3A_435, %swap3A_436] {strides = array<i32>} : memref<256x64xf32, #tpu.memory_space<vmem>>, vector<16xf32>,
      tpu.vector_store %arg7[%swap3A_435, %swap3A_436], %gather3A_434 {strides = array<i32>} : memref<256x64xf32, #tpu.memory_space<vmem>>, vector<16xf32>,
      %mul3A_438 = arith.constant 64 : i32
      %mul3A_439 = arith.muli %select_n3A_84, %mul3A_438 : i32
      %add3A_440 = arith.constant 16 : i32
      %add3A_441 = arith.addi %mul3A_439, %add3A_440 : i32
      %add3A_442 = vector.broadcast %add3A_441 : i32 to vector<16xi32>
      %add3A_443 = arith.addi %add3A_442, %iota3A : vector<16xi32>
      %gather3A_444 = tpu.vector_load_idx %arg6[%add3A_443, %broadcast_in_dim3A_427] : memref<512x128xf32, #tpu.memory_space<vmem>>[vector<16xi32>, vector<16xi32>], vector<16xf32>,
      %swap3A_445 = arith.index_cast %add3A_424 : i32 to index
      %swap3A_446 = arith.constant 16 : index
      %swap3A_447 = tpu.vector_load %arg7[%swap3A_445, %swap3A_446] {strides = array<i32>} : memref<256x64xf32, #tpu.memory_space<vmem>>, vector<16xf32>,
      tpu.vector_store %arg7[%swap3A_445, %swap3A_446], %gather3A_444 {strides = array<i32>} : memref<256x64xf32, #tpu.memory_space<vmem>>, vector<16xf32>,
      %mul3A_448 = arith.constant 64 : i32
      %mul3A_449 = arith.muli %select_n3A_84, %mul3A_448 : i32
      %add3A_450 = arith.constant 32 : i32
      %add3A_451 = arith.addi %mul3A_449, %add3A_450 : i32
      %add3A_452 = vector.broadcast %add3A_451 : i32 to vector<16xi32>
      %add3A_453 = arith.addi %add3A_452, %iota3A : vector<16xi32>
      %gather3A_454 = tpu.vector_load_idx %arg6[%add3A_453, %broadcast_in_dim3A_427] : memref<512x128xf32, #tpu.memory_space<vmem>>[vector<16xi32>, vector<16xi32>], vector<16xf32>,
      %swap3A_455 = arith.index_cast %add3A_424 : i32 to index
      %swap3A_456 = arith.constant 32 : index
      %swap3A_457 = tpu.vector_load %arg7[%swap3A_455, %swap3A_456] {strides = array<i32>} : memref<256x64xf32, #tpu.memory_space<vmem>>, vector<16xf32>,
      tpu.vector_store %arg7[%swap3A_455, %swap3A_456], %gather3A_454 {strides = array<i32>} : memref<256x64xf32, #tpu.memory_space<vmem>>, vector<16xf32>,
      %mul3A_458 = arith.constant 64 : i32
      %mul3A_459 = arith.muli %select_n3A_84, %mul3A_458 : i32
      %add3A_460 = arith.constant 48 : i32
      %add3A_461 = arith.addi %mul3A_459, %add3A_460 : i32
      %add3A_462 = vector.broadcast %add3A_461 : i32 to vector<16xi32>
      %add3A_463 = arith.addi %add3A_462, %iota3A : vector<16xi32>
      %gather3A_464 = tpu.vector_load_idx %arg6[%add3A_463, %broadcast_in_dim3A_427] : memref<512x128xf32, #tpu.memory_space<vmem>>[vector<16xi32>, vector<16xi32>], vector<16xf32>,
      %swap3A_465 = arith.index_cast %add3A_424 : i32 to index
      %swap3A_466 = arith.constant 48 : index
      %swap3A_467 = tpu.vector_load %arg7[%swap3A_465, %swap3A_466] {strides = array<i32>} : memref<256x64xf32, #tpu.memory_space<vmem>>, vector<16xf32>,
      tpu.vector_store %arg7[%swap3A_465, %swap3A_466], %gather3A_464 {strides = array<i32>} : memref<256x64xf32, #tpu.memory_space<vmem>>, vector<16xf32>,
      %convert_element_type3A_468 = arith.extui %ne3A_92 : i1 to i32
      %cond3A_469 = arith.constant 0 : i32
      %cond3A_470 = arith.cmpi ne, %convert_element_type3A_468, %cond3A_469 : i32
      scf.if %cond3A_470 {
        %dma_wait3A = tpu.memref_reshape %arg6 : memref<512x128xf32, #tpu.memory_space<vmem>> -> memref<8x8x8x128xf32, #tpu.memory_space<vmem>>
        %dma_wait3A_1036 = arith.constant 0 : i32
        %dma_wait3A_1037 = arith.constant 0 : i32
        %dma_wait3A_1038 = arith.constant 0 : i32
        %dma_wait3A_1039 = tpu.memref_slice %dma_wait3A[%select_n3A_95, %dma_wait3A_1036, %dma_wait3A_1037, %dma_wait3A_1038] : memref<8x8x8x128xf32, #tpu.memory_space<vmem>> -> memref<1x8x8x128xf32, #tpu.memory_space<vmem>>
        %dma_wait3A_1040 = tpu.memref_squeeze %dma_wait3A_1039 : memref<1x8x8x128xf32, #tpu.memory_space<vmem>> -> memref<8x8x128xf32, #tpu.memory_space<vmem>>
        %dma_wait3A_1041 = arith.constant 0 : i32
        %dma_wait3A_1042 = arith.constant 0 : i32
        %dma_wait3A_1043 = arith.constant 0 : i32
        %dma_wait3A_1044 = tpu.memref_slice %arg2[%dma_wait3A_1041, %dma_wait3A_1042, %dma_wait3A_1043] : memref<8x8x1500000xf32, #tpu.memory_space<hbm>> -> memref<8x8x128xf32, #tpu.memory_space<hbm>>
        %dma_wait3A_1045 = tpu.memref_reshape %arg6 : memref<512x128xf32, #tpu.memory_space<vmem>> -> memref<8x8x8x128xf32, #tpu.memory_space<vmem>>
        %dma_wait3A_1046 = arith.constant 0 : i32
        %dma_wait3A_1047 = arith.constant 0 : i32
        %dma_wait3A_1048 = arith.constant 0 : i32
        %dma_wait3A_1049 = tpu.memref_slice %dma_wait3A_1045[%select_n3A_95, %dma_wait3A_1046, %dma_wait3A_1047, %dma_wait3A_1048] : memref<8x8x8x128xf32, #tpu.memory_space<vmem>> -> memref<1x8x8x128xf32, #tpu.memory_space<vmem>>
        %dma_wait3A_1050 = tpu.memref_squeeze %dma_wait3A_1049 : memref<1x8x8x128xf32, #tpu.memory_space<vmem>> -> memref<8x8x128xf32, #tpu.memory_space<vmem>>
        %dma_wait3A_1051 = arith.constant 0 : i32
        %dma_wait3A_1052 = arith.constant 0 : i32
        %dma_wait3A_1053 = arith.constant 0 : i32
        %dma_wait3A_1054 = tpu.memref_slice %arg2[%dma_wait3A_1051, %dma_wait3A_1052, %dma_wait3A_1053] : memref<8x8x1500000xf32, #tpu.memory_space<hbm>> -> memref<8x8x128xf32, #tpu.memory_space<hbm>>
        tpu.wait_dma2 semaphore(%arg9 : memref<!tpu.dma_semaphore, #tpu.memory_space<semaphore_mem>>) src(%dma_wait3A_1054 : memref<8x8x128xf32, #tpu.memory_space<hbm>>) dst(%dma_wait3A_1050 : memref<8x8x128xf32, #tpu.memory_space<vmem>>)
      } else {
      }
      %mul3A_471 = arith.constant 16 : i32
      %mul3A_472 = arith.muli %sub3A_363, %mul3A_471 : i32
      %add3A_473 = arith.constant 4 : i32
      %add3A_474 = arith.addi %mul3A_472, %add3A_473 : i32
      %add3A_475 = arith.constant 2 : i32
      %add3A_476 = arith.addi %add3A_474, %add3A_475 : i32
      %slice3A_477 = vector.extract_strided_slice %and3A_29 {offsets = [6], sizes = [1], strides = [1]} : vector<16xi32> to vector<1xi32>
      %squeeze3A_478 = vector.extract %slice3A_477[0] : i32 from vector<1xi32>
      %broadcast_in_dim3A_479 = vector.broadcast %squeeze3A_478 : i32 to vector<16xi32>
      %mul3A_480 = arith.constant 64 : i32
      %mul3A_481 = arith.muli %select_n3A_95, %mul3A_480 : i32
      %add3A_482 = arith.constant 0 : i32
      %add3A_483 = arith.addi %mul3A_481, %add3A_482 : i32
      %add3A_484 = vector.broadcast %add3A_483 : i32 to vector<16xi32>
      %add3A_485 = arith.addi %add3A_484, %iota3A : vector<16xi32>
      %gather3A_486 = tpu.vector_load_idx %arg6[%add3A_485, %broadcast_in_dim3A_479] : memref<512x128xf32, #tpu.memory_space<vmem>>[vector<16xi32>, vector<16xi32>], vector<16xf32>,
      %swap3A_487 = arith.index_cast %add3A_476 : i32 to index
      %swap3A_488 = arith.constant 0 : index
      %swap3A_489 = tpu.vector_load %arg7[%swap3A_487, %swap3A_488] {strides = array<i32>} : memref<256x64xf32, #tpu.memory_space<vmem>>, vector<16xf32>,
      tpu.vector_store %arg7[%swap3A_487, %swap3A_488], %gather3A_486 {strides = array<i32>} : memref<256x64xf32, #tpu.memory_space<vmem>>, vector<16xf32>,
      %mul3A_490 = arith.constant 64 : i32
      %mul3A_491 = arith.muli %select_n3A_95, %mul3A_490 : i32
      %add3A_492 = arith.constant 16 : i32
      %add3A_493 = arith.addi %mul3A_491, %add3A_492 : i32
      %add3A_494 = vector.broadcast %add3A_493 : i32 to vector<16xi32>
      %add3A_495 = arith.addi %add3A_494, %iota3A : vector<16xi32>
      %gather3A_496 = tpu.vector_load_idx %arg6[%add3A_495, %broadcast_in_dim3A_479] : memref<512x128xf32, #tpu.memory_space<vmem>>[vector<16xi32>, vector<16xi32>], vector<16xf32>,
      %swap3A_497 = arith.index_cast %add3A_476 : i32 to index
      %swap3A_498 = arith.constant 16 : index
      %swap3A_499 = tpu.vector_load %arg7[%swap3A_497, %swap3A_498] {strides = array<i32>} : memref<256x64xf32, #tpu.memory_space<vmem>>, vector<16xf32>,
      tpu.vector_store %arg7[%swap3A_497, %swap3A_498], %gather3A_496 {strides = array<i32>} : memref<256x64xf32, #tpu.memory_space<vmem>>, vector<16xf32>,
      %mul3A_500 = arith.constant 64 : i32
      %mul3A_501 = arith.muli %select_n3A_95, %mul3A_500 : i32
      %add3A_502 = arith.constant 32 : i32
      %add3A_503 = arith.addi %mul3A_501, %add3A_502 : i32
      %add3A_504 = vector.broadcast %add3A_503 : i32 to vector<16xi32>
      %add3A_505 = arith.addi %add3A_504, %iota3A : vector<16xi32>
      %gather3A_506 = tpu.vector_load_idx %arg6[%add3A_505, %broadcast_in_dim3A_479] : memref<512x128xf32, #tpu.memory_space<vmem>>[vector<16xi32>, vector<16xi32>], vector<16xf32>,
      %swap3A_507 = arith.index_cast %add3A_476 : i32 to index
      %swap3A_508 = arith.constant 32 : index
      %swap3A_509 = tpu.vector_load %arg7[%swap3A_507, %swap3A_508] {strides = array<i32>} : memref<256x64xf32, #tpu.memory_space<vmem>>, vector<16xf32>,
      tpu.vector_store %arg7[%swap3A_507, %swap3A_508], %gather3A_506 {strides = array<i32>} : memref<256x64xf32, #tpu.memory_space<vmem>>, vector<16xf32>,
      %mul3A_510 = arith.constant 64 : i32
      %mul3A_511 = arith.muli %select_n3A_95, %mul3A_510 : i32
      %add3A_512 = arith.constant 48 : i32
      %add3A_513 = arith.addi %mul3A_511, %add3A_512 : i32
      %add3A_514 = vector.broadcast %add3A_513 : i32 to vector<16xi32>
      %add3A_515 = arith.addi %add3A_514, %iota3A : vector<16xi32>
      %gather3A_516 = tpu.vector_load_idx %arg6[%add3A_515, %broadcast_in_dim3A_479] : memref<512x128xf32, #tpu.memory_space<vmem>>[vector<16xi32>, vector<16xi32>], vector<16xf32>,
      %swap3A_517 = arith.index_cast %add3A_476 : i32 to index
      %swap3A_518 = arith.constant 48 : index
      %swap3A_519 = tpu.vector_load %arg7[%swap3A_517, %swap3A_518] {strides = array<i32>} : memref<256x64xf32, #tpu.memory_space<vmem>>, vector<16xf32>,
      tpu.vector_store %arg7[%swap3A_517, %swap3A_518], %gather3A_516 {strides = array<i32>} : memref<256x64xf32, #tpu.memory_space<vmem>>, vector<16xf32>,
      %convert_element_type3A_520 = arith.extui %ne3A_103 : i1 to i32
      %cond3A_521 = arith.constant 0 : i32
      %cond3A_522 = arith.cmpi ne, %convert_element_type3A_520, %cond3A_521 : i32
      scf.if %cond3A_522 {
        %dma_wait3A = tpu.memref_reshape %arg6 : memref<512x128xf32, #tpu.memory_space<vmem>> -> memref<8x8x8x128xf32, #tpu.memory_space<vmem>>
        %dma_wait3A_1036 = arith.constant 0 : i32
        %dma_wait3A_1037 = arith.constant 0 : i32
        %dma_wait3A_1038 = arith.constant 0 : i32
        %dma_wait3A_1039 = tpu.memref_slice %dma_wait3A[%select_n3A_106, %dma_wait3A_1036, %dma_wait3A_1037, %dma_wait3A_1038] : memref<8x8x8x128xf32, #tpu.memory_space<vmem>> -> memref<1x8x8x128xf32, #tpu.memory_space<vmem>>
        %dma_wait3A_1040 = tpu.memref_squeeze %dma_wait3A_1039 : memref<1x8x8x128xf32, #tpu.memory_space<vmem>> -> memref<8x8x128xf32, #tpu.memory_space<vmem>>
        %dma_wait3A_1041 = arith.constant 0 : i32
        %dma_wait3A_1042 = arith.constant 0 : i32
        %dma_wait3A_1043 = arith.constant 0 : i32
        %dma_wait3A_1044 = tpu.memref_slice %arg2[%dma_wait3A_1041, %dma_wait3A_1042, %dma_wait3A_1043] : memref<8x8x1500000xf32, #tpu.memory_space<hbm>> -> memref<8x8x128xf32, #tpu.memory_space<hbm>>
        %dma_wait3A_1045 = tpu.memref_reshape %arg6 : memref<512x128xf32, #tpu.memory_space<vmem>> -> memref<8x8x8x128xf32, #tpu.memory_space<vmem>>
        %dma_wait3A_1046 = arith.constant 0 : i32
        %dma_wait3A_1047 = arith.constant 0 : i32
        %dma_wait3A_1048 = arith.constant 0 : i32
        %dma_wait3A_1049 = tpu.memref_slice %dma_wait3A_1045[%select_n3A_106, %dma_wait3A_1046, %dma_wait3A_1047, %dma_wait3A_1048] : memref<8x8x8x128xf32, #tpu.memory_space<vmem>> -> memref<1x8x8x128xf32, #tpu.memory_space<vmem>>
        %dma_wait3A_1050 = tpu.memref_squeeze %dma_wait3A_1049 : memref<1x8x8x128xf32, #tpu.memory_space<vmem>> -> memref<8x8x128xf32, #tpu.memory_space<vmem>>
        %dma_wait3A_1051 = arith.constant 0 : i32
        %dma_wait3A_1052 = arith.constant 0 : i32
        %dma_wait3A_1053 = arith.constant 0 : i32
        %dma_wait3A_1054 = tpu.memref_slice %arg2[%dma_wait3A_1051, %dma_wait3A_1052, %dma_wait3A_1053] : memref<8x8x1500000xf32, #tpu.memory_space<hbm>> -> memref<8x8x128xf32, #tpu.memory_space<hbm>>
        tpu.wait_dma2 semaphore(%arg9 : memref<!tpu.dma_semaphore, #tpu.memory_space<semaphore_mem>>) src(%dma_wait3A_1054 : memref<8x8x128xf32, #tpu.memory_space<hbm>>) dst(%dma_wait3A_1050 : memref<8x8x128xf32, #tpu.memory_space<vmem>>)
      } else {
      }
      %mul3A_523 = arith.constant 16 : i32
      %mul3A_524 = arith.muli %sub3A_363, %mul3A_523 : i32
      %add3A_525 = arith.constant 4 : i32
      %add3A_526 = arith.addi %mul3A_524, %add3A_525 : i32
      %add3A_527 = arith.constant 3 : i32
      %add3A_528 = arith.addi %add3A_526, %add3A_527 : i32
      %slice3A_529 = vector.extract_strided_slice %and3A_29 {offsets = [7], sizes = [1], strides = [1]} : vector<16xi32> to vector<1xi32>
      %squeeze3A_530 = vector.extract %slice3A_529[0] : i32 from vector<1xi32>
      %broadcast_in_dim3A_531 = vector.broadcast %squeeze3A_530 : i32 to vector<16xi32>
      %mul3A_532 = arith.constant 64 : i32
      %mul3A_533 = arith.muli %select_n3A_106, %mul3A_532 : i32
      %add3A_534 = arith.constant 0 : i32
      %add3A_535 = arith.addi %mul3A_533, %add3A_534 : i32
      %add3A_536 = vector.broadcast %add3A_535 : i32 to vector<16xi32>
      %add3A_537 = arith.addi %add3A_536, %iota3A : vector<16xi32>
      %gather3A_538 = tpu.vector_load_idx %arg6[%add3A_537, %broadcast_in_dim3A_531] : memref<512x128xf32, #tpu.memory_space<vmem>>[vector<16xi32>, vector<16xi32>], vector<16xf32>,
      %swap3A_539 = arith.index_cast %add3A_528 : i32 to index
      %swap3A_540 = arith.constant 0 : index
      %swap3A_541 = tpu.vector_load %arg7[%swap3A_539, %swap3A_540] {strides = array<i32>} : memref<256x64xf32, #tpu.memory_space<vmem>>, vector<16xf32>,
      tpu.vector_store %arg7[%swap3A_539, %swap3A_540], %gather3A_538 {strides = array<i32>} : memref<256x64xf32, #tpu.memory_space<vmem>>, vector<16xf32>,
      %mul3A_542 = arith.constant 64 : i32
      %mul3A_543 = arith.muli %select_n3A_106, %mul3A_542 : i32
      %add3A_544 = arith.constant 16 : i32
      %add3A_545 = arith.addi %mul3A_543, %add3A_544 : i32
      %add3A_546 = vector.broadcast %add3A_545 : i32 to vector<16xi32>
      %add3A_547 = arith.addi %add3A_546, %iota3A : vector<16xi32>
      %gather3A_548 = tpu.vector_load_idx %arg6[%add3A_547, %broadcast_in_dim3A_531] : memref<512x128xf32, #tpu.memory_space<vmem>>[vector<16xi32>, vector<16xi32>], vector<16xf32>,
      %swap3A_549 = arith.index_cast %add3A_528 : i32 to index
      %swap3A_550 = arith.constant 16 : index
      %swap3A_551 = tpu.vector_load %arg7[%swap3A_549, %swap3A_550] {strides = array<i32>} : memref<256x64xf32, #tpu.memory_space<vmem>>, vector<16xf32>,
      tpu.vector_store %arg7[%swap3A_549, %swap3A_550], %gather3A_548 {strides = array<i32>} : memref<256x64xf32, #tpu.memory_space<vmem>>, vector<16xf32>,
      %mul3A_552 = arith.constant 64 : i32
      %mul3A_553 = arith.muli %select_n3A_106, %mul3A_552 : i32
      %add3A_554 = arith.constant 32 : i32
      %add3A_555 = arith.addi %mul3A_553, %add3A_554 : i32
      %add3A_556 = vector.broadcast %add3A_555 : i32 to vector<16xi32>
      %add3A_557 = arith.addi %add3A_556, %iota3A : vector<16xi32>
      %gather3A_558 = tpu.vector_load_idx %arg6[%add3A_557, %broadcast_in_dim3A_531] : memref<512x128xf32, #tpu.memory_space<vmem>>[vector<16xi32>, vector<16xi32>], vector<16xf32>,
      %swap3A_559 = arith.index_cast %add3A_528 : i32 to index
      %swap3A_560 = arith.constant 32 : index
      %swap3A_561 = tpu.vector_load %arg7[%swap3A_559, %swap3A_560] {strides = array<i32>} : memref<256x64xf32, #tpu.memory_space<vmem>>, vector<16xf32>,
      tpu.vector_store %arg7[%swap3A_559, %swap3A_560], %gather3A_558 {strides = array<i32>} : memref<256x64xf32, #tpu.memory_space<vmem>>, vector<16xf32>,
      %mul3A_562 = arith.constant 64 : i32
      %mul3A_563 = arith.muli %select_n3A_106, %mul3A_562 : i32
      %add3A_564 = arith.constant 48 : i32
      %add3A_565 = arith.addi %mul3A_563, %add3A_564 : i32
      %add3A_566 = vector.broadcast %add3A_565 : i32 to vector<16xi32>
      %add3A_567 = arith.addi %add3A_566, %iota3A : vector<16xi32>
      %gather3A_568 = tpu.vector_load_idx %arg6[%add3A_567, %broadcast_in_dim3A_531] : memref<512x128xf32, #tpu.memory_space<vmem>>[vector<16xi32>, vector<16xi32>], vector<16xf32>,
      %swap3A_569 = arith.index_cast %add3A_528 : i32 to index
      %swap3A_570 = arith.constant 48 : index
      %swap3A_571 = tpu.vector_load %arg7[%swap3A_569, %swap3A_570] {strides = array<i32>} : memref<256x64xf32, #tpu.memory_space<vmem>>, vector<16xf32>,
      tpu.vector_store %arg7[%swap3A_569, %swap3A_570], %gather3A_568 {strides = array<i32>} : memref<256x64xf32, #tpu.memory_space<vmem>>, vector<16xf32>,
      %slice3A_572 = vector.extract_strided_slice %shift_right_arithmetic3A_27 {offsets = [12], sizes = [1], strides = [1]} : vector<16xi32> to vector<1xi32>
      %squeeze3A_573 = vector.extract %slice3A_572[0] : i32 from vector<1xi32>
      %ne3A_574 = arith.cmpi ne, %squeeze3A_573, %squeeze3A_352 : i32
      %and3A_575 = arith.constant 7 : i32
      %and3A_576 = arith.andi %add3A_361, %and3A_575 : i32
      %select_n3A_577 = arith.select %ne3A_574, %and3A_576, %select_n3A_356 : i32
      %convert_element_type3A_578 = arith.extui %ne3A_574 : i1 to i32
      %cond3A_579 = arith.constant 0 : i32
      %cond3A_580 = arith.cmpi ne, %convert_element_type3A_578, %cond3A_579 : i32
      scf.if %cond3A_580 {
        %mul3A_1036 = arith.constant 128 : i32
        %mul3A_1037 = arith.muli %squeeze3A_573, %mul3A_1036 : i32
        %multiple_of3A = tpu.assume_multiple %mul3A_1037, 128 : i32
        %dma_start3A = tpu.memref_reshape %arg6 : memref<512x128xf32, #tpu.memory_space<vmem>> -> memref<8x8x8x128xf32, #tpu.memory_space<vmem>>
        %dma_start3A_1038 = arith.constant 0 : i32
        %dma_start3A_1039 = arith.constant 0 : i32
        %dma_start3A_1040 = arith.constant 0 : i32
        %dma_start3A_1041 = tpu.memref_slice %dma_start3A[%select_n3A_577, %dma_start3A_1038, %dma_start3A_1039, %dma_start3A_1040] : memref<8x8x8x128xf32, #tpu.memory_space<vmem>> -> memref<1x8x8x128xf32, #tpu.memory_space<vmem>>
        %dma_start3A_1042 = tpu.memref_squeeze %dma_start3A_1041 : memref<1x8x8x128xf32, #tpu.memory_space<vmem>> -> memref<8x8x128xf32, #tpu.memory_space<vmem>>
        %dma_start3A_1043 = arith.constant 0 : i32
        %dma_start3A_1044 = arith.constant 0 : i32
        %dma_start3A_1045 = tpu.memref_slice %arg2[%dma_start3A_1043, %dma_start3A_1044, %multiple_of3A] : memref<8x8x1500000xf32, #tpu.memory_space<hbm>> -> memref<8x8x128xf32, #tpu.memory_space<hbm>>
        %dma_start3A_1046 = tpu.memref_reshape %arg6 : memref<512x128xf32, #tpu.memory_space<vmem>> -> memref<8x8x8x128xf32, #tpu.memory_space<vmem>>
        %dma_start3A_1047 = arith.constant 0 : i32
        %dma_start3A_1048 = arith.constant 0 : i32
        %dma_start3A_1049 = arith.constant 0 : i32
        %dma_start3A_1050 = tpu.memref_slice %dma_start3A_1046[%select_n3A_577, %dma_start3A_1047, %dma_start3A_1048, %dma_start3A_1049] : memref<8x8x8x128xf32, #tpu.memory_space<vmem>> -> memref<1x8x8x128xf32, #tpu.memory_space<vmem>>
        %dma_start3A_1051 = tpu.memref_squeeze %dma_start3A_1050 : memref<1x8x8x128xf32, #tpu.memory_space<vmem>> -> memref<8x8x128xf32, #tpu.memory_space<vmem>>
        %dma_start3A_1052 = arith.constant 0 : i32
        %dma_start3A_1053 = arith.constant 0 : i32
        %dma_start3A_1054 = tpu.memref_slice %arg2[%dma_start3A_1052, %dma_start3A_1053, %multiple_of3A] : memref<8x8x1500000xf32, #tpu.memory_space<hbm>> -> memref<8x8x128xf32, #tpu.memory_space<hbm>>
        tpu.enqueue_dma source(%dma_start3A_1054 : memref<8x8x128xf32, #tpu.memory_space<hbm>>) target(%dma_start3A_1051 : memref<8x8x128xf32, #tpu.memory_space<vmem>>) target_semaphore(%arg9 : memref<!tpu.dma_semaphore, #tpu.memory_space<semaphore_mem>>)
      } else {
      }
      %convert_element_type3A_581 = arith.extui %ne3A_574 : i1 to i32
      %add3A_582 = arith.addi %add3A_361, %convert_element_type3A_581 : i32
      %slice3A_583 = vector.extract_strided_slice %shift_right_arithmetic3A_27 {offsets = [13], sizes = [1], strides = [1]} : vector<16xi32> to vector<1xi32>
      %squeeze3A_584 = vector.extract %slice3A_583[0] : i32 from vector<1xi32>
      %ne3A_585 = arith.cmpi ne, %squeeze3A_584, %squeeze3A_573 : i32
      %and3A_586 = arith.constant 7 : i32
      %and3A_587 = arith.andi %add3A_582, %and3A_586 : i32
      %select_n3A_588 = arith.select %ne3A_585, %and3A_587, %select_n3A_577 : i32
      %convert_element_type3A_589 = arith.extui %ne3A_585 : i1 to i32
      %cond3A_590 = arith.constant 0 : i32
      %cond3A_591 = arith.cmpi ne, %convert_element_type3A_589, %cond3A_590 : i32
      scf.if %cond3A_591 {
        %mul3A_1036 = arith.constant 128 : i32
        %mul3A_1037 = arith.muli %squeeze3A_584, %mul3A_1036 : i32
        %multiple_of3A = tpu.assume_multiple %mul3A_1037, 128 : i32
        %dma_start3A = tpu.memref_reshape %arg6 : memref<512x128xf32, #tpu.memory_space<vmem>> -> memref<8x8x8x128xf32, #tpu.memory_space<vmem>>
        %dma_start3A_1038 = arith.constant 0 : i32
        %dma_start3A_1039 = arith.constant 0 : i32
        %dma_start3A_1040 = arith.constant 0 : i32
        %dma_start3A_1041 = tpu.memref_slice %dma_start3A[%select_n3A_588, %dma_start3A_1038, %dma_start3A_1039, %dma_start3A_1040] : memref<8x8x8x128xf32, #tpu.memory_space<vmem>> -> memref<1x8x8x128xf32, #tpu.memory_space<vmem>>
        %dma_start3A_1042 = tpu.memref_squeeze %dma_start3A_1041 : memref<1x8x8x128xf32, #tpu.memory_space<vmem>> -> memref<8x8x128xf32, #tpu.memory_space<vmem>>
        %dma_start3A_1043 = arith.constant 0 : i32
        %dma_start3A_1044 = arith.constant 0 : i32
        %dma_start3A_1045 = tpu.memref_slice %arg2[%dma_start3A_1043, %dma_start3A_1044, %multiple_of3A] : memref<8x8x1500000xf32, #tpu.memory_space<hbm>> -> memref<8x8x128xf32, #tpu.memory_space<hbm>>
        %dma_start3A_1046 = tpu.memref_reshape %arg6 : memref<512x128xf32, #tpu.memory_space<vmem>> -> memref<8x8x8x128xf32, #tpu.memory_space<vmem>>
        %dma_start3A_1047 = arith.constant 0 : i32
        %dma_start3A_1048 = arith.constant 0 : i32
        %dma_start3A_1049 = arith.constant 0 : i32
        %dma_start3A_1050 = tpu.memref_slice %dma_start3A_1046[%select_n3A_588, %dma_start3A_1047, %dma_start3A_1048, %dma_start3A_1049] : memref<8x8x8x128xf32, #tpu.memory_space<vmem>> -> memref<1x8x8x128xf32, #tpu.memory_space<vmem>>
        %dma_start3A_1051 = tpu.memref_squeeze %dma_start3A_1050 : memref<1x8x8x128xf32, #tpu.memory_space<vmem>> -> memref<8x8x128xf32, #tpu.memory_space<vmem>>
        %dma_start3A_1052 = arith.constant 0 : i32
        %dma_start3A_1053 = arith.constant 0 : i32
        %dma_start3A_1054 = tpu.memref_slice %arg2[%dma_start3A_1052, %dma_start3A_1053, %multiple_of3A] : memref<8x8x1500000xf32, #tpu.memory_space<hbm>> -> memref<8x8x128xf32, #tpu.memory_space<hbm>>
        tpu.enqueue_dma source(%dma_start3A_1054 : memref<8x8x128xf32, #tpu.memory_space<hbm>>) target(%dma_start3A_1051 : memref<8x8x128xf32, #tpu.memory_space<vmem>>) target_semaphore(%arg9 : memref<!tpu.dma_semaphore, #tpu.memory_space<semaphore_mem>>)
      } else {
      }
      %convert_element_type3A_592 = arith.extui %ne3A_585 : i1 to i32
      %add3A_593 = arith.addi %add3A_582, %convert_element_type3A_592 : i32
      %slice3A_594 = vector.extract_strided_slice %shift_right_arithmetic3A_27 {offsets = [14], sizes = [1], strides = [1]} : vector<16xi32> to vector<1xi32>
      %squeeze3A_595 = vector.extract %slice3A_594[0] : i32 from vector<1xi32>
      %ne3A_596 = arith.cmpi ne, %squeeze3A_595, %squeeze3A_584 : i32
      %and3A_597 = arith.constant 7 : i32
      %and3A_598 = arith.andi %add3A_593, %and3A_597 : i32
      %select_n3A_599 = arith.select %ne3A_596, %and3A_598, %select_n3A_588 : i32
      %convert_element_type3A_600 = arith.extui %ne3A_596 : i1 to i32
      %cond3A_601 = arith.constant 0 : i32
      %cond3A_602 = arith.cmpi ne, %convert_element_type3A_600, %cond3A_601 : i32
      scf.if %cond3A_602 {
        %mul3A_1036 = arith.constant 128 : i32
        %mul3A_1037 = arith.muli %squeeze3A_595, %mul3A_1036 : i32
        %multiple_of3A = tpu.assume_multiple %mul3A_1037, 128 : i32
        %dma_start3A = tpu.memref_reshape %arg6 : memref<512x128xf32, #tpu.memory_space<vmem>> -> memref<8x8x8x128xf32, #tpu.memory_space<vmem>>
        %dma_start3A_1038 = arith.constant 0 : i32
        %dma_start3A_1039 = arith.constant 0 : i32
        %dma_start3A_1040 = arith.constant 0 : i32
        %dma_start3A_1041 = tpu.memref_slice %dma_start3A[%select_n3A_599, %dma_start3A_1038, %dma_start3A_1039, %dma_start3A_1040] : memref<8x8x8x128xf32, #tpu.memory_space<vmem>> -> memref<1x8x8x128xf32, #tpu.memory_space<vmem>>
        %dma_start3A_1042 = tpu.memref_squeeze %dma_start3A_1041 : memref<1x8x8x128xf32, #tpu.memory_space<vmem>> -> memref<8x8x128xf32, #tpu.memory_space<vmem>>
        %dma_start3A_1043 = arith.constant 0 : i32
        %dma_start3A_1044 = arith.constant 0 : i32
        %dma_start3A_1045 = tpu.memref_slice %arg2[%dma_start3A_1043, %dma_start3A_1044, %multiple_of3A] : memref<8x8x1500000xf32, #tpu.memory_space<hbm>> -> memref<8x8x128xf32, #tpu.memory_space<hbm>>
        %dma_start3A_1046 = tpu.memref_reshape %arg6 : memref<512x128xf32, #tpu.memory_space<vmem>> -> memref<8x8x8x128xf32, #tpu.memory_space<vmem>>
        %dma_start3A_1047 = arith.constant 0 : i32
        %dma_start3A_1048 = arith.constant 0 : i32
        %dma_start3A_1049 = arith.constant 0 : i32
        %dma_start3A_1050 = tpu.memref_slice %dma_start3A_1046[%select_n3A_599, %dma_start3A_1047, %dma_start3A_1048, %dma_start3A_1049] : memref<8x8x8x128xf32, #tpu.memory_space<vmem>> -> memref<1x8x8x128xf32, #tpu.memory_space<vmem>>
        %dma_start3A_1051 = tpu.memref_squeeze %dma_start3A_1050 : memref<1x8x8x128xf32, #tpu.memory_space<vmem>> -> memref<8x8x128xf32, #tpu.memory_space<vmem>>
        %dma_start3A_1052 = arith.constant 0 : i32
        %dma_start3A_1053 = arith.constant 0 : i32
        %dma_start3A_1054 = tpu.memref_slice %arg2[%dma_start3A_1052, %dma_start3A_1053, %multiple_of3A] : memref<8x8x1500000xf32, #tpu.memory_space<hbm>> -> memref<8x8x128xf32, #tpu.memory_space<hbm>>
        tpu.enqueue_dma source(%dma_start3A_1054 : memref<8x8x128xf32, #tpu.memory_space<hbm>>) target(%dma_start3A_1051 : memref<8x8x128xf32, #tpu.memory_space<vmem>>) target_semaphore(%arg9 : memref<!tpu.dma_semaphore, #tpu.memory_space<semaphore_mem>>)
      } else {
      }
      %convert_element_type3A_603 = arith.extui %ne3A_596 : i1 to i32
      %add3A_604 = arith.addi %add3A_593, %convert_element_type3A_603 : i32
      %slice3A_605 = vector.extract_strided_slice %shift_right_arithmetic3A_27 {offsets = [15], sizes = [1], strides = [1]} : vector<16xi32> to vector<1xi32>
      %squeeze3A_606 = vector.extract %slice3A_605[0] : i32 from vector<1xi32>
      %ne3A_607 = arith.cmpi ne, %squeeze3A_606, %squeeze3A_595 : i32
      %and3A_608 = arith.constant 7 : i32
      %and3A_609 = arith.andi %add3A_604, %and3A_608 : i32
      %select_n3A_610 = arith.select %ne3A_607, %and3A_609, %select_n3A_599 : i32
      %convert_element_type3A_611 = arith.extui %ne3A_607 : i1 to i32
      %cond3A_612 = arith.constant 0 : i32
      %cond3A_613 = arith.cmpi ne, %convert_element_type3A_611, %cond3A_612 : i32
      scf.if %cond3A_613 {
        %mul3A_1036 = arith.constant 128 : i32
        %mul3A_1037 = arith.muli %squeeze3A_606, %mul3A_1036 : i32
        %multiple_of3A = tpu.assume_multiple %mul3A_1037, 128 : i32
        %dma_start3A = tpu.memref_reshape %arg6 : memref<512x128xf32, #tpu.memory_space<vmem>> -> memref<8x8x8x128xf32, #tpu.memory_space<vmem>>
        %dma_start3A_1038 = arith.constant 0 : i32
        %dma_start3A_1039 = arith.constant 0 : i32
        %dma_start3A_1040 = arith.constant 0 : i32
        %dma_start3A_1041 = tpu.memref_slice %dma_start3A[%select_n3A_610, %dma_start3A_1038, %dma_start3A_1039, %dma_start3A_1040] : memref<8x8x8x128xf32, #tpu.memory_space<vmem>> -> memref<1x8x8x128xf32, #tpu.memory_space<vmem>>
        %dma_start3A_1042 = tpu.memref_squeeze %dma_start3A_1041 : memref<1x8x8x128xf32, #tpu.memory_space<vmem>> -> memref<8x8x128xf32, #tpu.memory_space<vmem>>
        %dma_start3A_1043 = arith.constant 0 : i32
        %dma_start3A_1044 = arith.constant 0 : i32
        %dma_start3A_1045 = tpu.memref_slice %arg2[%dma_start3A_1043, %dma_start3A_1044, %multiple_of3A] : memref<8x8x1500000xf32, #tpu.memory_space<hbm>> -> memref<8x8x128xf32, #tpu.memory_space<hbm>>
        %dma_start3A_1046 = tpu.memref_reshape %arg6 : memref<512x128xf32, #tpu.memory_space<vmem>> -> memref<8x8x8x128xf32, #tpu.memory_space<vmem>>
        %dma_start3A_1047 = arith.constant 0 : i32
        %dma_start3A_1048 = arith.constant 0 : i32
        %dma_start3A_1049 = arith.constant 0 : i32
        %dma_start3A_1050 = tpu.memref_slice %dma_start3A_1046[%select_n3A_610, %dma_start3A_1047, %dma_start3A_1048, %dma_start3A_1049] : memref<8x8x8x128xf32, #tpu.memory_space<vmem>> -> memref<1x8x8x128xf32, #tpu.memory_space<vmem>>
        %dma_start3A_1051 = tpu.memref_squeeze %dma_start3A_1050 : memref<1x8x8x128xf32, #tpu.memory_space<vmem>> -> memref<8x8x128xf32, #tpu.memory_space<vmem>>
        %dma_start3A_1052 = arith.constant 0 : i32
        %dma_start3A_1053 = arith.constant 0 : i32
        %dma_start3A_1054 = tpu.memref_slice %arg2[%dma_start3A_1052, %dma_start3A_1053, %multiple_of3A] : memref<8x8x1500000xf32, #tpu.memory_space<hbm>> -> memref<8x8x128xf32, #tpu.memory_space<hbm>>
        tpu.enqueue_dma source(%dma_start3A_1054 : memref<8x8x128xf32, #tpu.memory_space<hbm>>) target(%dma_start3A_1051 : memref<8x8x128xf32, #tpu.memory_space<vmem>>) target_semaphore(%arg9 : memref<!tpu.dma_semaphore, #tpu.memory_space<semaphore_mem>>)
      } else {
      }
      %convert_element_type3A_614 = arith.extui %ne3A_607 : i1 to i32
      %add3A_615 = arith.addi %add3A_604, %convert_element_type3A_614 : i32
      %sub3A_616 = arith.constant 16 : i32
      %sub3A_617 = arith.subi %scan3A_19, %sub3A_616 : i32
      %convert_element_type3A_618 = arith.extui %ne3A_320 : i1 to i32
      %cond3A_619 = arith.constant 0 : i32
      %cond3A_620 = arith.cmpi ne, %convert_element_type3A_618, %cond3A_619 : i32
      scf.if %cond3A_620 {
        %dma_wait3A = tpu.memref_reshape %arg6 : memref<512x128xf32, #tpu.memory_space<vmem>> -> memref<8x8x8x128xf32, #tpu.memory_space<vmem>>
        %dma_wait3A_1036 = arith.constant 0 : i32
        %dma_wait3A_1037 = arith.constant 0 : i32
        %dma_wait3A_1038 = arith.constant 0 : i32
        %dma_wait3A_1039 = tpu.memref_slice %dma_wait3A[%select_n3A_323, %dma_wait3A_1036, %dma_wait3A_1037, %dma_wait3A_1038] : memref<8x8x8x128xf32, #tpu.memory_space<vmem>> -> memref<1x8x8x128xf32, #tpu.memory_space<vmem>>
        %dma_wait3A_1040 = tpu.memref_squeeze %dma_wait3A_1039 : memref<1x8x8x128xf32, #tpu.memory_space<vmem>> -> memref<8x8x128xf32, #tpu.memory_space<vmem>>
        %dma_wait3A_1041 = arith.constant 0 : i32
        %dma_wait3A_1042 = arith.constant 0 : i32
        %dma_wait3A_1043 = arith.constant 0 : i32
        %dma_wait3A_1044 = tpu.memref_slice %arg2[%dma_wait3A_1041, %dma_wait3A_1042, %dma_wait3A_1043] : memref<8x8x1500000xf32, #tpu.memory_space<hbm>> -> memref<8x8x128xf32, #tpu.memory_space<hbm>>
        %dma_wait3A_1045 = tpu.memref_reshape %arg6 : memref<512x128xf32, #tpu.memory_space<vmem>> -> memref<8x8x8x128xf32, #tpu.memory_space<vmem>>
        %dma_wait3A_1046 = arith.constant 0 : i32
        %dma_wait3A_1047 = arith.constant 0 : i32
        %dma_wait3A_1048 = arith.constant 0 : i32
        %dma_wait3A_1049 = tpu.memref_slice %dma_wait3A_1045[%select_n3A_323, %dma_wait3A_1046, %dma_wait3A_1047, %dma_wait3A_1048] : memref<8x8x8x128xf32, #tpu.memory_space<vmem>> -> memref<1x8x8x128xf32, #tpu.memory_space<vmem>>
        %dma_wait3A_1050 = tpu.memref_squeeze %dma_wait3A_1049 : memref<1x8x8x128xf32, #tpu.memory_space<vmem>> -> memref<8x8x128xf32, #tpu.memory_space<vmem>>
        %dma_wait3A_1051 = arith.constant 0 : i32
        %dma_wait3A_1052 = arith.constant 0 : i32
        %dma_wait3A_1053 = arith.constant 0 : i32
        %dma_wait3A_1054 = tpu.memref_slice %arg2[%dma_wait3A_1051, %dma_wait3A_1052, %dma_wait3A_1053] : memref<8x8x1500000xf32, #tpu.memory_space<hbm>> -> memref<8x8x128xf32, #tpu.memory_space<hbm>>
        tpu.wait_dma2 semaphore(%arg8 : memref<!tpu.dma_semaphore, #tpu.memory_space<semaphore_mem>>) src(%dma_wait3A_1054 : memref<8x8x128xf32, #tpu.memory_space<hbm>>) dst(%dma_wait3A_1050 : memref<8x8x128xf32, #tpu.memory_space<vmem>>)
      } else {
      }
      %mul3A_621 = arith.constant 16 : i32
      %mul3A_622 = arith.muli %sub3A_617, %mul3A_621 : i32
      %add3A_623 = arith.constant 8 : i32
      %add3A_624 = arith.addi %mul3A_622, %add3A_623 : i32
      %add3A_625 = arith.constant 0 : i32
      %add3A_626 = arith.addi %add3A_624, %add3A_625 : i32
      %slice3A_627 = vector.extract_strided_slice %and3A_29 {offsets = [8], sizes = [1], strides = [1]} : vector<16xi32> to vector<1xi32>
      %squeeze3A_628 = vector.extract %slice3A_627[0] : i32 from vector<1xi32>
      %broadcast_in_dim3A_629 = vector.broadcast %squeeze3A_628 : i32 to vector<16xi32>
      %mul3A_630 = arith.constant 64 : i32
      %mul3A_631 = arith.muli %select_n3A_323, %mul3A_630 : i32
      %add3A_632 = arith.constant 0 : i32
      %add3A_633 = arith.addi %mul3A_631, %add3A_632 : i32
      %add3A_634 = vector.broadcast %add3A_633 : i32 to vector<16xi32>
      %add3A_635 = arith.addi %add3A_634, %iota3A : vector<16xi32>
      %gather3A_636 = tpu.vector_load_idx %arg6[%add3A_635, %broadcast_in_dim3A_629] : memref<512x128xf32, #tpu.memory_space<vmem>>[vector<16xi32>, vector<16xi32>], vector<16xf32>,
      %swap3A_637 = arith.index_cast %add3A_626 : i32 to index
      %swap3A_638 = arith.constant 0 : index
      %swap3A_639 = tpu.vector_load %arg7[%swap3A_637, %swap3A_638] {strides = array<i32>} : memref<256x64xf32, #tpu.memory_space<vmem>>, vector<16xf32>,
      tpu.vector_store %arg7[%swap3A_637, %swap3A_638], %gather3A_636 {strides = array<i32>} : memref<256x64xf32, #tpu.memory_space<vmem>>, vector<16xf32>,
      %mul3A_640 = arith.constant 64 : i32
      %mul3A_641 = arith.muli %select_n3A_323, %mul3A_640 : i32
      %add3A_642 = arith.constant 16 : i32
      %add3A_643 = arith.addi %mul3A_641, %add3A_642 : i32
      %add3A_644 = vector.broadcast %add3A_643 : i32 to vector<16xi32>
      %add3A_645 = arith.addi %add3A_644, %iota3A : vector<16xi32>
      %gather3A_646 = tpu.vector_load_idx %arg6[%add3A_645, %broadcast_in_dim3A_629] : memref<512x128xf32, #tpu.memory_space<vmem>>[vector<16xi32>, vector<16xi32>], vector<16xf32>,
      %swap3A_647 = arith.index_cast %add3A_626 : i32 to index
      %swap3A_648 = arith.constant 16 : index
      %swap3A_649 = tpu.vector_load %arg7[%swap3A_647, %swap3A_648] {strides = array<i32>} : memref<256x64xf32, #tpu.memory_space<vmem>>, vector<16xf32>,
      tpu.vector_store %arg7[%swap3A_647, %swap3A_648], %gather3A_646 {strides = array<i32>} : memref<256x64xf32, #tpu.memory_space<vmem>>, vector<16xf32>,
      %mul3A_650 = arith.constant 64 : i32
      %mul3A_651 = arith.muli %select_n3A_323, %mul3A_650 : i32
      %add3A_652 = arith.constant 32 : i32
      %add3A_653 = arith.addi %mul3A_651, %add3A_652 : i32
      %add3A_654 = vector.broadcast %add3A_653 : i32 to vector<16xi32>
      %add3A_655 = arith.addi %add3A_654, %iota3A : vector<16xi32>
      %gather3A_656 = tpu.vector_load_idx %arg6[%add3A_655, %broadcast_in_dim3A_629] : memref<512x128xf32, #tpu.memory_space<vmem>>[vector<16xi32>, vector<16xi32>], vector<16xf32>,
      %swap3A_657 = arith.index_cast %add3A_626 : i32 to index
      %swap3A_658 = arith.constant 32 : index
      %swap3A_659 = tpu.vector_load %arg7[%swap3A_657, %swap3A_658] {strides = array<i32>} : memref<256x64xf32, #tpu.memory_space<vmem>>, vector<16xf32>,
      tpu.vector_store %arg7[%swap3A_657, %swap3A_658], %gather3A_656 {strides = array<i32>} : memref<256x64xf32, #tpu.memory_space<vmem>>, vector<16xf32>,
      %mul3A_660 = arith.constant 64 : i32
      %mul3A_661 = arith.muli %select_n3A_323, %mul3A_660 : i32
      %add3A_662 = arith.constant 48 : i32
      %add3A_663 = arith.addi %mul3A_661, %add3A_662 : i32
      %add3A_664 = vector.broadcast %add3A_663 : i32 to vector<16xi32>
      %add3A_665 = arith.addi %add3A_664, %iota3A : vector<16xi32>
      %gather3A_666 = tpu.vector_load_idx %arg6[%add3A_665, %broadcast_in_dim3A_629] : memref<512x128xf32, #tpu.memory_space<vmem>>[vector<16xi32>, vector<16xi32>], vector<16xf32>,
      %swap3A_667 = arith.index_cast %add3A_626 : i32 to index
      %swap3A_668 = arith.constant 48 : index
      %swap3A_669 = tpu.vector_load %arg7[%swap3A_667, %swap3A_668] {strides = array<i32>} : memref<256x64xf32, #tpu.memory_space<vmem>>, vector<16xf32>,
      tpu.vector_store %arg7[%swap3A_667, %swap3A_668], %gather3A_666 {strides = array<i32>} : memref<256x64xf32, #tpu.memory_space<vmem>>, vector<16xf32>,
      %convert_element_type3A_670 = arith.extui %ne3A_331 : i1 to i32
      %cond3A_671 = arith.constant 0 : i32
      %cond3A_672 = arith.cmpi ne, %convert_element_type3A_670, %cond3A_671 : i32
      scf.if %cond3A_672 {
        %dma_wait3A = tpu.memref_reshape %arg6 : memref<512x128xf32, #tpu.memory_space<vmem>> -> memref<8x8x8x128xf32, #tpu.memory_space<vmem>>
        %dma_wait3A_1036 = arith.constant 0 : i32
        %dma_wait3A_1037 = arith.constant 0 : i32
        %dma_wait3A_1038 = arith.constant 0 : i32
        %dma_wait3A_1039 = tpu.memref_slice %dma_wait3A[%select_n3A_334, %dma_wait3A_1036, %dma_wait3A_1037, %dma_wait3A_1038] : memref<8x8x8x128xf32, #tpu.memory_space<vmem>> -> memref<1x8x8x128xf32, #tpu.memory_space<vmem>>
        %dma_wait3A_1040 = tpu.memref_squeeze %dma_wait3A_1039 : memref<1x8x8x128xf32, #tpu.memory_space<vmem>> -> memref<8x8x128xf32, #tpu.memory_space<vmem>>
        %dma_wait3A_1041 = arith.constant 0 : i32
        %dma_wait3A_1042 = arith.constant 0 : i32
        %dma_wait3A_1043 = arith.constant 0 : i32
        %dma_wait3A_1044 = tpu.memref_slice %arg2[%dma_wait3A_1041, %dma_wait3A_1042, %dma_wait3A_1043] : memref<8x8x1500000xf32, #tpu.memory_space<hbm>> -> memref<8x8x128xf32, #tpu.memory_space<hbm>>
        %dma_wait3A_1045 = tpu.memref_reshape %arg6 : memref<512x128xf32, #tpu.memory_space<vmem>> -> memref<8x8x8x128xf32, #tpu.memory_space<vmem>>
        %dma_wait3A_1046 = arith.constant 0 : i32
        %dma_wait3A_1047 = arith.constant 0 : i32
        %dma_wait3A_1048 = arith.constant 0 : i32
        %dma_wait3A_1049 = tpu.memref_slice %dma_wait3A_1045[%select_n3A_334, %dma_wait3A_1046, %dma_wait3A_1047, %dma_wait3A_1048] : memref<8x8x8x128xf32, #tpu.memory_space<vmem>> -> memref<1x8x8x128xf32, #tpu.memory_space<vmem>>
        %dma_wait3A_1050 = tpu.memref_squeeze %dma_wait3A_1049 : memref<1x8x8x128xf32, #tpu.memory_space<vmem>> -> memref<8x8x128xf32, #tpu.memory_space<vmem>>
        %dma_wait3A_1051 = arith.constant 0 : i32
        %dma_wait3A_1052 = arith.constant 0 : i32
        %dma_wait3A_1053 = arith.constant 0 : i32
        %dma_wait3A_1054 = tpu.memref_slice %arg2[%dma_wait3A_1051, %dma_wait3A_1052, %dma_wait3A_1053] : memref<8x8x1500000xf32, #tpu.memory_space<hbm>> -> memref<8x8x128xf32, #tpu.memory_space<hbm>>
        tpu.wait_dma2 semaphore(%arg8 : memref<!tpu.dma_semaphore, #tpu.memory_space<semaphore_mem>>) src(%dma_wait3A_1054 : memref<8x8x128xf32, #tpu.memory_space<hbm>>) dst(%dma_wait3A_1050 : memref<8x8x128xf32, #tpu.memory_space<vmem>>)
      } else {
      }
      %mul3A_673 = arith.constant 16 : i32
      %mul3A_674 = arith.muli %sub3A_617, %mul3A_673 : i32
      %add3A_675 = arith.constant 8 : i32
      %add3A_676 = arith.addi %mul3A_674, %add3A_675 : i32
      %add3A_677 = arith.constant 1 : i32
      %add3A_678 = arith.addi %add3A_676, %add3A_677 : i32
      %slice3A_679 = vector.extract_strided_slice %and3A_29 {offsets = [9], sizes = [1], strides = [1]} : vector<16xi32> to vector<1xi32>
      %squeeze3A_680 = vector.extract %slice3A_679[0] : i32 from vector<1xi32>
      %broadcast_in_dim3A_681 = vector.broadcast %squeeze3A_680 : i32 to vector<16xi32>
      %mul3A_682 = arith.constant 64 : i32
      %mul3A_683 = arith.muli %select_n3A_334, %mul3A_682 : i32
      %add3A_684 = arith.constant 0 : i32
      %add3A_685 = arith.addi %mul3A_683, %add3A_684 : i32
      %add3A_686 = vector.broadcast %add3A_685 : i32 to vector<16xi32>
      %add3A_687 = arith.addi %add3A_686, %iota3A : vector<16xi32>
      %gather3A_688 = tpu.vector_load_idx %arg6[%add3A_687, %broadcast_in_dim3A_681] : memref<512x128xf32, #tpu.memory_space<vmem>>[vector<16xi32>, vector<16xi32>], vector<16xf32>,
      %swap3A_689 = arith.index_cast %add3A_678 : i32 to index
      %swap3A_690 = arith.constant 0 : index
      %swap3A_691 = tpu.vector_load %arg7[%swap3A_689, %swap3A_690] {strides = array<i32>} : memref<256x64xf32, #tpu.memory_space<vmem>>, vector<16xf32>,
      tpu.vector_store %arg7[%swap3A_689, %swap3A_690], %gather3A_688 {strides = array<i32>} : memref<256x64xf32, #tpu.memory_space<vmem>>, vector<16xf32>,
      %mul3A_692 = arith.constant 64 : i32
      %mul3A_693 = arith.muli %select_n3A_334, %mul3A_692 : i32
      %add3A_694 = arith.constant 16 : i32
      %add3A_695 = arith.addi %mul3A_693, %add3A_694 : i32
      %add3A_696 = vector.broadcast %add3A_695 : i32 to vector<16xi32>
      %add3A_697 = arith.addi %add3A_696, %iota3A : vector<16xi32>
      %gather3A_698 = tpu.vector_load_idx %arg6[%add3A_697, %broadcast_in_dim3A_681] : memref<512x128xf32, #tpu.memory_space<vmem>>[vector<16xi32>, vector<16xi32>], vector<16xf32>,
      %swap3A_699 = arith.index_cast %add3A_678 : i32 to index
      %swap3A_700 = arith.constant 16 : index
      %swap3A_701 = tpu.vector_load %arg7[%swap3A_699, %swap3A_700] {strides = array<i32>} : memref<256x64xf32, #tpu.memory_space<vmem>>, vector<16xf32>,
      tpu.vector_store %arg7[%swap3A_699, %swap3A_700], %gather3A_698 {strides = array<i32>} : memref<256x64xf32, #tpu.memory_space<vmem>>, vector<16xf32>,
      %mul3A_702 = arith.constant 64 : i32
      %mul3A_703 = arith.muli %select_n3A_334, %mul3A_702 : i32
      %add3A_704 = arith.constant 32 : i32
      %add3A_705 = arith.addi %mul3A_703, %add3A_704 : i32
      %add3A_706 = vector.broadcast %add3A_705 : i32 to vector<16xi32>
      %add3A_707 = arith.addi %add3A_706, %iota3A : vector<16xi32>
      %gather3A_708 = tpu.vector_load_idx %arg6[%add3A_707, %broadcast_in_dim3A_681] : memref<512x128xf32, #tpu.memory_space<vmem>>[vector<16xi32>, vector<16xi32>], vector<16xf32>,
      %swap3A_709 = arith.index_cast %add3A_678 : i32 to index
      %swap3A_710 = arith.constant 32 : index
      %swap3A_711 = tpu.vector_load %arg7[%swap3A_709, %swap3A_710] {strides = array<i32>} : memref<256x64xf32, #tpu.memory_space<vmem>>, vector<16xf32>,
      tpu.vector_store %arg7[%swap3A_709, %swap3A_710], %gather3A_708 {strides = array<i32>} : memref<256x64xf32, #tpu.memory_space<vmem>>, vector<16xf32>,
      %mul3A_712 = arith.constant 64 : i32
      %mul3A_713 = arith.muli %select_n3A_334, %mul3A_712 : i32
      %add3A_714 = arith.constant 48 : i32
      %add3A_715 = arith.addi %mul3A_713, %add3A_714 : i32
      %add3A_716 = vector.broadcast %add3A_715 : i32 to vector<16xi32>
      %add3A_717 = arith.addi %add3A_716, %iota3A : vector<16xi32>
      %gather3A_718 = tpu.vector_load_idx %arg6[%add3A_717, %broadcast_in_dim3A_681] : memref<512x128xf32, #tpu.memory_space<vmem>>[vector<16xi32>, vector<16xi32>], vector<16xf32>,
      %swap3A_719 = arith.index_cast %add3A_678 : i32 to index
      %swap3A_720 = arith.constant 48 : index
      %swap3A_721 = tpu.vector_load %arg7[%swap3A_719, %swap3A_720] {strides = array<i32>} : memref<256x64xf32, #tpu.memory_space<vmem>>, vector<16xf32>,
      tpu.vector_store %arg7[%swap3A_719, %swap3A_720], %gather3A_718 {strides = array<i32>} : memref<256x64xf32, #tpu.memory_space<vmem>>, vector<16xf32>,
      %convert_element_type3A_722 = arith.extui %ne3A_342 : i1 to i32
      %cond3A_723 = arith.constant 0 : i32
      %cond3A_724 = arith.cmpi ne, %convert_element_type3A_722, %cond3A_723 : i32
      scf.if %cond3A_724 {
        %dma_wait3A = tpu.memref_reshape %arg6 : memref<512x128xf32, #tpu.memory_space<vmem>> -> memref<8x8x8x128xf32, #tpu.memory_space<vmem>>
        %dma_wait3A_1036 = arith.constant 0 : i32
        %dma_wait3A_1037 = arith.constant 0 : i32
        %dma_wait3A_1038 = arith.constant 0 : i32
        %dma_wait3A_1039 = tpu.memref_slice %dma_wait3A[%select_n3A_345, %dma_wait3A_1036, %dma_wait3A_1037, %dma_wait3A_1038] : memref<8x8x8x128xf32, #tpu.memory_space<vmem>> -> memref<1x8x8x128xf32, #tpu.memory_space<vmem>>
        %dma_wait3A_1040 = tpu.memref_squeeze %dma_wait3A_1039 : memref<1x8x8x128xf32, #tpu.memory_space<vmem>> -> memref<8x8x128xf32, #tpu.memory_space<vmem>>
        %dma_wait3A_1041 = arith.constant 0 : i32
        %dma_wait3A_1042 = arith.constant 0 : i32
        %dma_wait3A_1043 = arith.constant 0 : i32
        %dma_wait3A_1044 = tpu.memref_slice %arg2[%dma_wait3A_1041, %dma_wait3A_1042, %dma_wait3A_1043] : memref<8x8x1500000xf32, #tpu.memory_space<hbm>> -> memref<8x8x128xf32, #tpu.memory_space<hbm>>
        %dma_wait3A_1045 = tpu.memref_reshape %arg6 : memref<512x128xf32, #tpu.memory_space<vmem>> -> memref<8x8x8x128xf32, #tpu.memory_space<vmem>>
        %dma_wait3A_1046 = arith.constant 0 : i32
        %dma_wait3A_1047 = arith.constant 0 : i32
        %dma_wait3A_1048 = arith.constant 0 : i32
        %dma_wait3A_1049 = tpu.memref_slice %dma_wait3A_1045[%select_n3A_345, %dma_wait3A_1046, %dma_wait3A_1047, %dma_wait3A_1048] : memref<8x8x8x128xf32, #tpu.memory_space<vmem>> -> memref<1x8x8x128xf32, #tpu.memory_space<vmem>>
        %dma_wait3A_1050 = tpu.memref_squeeze %dma_wait3A_1049 : memref<1x8x8x128xf32, #tpu.memory_space<vmem>> -> memref<8x8x128xf32, #tpu.memory_space<vmem>>
        %dma_wait3A_1051 = arith.constant 0 : i32
        %dma_wait3A_1052 = arith.constant 0 : i32
        %dma_wait3A_1053 = arith.constant 0 : i32
        %dma_wait3A_1054 = tpu.memref_slice %arg2[%dma_wait3A_1051, %dma_wait3A_1052, %dma_wait3A_1053] : memref<8x8x1500000xf32, #tpu.memory_space<hbm>> -> memref<8x8x128xf32, #tpu.memory_space<hbm>>
        tpu.wait_dma2 semaphore(%arg8 : memref<!tpu.dma_semaphore, #tpu.memory_space<semaphore_mem>>) src(%dma_wait3A_1054 : memref<8x8x128xf32, #tpu.memory_space<hbm>>) dst(%dma_wait3A_1050 : memref<8x8x128xf32, #tpu.memory_space<vmem>>)
      } else {
      }
      %mul3A_725 = arith.constant 16 : i32
      %mul3A_726 = arith.muli %sub3A_617, %mul3A_725 : i32
      %add3A_727 = arith.constant 8 : i32
      %add3A_728 = arith.addi %mul3A_726, %add3A_727 : i32
      %add3A_729 = arith.constant 2 : i32
      %add3A_730 = arith.addi %add3A_728, %add3A_729 : i32
      %slice3A_731 = vector.extract_strided_slice %and3A_29 {offsets = [10], sizes = [1], strides = [1]} : vector<16xi32> to vector<1xi32>
      %squeeze3A_732 = vector.extract %slice3A_731[0] : i32 from vector<1xi32>
      %broadcast_in_dim3A_733 = vector.broadcast %squeeze3A_732 : i32 to vector<16xi32>
      %mul3A_734 = arith.constant 64 : i32
      %mul3A_735 = arith.muli %select_n3A_345, %mul3A_734 : i32
      %add3A_736 = arith.constant 0 : i32
      %add3A_737 = arith.addi %mul3A_735, %add3A_736 : i32
      %add3A_738 = vector.broadcast %add3A_737 : i32 to vector<16xi32>
      %add3A_739 = arith.addi %add3A_738, %iota3A : vector<16xi32>
      %gather3A_740 = tpu.vector_load_idx %arg6[%add3A_739, %broadcast_in_dim3A_733] : memref<512x128xf32, #tpu.memory_space<vmem>>[vector<16xi32>, vector<16xi32>], vector<16xf32>,
      %swap3A_741 = arith.index_cast %add3A_730 : i32 to index
      %swap3A_742 = arith.constant 0 : index
      %swap3A_743 = tpu.vector_load %arg7[%swap3A_741, %swap3A_742] {strides = array<i32>} : memref<256x64xf32, #tpu.memory_space<vmem>>, vector<16xf32>,
      tpu.vector_store %arg7[%swap3A_741, %swap3A_742], %gather3A_740 {strides = array<i32>} : memref<256x64xf32, #tpu.memory_space<vmem>>, vector<16xf32>,
      %mul3A_744 = arith.constant 64 : i32
      %mul3A_745 = arith.muli %select_n3A_345, %mul3A_744 : i32
      %add3A_746 = arith.constant 16 : i32
      %add3A_747 = arith.addi %mul3A_745, %add3A_746 : i32
      %add3A_748 = vector.broadcast %add3A_747 : i32 to vector<16xi32>
      %add3A_749 = arith.addi %add3A_748, %iota3A : vector<16xi32>
      %gather3A_750 = tpu.vector_load_idx %arg6[%add3A_749, %broadcast_in_dim3A_733] : memref<512x128xf32, #tpu.memory_space<vmem>>[vector<16xi32>, vector<16xi32>], vector<16xf32>,
      %swap3A_751 = arith.index_cast %add3A_730 : i32 to index
      %swap3A_752 = arith.constant 16 : index
      %swap3A_753 = tpu.vector_load %arg7[%swap3A_751, %swap3A_752] {strides = array<i32>} : memref<256x64xf32, #tpu.memory_space<vmem>>, vector<16xf32>,
      tpu.vector_store %arg7[%swap3A_751, %swap3A_752], %gather3A_750 {strides = array<i32>} : memref<256x64xf32, #tpu.memory_space<vmem>>, vector<16xf32>,
      %mul3A_754 = arith.constant 64 : i32
      %mul3A_755 = arith.muli %select_n3A_345, %mul3A_754 : i32
      %add3A_756 = arith.constant 32 : i32
      %add3A_757 = arith.addi %mul3A_755, %add3A_756 : i32
      %add3A_758 = vector.broadcast %add3A_757 : i32 to vector<16xi32>
      %add3A_759 = arith.addi %add3A_758, %iota3A : vector<16xi32>
      %gather3A_760 = tpu.vector_load_idx %arg6[%add3A_759, %broadcast_in_dim3A_733] : memref<512x128xf32, #tpu.memory_space<vmem>>[vector<16xi32>, vector<16xi32>], vector<16xf32>,
      %swap3A_761 = arith.index_cast %add3A_730 : i32 to index
      %swap3A_762 = arith.constant 32 : index
      %swap3A_763 = tpu.vector_load %arg7[%swap3A_761, %swap3A_762] {strides = array<i32>} : memref<256x64xf32, #tpu.memory_space<vmem>>, vector<16xf32>,
      tpu.vector_store %arg7[%swap3A_761, %swap3A_762], %gather3A_760 {strides = array<i32>} : memref<256x64xf32, #tpu.memory_space<vmem>>, vector<16xf32>,
      %mul3A_764 = arith.constant 64 : i32
      %mul3A_765 = arith.muli %select_n3A_345, %mul3A_764 : i32
      %add3A_766 = arith.constant 48 : i32
      %add3A_767 = arith.addi %mul3A_765, %add3A_766 : i32
      %add3A_768 = vector.broadcast %add3A_767 : i32 to vector<16xi32>
      %add3A_769 = arith.addi %add3A_768, %iota3A : vector<16xi32>
      %gather3A_770 = tpu.vector_load_idx %arg6[%add3A_769, %broadcast_in_dim3A_733] : memref<512x128xf32, #tpu.memory_space<vmem>>[vector<16xi32>, vector<16xi32>], vector<16xf32>,
      %swap3A_771 = arith.index_cast %add3A_730 : i32 to index
      %swap3A_772 = arith.constant 48 : index
      %swap3A_773 = tpu.vector_load %arg7[%swap3A_771, %swap3A_772] {strides = array<i32>} : memref<256x64xf32, #tpu.memory_space<vmem>>, vector<16xf32>,
      tpu.vector_store %arg7[%swap3A_771, %swap3A_772], %gather3A_770 {strides = array<i32>} : memref<256x64xf32, #tpu.memory_space<vmem>>, vector<16xf32>,
      %convert_element_type3A_774 = arith.extui %ne3A_353 : i1 to i32
      %cond3A_775 = arith.constant 0 : i32
      %cond3A_776 = arith.cmpi ne, %convert_element_type3A_774, %cond3A_775 : i32
      scf.if %cond3A_776 {
        %dma_wait3A = tpu.memref_reshape %arg6 : memref<512x128xf32, #tpu.memory_space<vmem>> -> memref<8x8x8x128xf32, #tpu.memory_space<vmem>>
        %dma_wait3A_1036 = arith.constant 0 : i32
        %dma_wait3A_1037 = arith.constant 0 : i32
        %dma_wait3A_1038 = arith.constant 0 : i32
        %dma_wait3A_1039 = tpu.memref_slice %dma_wait3A[%select_n3A_356, %dma_wait3A_1036, %dma_wait3A_1037, %dma_wait3A_1038] : memref<8x8x8x128xf32, #tpu.memory_space<vmem>> -> memref<1x8x8x128xf32, #tpu.memory_space<vmem>>
        %dma_wait3A_1040 = tpu.memref_squeeze %dma_wait3A_1039 : memref<1x8x8x128xf32, #tpu.memory_space<vmem>> -> memref<8x8x128xf32, #tpu.memory_space<vmem>>
        %dma_wait3A_1041 = arith.constant 0 : i32
        %dma_wait3A_1042 = arith.constant 0 : i32
        %dma_wait3A_1043 = arith.constant 0 : i32
        %dma_wait3A_1044 = tpu.memref_slice %arg2[%dma_wait3A_1041, %dma_wait3A_1042, %dma_wait3A_1043] : memref<8x8x1500000xf32, #tpu.memory_space<hbm>> -> memref<8x8x128xf32, #tpu.memory_space<hbm>>
        %dma_wait3A_1045 = tpu.memref_reshape %arg6 : memref<512x128xf32, #tpu.memory_space<vmem>> -> memref<8x8x8x128xf32, #tpu.memory_space<vmem>>
        %dma_wait3A_1046 = arith.constant 0 : i32
        %dma_wait3A_1047 = arith.constant 0 : i32
        %dma_wait3A_1048 = arith.constant 0 : i32
        %dma_wait3A_1049 = tpu.memref_slice %dma_wait3A_1045[%select_n3A_356, %dma_wait3A_1046, %dma_wait3A_1047, %dma_wait3A_1048] : memref<8x8x8x128xf32, #tpu.memory_space<vmem>> -> memref<1x8x8x128xf32, #tpu.memory_space<vmem>>
        %dma_wait3A_1050 = tpu.memref_squeeze %dma_wait3A_1049 : memref<1x8x8x128xf32, #tpu.memory_space<vmem>> -> memref<8x8x128xf32, #tpu.memory_space<vmem>>
        %dma_wait3A_1051 = arith.constant 0 : i32
        %dma_wait3A_1052 = arith.constant 0 : i32
        %dma_wait3A_1053 = arith.constant 0 : i32
        %dma_wait3A_1054 = tpu.memref_slice %arg2[%dma_wait3A_1051, %dma_wait3A_1052, %dma_wait3A_1053] : memref<8x8x1500000xf32, #tpu.memory_space<hbm>> -> memref<8x8x128xf32, #tpu.memory_space<hbm>>
        tpu.wait_dma2 semaphore(%arg8 : memref<!tpu.dma_semaphore, #tpu.memory_space<semaphore_mem>>) src(%dma_wait3A_1054 : memref<8x8x128xf32, #tpu.memory_space<hbm>>) dst(%dma_wait3A_1050 : memref<8x8x128xf32, #tpu.memory_space<vmem>>)
      } else {
      }
      %mul3A_777 = arith.constant 16 : i32
      %mul3A_778 = arith.muli %sub3A_617, %mul3A_777 : i32
      %add3A_779 = arith.constant 8 : i32
      %add3A_780 = arith.addi %mul3A_778, %add3A_779 : i32
      %add3A_781 = arith.constant 3 : i32
      %add3A_782 = arith.addi %add3A_780, %add3A_781 : i32
      %slice3A_783 = vector.extract_strided_slice %and3A_29 {offsets = [11], sizes = [1], strides = [1]} : vector<16xi32> to vector<1xi32>
      %squeeze3A_784 = vector.extract %slice3A_783[0] : i32 from vector<1xi32>
      %broadcast_in_dim3A_785 = vector.broadcast %squeeze3A_784 : i32 to vector<16xi32>
      %mul3A_786 = arith.constant 64 : i32
      %mul3A_787 = arith.muli %select_n3A_356, %mul3A_786 : i32
      %add3A_788 = arith.constant 0 : i32
      %add3A_789 = arith.addi %mul3A_787, %add3A_788 : i32
      %add3A_790 = vector.broadcast %add3A_789 : i32 to vector<16xi32>
      %add3A_791 = arith.addi %add3A_790, %iota3A : vector<16xi32>
      %gather3A_792 = tpu.vector_load_idx %arg6[%add3A_791, %broadcast_in_dim3A_785] : memref<512x128xf32, #tpu.memory_space<vmem>>[vector<16xi32>, vector<16xi32>], vector<16xf32>,
      %swap3A_793 = arith.index_cast %add3A_782 : i32 to index
      %swap3A_794 = arith.constant 0 : index
      %swap3A_795 = tpu.vector_load %arg7[%swap3A_793, %swap3A_794] {strides = array<i32>} : memref<256x64xf32, #tpu.memory_space<vmem>>, vector<16xf32>,
      tpu.vector_store %arg7[%swap3A_793, %swap3A_794], %gather3A_792 {strides = array<i32>} : memref<256x64xf32, #tpu.memory_space<vmem>>, vector<16xf32>,
      %mul3A_796 = arith.constant 64 : i32
      %mul3A_797 = arith.muli %select_n3A_356, %mul3A_796 : i32
      %add3A_798 = arith.constant 16 : i32
      %add3A_799 = arith.addi %mul3A_797, %add3A_798 : i32
      %add3A_800 = vector.broadcast %add3A_799 : i32 to vector<16xi32>
      %add3A_801 = arith.addi %add3A_800, %iota3A : vector<16xi32>
      %gather3A_802 = tpu.vector_load_idx %arg6[%add3A_801, %broadcast_in_dim3A_785] : memref<512x128xf32, #tpu.memory_space<vmem>>[vector<16xi32>, vector<16xi32>], vector<16xf32>,
      %swap3A_803 = arith.index_cast %add3A_782 : i32 to index
      %swap3A_804 = arith.constant 16 : index
      %swap3A_805 = tpu.vector_load %arg7[%swap3A_803, %swap3A_804] {strides = array<i32>} : memref<256x64xf32, #tpu.memory_space<vmem>>, vector<16xf32>,
      tpu.vector_store %arg7[%swap3A_803, %swap3A_804], %gather3A_802 {strides = array<i32>} : memref<256x64xf32, #tpu.memory_space<vmem>>, vector<16xf32>,
      %mul3A_806 = arith.constant 64 : i32
      %mul3A_807 = arith.muli %select_n3A_356, %mul3A_806 : i32
      %add3A_808 = arith.constant 32 : i32
      %add3A_809 = arith.addi %mul3A_807, %add3A_808 : i32
      %add3A_810 = vector.broadcast %add3A_809 : i32 to vector<16xi32>
      %add3A_811 = arith.addi %add3A_810, %iota3A : vector<16xi32>
      %gather3A_812 = tpu.vector_load_idx %arg6[%add3A_811, %broadcast_in_dim3A_785] : memref<512x128xf32, #tpu.memory_space<vmem>>[vector<16xi32>, vector<16xi32>], vector<16xf32>,
      %swap3A_813 = arith.index_cast %add3A_782 : i32 to index
      %swap3A_814 = arith.constant 32 : index
      %swap3A_815 = tpu.vector_load %arg7[%swap3A_813, %swap3A_814] {strides = array<i32>} : memref<256x64xf32, #tpu.memory_space<vmem>>, vector<16xf32>,
      tpu.vector_store %arg7[%swap3A_813, %swap3A_814], %gather3A_812 {strides = array<i32>} : memref<256x64xf32, #tpu.memory_space<vmem>>, vector<16xf32>,
      %mul3A_816 = arith.constant 64 : i32
      %mul3A_817 = arith.muli %select_n3A_356, %mul3A_816 : i32
      %add3A_818 = arith.constant 48 : i32
      %add3A_819 = arith.addi %mul3A_817, %add3A_818 : i32
      %add3A_820 = vector.broadcast %add3A_819 : i32 to vector<16xi32>
      %add3A_821 = arith.addi %add3A_820, %iota3A : vector<16xi32>
      %gather3A_822 = tpu.vector_load_idx %arg6[%add3A_821, %broadcast_in_dim3A_785] : memref<512x128xf32, #tpu.memory_space<vmem>>[vector<16xi32>, vector<16xi32>], vector<16xf32>,
      %swap3A_823 = arith.index_cast %add3A_782 : i32 to index
      %swap3A_824 = arith.constant 48 : index
      %swap3A_825 = tpu.vector_load %arg7[%swap3A_823, %swap3A_824] {strides = array<i32>} : memref<256x64xf32, #tpu.memory_space<vmem>>, vector<16xf32>,
      tpu.vector_store %arg7[%swap3A_823, %swap3A_824], %gather3A_822 {strides = array<i32>} : memref<256x64xf32, #tpu.memory_space<vmem>>, vector<16xf32>,
      %sub3A_826 = arith.constant 16 : i32
      %sub3A_827 = arith.subi %scan3A_19, %sub3A_826 : i32
      %convert_element_type3A_828 = arith.extui %ne3A_574 : i1 to i32
      %cond3A_829 = arith.constant 0 : i32
      %cond3A_830 = arith.cmpi ne, %convert_element_type3A_828, %cond3A_829 : i32
      scf.if %cond3A_830 {
        %dma_wait3A = tpu.memref_reshape %arg6 : memref<512x128xf32, #tpu.memory_space<vmem>> -> memref<8x8x8x128xf32, #tpu.memory_space<vmem>>
        %dma_wait3A_1036 = arith.constant 0 : i32
        %dma_wait3A_1037 = arith.constant 0 : i32
        %dma_wait3A_1038 = arith.constant 0 : i32
        %dma_wait3A_1039 = tpu.memref_slice %dma_wait3A[%select_n3A_577, %dma_wait3A_1036, %dma_wait3A_1037, %dma_wait3A_1038] : memref<8x8x8x128xf32, #tpu.memory_space<vmem>> -> memref<1x8x8x128xf32, #tpu.memory_space<vmem>>
        %dma_wait3A_1040 = tpu.memref_squeeze %dma_wait3A_1039 : memref<1x8x8x128xf32, #tpu.memory_space<vmem>> -> memref<8x8x128xf32, #tpu.memory_space<vmem>>
        %dma_wait3A_1041 = arith.constant 0 : i32
        %dma_wait3A_1042 = arith.constant 0 : i32
        %dma_wait3A_1043 = arith.constant 0 : i32
        %dma_wait3A_1044 = tpu.memref_slice %arg2[%dma_wait3A_1041, %dma_wait3A_1042, %dma_wait3A_1043] : memref<8x8x1500000xf32, #tpu.memory_space<hbm>> -> memref<8x8x128xf32, #tpu.memory_space<hbm>>
        %dma_wait3A_1045 = tpu.memref_reshape %arg6 : memref<512x128xf32, #tpu.memory_space<vmem>> -> memref<8x8x8x128xf32, #tpu.memory_space<vmem>>
        %dma_wait3A_1046 = arith.constant 0 : i32
        %dma_wait3A_1047 = arith.constant 0 : i32
        %dma_wait3A_1048 = arith.constant 0 : i32
        %dma_wait3A_1049 = tpu.memref_slice %dma_wait3A_1045[%select_n3A_577, %dma_wait3A_1046, %dma_wait3A_1047, %dma_wait3A_1048] : memref<8x8x8x128xf32, #tpu.memory_space<vmem>> -> memref<1x8x8x128xf32, #tpu.memory_space<vmem>>
        %dma_wait3A_1050 = tpu.memref_squeeze %dma_wait3A_1049 : memref<1x8x8x128xf32, #tpu.memory_space<vmem>> -> memref<8x8x128xf32, #tpu.memory_space<vmem>>
        %dma_wait3A_1051 = arith.constant 0 : i32
        %dma_wait3A_1052 = arith.constant 0 : i32
        %dma_wait3A_1053 = arith.constant 0 : i32
        %dma_wait3A_1054 = tpu.memref_slice %arg2[%dma_wait3A_1051, %dma_wait3A_1052, %dma_wait3A_1053] : memref<8x8x1500000xf32, #tpu.memory_space<hbm>> -> memref<8x8x128xf32, #tpu.memory_space<hbm>>
        tpu.wait_dma2 semaphore(%arg9 : memref<!tpu.dma_semaphore, #tpu.memory_space<semaphore_mem>>) src(%dma_wait3A_1054 : memref<8x8x128xf32, #tpu.memory_space<hbm>>) dst(%dma_wait3A_1050 : memref<8x8x128xf32, #tpu.memory_space<vmem>>)
      } else {
      }
      %mul3A_831 = arith.constant 16 : i32
      %mul3A_832 = arith.muli %sub3A_827, %mul3A_831 : i32
      %add3A_833 = arith.constant 12 : i32
      %add3A_834 = arith.addi %mul3A_832, %add3A_833 : i32
      %add3A_835 = arith.constant 0 : i32
      %add3A_836 = arith.addi %add3A_834, %add3A_835 : i32
      %slice3A_837 = vector.extract_strided_slice %and3A_29 {offsets = [12], sizes = [1], strides = [1]} : vector<16xi32> to vector<1xi32>
      %squeeze3A_838 = vector.extract %slice3A_837[0] : i32 from vector<1xi32>
      %broadcast_in_dim3A_839 = vector.broadcast %squeeze3A_838 : i32 to vector<16xi32>
      %mul3A_840 = arith.constant 64 : i32
      %mul3A_841 = arith.muli %select_n3A_577, %mul3A_840 : i32
      %add3A_842 = arith.constant 0 : i32
      %add3A_843 = arith.addi %mul3A_841, %add3A_842 : i32
      %add3A_844 = vector.broadcast %add3A_843 : i32 to vector<16xi32>
      %add3A_845 = arith.addi %add3A_844, %iota3A : vector<16xi32>
      %gather3A_846 = tpu.vector_load_idx %arg6[%add3A_845, %broadcast_in_dim3A_839] : memref<512x128xf32, #tpu.memory_space<vmem>>[vector<16xi32>, vector<16xi32>], vector<16xf32>,
      %swap3A_847 = arith.index_cast %add3A_836 : i32 to index
      %swap3A_848 = arith.constant 0 : index
      %swap3A_849 = tpu.vector_load %arg7[%swap3A_847, %swap3A_848] {strides = array<i32>} : memref<256x64xf32, #tpu.memory_space<vmem>>, vector<16xf32>,
      tpu.vector_store %arg7[%swap3A_847, %swap3A_848], %gather3A_846 {strides = array<i32>} : memref<256x64xf32, #tpu.memory_space<vmem>>, vector<16xf32>,
      %mul3A_850 = arith.constant 64 : i32
      %mul3A_851 = arith.muli %select_n3A_577, %mul3A_850 : i32
      %add3A_852 = arith.constant 16 : i32
      %add3A_853 = arith.addi %mul3A_851, %add3A_852 : i32
      %add3A_854 = vector.broadcast %add3A_853 : i32 to vector<16xi32>
      %add3A_855 = arith.addi %add3A_854, %iota3A : vector<16xi32>
      %gather3A_856 = tpu.vector_load_idx %arg6[%add3A_855, %broadcast_in_dim3A_839] : memref<512x128xf32, #tpu.memory_space<vmem>>[vector<16xi32>, vector<16xi32>], vector<16xf32>,
      %swap3A_857 = arith.index_cast %add3A_836 : i32 to index
      %swap3A_858 = arith.constant 16 : index
      %swap3A_859 = tpu.vector_load %arg7[%swap3A_857, %swap3A_858] {strides = array<i32>} : memref<256x64xf32, #tpu.memory_space<vmem>>, vector<16xf32>,
      tpu.vector_store %arg7[%swap3A_857, %swap3A_858], %gather3A_856 {strides = array<i32>} : memref<256x64xf32, #tpu.memory_space<vmem>>, vector<16xf32>,
      %mul3A_860 = arith.constant 64 : i32
      %mul3A_861 = arith.muli %select_n3A_577, %mul3A_860 : i32
      %add3A_862 = arith.constant 32 : i32
      %add3A_863 = arith.addi %mul3A_861, %add3A_862 : i32
      %add3A_864 = vector.broadcast %add3A_863 : i32 to vector<16xi32>
      %add3A_865 = arith.addi %add3A_864, %iota3A : vector<16xi32>
      %gather3A_866 = tpu.vector_load_idx %arg6[%add3A_865, %broadcast_in_dim3A_839] : memref<512x128xf32, #tpu.memory_space<vmem>>[vector<16xi32>, vector<16xi32>], vector<16xf32>,
      %swap3A_867 = arith.index_cast %add3A_836 : i32 to index
      %swap3A_868 = arith.constant 32 : index
      %swap3A_869 = tpu.vector_load %arg7[%swap3A_867, %swap3A_868] {strides = array<i32>} : memref<256x64xf32, #tpu.memory_space<vmem>>, vector<16xf32>,
      tpu.vector_store %arg7[%swap3A_867, %swap3A_868], %gather3A_866 {strides = array<i32>} : memref<256x64xf32, #tpu.memory_space<vmem>>, vector<16xf32>,
      %mul3A_870 = arith.constant 64 : i32
      %mul3A_871 = arith.muli %select_n3A_577, %mul3A_870 : i32
      %add3A_872 = arith.constant 48 : i32
      %add3A_873 = arith.addi %mul3A_871, %add3A_872 : i32
      %add3A_874 = vector.broadcast %add3A_873 : i32 to vector<16xi32>
      %add3A_875 = arith.addi %add3A_874, %iota3A : vector<16xi32>
      %gather3A_876 = tpu.vector_load_idx %arg6[%add3A_875, %broadcast_in_dim3A_839] : memref<512x128xf32, #tpu.memory_space<vmem>>[vector<16xi32>, vector<16xi32>], vector<16xf32>,
      %swap3A_877 = arith.index_cast %add3A_836 : i32 to index
      %swap3A_878 = arith.constant 48 : index
      %swap3A_879 = tpu.vector_load %arg7[%swap3A_877, %swap3A_878] {strides = array<i32>} : memref<256x64xf32, #tpu.memory_space<vmem>>, vector<16xf32>,
      tpu.vector_store %arg7[%swap3A_877, %swap3A_878], %gather3A_876 {strides = array<i32>} : memref<256x64xf32, #tpu.memory_space<vmem>>, vector<16xf32>,
      %convert_element_type3A_880 = arith.extui %ne3A_585 : i1 to i32
      %cond3A_881 = arith.constant 0 : i32
      %cond3A_882 = arith.cmpi ne, %convert_element_type3A_880, %cond3A_881 : i32
      scf.if %cond3A_882 {
        %dma_wait3A = tpu.memref_reshape %arg6 : memref<512x128xf32, #tpu.memory_space<vmem>> -> memref<8x8x8x128xf32, #tpu.memory_space<vmem>>
        %dma_wait3A_1036 = arith.constant 0 : i32
        %dma_wait3A_1037 = arith.constant 0 : i32
        %dma_wait3A_1038 = arith.constant 0 : i32
        %dma_wait3A_1039 = tpu.memref_slice %dma_wait3A[%select_n3A_588, %dma_wait3A_1036, %dma_wait3A_1037, %dma_wait3A_1038] : memref<8x8x8x128xf32, #tpu.memory_space<vmem>> -> memref<1x8x8x128xf32, #tpu.memory_space<vmem>>
        %dma_wait3A_1040 = tpu.memref_squeeze %dma_wait3A_1039 : memref<1x8x8x128xf32, #tpu.memory_space<vmem>> -> memref<8x8x128xf32, #tpu.memory_space<vmem>>
        %dma_wait3A_1041 = arith.constant 0 : i32
        %dma_wait3A_1042 = arith.constant 0 : i32
        %dma_wait3A_1043 = arith.constant 0 : i32
        %dma_wait3A_1044 = tpu.memref_slice %arg2[%dma_wait3A_1041, %dma_wait3A_1042, %dma_wait3A_1043] : memref<8x8x1500000xf32, #tpu.memory_space<hbm>> -> memref<8x8x128xf32, #tpu.memory_space<hbm>>
        %dma_wait3A_1045 = tpu.memref_reshape %arg6 : memref<512x128xf32, #tpu.memory_space<vmem>> -> memref<8x8x8x128xf32, #tpu.memory_space<vmem>>
        %dma_wait3A_1046 = arith.constant 0 : i32
        %dma_wait3A_1047 = arith.constant 0 : i32
        %dma_wait3A_1048 = arith.constant 0 : i32
        %dma_wait3A_1049 = tpu.memref_slice %dma_wait3A_1045[%select_n3A_588, %dma_wait3A_1046, %dma_wait3A_1047, %dma_wait3A_1048] : memref<8x8x8x128xf32, #tpu.memory_space<vmem>> -> memref<1x8x8x128xf32, #tpu.memory_space<vmem>>
        %dma_wait3A_1050 = tpu.memref_squeeze %dma_wait3A_1049 : memref<1x8x8x128xf32, #tpu.memory_space<vmem>> -> memref<8x8x128xf32, #tpu.memory_space<vmem>>
        %dma_wait3A_1051 = arith.constant 0 : i32
        %dma_wait3A_1052 = arith.constant 0 : i32
        %dma_wait3A_1053 = arith.constant 0 : i32
        %dma_wait3A_1054 = tpu.memref_slice %arg2[%dma_wait3A_1051, %dma_wait3A_1052, %dma_wait3A_1053] : memref<8x8x1500000xf32, #tpu.memory_space<hbm>> -> memref<8x8x128xf32, #tpu.memory_space<hbm>>
        tpu.wait_dma2 semaphore(%arg9 : memref<!tpu.dma_semaphore, #tpu.memory_space<semaphore_mem>>) src(%dma_wait3A_1054 : memref<8x8x128xf32, #tpu.memory_space<hbm>>) dst(%dma_wait3A_1050 : memref<8x8x128xf32, #tpu.memory_space<vmem>>)
      } else {
      }
      %mul3A_883 = arith.constant 16 : i32
      %mul3A_884 = arith.muli %sub3A_827, %mul3A_883 : i32
      %add3A_885 = arith.constant 12 : i32
      %add3A_886 = arith.addi %mul3A_884, %add3A_885 : i32
      %add3A_887 = arith.constant 1 : i32
      %add3A_888 = arith.addi %add3A_886, %add3A_887 : i32
      %slice3A_889 = vector.extract_strided_slice %and3A_29 {offsets = [13], sizes = [1], strides = [1]} : vector<16xi32> to vector<1xi32>
      %squeeze3A_890 = vector.extract %slice3A_889[0] : i32 from vector<1xi32>
      %broadcast_in_dim3A_891 = vector.broadcast %squeeze3A_890 : i32 to vector<16xi32>
      %mul3A_892 = arith.constant 64 : i32
      %mul3A_893 = arith.muli %select_n3A_588, %mul3A_892 : i32
      %add3A_894 = arith.constant 0 : i32
      %add3A_895 = arith.addi %mul3A_893, %add3A_894 : i32
      %add3A_896 = vector.broadcast %add3A_895 : i32 to vector<16xi32>
      %add3A_897 = arith.addi %add3A_896, %iota3A : vector<16xi32>
      %gather3A_898 = tpu.vector_load_idx %arg6[%add3A_897, %broadcast_in_dim3A_891] : memref<512x128xf32, #tpu.memory_space<vmem>>[vector<16xi32>, vector<16xi32>], vector<16xf32>,
      %swap3A_899 = arith.index_cast %add3A_888 : i32 to index
      %swap3A_900 = arith.constant 0 : index
      %swap3A_901 = tpu.vector_load %arg7[%swap3A_899, %swap3A_900] {strides = array<i32>} : memref<256x64xf32, #tpu.memory_space<vmem>>, vector<16xf32>,
      tpu.vector_store %arg7[%swap3A_899, %swap3A_900], %gather3A_898 {strides = array<i32>} : memref<256x64xf32, #tpu.memory_space<vmem>>, vector<16xf32>,
      %mul3A_902 = arith.constant 64 : i32
      %mul3A_903 = arith.muli %select_n3A_588, %mul3A_902 : i32
      %add3A_904 = arith.constant 16 : i32
      %add3A_905 = arith.addi %mul3A_903, %add3A_904 : i32
      %add3A_906 = vector.broadcast %add3A_905 : i32 to vector<16xi32>
      %add3A_907 = arith.addi %add3A_906, %iota3A : vector<16xi32>
      %gather3A_908 = tpu.vector_load_idx %arg6[%add3A_907, %broadcast_in_dim3A_891] : memref<512x128xf32, #tpu.memory_space<vmem>>[vector<16xi32>, vector<16xi32>], vector<16xf32>,
      %swap3A_909 = arith.index_cast %add3A_888 : i32 to index
      %swap3A_910 = arith.constant 16 : index
      %swap3A_911 = tpu.vector_load %arg7[%swap3A_909, %swap3A_910] {strides = array<i32>} : memref<256x64xf32, #tpu.memory_space<vmem>>, vector<16xf32>,
      tpu.vector_store %arg7[%swap3A_909, %swap3A_910], %gather3A_908 {strides = array<i32>} : memref<256x64xf32, #tpu.memory_space<vmem>>, vector<16xf32>,
      %mul3A_912 = arith.constant 64 : i32
      %mul3A_913 = arith.muli %select_n3A_588, %mul3A_912 : i32
      %add3A_914 = arith.constant 32 : i32
      %add3A_915 = arith.addi %mul3A_913, %add3A_914 : i32
      %add3A_916 = vector.broadcast %add3A_915 : i32 to vector<16xi32>
      %add3A_917 = arith.addi %add3A_916, %iota3A : vector<16xi32>
      %gather3A_918 = tpu.vector_load_idx %arg6[%add3A_917, %broadcast_in_dim3A_891] : memref<512x128xf32, #tpu.memory_space<vmem>>[vector<16xi32>, vector<16xi32>], vector<16xf32>,
      %swap3A_919 = arith.index_cast %add3A_888 : i32 to index
      %swap3A_920 = arith.constant 32 : index
      %swap3A_921 = tpu.vector_load %arg7[%swap3A_919, %swap3A_920] {strides = array<i32>} : memref<256x64xf32, #tpu.memory_space<vmem>>, vector<16xf32>,
      tpu.vector_store %arg7[%swap3A_919, %swap3A_920], %gather3A_918 {strides = array<i32>} : memref<256x64xf32, #tpu.memory_space<vmem>>, vector<16xf32>,
      %mul3A_922 = arith.constant 64 : i32
      %mul3A_923 = arith.muli %select_n3A_588, %mul3A_922 : i32
      %add3A_924 = arith.constant 48 : i32
      %add3A_925 = arith.addi %mul3A_923, %add3A_924 : i32
      %add3A_926 = vector.broadcast %add3A_925 : i32 to vector<16xi32>
      %add3A_927 = arith.addi %add3A_926, %iota3A : vector<16xi32>
      %gather3A_928 = tpu.vector_load_idx %arg6[%add3A_927, %broadcast_in_dim3A_891] : memref<512x128xf32, #tpu.memory_space<vmem>>[vector<16xi32>, vector<16xi32>], vector<16xf32>,
      %swap3A_929 = arith.index_cast %add3A_888 : i32 to index
      %swap3A_930 = arith.constant 48 : index
      %swap3A_931 = tpu.vector_load %arg7[%swap3A_929, %swap3A_930] {strides = array<i32>} : memref<256x64xf32, #tpu.memory_space<vmem>>, vector<16xf32>,
      tpu.vector_store %arg7[%swap3A_929, %swap3A_930], %gather3A_928 {strides = array<i32>} : memref<256x64xf32, #tpu.memory_space<vmem>>, vector<16xf32>,
      %convert_element_type3A_932 = arith.extui %ne3A_596 : i1 to i32
      %cond3A_933 = arith.constant 0 : i32
      %cond3A_934 = arith.cmpi ne, %convert_element_type3A_932, %cond3A_933 : i32
      scf.if %cond3A_934 {
        %dma_wait3A = tpu.memref_reshape %arg6 : memref<512x128xf32, #tpu.memory_space<vmem>> -> memref<8x8x8x128xf32, #tpu.memory_space<vmem>>
        %dma_wait3A_1036 = arith.constant 0 : i32
        %dma_wait3A_1037 = arith.constant 0 : i32
        %dma_wait3A_1038 = arith.constant 0 : i32
        %dma_wait3A_1039 = tpu.memref_slice %dma_wait3A[%select_n3A_599, %dma_wait3A_1036, %dma_wait3A_1037, %dma_wait3A_1038] : memref<8x8x8x128xf32, #tpu.memory_space<vmem>> -> memref<1x8x8x128xf32, #tpu.memory_space<vmem>>
        %dma_wait3A_1040 = tpu.memref_squeeze %dma_wait3A_1039 : memref<1x8x8x128xf32, #tpu.memory_space<vmem>> -> memref<8x8x128xf32, #tpu.memory_space<vmem>>
        %dma_wait3A_1041 = arith.constant 0 : i32
        %dma_wait3A_1042 = arith.constant 0 : i32
        %dma_wait3A_1043 = arith.constant 0 : i32
        %dma_wait3A_1044 = tpu.memref_slice %arg2[%dma_wait3A_1041, %dma_wait3A_1042, %dma_wait3A_1043] : memref<8x8x1500000xf32, #tpu.memory_space<hbm>> -> memref<8x8x128xf32, #tpu.memory_space<hbm>>
        %dma_wait3A_1045 = tpu.memref_reshape %arg6 : memref<512x128xf32, #tpu.memory_space<vmem>> -> memref<8x8x8x128xf32, #tpu.memory_space<vmem>>
        %dma_wait3A_1046 = arith.constant 0 : i32
        %dma_wait3A_1047 = arith.constant 0 : i32
        %dma_wait3A_1048 = arith.constant 0 : i32
        %dma_wait3A_1049 = tpu.memref_slice %dma_wait3A_1045[%select_n3A_599, %dma_wait3A_1046, %dma_wait3A_1047, %dma_wait3A_1048] : memref<8x8x8x128xf32, #tpu.memory_space<vmem>> -> memref<1x8x8x128xf32, #tpu.memory_space<vmem>>
        %dma_wait3A_1050 = tpu.memref_squeeze %dma_wait3A_1049 : memref<1x8x8x128xf32, #tpu.memory_space<vmem>> -> memref<8x8x128xf32, #tpu.memory_space<vmem>>
        %dma_wait3A_1051 = arith.constant 0 : i32
        %dma_wait3A_1052 = arith.constant 0 : i32
        %dma_wait3A_1053 = arith.constant 0 : i32
        %dma_wait3A_1054 = tpu.memref_slice %arg2[%dma_wait3A_1051, %dma_wait3A_1052, %dma_wait3A_1053] : memref<8x8x1500000xf32, #tpu.memory_space<hbm>> -> memref<8x8x128xf32, #tpu.memory_space<hbm>>
        tpu.wait_dma2 semaphore(%arg9 : memref<!tpu.dma_semaphore, #tpu.memory_space<semaphore_mem>>) src(%dma_wait3A_1054 : memref<8x8x128xf32, #tpu.memory_space<hbm>>) dst(%dma_wait3A_1050 : memref<8x8x128xf32, #tpu.memory_space<vmem>>)
      } else {
      }
      %mul3A_935 = arith.constant 16 : i32
      %mul3A_936 = arith.muli %sub3A_827, %mul3A_935 : i32
      %add3A_937 = arith.constant 12 : i32
      %add3A_938 = arith.addi %mul3A_936, %add3A_937 : i32
      %add3A_939 = arith.constant 2 : i32
      %add3A_940 = arith.addi %add3A_938, %add3A_939 : i32
      %slice3A_941 = vector.extract_strided_slice %and3A_29 {offsets = [14], sizes = [1], strides = [1]} : vector<16xi32> to vector<1xi32>
      %squeeze3A_942 = vector.extract %slice3A_941[0] : i32 from vector<1xi32>
      %broadcast_in_dim3A_943 = vector.broadcast %squeeze3A_942 : i32 to vector<16xi32>
      %mul3A_944 = arith.constant 64 : i32
      %mul3A_945 = arith.muli %select_n3A_599, %mul3A_944 : i32
      %add3A_946 = arith.constant 0 : i32
      %add3A_947 = arith.addi %mul3A_945, %add3A_946 : i32
      %add3A_948 = vector.broadcast %add3A_947 : i32 to vector<16xi32>
      %add3A_949 = arith.addi %add3A_948, %iota3A : vector<16xi32>
      %gather3A_950 = tpu.vector_load_idx %arg6[%add3A_949, %broadcast_in_dim3A_943] : memref<512x128xf32, #tpu.memory_space<vmem>>[vector<16xi32>, vector<16xi32>], vector<16xf32>,
      %swap3A_951 = arith.index_cast %add3A_940 : i32 to index
      %swap3A_952 = arith.constant 0 : index
      %swap3A_953 = tpu.vector_load %arg7[%swap3A_951, %swap3A_952] {strides = array<i32>} : memref<256x64xf32, #tpu.memory_space<vmem>>, vector<16xf32>,
      tpu.vector_store %arg7[%swap3A_951, %swap3A_952], %gather3A_950 {strides = array<i32>} : memref<256x64xf32, #tpu.memory_space<vmem>>, vector<16xf32>,
      %mul3A_954 = arith.constant 64 : i32
      %mul3A_955 = arith.muli %select_n3A_599, %mul3A_954 : i32
      %add3A_956 = arith.constant 16 : i32
      %add3A_957 = arith.addi %mul3A_955, %add3A_956 : i32
      %add3A_958 = vector.broadcast %add3A_957 : i32 to vector<16xi32>
      %add3A_959 = arith.addi %add3A_958, %iota3A : vector<16xi32>
      %gather3A_960 = tpu.vector_load_idx %arg6[%add3A_959, %broadcast_in_dim3A_943] : memref<512x128xf32, #tpu.memory_space<vmem>>[vector<16xi32>, vector<16xi32>], vector<16xf32>,
      %swap3A_961 = arith.index_cast %add3A_940 : i32 to index
      %swap3A_962 = arith.constant 16 : index
      %swap3A_963 = tpu.vector_load %arg7[%swap3A_961, %swap3A_962] {strides = array<i32>} : memref<256x64xf32, #tpu.memory_space<vmem>>, vector<16xf32>,
      tpu.vector_store %arg7[%swap3A_961, %swap3A_962], %gather3A_960 {strides = array<i32>} : memref<256x64xf32, #tpu.memory_space<vmem>>, vector<16xf32>,
      %mul3A_964 = arith.constant 64 : i32
      %mul3A_965 = arith.muli %select_n3A_599, %mul3A_964 : i32
      %add3A_966 = arith.constant 32 : i32
      %add3A_967 = arith.addi %mul3A_965, %add3A_966 : i32
      %add3A_968 = vector.broadcast %add3A_967 : i32 to vector<16xi32>
      %add3A_969 = arith.addi %add3A_968, %iota3A : vector<16xi32>
      %gather3A_970 = tpu.vector_load_idx %arg6[%add3A_969, %broadcast_in_dim3A_943] : memref<512x128xf32, #tpu.memory_space<vmem>>[vector<16xi32>, vector<16xi32>], vector<16xf32>,
      %swap3A_971 = arith.index_cast %add3A_940 : i32 to index
      %swap3A_972 = arith.constant 32 : index
      %swap3A_973 = tpu.vector_load %arg7[%swap3A_971, %swap3A_972] {strides = array<i32>} : memref<256x64xf32, #tpu.memory_space<vmem>>, vector<16xf32>,
      tpu.vector_store %arg7[%swap3A_971, %swap3A_972], %gather3A_970 {strides = array<i32>} : memref<256x64xf32, #tpu.memory_space<vmem>>, vector<16xf32>,
      %mul3A_974 = arith.constant 64 : i32
      %mul3A_975 = arith.muli %select_n3A_599, %mul3A_974 : i32
      %add3A_976 = arith.constant 48 : i32
      %add3A_977 = arith.addi %mul3A_975, %add3A_976 : i32
      %add3A_978 = vector.broadcast %add3A_977 : i32 to vector<16xi32>
      %add3A_979 = arith.addi %add3A_978, %iota3A : vector<16xi32>
      %gather3A_980 = tpu.vector_load_idx %arg6[%add3A_979, %broadcast_in_dim3A_943] : memref<512x128xf32, #tpu.memory_space<vmem>>[vector<16xi32>, vector<16xi32>], vector<16xf32>,
      %swap3A_981 = arith.index_cast %add3A_940 : i32 to index
      %swap3A_982 = arith.constant 48 : index
      %swap3A_983 = tpu.vector_load %arg7[%swap3A_981, %swap3A_982] {strides = array<i32>} : memref<256x64xf32, #tpu.memory_space<vmem>>, vector<16xf32>,
      tpu.vector_store %arg7[%swap3A_981, %swap3A_982], %gather3A_980 {strides = array<i32>} : memref<256x64xf32, #tpu.memory_space<vmem>>, vector<16xf32>,
      %convert_element_type3A_984 = arith.extui %ne3A_607 : i1 to i32
      %cond3A_985 = arith.constant 0 : i32
      %cond3A_986 = arith.cmpi ne, %convert_element_type3A_984, %cond3A_985 : i32
      scf.if %cond3A_986 {
        %dma_wait3A = tpu.memref_reshape %arg6 : memref<512x128xf32, #tpu.memory_space<vmem>> -> memref<8x8x8x128xf32, #tpu.memory_space<vmem>>
        %dma_wait3A_1036 = arith.constant 0 : i32
        %dma_wait3A_1037 = arith.constant 0 : i32
        %dma_wait3A_1038 = arith.constant 0 : i32
        %dma_wait3A_1039 = tpu.memref_slice %dma_wait3A[%select_n3A_610, %dma_wait3A_1036, %dma_wait3A_1037, %dma_wait3A_1038] : memref<8x8x8x128xf32, #tpu.memory_space<vmem>> -> memref<1x8x8x128xf32, #tpu.memory_space<vmem>>
        %dma_wait3A_1040 = tpu.memref_squeeze %dma_wait3A_1039 : memref<1x8x8x128xf32, #tpu.memory_space<vmem>> -> memref<8x8x128xf32, #tpu.memory_space<vmem>>
        %dma_wait3A_1041 = arith.constant 0 : i32
        %dma_wait3A_1042 = arith.constant 0 : i32
        %dma_wait3A_1043 = arith.constant 0 : i32
        %dma_wait3A_1044 = tpu.memref_slice %arg2[%dma_wait3A_1041, %dma_wait3A_1042, %dma_wait3A_1043] : memref<8x8x1500000xf32, #tpu.memory_space<hbm>> -> memref<8x8x128xf32, #tpu.memory_space<hbm>>
        %dma_wait3A_1045 = tpu.memref_reshape %arg6 : memref<512x128xf32, #tpu.memory_space<vmem>> -> memref<8x8x8x128xf32, #tpu.memory_space<vmem>>
        %dma_wait3A_1046 = arith.constant 0 : i32
        %dma_wait3A_1047 = arith.constant 0 : i32
        %dma_wait3A_1048 = arith.constant 0 : i32
        %dma_wait3A_1049 = tpu.memref_slice %dma_wait3A_1045[%select_n3A_610, %dma_wait3A_1046, %dma_wait3A_1047, %dma_wait3A_1048] : memref<8x8x8x128xf32, #tpu.memory_space<vmem>> -> memref<1x8x8x128xf32, #tpu.memory_space<vmem>>
        %dma_wait3A_1050 = tpu.memref_squeeze %dma_wait3A_1049 : memref<1x8x8x128xf32, #tpu.memory_space<vmem>> -> memref<8x8x128xf32, #tpu.memory_space<vmem>>
        %dma_wait3A_1051 = arith.constant 0 : i32
        %dma_wait3A_1052 = arith.constant 0 : i32
        %dma_wait3A_1053 = arith.constant 0 : i32
        %dma_wait3A_1054 = tpu.memref_slice %arg2[%dma_wait3A_1051, %dma_wait3A_1052, %dma_wait3A_1053] : memref<8x8x1500000xf32, #tpu.memory_space<hbm>> -> memref<8x8x128xf32, #tpu.memory_space<hbm>>
        tpu.wait_dma2 semaphore(%arg9 : memref<!tpu.dma_semaphore, #tpu.memory_space<semaphore_mem>>) src(%dma_wait3A_1054 : memref<8x8x128xf32, #tpu.memory_space<hbm>>) dst(%dma_wait3A_1050 : memref<8x8x128xf32, #tpu.memory_space<vmem>>)
      } else {
      }
      %mul3A_987 = arith.constant 16 : i32
      %mul3A_988 = arith.muli %sub3A_827, %mul3A_987 : i32
      %add3A_989 = arith.constant 12 : i32
      %add3A_990 = arith.addi %mul3A_988, %add3A_989 : i32
      %add3A_991 = arith.constant 3 : i32
      %add3A_992 = arith.addi %add3A_990, %add3A_991 : i32
      %slice3A_993 = vector.extract_strided_slice %and3A_29 {offsets = [15], sizes = [1], strides = [1]} : vector<16xi32> to vector<1xi32>
      %squeeze3A_994 = vector.extract %slice3A_993[0] : i32 from vector<1xi32>
      %broadcast_in_dim3A_995 = vector.broadcast %squeeze3A_994 : i32 to vector<16xi32>
      %mul3A_996 = arith.constant 64 : i32
      %mul3A_997 = arith.muli %select_n3A_610, %mul3A_996 : i32
      %add3A_998 = arith.constant 0 : i32
      %add3A_999 = arith.addi %mul3A_997, %add3A_998 : i32
      %add3A_1000 = vector.broadcast %add3A_999 : i32 to vector<16xi32>
      %add3A_1001 = arith.addi %add3A_1000, %iota3A : vector<16xi32>
      %gather3A_1002 = tpu.vector_load_idx %arg6[%add3A_1001, %broadcast_in_dim3A_995] : memref<512x128xf32, #tpu.memory_space<vmem>>[vector<16xi32>, vector<16xi32>], vector<16xf32>,
      %swap3A_1003 = arith.index_cast %add3A_992 : i32 to index
      %swap3A_1004 = arith.constant 0 : index
      %swap3A_1005 = tpu.vector_load %arg7[%swap3A_1003, %swap3A_1004] {strides = array<i32>} : memref<256x64xf32, #tpu.memory_space<vmem>>, vector<16xf32>,
      tpu.vector_store %arg7[%swap3A_1003, %swap3A_1004], %gather3A_1002 {strides = array<i32>} : memref<256x64xf32, #tpu.memory_space<vmem>>, vector<16xf32>,
      %mul3A_1006 = arith.constant 64 : i32
      %mul3A_1007 = arith.muli %select_n3A_610, %mul3A_1006 : i32
      %add3A_1008 = arith.constant 16 : i32
      %add3A_1009 = arith.addi %mul3A_1007, %add3A_1008 : i32
      %add3A_1010 = vector.broadcast %add3A_1009 : i32 to vector<16xi32>
      %add3A_1011 = arith.addi %add3A_1010, %iota3A : vector<16xi32>
      %gather3A_1012 = tpu.vector_load_idx %arg6[%add3A_1011, %broadcast_in_dim3A_995] : memref<512x128xf32, #tpu.memory_space<vmem>>[vector<16xi32>, vector<16xi32>], vector<16xf32>,
      %swap3A_1013 = arith.index_cast %add3A_992 : i32 to index
      %swap3A_1014 = arith.constant 16 : index
      %swap3A_1015 = tpu.vector_load %arg7[%swap3A_1013, %swap3A_1014] {strides = array<i32>} : memref<256x64xf32, #tpu.memory_space<vmem>>, vector<16xf32>,
      tpu.vector_store %arg7[%swap3A_1013, %swap3A_1014], %gather3A_1012 {strides = array<i32>} : memref<256x64xf32, #tpu.memory_space<vmem>>, vector<16xf32>,
      %mul3A_1016 = arith.constant 64 : i32
      %mul3A_1017 = arith.muli %select_n3A_610, %mul3A_1016 : i32
      %add3A_1018 = arith.constant 32 : i32
      %add3A_1019 = arith.addi %mul3A_1017, %add3A_1018 : i32
      %add3A_1020 = vector.broadcast %add3A_1019 : i32 to vector<16xi32>
      %add3A_1021 = arith.addi %add3A_1020, %iota3A : vector<16xi32>
      %gather3A_1022 = tpu.vector_load_idx %arg6[%add3A_1021, %broadcast_in_dim3A_995] : memref<512x128xf32, #tpu.memory_space<vmem>>[vector<16xi32>, vector<16xi32>], vector<16xf32>,
      %swap3A_1023 = arith.index_cast %add3A_992 : i32 to index
      %swap3A_1024 = arith.constant 32 : index
      %swap3A_1025 = tpu.vector_load %arg7[%swap3A_1023, %swap3A_1024] {strides = array<i32>} : memref<256x64xf32, #tpu.memory_space<vmem>>, vector<16xf32>,
      tpu.vector_store %arg7[%swap3A_1023, %swap3A_1024], %gather3A_1022 {strides = array<i32>} : memref<256x64xf32, #tpu.memory_space<vmem>>, vector<16xf32>,
      %mul3A_1026 = arith.constant 64 : i32
      %mul3A_1027 = arith.muli %select_n3A_610, %mul3A_1026 : i32
      %add3A_1028 = arith.constant 48 : i32
      %add3A_1029 = arith.addi %mul3A_1027, %add3A_1028 : i32
      %add3A_1030 = vector.broadcast %add3A_1029 : i32 to vector<16xi32>
      %add3A_1031 = arith.addi %add3A_1030, %iota3A : vector<16xi32>
      %gather3A_1032 = tpu.vector_load_idx %arg6[%add3A_1031, %broadcast_in_dim3A_995] : memref<512x128xf32, #tpu.memory_space<vmem>>[vector<16xi32>, vector<16xi32>], vector<16xf32>,
      %swap3A_1033 = arith.index_cast %add3A_992 : i32 to index
      %swap3A_1034 = arith.constant 48 : index
      %swap3A_1035 = tpu.vector_load %arg7[%swap3A_1033, %swap3A_1034] {strides = array<i32>} : memref<256x64xf32, #tpu.memory_space<vmem>>, vector<16xf32>,
      tpu.vector_store %arg7[%swap3A_1033, %swap3A_1034], %gather3A_1032 {strides = array<i32>} : memref<256x64xf32, #tpu.memory_space<vmem>>, vector<16xf32>,
      scf.yield %squeeze3A_606, %add3A_615, %select_n3A_610 : i32, i32, i32
    }
    %scan3A_16 = arith.constant 16 : i32
    %add3A_17 = arith.constant 256 : i32
    %add3A_18 = arith.addi %mul3A_2, %add3A_17 : i32
    "tpu.region"() ({
      %run_scoped3A = tpu.sem_alloc : memref<!tpu.dma_semaphore, #tpu.memory_space<semaphore_mem>>
      %dma_start3A = arith.constant 0 : i32
      %dma_start3A_19 = tpu.memref_slice %arg4[%add3A_18, %dma_start3A] : memref<16384x64xf32, #tpu.memory_space<hbm>> -> memref<256x64xf32, #tpu.memory_space<hbm>>
      %dma_start3A_20 = arith.constant 0 : i32
      %dma_start3A_21 = tpu.memref_slice %arg4[%add3A_18, %dma_start3A_20] : memref<16384x64xf32, #tpu.memory_space<hbm>> -> memref<256x64xf32, #tpu.memory_space<hbm>>
      tpu.enqueue_dma source(%arg7 : memref<256x64xf32, #tpu.memory_space<vmem>>) target(%dma_start3A_21 : memref<256x64xf32, #tpu.memory_space<hbm>>) target_semaphore(%run_scoped3A : memref<!tpu.dma_semaphore, #tpu.memory_space<semaphore_mem>>)
      %dma_wait3A = arith.constant 0 : i32
      %dma_wait3A_22 = tpu.memref_slice %arg4[%add3A_18, %dma_wait3A] : memref<16384x64xf32, #tpu.memory_space<hbm>> -> memref<256x64xf32, #tpu.memory_space<hbm>>
      %dma_wait3A_23 = arith.constant 0 : i32
      %dma_wait3A_24 = tpu.memref_slice %arg4[%add3A_18, %dma_wait3A_23] : memref<16384x64xf32, #tpu.memory_space<hbm>> -> memref<256x64xf32, #tpu.memory_space<hbm>>
      tpu.wait_dma2 semaphore(%run_scoped3A : memref<!tpu.dma_semaphore, #tpu.memory_space<semaphore_mem>>) src(%arg7 : memref<256x64xf32, #tpu.memory_space<vmem>>) dst(%dma_wait3A_24 : memref<256x64xf32, #tpu.memory_space<hbm>>)
      tpu.yield
    }) : () -> ()
    return
  }
}

</mosaic_0001>

<sc_bundles>
// kernel: gather_offload_async_start
scs
__scs_entry_jumppad:
0x0: {  	(pc) =	sbr.rel $0x88, $3  }
0x1: {  	(tag) =	ssettag $0x0;
	lr =	simm.s32 $0x1  }
0x2: {  	[smem:$0x3F9F] =	sst lr;
	_ =	strace $0xD0000000  }
0x3: {  	_ = 	snop  }
0x4: {  	_ = 	snop  }
0x5: {  	_ = 	snop  }
0x6: {  	_ = 	snop  }
0x7: {  	_ = 	snop  }
__scs_overlays_trampoline_lowered:
0x8: {  	[smem:$0x3FAE] =	sst s0  }
0x9: {  	[smem:$0x3FAF] =	sst s1  }
0xa: {  	[smem:$0x3FB0] =	sst s2  }
0xb: {  	[smem:$0x3FB1] =	sst s3  }
0xc: {  	[smem:$0x3FB2] =	sst s4  }
0xd: {  	[smem:$0x3FB3] =	sst s5  }
0xe: {  	[smem:$0x3FB4] =	sst s6  }
0xf: {  	[smem:$0x3FB5] =	sst s7  }
0x10: {  	[smem:$0x3FB6] =	sst s8  }
0x11: {  	[smem:$0x3FB7] =	sst s9;
	s0 =	simm.s32 @!p0 $0x0  }
0x12: {  	s1 =	sld [smem:$0x3F9D];
	s0 =	simm.s32 @p0 $0x1  }
0x13: {  	[smem:$0x3FB8] =	sst s0;
	s0 =	simm.s32 @!p1 $0x0  }
0x14: {  	s2 =	sld [smem:$0x3F9C];
	s0 =	simm.s32 @p1 $0x1  }
0x15: {  	[smem:$0x3FB9] =	sst s0;
	s0 =	simm.s32 @!p2 $0x0  }
0x16: {  	s3 =	sld [smem:$0x3FDB];
	s0 =	simm.s32 @p2 $0x1  }
0x17: {  	s4 =	simm.s32 $0x1BF5;
	[smem:$0x3FBB] =	sst s0  }
0x18: {  	s0 =	sld [smem:$0x3F9E];
	_ =	swait.ge [sflag:s4], $0x0  }
0x19: {  	s7 =	sld [smem:$0x3F9F]  }
0x1a: {  	s8 =	sadd.s32 $0xFFFFE003, lr  }
0x1b: {  	s9 =	sadd.s32 $0xFFFFFEF7, lr;
	s5 =	simm.s32 $0xFFFFFFFF;
	p2 =	slt.u32 s8, $0xFFFFF086  }
0x1c: {  	p1 =	slt.u32 s9, $0xF7A;
	s5 =	simm.s32 @!p2 $0x0  }
0x1d: {  	s5 =	simm.s32 @p1 $0x1;
	p0 =	seq.s32 s7, s2  }
0x1e: {  	s7 =	smul.u32 @!p0 $0xF7A, s2;
	p2 =	seq.s32 @!p0 s5, $0x0  }
0x1f: {  	s9 =	smul.u32 $0xF7A, s1;
	s8 =	simm.s32 @!p0 $0x1BF5;
	p2 =	por !p2, p0  }
0x20: {  	[sflag:s8] =	ssyncset.s32 @!p0 $0xFFFFF086;
	s6 =	sadd.s32 @!p0 s3, s7;
	s7 =	simm.s32 @!p0 $0x108  }
0x21: {  	s3 =	sadd.s32 s3, s9;
	s6 =	sadd.s32 @!p0 $0x88, s6;
	s7 =	simm.s32 @p2 $0x1082  }
0x22: {  	[simem:s7], [sflag:s8] =	dma.local @!p0 [hbm:s6], $0xF7A  }
0x23: {  	s9 =	sor.u32 $0xD0000000, s2;
	s6 =	simm.s32 $0x108;
	_ =	swait.ge @!p0 [sflag:s8], $0x0  }
0x24: {  	s3 =	sadd.s32 $0x88, s3;
	s6 =	simm.s32 @!p1 $0x1082;
	[sflag:s4] =	ssyncset.s32 $0xFFFFF086  }
0x25: {  	[simem:s6], [sflag:s4] =	dma.local [hbm:s3], $0xF7A  }
0x26: {  	[smem:$0x3F9F] =	sst s1;
	(tag) =	ssettag s2;
	_ =	strace s9  }
0x27: {  	s1 =	sld [smem:$0x3FAF]  }
0x28: {  	s2 =	sld [smem:$0x3FB0]  }
0x29: {  	s4 =	sld [smem:$0x3FB2]  }
0x2a: {  	p0 =	seq.s32 s5, $0x0;
	s5 =	sld [smem:$0x3FB3]  }
0x2b: {  	s6 =	sld [smem:$0x3FB4]  }
0x2c: {  	s7 =	sld [smem:$0x3FB5]  }
0x2d: {  	s3 =	simm.s32 $0x108;
	s8 =	sld [smem:$0x3FB6]  }
0x2e: {  	s3 =	simm.s32 @!p0 $0x1082;
	s9 =	sld [smem:$0x3FB7]  }
0x2f: {  	lr =	sadd.s32 s0, s3;
	s0 =	sld [smem:$0x3FAE]  }
0x30: {  	s3 =	sld [smem:$0x3FB1]  }
0x31: {  	[smem:$0x3FBA] =	sst s10  }
0x32: {  	s10 =	sld [smem:$0x3FB8];
	_ =	sdelay $0x3  }
0x33: {  	p0 =	seq.s32 s10, $0x1;
	s10 =	sld [smem:$0x3FBA];
	_ =	sdelay $0x3  }
0x34: {  	[smem:$0x3FBA] =	sst s10  }
0x35: {  	s10 =	sld [smem:$0x3FB9];
	_ =	sdelay $0x3  }
0x36: {  	p1 =	seq.s32 s10, $0x1;
	s10 =	sld [smem:$0x3FBA];
	_ =	sdelay $0x3  }
0x37: {  	[smem:$0x3FBA] =	sst s10  }
0x38: {  	s10 =	sld [smem:$0x3FBB]  }
0x39: {  	_ = 	snop;
	(pc) =	sbr.ind lr, $3  }
0x3a: {  	_ = 	snop  }
0x3b: {  	_ = 	snop  }
0x3c: {  	p2 =	seq.s32 s10, $0x1;
	s10 =	sld [smem:$0x3FBA]  }
0x3d: {  	_ =	shalt  }
0x3e: {  	_ =	shalt  }
0x3f: {  	_ =	shalt  }
0x40: {  	_ =	shalt  }
0x41: {  	_ =	shalt  }
0x42: {  	_ =	shalt  }
0x43: {  	_ =	shalt  }
0x44: {  	_ =	shalt  }
0x45: {  	_ =	shalt  }
0x46: {  	_ =	shalt  }
0x47: {  	_ =	shalt  }
0x48: {  	_ =	shalt  }
0x49: {  	_ =	shalt  }
0x4a: {  	_ =	shalt  }
0x4b: {  	_ =	shalt  }
0x4c: {  	_ =	shalt  }
0x4d: {  	_ =	shalt  }
0x4e: {  	_ =	shalt  }
0x4f: {  	_ =	shalt  }
0x50: {  	_ =	shalt  }
0x51: {  	_ =	shalt  }
0x52: {  	_ =	shalt  }
0x53: {  	_ =	shalt  }
0x54: {  	_ =	shalt  }
0x55: {  	_ =	shalt  }
0x56: {  	_ =	shalt  }
0x57: {  	_ =	shalt  }
0x58: {  	_ =	shalt  }
0x59: {  	_ =	shalt  }
0x5a: {  	_ =	shalt  }
0x5b: {  	_ =	shalt  }
0x5c: {  	_ =	shalt  }
0x5d: {  	_ =	shalt  }
0x5e: {  	_ =	shalt  }
0x5f: {  	_ =	shalt  }
0x60: {  	_ =	shalt  }
0x61: {  	_ =	shalt  }
0x62: {  	_ =	shalt  }
0x63: {  	_ =	shalt  }
0x64: {  	_ =	shalt  }
0x65: {  	_ =	shalt  }
0x66: {  	_ =	shalt  }
0x67: {  	_ =	shalt  }
0x68: {  	_ =	shalt  }
0x69: {  	_ =	shalt  }
0x6a: {  	_ =	shalt  }
0x6b: {  	_ =	shalt  }
0x6c: {  	_ =	shalt  }
0x6d: {  	_ =	shalt  }
0x6e: {  	_ =	shalt  }
0x6f: {  	_ =	shalt  }
0x70: {  	_ =	shalt  }
0x71: {  	_ =	shalt  }
0x72: {  	_ =	shalt  }
0x73: {  	_ =	shalt  }
0x74: {  	_ =	shalt  }
0x75: {  	_ =	shalt  }
0x76: {  	_ =	shalt  }
0x77: {  	_ =	shalt  }
0x78: {  	_ =	shalt  }
0x79: {  	_ =	shalt  }
0x7a: {  	_ =	shalt  }
0x7b: {  	_ =	shalt  }
0x7c: {  	_ =	shalt  }
0x7d: {  	_ =	shalt  }
0x7e: {  	_ =	shalt  }
0x7f: {  	_ =	shalt  }
0x80: {  	_ =	shalt  }
0x81: {  	_ =	shalt  }
0x82: {  	_ =	shalt  }
0x83: {  	_ =	shalt  }
0x84: {  	_ =	shalt  }
0x85: {  	_ =	shalt  }
0x86: {  	_ =	shalt  }
0x87: {  	_ =	shalt  }
.Lfunc_end0:
.L_simem_size_0:
called_computation_lowered:
.L_overlay_start_0:
0x88: {  	s2 =	sld [smem:$0x3FD9]  }
0x89: {  	s3 =	sld [smem:$0x3FFE];
	_ =	sdelay $0x1  }
0x8a: {  	s1 =	srdreg.scid  }
0x8b: {  	s0 =	sand.u32 $0x1, s1  }
0x8c: {  	s16 =	sshll.u32 s0, $0xA;
	s2 =	sadd.s32 s3, s2  }
0x8d: {  	s2 =	sadd.s32 s2, s16  }
0x8e: {  	[smem:$0x3FC6] =	sst s2  }
0x8f: {  	_ = 	snop  }
0x90: {  	(tm) =	ssettm $0x1  }
0x91: {  	s17 =	sld [smem:$0x3FFB];
	_ =	sdelay $0x3  }
0x92: {  	_ =	strace s17  }
0x93: {  	s2 =	sld [smem:$0x3FFC];
	_ =	sdelay $0x3  }
0x94: {  	_ =	strace s2  }
0x95: {  	s2 =	sld [smem:$0x3FFD];
	_ =	sdelay $0x3  }
0x96: {  	_ =	strace s2  }
0x97: {  	_ =	strace $0x8FFFFFFF  }
0x98: {  	s18 =	sld [smem:$0x3FDB];
	_ =	sdelay $0x1  }
0x99: {  	s19 =	simm.s32 $_scs_section_size  }
0x9a: {  	s4 =	simm.s32 $_size__tile_overlayer_lowered;
	s5 =	simm.s32 $_tile_overlayer_lowered  }
0x9b: {  	s22 =	simm.s32 $0x1BFF;
	s21 =	sshll.u32 s5, $0x1;
	s2 =	sadd.s32 s19, s18  }
0x9c: {  	s6 =	simm.s32 $0x0;
	s20 =	sshll.u32 s4, $0x1;
	s4 =	sadd.s32 s21, s2  }
0x9d: {  	[timem:s6], [sflag:s22] =	dma.local [hbm:s4], s20  }
0x9e: {  	_ =	swait.ge [sflag:s22], s20  }
0x9f: {  	s3 =	ssub.s32 $0x0, s20;
	[sflag:s22] =	ssyncset.done $0x0  }
0xa0: {  	[sflag:s22] =	ssyncadd.s32 s3;
	_ =	sdelay $0x1  }
0xa1: {  	s23 =	simm.s32 $0x1B8B  }
0xa2: {  	_ =	swait.ge [sflag:s23], $0x1  }
0xa3: {  	[sflag:s23] =	ssyncset.done $0x0  }
0xa4: {  	s25 =	simm.s32 $0x1B8E;
	s24 =	sld [smem:$0x3FFE];
	[sflag:s23] =	ssyncadd.s32 $0xFFFFFFFF  }
0xa5: {  	s26 =	simm.s32 $execute0_lowered;
	[smem:$0x3FD2] =	sst s25  }
0xa6: {  	s4 =	sshll.u32 s26, $0x1;
	_ =	strace $0x80000049;
	[dreg:$0x1] =	wrdreg $0xFFFFFFFF  }
0xa7: {  	s28 =	simm.s32 $_size_execute0_lowered;
	s2 =	sadd.s32 s2, s4;
	[dreg:$0x0] =	wrdreg $0x0  }
0xa8: {  	s4 =	sshll.u32 s28, $0x1;
	[dreg:$0x2] =	wrdreg s2  }
0xa9: {  	[dreg:$0x3] =	wrdreg s4  }
0xaa: {  	[dreg:$0x4] =	wrdreg $0xC0  }
0xab: {  	_ =	task [dreg:s6], $0x5FFFF  }
0xac: {  	[dreg:$0x1] =	wrdreg $0xFFFFFFFF  }
0xad: {  	[dreg:$0x0] =	wrdreg $0x60  }
0xae: {  	[dreg:$0x2] =	wrdreg s24  }
0xaf: {  	[dreg:$0x3] =	wrdreg $0x9  }
0xb0: {  	_ =	task.clear_ibuf [dreg:s6], $0x4FFFF;
	_ =	strace $0x90000049  }
0xb1: {  	s29 =	simm.s32 $0x9;
	_ =	strace $0x8000004B  }
0xb2: {  	_ =	swait.ge [sflag:s29], $0x1  }
0xb3: {  	[sflag:s29] =	ssyncadd.s32 $0xFFFFFFFF  }
0xb4: {  	_ =	strace $0x9000004B  }
0xb5: {  	_ =	sfence  }
0xb6: {  	s30 =	sld [smem:$0x0];
	_ =	sdelay $0x2  }
0xb7: {  	s31 =	sshll.u32 s1, $0xD;
	s1 =	sshrl.u32 s1, $0x2  }
0xb8: {  	s3 =	sand.u32 $0x4000, s31;
	s1 =	sadd.s32 s1, s30  }
0xb9: {  	s0 =	sor.u32 s3, s0;
	s1 =	sshll.u32 s1, $0x11  }
0xba: {  	s0 =	sor.u32 s1, s0  }
0xbb: {  	s0 =	sadd.s32 $0x8F2B, s0  }
0xbc: {  	[sflag:s0] =	ssyncadd.remote.s32 $0x1  }
0xbd: {  	_ =	sfence.sel $0xFFFF  }
0xbe: {  	[dreg:$0x0] =	wrdreg $0xFFFFFFFF;
	(pc) =	sbr.abs _section_cstart, $3  }
0xbf: {  	[dreg:$0x1] =	wrdreg $0xFFFFFFFF  }
0xc0: {  	_ =	task.clear_ibuf [dreg:s6], $0x2FFFF;
	_ =	strace $0x9FFFFFFF  }
0xc1: {  	(tm) =	ssettm $0x7FFFFFFF  }
tec
execute0_lowered:
.L_overlay_start_1:
0x0: {  	(tag) =	ssettag $0x1  }
0x1: {  	s2 =	rddreg [dreg:$0x0]  }
0x2: {  	s0 =	rddreg [dreg:$0x1]  }
0x3: {  	s1 =	srdreg.scid;
	_ =	strace $0x8000004A;
	s4 =	simm.s32 $0x1  }
0x4: {  	s9 =	simm.s32 $0x3;
	s11 =	simm.s32 $0x0;
	s5 =	sshll.u32 s1, $0x4  }
.Ltmp0:
0x5: {  	s1 =	stileid.u32;
	s5 =	sand.u32 $0x10, s5;
	(pc) =	sbr.rel .LBB2_1-.Ltmp0, $4  }
0x6: {  	p0 =	por $0x0, $0x0;
	s3 =	sadd.s32 $0x800, s2;
	s6 =	sor.u32 s1, s5  }
0x7: {  	[sflag:s4] =	ssyncpa.u1 $0x0;
	s5 =	simm.s32 $0x2;
	s6 =	sshll.u32 s6, $0x9  }
0x8: {  	s7 =	sadd.s32 $0x40800, s2;
	[sflag:s5] =	ssyncpa.u1 $0x0;
	s8 =	sadd.s32 $0x200, s6  }
0x9: {  	vm0 =	vmmov $0xff;
	vm1 =	vcmask $0x3F20;
	[sflag:s9] =	ssyncpa.u1 $0x0;
	s10 =	smov.u32 s6;
	s9 =	simm.s32 $0x0  }
.LBB2_7:
0xa: {  	p1 =	slt.u32 s9, $0x2;
	s11 =	sadd.s32 $0x100, s10  }
0xb: {  	s13 =	smov.u32 s6;
	s9 =	sadd.s32 $0x1, s9;
	p2 =	slt.s32 s11, s8  }
0xc: {  	s13 =	smov.u32 @p2 s11;
	p2 =	sne.s32 s9, $0x4  }
.Ltmp1:
0xd: {  	_ = 	snop;
	(pc) =	sbr.rel @!p2 .LBB2_8-.Ltmp1, $4  }
0xe: {  	s12 =	simm.s32 @!p1 $0x3  }
0xf: {  	_ =	swait.ge @!p1 [sflag:s12], $0x8000  }
0x10: {  	p0 =	por !p0, !p0;
	[sflag:s12] =	ssyncset.done @!p1 $0x0  }
0x11: {  	s11 =	smov.u32 s10;
	s10 =	smov.u32 s13;
	[sflag:s12] =	ssyncadd.s32 @!p1 $0xFFFF8000  }
.LBB2_1:
0x12: {  	p1 =	sgt.u32 s9, $0x1  }
0x13: {  	s12 =	sshll.u32 @!p1 s9, $0x8;
	s13 =	sshrl.u32 @!p1 s10, $0x3  }
0x14: {  	s14 =	sand.u32 @!p1 $0x7, s10;
	s12 =	sxor.u32 @!p1 $0x100, s12;
	s13 =	sadd.s32 @!p1 s2, s13  }
0x15: {  	[tilespmem:s12], [sflag:$0x2] =	stream.linear.gather @!p1 [hbm4b:s13+s14], $0x100, $0x38;
	[tilespmem:$0x10200] =	vst v63  }
0x16: {  	p1 =	seq.s32 s9, $0x0  }
0x17: {  	p2 =	seq.s32 @!p1 s9, $0x3  }
0x18: {  	p1 =	por p1, p2  }
.Ltmp2:
0x19: {  	_ = 	snop;
	(pc) =	sbr.rel @p1 .LBB2_7-.Ltmp2, $1  }
0x1a: {  	_ =	sdelay $0x3  }
0x1b: {  	s12 =	simm.s32 $0x1  }
0x1c: {  	_ =	swait.ge [sflag:s5], $0x100;
	s12 =	simm.s32 @!p0 $0x0  }
0x1d: {  	[sflag:s5] =	ssyncset.done $0x0;
	s14 =	sshll.u32 s12, $0x8  }
0x1e: {  	[sflag:s5] =	ssyncadd.s32 $0xFFFFFF00;
	s13 =	sadd.s32 $0x0, s14  }
0x1f: {  	v0 =	vld.msk [tilespmem:s13+$0x0 ss:$0x1], $0xffff;
	_ =	sdelay $0x4  }
0x20: {  	vm2 =	vgt.s32 v0, $0x0  }
0x21: {  	v0 =	vnsel vm2, $0x0, v0  }
0x22: {  	v0 =	vmin.u32 v0, $0x3FFF  }
0x23: {  	v0 =	vshll.u32 v0, $0x4;
	_ =	sdelay $0x2  }
0x24: {  	s12 =	sshll.u32 s12, $0xF  }
0x25: {  	s12 =	sor.u32 $0x200, s12  }
0x26: {  	[tilespmem:s12], [sflag:$0x1] =	stream.indirect_vreg.gather [hbm:s3], $0x80, v0, vm0, $0x38;
	[tilespmem:$0x10200] =	vst v63  }
0x27: {  	s15 =	sadd.s32 $0x10, s14;
	s13 =	sadd.s32 $0x400, s12  }
0x28: {  	[tilespmem:s13], [sflag:$0x1] =	stream.indirect_vreg.gather [hbm:s3], $0x80, v0, vm1, $0x38;
	[tilespmem:$0x10200] =	vst v63  }
0x29: {  	s16 =	simm.s32 $0x80;
	v0 =	vld.msk [tilespmem:s15+$0x0 ss:$0x1], $0xffff;
	s15 =	smov.u32 s12  }
.LBB2_3:
0x2a: {  	p1 =	sne.s32 s16, $0x3C0;
	_ =	sdelay $0x4  }
0x2b: {  	vm2 =	vgt.s32 v0, $0x0  }
0x2c: {  	v0 =	vnsel vm2, $0x0, v0  }
0x2d: {  	v0 =	vmin.u32 v0, $0x3FFF  }
0x2e: {  	v0 =	vshll.u32 v0, $0x4;
	_ =	sdelay $0x3  }
.Ltmp3:
0x2f: {  	s17 =	sshra.s32 s16, $0x2;
	s15 =	sadd.s32 $0x800, s15;
	(pc) =	sbr.rel @p1 .LBB2_3-.Ltmp3, $4  }
0x30: {  	[tilespmem:s15], [sflag:$0x1] =	stream.indirect_vreg.gather [hbm:s3], $0x80, v0, vm0, $0x38;
	[tilespmem:$0x10200] =	vst v63  }
0x31: {  	s17 =	sadd.s32 s17, s14;
	s18 =	sadd.s32 $0x400, s15  }
0x32: {  	[tilespmem:s18], [sflag:$0x1] =	stream.indirect_vreg.gather [hbm:s3], $0x80, v0, vm1, $0x38;
	[tilespmem:$0x10200] =	vst v63  }
0x33: {  	s16 =	sadd.s32 $0x40, s16;
	v0 =	vld.msk [tilespmem:s17+$0x0 ss:$0x1], $0xffff  }
0x34: {  	_ =	sdelay $0x3  }
0x35: {  	vm2 =	vgt.s32 v0, $0x0  }
0x36: {  	v0 =	vnsel vm2, $0x0, v0  }
0x37: {  	v0 =	vmin.u32 v0, $0x3FFF  }
0x38: {  	v0 =	vshll.u32 v0, $0x4;
	_ =	sdelay $0x3  }
0x39: {  	s14 =	sadd.s32 $0x800, s15  }
0x3a: {  	[tilespmem:s14], [sflag:$0x1] =	stream.indirect_vreg.gather [hbm:s3], $0x80, v0, vm0, $0x38;
	[tilespmem:$0x10200] =	vst v63  }
0x3b: {  	s14 =	sadd.s32 $0x400, s14  }
0x3c: {  	[tilespmem:s14], [sflag:$0x1] =	stream.indirect_vreg.gather [hbm:s3], $0x80, v0, vm1, $0x38;
	[tilespmem:$0x10200] =	vst v63  }
0x3d: {  	s11 =	sshll.u32 s11, $0x4;
	_ =	swait.ge [sflag:s4], $0x8000  }
0x3e: {  	s11 =	sadd.s32 s11, s7;
	[sflag:s4] =	ssyncset.done $0x0  }
0x3f: {  	s15 =	sadd.s32 $0x0, s11;
	s14 =	simm.s32 $0x80;
	[sflag:s4] =	ssyncadd.s32 $0xFFFF8000  }
.LBB2_5:
0x40: {  	[hbm:s15] =	stream.linear.scatter [tilespmem:s12], [sflag:$0x3], $0x400, $0x38;
	[tilespmem:$0x10200] =	vst v63  }
0x41: {  	s15 =	smov.u32 s14;
	s12 =	smov.u32 s13;
	p1 =	sne.s32 s14, $0xF80  }
.Ltmp4:
0x42: {  	s14 =	sadd.s32 $0x80, s14;
	(pc) =	sbr.rel @p1 .LBB2_5-.Ltmp4, $2  }
0x43: {  	_ =	sdelay $0x2  }
0x44: {  	s13 =	sadd.s32 $0x400, s13;
	s15 =	sadd.s32 s15, s11  }
.Ltmp5:
0x45: {  	(pc) =	sbr.rel .LBB2_7-.Ltmp5, $2  }
0x46: {  	_ =	sdelay $0x2  }
0x47: {  	[hbm:s15] =	stream.linear.scatter [tilespmem:s12], [sflag:$0x3], $0x400, $0x38;
	[tilespmem:$0x10200] =	vst v63  }
.LBB2_8:
0x48: {  	_ =	sfence.sel $0x180000  }
0x49: {  	s2 =	simm.s32 $0x2;
	[bflag:$0x0] =	sbarrier.arrive $0xFFFF  }
0x4a: {  	s30 =	simm.s32 $0x3;
	[sflag:s2] =	ssyncpa.u1 $0x1  }
0x4b: {  	s31 =	simm.s32 $0x1;
	[sflag:s30] =	ssyncpa.u1 $0x1  }
0x4c: {  	[sflag:s31] =	ssyncpa.u1 $0x1  }
0x4d: {  	p0 =	sne.s32 s1, $0x0;
	_ =	strace $0x9000004A  }
0x4e: {  	s0 =	sadd.s32 @!p0 $0x100000, s0;
	[bflag:$0x2] =	sbarrier.arrive $0xFFFF  }
0x4f: {  	[sflag:s0] =	ssyncadd.tile.s32 @!p0 $0x1;
	_ =	shalt  }
.Lfunc_end2:
_tile_overlayer_lowered:
.L_overlay_start_2:
0x50: {  	(tag) =	ssettag $0x2  }
0x51: {  	s0 =	rddreg [dreg:$0x0];
	s2 =	stileid.u32  }
0x52: {  	s1 =	rddreg [dreg:$0x1];
	p0 =	sne.s32 s2, $0x0  }
0x53: {  	s3 =	rddreg [dreg:$0x2];
	[bflag:$0x3] =	sbarrier.arrive $0xFFFF;
	s2 =	simm.s32 @!p0 $0x1C01  }
0x54: {  	[timem:s3], [sflag:s2] =	dma.local @!p0 [hbm:s0], s1  }
0x55: {  	s0 =	simm.s32 @!p0 $0x1  }
0x56: {  	_ =	swait.ge @!p0 [sflag:s0], s1  }
0x57: {  	s1 =	ssub.s32 @!p0 $0x0, s1;
	[sflag:s0] =	ssyncset.done @!p0 $0x0  }
0x58: {  	[sflag:s0] =	ssyncadd.s32 @!p0 s1  }
0x59: {  	[bflag:$0x3] =	sbarrier.arrive $0xFFFF  }
0x5a: {  	_ =	shalt  }

// kernel: kernel.3.cloned.1.call-start
scs
__scs_entry_jumppad:
0x0: {  	(pc) =	sbr.rel $0x88, $3  }
0x1: {  	(tag) =	ssettag $0x0;
	lr =	simm.s32 $0x1  }
0x2: {  	[smem:$0x3F9F] =	sst lr;
	_ =	strace $0xD0000000  }
0x3: {  	_ = 	snop  }
0x4: {  	_ = 	snop  }
0x5: {  	_ = 	snop  }
0x6: {  	_ = 	snop  }
0x7: {  	_ = 	snop  }
__scs_overlays_trampoline_lowered:
0x8: {  	[smem:$0x3FAE] =	sst s0  }
0x9: {  	[smem:$0x3FAF] =	sst s1  }
0xa: {  	[smem:$0x3FB0] =	sst s2  }
0xb: {  	[smem:$0x3FB1] =	sst s3  }
0xc: {  	[smem:$0x3FB2] =	sst s4  }
0xd: {  	[smem:$0x3FB3] =	sst s5  }
0xe: {  	[smem:$0x3FB4] =	sst s6  }
0xf: {  	[smem:$0x3FB5] =	sst s7  }
0x10: {  	[smem:$0x3FB6] =	sst s8  }
0x11: {  	[smem:$0x3FB7] =	sst s9;
	s0 =	simm.s32 @!p0 $0x0  }
0x12: {  	s1 =	sld [smem:$0x3F9D];
	s0 =	simm.s32 @p0 $0x1  }
0x13: {  	[smem:$0x3FB8] =	sst s0;
	s0 =	simm.s32 @!p1 $0x0  }
0x14: {  	s2 =	sld [smem:$0x3F9C];
	s0 =	simm.s32 @p1 $0x1  }
0x15: {  	[smem:$0x3FB9] =	sst s0;
	s0 =	simm.s32 @!p2 $0x0  }
0x16: {  	s3 =	sld [smem:$0x3FDB];
	s0 =	simm.s32 @p2 $0x1  }
0x17: {  	s4 =	simm.s32 $0x1BF5;
	[smem:$0x3FBB] =	sst s0  }
0x18: {  	s0 =	sld [smem:$0x3F9E];
	_ =	swait.ge [sflag:s4], $0x0  }
0x19: {  	s7 =	sld [smem:$0x3F9F]  }
0x1a: {  	s8 =	sadd.s32 $0xFFFFE003, lr  }
0x1b: {  	s9 =	sadd.s32 $0xFFFFFEF7, lr;
	s5 =	simm.s32 $0xFFFFFFFF;
	p2 =	slt.u32 s8, $0xFFFFF086  }
0x1c: {  	p1 =	slt.u32 s9, $0xF7A;
	s5 =	simm.s32 @!p2 $0x0  }
0x1d: {  	s5 =	simm.s32 @p1 $0x1;
	p0 =	seq.s32 s7, s2  }
0x1e: {  	s7 =	smul.u32 @!p0 $0xF7A, s2;
	p2 =	seq.s32 @!p0 s5, $0x0  }
0x1f: {  	s9 =	smul.u32 $0xF7A, s1;
	s8 =	simm.s32 @!p0 $0x1BF5;
	p2 =	por !p2, p0  }
0x20: {  	[sflag:s8] =	ssyncset.s32 @!p0 $0xFFFFF086;
	s6 =	sadd.s32 @!p0 s3, s7;
	s7 =	simm.s32 @!p0 $0x108  }
0x21: {  	s3 =	sadd.s32 s3, s9;
	s6 =	sadd.s32 @!p0 $0x88, s6;
	s7 =	simm.s32 @p2 $0x1082  }
0x22: {  	[simem:s7], [sflag:s8] =	dma.local @!p0 [hbm:s6], $0xF7A  }
0x23: {  	s9 =	sor.u32 $0xD0000000, s2;
	s6 =	simm.s32 $0x108;
	_ =	swait.ge @!p0 [sflag:s8], $0x0  }
0x24: {  	s3 =	sadd.s32 $0x88, s3;
	s6 =	simm.s32 @!p1 $0x1082;
	[sflag:s4] =	ssyncset.s32 $0xFFFFF086  }
0x25: {  	[simem:s6], [sflag:s4] =	dma.local [hbm:s3], $0xF7A  }
0x26: {  	[smem:$0x3F9F] =	sst s1;
	(tag) =	ssettag s2;
	_ =	strace s9  }
0x27: {  	s1 =	sld [smem:$0x3FAF]  }
0x28: {  	s2 =	sld [smem:$0x3FB0]  }
0x29: {  	s4 =	sld [smem:$0x3FB2]  }
0x2a: {  	p0 =	seq.s32 s5, $0x0;
	s5 =	sld [smem:$0x3FB3]  }
0x2b: {  	s6 =	sld [smem:$0x3FB4]  }
0x2c: {  	s7 =	sld [smem:$0x3FB5]  }
0x2d: {  	s3 =	simm.s32 $0x108;
	s8 =	sld [smem:$0x3FB6]  }
0x2e: {  	s3 =	simm.s32 @!p0 $0x1082;
	s9 =	sld [smem:$0x3FB7]  }
0x2f: {  	lr =	sadd.s32 s0, s3;
	s0 =	sld [smem:$0x3FAE]  }
0x30: {  	s3 =	sld [smem:$0x3FB1]  }
0x31: {  	[smem:$0x3FBA] =	sst s10  }
0x32: {  	s10 =	sld [smem:$0x3FB8];
	_ =	sdelay $0x3  }
0x33: {  	p0 =	seq.s32 s10, $0x1;
	s10 =	sld [smem:$0x3FBA];
	_ =	sdelay $0x3  }
0x34: {  	[smem:$0x3FBA] =	sst s10  }
0x35: {  	s10 =	sld [smem:$0x3FB9];
	_ =	sdelay $0x3  }
0x36: {  	p1 =	seq.s32 s10, $0x1;
	s10 =	sld [smem:$0x3FBA];
	_ =	sdelay $0x3  }
0x37: {  	[smem:$0x3FBA] =	sst s10  }
0x38: {  	s10 =	sld [smem:$0x3FBB]  }
0x39: {  	_ = 	snop;
	(pc) =	sbr.ind lr, $3  }
0x3a: {  	_ = 	snop  }
0x3b: {  	_ = 	snop  }
0x3c: {  	p2 =	seq.s32 s10, $0x1;
	s10 =	sld [smem:$0x3FBA]  }
0x3d: {  	_ =	shalt  }
0x3e: {  	_ =	shalt  }
0x3f: {  	_ =	shalt  }
0x40: {  	_ =	shalt  }
0x41: {  	_ =	shalt  }
0x42: {  	_ =	shalt  }
0x43: {  	_ =	shalt  }
0x44: {  	_ =	shalt  }
0x45: {  	_ =	shalt  }
0x46: {  	_ =	shalt  }
0x47: {  	_ =	shalt  }
0x48: {  	_ =	shalt  }
0x49: {  	_ =	shalt  }
0x4a: {  	_ =	shalt  }
0x4b: {  	_ =	shalt  }
0x4c: {  	_ =	shalt  }
0x4d: {  	_ =	shalt  }
0x4e: {  	_ =	shalt  }
0x4f: {  	_ =	shalt  }
0x50: {  	_ =	shalt  }
0x51: {  	_ =	shalt  }
0x52: {  	_ =	shalt  }
0x53: {  	_ =	shalt  }
0x54: {  	_ =	shalt  }
0x55: {  	_ =	shalt  }
0x56: {  	_ =	shalt  }
0x57: {  	_ =	shalt  }
0x58: {  	_ =	shalt  }
0x59: {  	_ =	shalt  }
0x5a: {  	_ =	shalt  }
0x5b: {  	_ =	shalt  }
0x5c: {  	_ =	shalt  }
0x5d: {  	_ =	shalt  }
0x5e: {  	_ =	shalt  }
0x5f: {  	_ =	shalt  }
0x60: {  	_ =	shalt  }
0x61: {  	_ =	shalt  }
0x62: {  	_ =	shalt  }
0x63: {  	_ =	shalt  }
0x64: {  	_ =	shalt  }
0x65: {  	_ =	shalt  }
0x66: {  	_ =	shalt  }
0x67: {  	_ =	shalt  }
0x68: {  	_ =	shalt  }
0x69: {  	_ =	shalt  }
0x6a: {  	_ =	shalt  }
0x6b: {  	_ =	shalt  }
0x6c: {  	_ =	shalt  }
0x6d: {  	_ =	shalt  }
0x6e: {  	_ =	shalt  }
0x6f: {  	_ =	shalt  }
0x70: {  	_ =	shalt  }
0x71: {  	_ =	shalt  }
0x72: {  	_ =	shalt  }
0x73: {  	_ =	shalt  }
0x74: {  	_ =	shalt  }
0x75: {  	_ =	shalt  }
0x76: {  	_ =	shalt  }
0x77: {  	_ =	shalt  }
0x78: {  	_ =	shalt  }
0x79: {  	_ =	shalt  }
0x7a: {  	_ =	shalt  }
0x7b: {  	_ =	shalt  }
0x7c: {  	_ =	shalt  }
0x7d: {  	_ =	shalt  }
0x7e: {  	_ =	shalt  }
0x7f: {  	_ =	shalt  }
0x80: {  	_ =	shalt  }
0x81: {  	_ =	shalt  }
0x82: {  	_ =	shalt  }
0x83: {  	_ =	shalt  }
0x84: {  	_ =	shalt  }
0x85: {  	_ =	shalt  }
0x86: {  	_ =	shalt  }
0x87: {  	_ =	shalt  }
.Lfunc_end0:
.L_simem_size_0:
called_computation.1_lowered:
.L_overlay_start_0:
0x88: {  	s2 =	sld [smem:$0x3FD9]  }
0x89: {  	s3 =	sld [smem:$0x3FFE];
	_ =	sdelay $0x1  }
0x8a: {  	s1 =	srdreg.scid  }
0x8b: {  	s0 =	sand.u32 $0x1, s1  }
0x8c: {  	s17 =	sshll.u32 s0, $0xA;
	s2 =	sadd.s32 s3, s2  }
0x8d: {  	s2 =	sadd.s32 s2, s17  }
0x8e: {  	[smem:$0x3FC6] =	sst s2  }
0x8f: {  	_ = 	snop  }
0x90: {  	s2 =	sld [smem:$0x3FC9]  }
0x91: {  	s18 =	sld [smem:$0x3FD0];
	(tm) =	ssettm $0x1  }
0x92: {  	s4 =	sld [smem:$0x3FFB];
	_ =	sdelay $0x3  }
0x93: {  	_ =	strace s4  }
0x94: {  	s4 =	sld [smem:$0x3FFC];
	_ =	sdelay $0x3  }
0x95: {  	_ =	strace s4  }
0x96: {  	s4 =	sld [smem:$0x3FFD];
	_ =	sdelay $0x3  }
0x97: {  	_ =	strace s4  }
0x98: {  	_ =	strace $0x8FFFFFFF  }
0x99: {  	s19 =	sld [smem:$0x3FDB];
	_ =	sdelay $0x1  }
0x9a: {  	s5 =	simm.s32 $_scs_section_size  }
0x9b: {  	s6 =	simm.s32 $_size__tile_overlayer_lowered;
	s7 =	simm.s32 $_tile_overlayer_lowered  }
0x9c: {  	s22 =	simm.s32 $0x1BFF;
	s21 =	sshll.u32 s7, $0x1;
	s4 =	sadd.s32 s5, s19  }
0x9d: {  	s8 =	simm.s32 $0x0;
	s20 =	sshll.u32 s6, $0x1;
	s6 =	sadd.s32 s21, s4  }
0x9e: {  	[timem:s8], [sflag:s22] =	dma.local [hbm:s6], s20  }
0x9f: {  	_ =	swait.ge [sflag:s22], s20  }
0xa0: {  	s5 =	ssub.s32 $0x0, s20;
	[sflag:s22] =	ssyncset.done $0x0  }
0xa1: {  	[sflag:s22] =	ssyncadd.s32 s5;
	_ =	sdelay $0x1  }
0xa2: {  	s23 =	simm.s32 $0x1B8B  }
0xa3: {  	_ =	swait.ge [sflag:s23], $0x1  }
0xa4: {  	[sflag:s23] =	ssyncset.done $0x0  }
0xa5: {  	s25 =	simm.s32 $0x1B8E;
	s24 =	sld [smem:$0x3FFE];
	[sflag:s23] =	ssyncadd.s32 $0xFFFFFFFF  }
0xa6: {  	s26 =	simm.s32 $execute0_lowered;
	[smem:$0x3FD2] =	sst s25  }
0xa7: {  	s6 =	sshll.u32 s26, $0x1;
	_ =	strace $0x80000046;
	[dreg:$0x1] =	wrdreg $0xFFFFFFFF  }
0xa8: {  	s28 =	simm.s32 $_size_execute0_lowered;
	s4 =	sadd.s32 s4, s6;
	[dreg:$0x0] =	wrdreg $0x0  }
0xa9: {  	s6 =	sshll.u32 s28, $0x1;
	[dreg:$0x2] =	wrdreg s4  }
0xaa: {  	[dreg:$0x3] =	wrdreg s6  }
0xab: {  	[dreg:$0x4] =	wrdreg $0xC0  }
0xac: {  	_ =	task [dreg:s8], $0x5FFFF  }
0xad: {  	[dreg:$0x1] =	wrdreg $0xFFFFFFFF  }
0xae: {  	[dreg:$0x0] =	wrdreg $0x60  }
0xaf: {  	[dreg:$0x2] =	wrdreg s2  }
0xb0: {  	[dreg:$0x3] =	wrdreg s18  }
0xb1: {  	[dreg:$0x4] =	wrdreg s24  }
0xb2: {  	[dreg:$0x5] =	wrdreg $0x9  }
0xb3: {  	_ =	task.clear_ibuf [dreg:s8], $0x6FFFF;
	_ =	strace $0x90000046  }
0xb4: {  	s29 =	simm.s32 $0x9;
	_ =	strace $0x80000048  }
0xb5: {  	_ =	swait.ge [sflag:s29], $0x1  }
0xb6: {  	[sflag:s29] =	ssyncadd.s32 $0xFFFFFFFF  }
0xb7: {  	_ =	strace $0x90000048  }
0xb8: {  	_ =	sfence  }
0xb9: {  	s30 =	sld [smem:$0x0];
	_ =	sdelay $0x2  }
0xba: {  	s31 =	sshll.u32 s1, $0xD;
	s1 =	sshrl.u32 s1, $0x2  }
0xbb: {  	s3 =	sand.u32 $0x4000, s31;
	s1 =	sadd.s32 s1, s30  }
0xbc: {  	s0 =	sor.u32 s3, s0;
	s1 =	sshll.u32 s1, $0x11  }
0xbd: {  	s0 =	sor.u32 s1, s0  }
0xbe: {  	s0 =	sadd.s32 $0x8F2B, s0  }
0xbf: {  	[sflag:s0] =	ssyncadd.remote.s32 $0x1  }
0xc0: {  	_ =	sfence.sel $0xFFFF  }
0xc1: {  	[dreg:$0x0] =	wrdreg $0xFFFFFFFF;
	(pc) =	sbr.abs _section_cstart, $3  }
0xc2: {  	[dreg:$0x1] =	wrdreg $0xFFFFFFFF  }
0xc3: {  	_ =	task.clear_ibuf [dreg:s8], $0x2FFFF;
	_ =	strace $0x9FFFFFFF  }
0xc4: {  	(tm) =	ssettm $0x7FFFFFFF  }
0xc5: {  	_ =	shalt  }
tec
execute0_lowered:
.L_overlay_start_1:
0x0: {  	(tag) =	ssettag $0x1  }
0x1: {  	s1 =	rddreg [dreg:$0x0]  }
0x2: {  	s4 =	rddreg [dreg:$0x1]  }
0x3: {  	s5 =	rddreg [dreg:$0x2];
	s3 =	srdreg.scid  }
0x4: {  	s0 =	rddreg [dreg:$0x3];
	s2 =	stileid.u32  }
0x5: {  	s10 =	simm.s32 $0x10200;
	s11 =	simm.s32 $0x0;
	s6 =	sand.u32 $0x1, s3  }
0x6: {  	s3 =	simm.s32 $0x0;
	s7 =	sshll.u32 s2, $0xA;
	s8 =	sshll.u32 s6, $0x9  }
0x7: {  	[smem:$0x7FF] =	sst s3;
	s6 =	ssub.s32 $0x2, s6;
	s7 =	sor.u32 s8, s7  }
0x8: {  	_ =	strace $0x80000047;
	s31 =	sshrl.u32 s6, $0x1;
	s8 =	sshll.u32 s7, $0x4  }
0x9: {  	s7 =	sshrl.u32 s7, $0x3;
	s9 =	ssub.s32 s6, s31;
	s8 =	sadd.s32 s8, s5  }
0xa: {  	v0 =	vlaneseq.u32;
	s4 =	sadd.s32 s4, s7;
	s7 =	smax.u32 s9, $0x1;
	s9 =	simm.s32 $0x200  }
0xb: {  	v0 =	vmul.u32 $0x80, v0;
	s5 =	sadd.s32 $0x800, s8;
	s6 =	sadd.s32 $0x1800, s8;
	s8 =	simm.s32 $0x3  }
.LBB2_1:
0xc: {  	[tilespmem:s3], [sflag:$0x3] =	stream.linear.gather [hbm4b:s4+s3], $0x200, $0x38;
	[tilespmem:$0x18200] =	vst v63  }
0xd: {  	s14 =	simm.s32 $0xFFFFFFFF;
	_ =	swait.ge [sflag:s8], $0x200  }
0xe: {  	s12 =	simm.s32 $0x10600;
	s13 =	simm.s32 $0x0;
	[sflag:s8] =	ssyncset.done $0x0  }
0xf: {  	s15 =	simm.s32 $0x0;
	s16 =	simm.s32 $0x0;
	[sflag:s8] =	ssyncadd.s32 $0xFFFFFE00  }
.LBB2_2:
0x10: {  	s17 =	sshra.s32 s13, $0x2  }
0x11: {  	v1 =	vld [tilespmem:s17+$0x0];
	_ =	sdelay $0x4  }
0x12: {  	v2 =	vshra.s32 v1, $0x7  }
0x13: {  	(v2sf) =	vpush v2, $0x0;
	_ =	sdelay $0x7  }
0x14: {  	(v2sf) =	vpush v2, $0x1;
	_ =	sdelay $0x6  }
0x15: {  	s17 =	spop (v2sf)  }
0x16: {  	s19 =	sand.u32 $0x7, s16;
	(v2sf) =	vpush v2, $0x2;
	p1 =	seq.s32 s17, s14  }
0x17: {  	p0 =	sne.s32 s17, s14;
	s18 =	sshll.u32 @!p1 s19, $0xD;
	s20 =	sshll.u32 @!p1 s17, $0x7  }
0x18: {  	s21 =	simm.s32 @!p1 $0x400;
	s22 =	simm.s32 @!p1 $0xB71C00;
	s14 =	simm.s32 @!p0 $0x0  }
0x19: {  	s18 =	sor.u32 @!p1 $0x200, s18;
	s20 =	sand.u32 @!p1 $0x1FFFFF80, s20;
	s14 =	simm.s32 @p0 $0x1  }
0x1a: {  	s20 =	sadd.s32 @!p1 s1, s20;
	[smem:$0x7ED] =	sst s14;
	s14 =	simm.s32 $0x1  }
0x1b: {  	[tilespmem:s18], [sflag:$0x1] =	stream.strided.gather @!p1 [hbm4b:s20+s21], $0x2000, s22, s21, $0x38;
	[tilespmem:$0x18200] =	vst v63  }
0x1c: {  	s14 =	simm.s32 @!p0 $0x0  }
0x1d: {  	s14 =	sadd.s32 s14, s16;
	s16 =	spop (v2sf)  }
0x1e: {  	(v2sf) =	vpush v2, $0x3;
	p6 =	seq.s32 s16, s17;
	s24 =	sand.u32 $0x7, s14  }
0x1f: {  	p0 =	sne.s32 s16, s17;
	s18 =	sshll.u32 @!p6 s24, $0xD;
	s20 =	sshll.u32 @!p6 s16, $0x7  }
0x20: {  	s21 =	simm.s32 @!p6 $0x400;
	s22 =	simm.s32 @!p6 $0xB71C00;
	s17 =	simm.s32 @!p0 $0x0  }
0x21: {  	s18 =	sor.u32 @!p6 $0x200, s18;
	s20 =	sand.u32 @!p6 $0x1FFFFF80, s20;
	s17 =	simm.s32 @p0 $0x1  }
0x22: {  	s20 =	sadd.s32 @!p6 s1, s20;
	[smem:$0x7EE] =	sst s17;
	s17 =	simm.s32 $0x1  }
0x23: {  	[tilespmem:s18], [sflag:$0x1] =	stream.strided.gather @!p6 [hbm4b:s20+s21], $0x2000, s22, s21, $0x38;
	[tilespmem:$0x18200] =	vst v63  }
0x24: {  	s17 =	simm.s32 @!p0 $0x0  }
0x25: {  	s14 =	sadd.s32 s17, s14;
	s18 =	spop (v2sf)  }
0x26: {  	s22 =	sand.u32 $0x7, s14;
	(v2sf) =	vpush v2, $0x4;
	p5 =	seq.s32 s18, s16  }
0x27: {  	p0 =	sne.s32 s18, s16;
	s17 =	sshll.u32 @!p5 s22, $0xD;
	s20 =	sshll.u32 @!p5 s18, $0x7  }
0x28: {  	s21 =	simm.s32 @!p5 $0x400;
	s23 =	simm.s32 @!p5 $0xB71C00;
	s16 =	simm.s32 @!p0 $0x0  }
0x29: {  	s17 =	sor.u32 @!p5 $0x200, s17;
	s20 =	sand.u32 @!p5 $0x1FFFFF80, s20;
	s16 =	simm.s32 @p0 $0x1  }
0x2a: {  	s20 =	sadd.s32 @!p5 s1, s20;
	[smem:$0x7EF] =	sst s16;
	s16 =	simm.s32 $0x1  }
0x2b: {  	[tilespmem:s17], [sflag:$0x1] =	stream.strided.gather @!p5 [hbm4b:s20+s21], $0x2000, s23, s21, $0x38;
	[tilespmem:$0x18200] =	vst v63  }
0x2c: {  	s16 =	simm.s32 @!p0 $0x0  }
0x2d: {  	s14 =	sadd.s32 s16, s14;
	s16 =	spop (v2sf)  }
0x2e: {  	(v2sf) =	vpush v2, $0x5;
	p3 =	seq.s32 s16, s18  }
0x2f: {  	s17 =	sand.u32 $0x7, s14;
	s21 =	sshll.u32 @!p3 s16, $0x7  }
0x30: {  	s20 =	sshll.u32 @!p3 s17, $0xD;
	s23 =	simm.s32 @!p3 $0x400;
	s21 =	sand.u32 @!p3 $0x1FFFFF80, s21  }
0x31: {  	s25 =	simm.s32 @!p3 $0xB71C00;
	s20 =	sor.u32 @!p3 $0x200, s20;
	s21 =	sadd.s32 @!p3 s1, s21  }
0x32: {  	[tilespmem:s20], [sflag:$0x1] =	stream.strided.gather @!p3 [hbm4b:s21+s23], $0x2000, s25, s23, $0x38;
	[tilespmem:$0x18200] =	vst v63  }
0x33: {  	p0 =	sne.s32 s16, s18;
	s20 =	simm.s32 $0x1  }
0x34: {  	s20 =	simm.s32 @!p0 $0x0  }
0x35: {  	s18 =	simm.s32 @!p0 $0x0;
	s14 =	sadd.s32 s20, s14;
	s20 =	spop (v2sf);
	(v2sf) =	vpush v2, $0x6  }
0x36: {  	s18 =	simm.s32 @p0 $0x1  }
0x37: {  	[smem:$0x7F0] =	sst s18;
	s21 =	sand.u32 $0x7, s14;
	p2 =	seq.s32 s20, s16  }
0x38: {  	s18 =	sshll.u32 @!p2 s21, $0xD;
	s23 =	sshll.u32 @!p2 s20, $0x7;
	s25 =	simm.s32 @!p2 $0x400  }
0x39: {  	p0 =	sne.s32 s20, s16;
	s26 =	simm.s32 @!p2 $0xB71C00;
	s23 =	sand.u32 @!p2 $0x1FFFFF80, s23  }
0x3a: {  	s16 =	simm.s32 @!p0 $0x0;
	s18 =	sor.u32 @!p2 $0x200, s18;
	s23 =	sadd.s32 @!p2 s1, s23  }
0x3b: {  	[tilespmem:s18], [sflag:$0x2] =	stream.strided.gather @!p2 [hbm4b:s23+s25], $0x2000, s26, s25, $0x38;
	[tilespmem:$0x18200] =	vst v63  }
0x3c: {  	s16 =	simm.s32 @p0 $0x1;
	s18 =	simm.s32 $0x1  }
0x3d: {  	[smem:$0x7F1] =	sst s16;
	s18 =	simm.s32 @!p0 $0x0;
	s23 =	spop (v2sf)  }
0x3e: {  	s14 =	sadd.s32 s18, s14;
	p4 =	seq.s32 s23, s20;
	p0 =	sne.s32 s23, s20  }
0x3f: {  	s18 =	sand.u32 $0x7, s14;
	s25 =	sshll.u32 @!p4 s23, $0x7;
	s28 =	simm.s32 @!p4 $0xB71C00  }
0x40: {  	(v2sf) =	vpush v2, $0x7;
	s26 =	simm.s32 @!p4 $0x400;
	s16 =	sshll.u32 @!p4 s18, $0xD;
	s25 =	sand.u32 @!p4 $0x1FFFFF80, s25  }
0x41: {  	s20 =	simm.s32 @!p0 $0x0;
	s16 =	sor.u32 @!p4 $0x200, s16;
	s25 =	sadd.s32 @!p4 s1, s25  }
0x42: {  	[tilespmem:s16], [sflag:$0x2] =	stream.strided.gather @!p4 [hbm4b:s25+s26], $0x2000, s28, s26, $0x38;
	[tilespmem:$0x18200] =	vst v63  }
0x43: {  	s20 =	simm.s32 @p0 $0x1;
	s16 =	simm.s32 $0x1  }
0x44: {  	[smem:$0x7F2] =	sst s20;
	s16 =	simm.s32 @!p0 $0x0;
	s20 =	spop (v2sf)  }
0x45: {  	s14 =	sadd.s32 s16, s14;
	p0 =	seq.s32 s20, s23  }
0x46: {  	s16 =	sand.u32 $0x7, s14;
	s25 =	simm.s32 @!p0 $0x0  }
0x47: {  	s26 =	sshll.u32 @!p0 s20, $0x7;
	s28 =	simm.s32 @!p0 $0x400;
	s25 =	simm.s32 @p0 $0x1  }
0x48: {  	s26 =	sand.u32 @!p0 $0x1FFFFF80, s26;
	[smem:$0x7F4] =	sst s25;
	s25 =	sshll.u32 @!p0 s16, $0xD  }
0x49: {  	s29 =	simm.s32 @!p0 $0xB71C00;
	s26 =	sadd.s32 @!p0 s1, s26;
	s25 =	sor.u32 @!p0 $0x200, s25  }
0x4a: {  	[tilespmem:s25], [sflag:$0x2] =	stream.strided.gather @!p0 [hbm4b:s26+s28], $0x2000, s29, s28, $0x38;
	[tilespmem:$0x18200] =	vst v63  }
0x4b: {  	s29 =	sld [smem:$0x7ED]  }
0x4c: {  	p0 =	sne.s32 s20, s23  }
0x4d: {  	s25 =	simm.s32 $0x1;
	s23 =	simm.s32 @!p0 $0x0  }
0x4e: {  	s25 =	simm.s32 @!p0 $0x0;
	s23 =	simm.s32 @p0 $0x1;
	p0 =	seq.s32 s29, $0x1  }
0x4f: {  	s15 =	smov.u32 @p0 s19;
	s19 =	spop (v2sf)  }
0x50: {  	[smem:$0x7F3] =	sst s23;
	s23 =	sadd.s32 s25, s14;
	p0 =	seq.s32 s19, s20  }
0x51: {  	s14 =	sand.u32 $0x7, s23;
	s25 =	sshll.u32 s15, $0x6;
	s26 =	simm.s32 @!p0 $0x0  }
0x52: {  	v1 =	vand.u32 $0x7F, v1;
	s28 =	sshll.u32 @!p0 s19, $0x7;
	v3 =	vmov s25;
	s29 =	simm.s32 @!p0 $0x400;
	s26 =	simm.s32 @p0 $0x1  }
0x53: {  	v4 =	vbroadcast v1, $0x0;
	s28 =	sand.u32 @!p0 $0x1FFFFF80, s28;
	v3 =	vshll.u32 v3, $0x7;
	[smem:$0x7F5] =	sst s26;
	s26 =	sshll.u32 @!p0 s14, $0xD  }
0x54: {  	s30 =	simm.s32 @!p0 $0xB71C00;
	s28 =	sadd.s32 @!p0 s1, s28;
	v3 =	vor.u32 v0, v3;
	s26 =	sor.u32 @!p0 $0x200, s26  }
0x55: {  	v3 =	vor.u32 v4, v3;
	[tilespmem:s26], [sflag:$0x2] =	stream.strided.gather @!p0 [hbm4b:s28+s29], $0x2000, s30, s29, $0x38;
	[tilespmem:$0x18200] =	vst v63  }
0x56: {  	s26 =	simm.s32 @!p1 $0x1  }
0x57: {  	s30 =	sor.u32 $0x10, s25;
	_ =	swait.ge @!p1 [sflag:s26], $0x2000  }
0x58: {  	v5 =	vmov s30;
	[sflag:s26] =	ssyncset.done @!p1 $0x0  }
0x59: {  	v5 =	vshll.u32 v5, $0x7;
	[sflag:s26] =	ssyncadd.s32 @!p1 $0xFFFFE000  }
0x5a: {  	v5 =	vor.u32 v0, v5;
	v3 =	vld.idx.msk [tilespmem:v3+s9+$0x0], $0xffff  }
0x5b: {  	v5 =	vor.u32 v4, v5;
	_ =	sdelay $0x1  }
0x5c: {  	s31 =	sor.u32 $0x20, s25  }
0x5d: {  	v6 =	vmov s31  }
0x5e: {  	[tilespmem:s12+$0xFFFFFC00] =	vst v3;
	v3 =	vshll.u32 v6, $0x7  }
0x5f: {  	v5 =	vld.idx.msk [tilespmem:v5+s9+$0x0], $0xffff;
	v3 =	vor.u32 v0, v3  }
0x60: {  	v3 =	vor.u32 v4, v3;
	_ =	sdelay $0x1  }
0x61: {  	s25 =	sor.u32 $0x30, s25  }
0x62: {  	v59 =	vmov s25  }
0x63: {  	v60 =	vshll.u32 v59, $0x7;
	[tilespmem:s12+$0xFFFFFC10] =	vst v5  }
0x64: {  	v5 =	vor.u32 v0, v60;
	v3 =	vld.idx.msk [tilespmem:v3+s9+$0x0], $0xffff  }
0x65: {  	s26 =	sld [smem:$0x7EE];
	v4 =	vor.u32 v4, v5;
	_ =	sdelay $0x2  }
0x66: {  	p0 =	seq.s32 s26, $0x1  }
0x67: {  	s15 =	smov.u32 @p0 s24;
	[tilespmem:s12+$0xFFFFFC20] =	vst v3  }
0x68: {  	s24 =	sshll.u32 s15, $0x6;
	v3 =	vld.idx.msk [tilespmem:v4+s9+$0x0], $0xffff  }
0x69: {  	v61 =	vmov s24  }
0x6a: {  	v62 =	vbroadcast v1, $0x1;
	v4 =	vshll.u32 v61, $0x7  }
0x6b: {  	v4 =	vor.u32 v0, v4  }
0x6c: {  	v4 =	vor.u32 v62, v4  }
0x6d: {  	s25 =	simm.s32 @!p6 $0x1;
	[tilespmem:s12+$0xFFFFFC30] =	vst v3  }
0x6e: {  	s28 =	sor.u32 $0x10, s24;
	_ =	swait.ge @!p6 [sflag:s25], $0x2000  }
0x6f: {  	v3 =	vmov s28;
	[sflag:s25] =	ssyncset.done @!p6 $0x0  }
0x70: {  	v3 =	vshll.u32 v3, $0x7;
	[sflag:s25] =	ssyncadd.s32 @!p6 $0xFFFFE000  }
0x71: {  	v3 =	vor.u32 v0, v3;
	v4 =	vld.idx.msk [tilespmem:v4+s9+$0x0], $0xffff  }
0x72: {  	v3 =	vor.u32 v62, v3;
	_ =	sdelay $0x1  }
0x73: {  	s29 =	sor.u32 $0x20, s24  }
0x74: {  	v63 =	vmov s29  }
0x75: {  	v8 =	vshll.u32 v63, $0x7;
	[tilespmem:s12+$0xFFFFFC80] =	vst v4  }
0x76: {  	v4 =	vor.u32 v0, v8;
	v3 =	vld.idx.msk [tilespmem:v3+s9+$0x0], $0xffff  }
0x77: {  	v4 =	vor.u32 v62, v4;
	_ =	sdelay $0x1  }
0x78: {  	s24 =	sor.u32 $0x30, s24  }
0x79: {  	v9 =	vmov s24  }
0x7a: {  	[tilespmem:s12+$0xFFFFFC90] =	vst v3;
	v3 =	vshll.u32 v9, $0x7  }
0x7b: {  	v4 =	vld.idx.msk [tilespmem:v4+s9+$0x0], $0xffff;
	v3 =	vor.u32 v0, v3  }
0x7c: {  	s30 =	sld [smem:$0x7EF];
	v3 =	vor.u32 v62, v3;
	_ =	sdelay $0x2  }
0x7d: {  	p0 =	seq.s32 s30, $0x1  }
0x7e: {  	s15 =	smov.u32 @p0 s22;
	[tilespmem:s12+$0xFFFFFCA0] =	vst v4  }
0x7f: {  	s22 =	sshll.u32 s15, $0x6;
	v3 =	vld.idx.msk [tilespmem:v3+s9+$0x0], $0xffff  }
0x80: {  	v10 =	vmov s22  }
0x81: {  	v11 =	vbroadcast v1, $0x2;
	v4 =	vshll.u32 v10, $0x7  }
0x82: {  	v4 =	vor.u32 v0, v4  }
0x83: {  	v4 =	vor.u32 v11, v4  }
0x84: {  	s24 =	simm.s32 @!p5 $0x1;
	[tilespmem:s12+$0xFFFFFCB0] =	vst v3  }
0x85: {  	s31 =	sor.u32 $0x10, s22;
	_ =	swait.ge @!p5 [sflag:s24], $0x2000  }
0x86: {  	v3 =	vmov s31;
	[sflag:s24] =	ssyncset.done @!p5 $0x0  }
0x87: {  	v3 =	vshll.u32 v3, $0x7;
	[sflag:s24] =	ssyncadd.s32 @!p5 $0xFFFFE000  }
0x88: {  	v3 =	vor.u32 v0, v3;
	v4 =	vld.idx.msk [tilespmem:v4+s9+$0x0], $0xffff  }
0x89: {  	v3 =	vor.u32 v11, v3;
	_ =	sdelay $0x1  }
0x8a: {  	s25 =	sor.u32 $0x20, s22  }
0x8b: {  	v12 =	vmov s25  }
0x8c: {  	v13 =	vshll.u32 v12, $0x7;
	[tilespmem:s12+$0xFFFFFD00] =	vst v4  }
0x8d: {  	v4 =	vor.u32 v0, v13;
	v3 =	vld.idx.msk [tilespmem:v3+s9+$0x0], $0xffff  }
0x8e: {  	v4 =	vor.u32 v11, v4;
	_ =	sdelay $0x1  }
0x8f: {  	s22 =	sor.u32 $0x30, s22  }
0x90: {  	v14 =	vmov s22  }
0x91: {  	[tilespmem:s12+$0xFFFFFD10] =	vst v3;
	v3 =	vshll.u32 v14, $0x7  }
0x92: {  	v4 =	vld.idx.msk [tilespmem:v4+s9+$0x0], $0xffff;
	v3 =	vor.u32 v0, v3  }
0x93: {  	s26 =	sld [smem:$0x7F0];
	v3 =	vor.u32 v11, v3;
	_ =	sdelay $0x2  }
0x94: {  	p0 =	seq.s32 s26, $0x1  }
0x95: {  	s15 =	smov.u32 @p0 s17;
	[tilespmem:s12+$0xFFFFFD20] =	vst v4  }
0x96: {  	s17 =	sshll.u32 s15, $0x6;
	v3 =	vld.idx.msk [tilespmem:v3+s9+$0x0], $0xffff  }
0x97: {  	v15 =	vmov s17  }
0x98: {  	v16 =	vbroadcast v1, $0x3;
	v4 =	vshll.u32 v15, $0x7  }
0x99: {  	v4 =	vor.u32 v0, v4  }
0x9a: {  	v4 =	vor.u32 v16, v4  }
0x9b: {  	s22 =	simm.s32 @!p3 $0x1;
	[tilespmem:s12+$0xFFFFFD30] =	vst v3  }
0x9c: {  	s28 =	sor.u32 $0x10, s17;
	_ =	swait.ge @!p3 [sflag:s22], $0x2000  }
0x9d: {  	v3 =	vmov s28;
	[sflag:s22] =	ssyncset.done @!p3 $0x0  }
0x9e: {  	v3 =	vshll.u32 v3, $0x7;
	[sflag:s22] =	ssyncadd.s32 @!p3 $0xFFFFE000  }
0x9f: {  	v3 =	vor.u32 v0, v3;
	v4 =	vld.idx.msk [tilespmem:v4+s9+$0x0], $0xffff  }
0xa0: {  	v3 =	vor.u32 v16, v3;
	_ =	sdelay $0x1  }
0xa1: {  	s29 =	sor.u32 $0x20, s17;
	(v2sf) =	vpush v2, $0x8  }
0xa2: {  	v17 =	vmov s29  }
0xa3: {  	v18 =	vshll.u32 v17, $0x7;
	[tilespmem:s12+$0xFFFFFD80] =	vst v4  }
0xa4: {  	v4 =	vor.u32 v0, v18;
	v3 =	vld.idx.msk [tilespmem:v3+s9+$0x0], $0xffff  }
0xa5: {  	v4 =	vor.u32 v16, v4;
	_ =	sdelay $0x1  }
0xa6: {  	s17 =	sor.u32 $0x30, s17  }
0xa7: {  	v19 =	vmov s17  }
0xa8: {  	[tilespmem:s12+$0xFFFFFD90] =	vst v3;
	v3 =	vshll.u32 v19, $0x7  }
0xa9: {  	(v2sf) =	vpush v2, $0x9;
	v4 =	vld.idx.msk [tilespmem:v4+s9+$0x0], $0xffff;
	v3 =	vor.u32 v0, v3  }
0xaa: {  	v3 =	vor.u32 v16, v3;
	_ =	sdelay $0x3  }
0xab: {  	[tilespmem:s12+$0xFFFFFDA0] =	vst v4  }
0xac: {  	p0 =	sne.s32 s19, s20;
	s17 =	simm.s32 $0x1;
	s22 =	spop (v2sf);
	(v2sf) =	vpush v2, $0xA;
	v3 =	vld.idx.msk [tilespmem:v3+s9+$0x0], $0xffff  }
0xad: {  	s17 =	simm.s32 @!p0 $0x0  }
0xae: {  	s17 =	sadd.s32 s17, s23;
	p3 =	seq.s32 s22, s19  }
0xaf: {  	s20 =	sand.u32 $0x7, s17;
	p1 =	sne.s32 s22, s19;
	s24 =	sshll.u32 @!p3 s22, $0x7  }
0xb0: {  	s23 =	sshll.u32 @!p3 s20, $0xD;
	s25 =	simm.s32 @!p3 $0x400;
	s24 =	sand.u32 @!p3 $0x1FFFFF80, s24  }
0xb1: {  	s26 =	simm.s32 @!p3 $0xB71C00;
	s23 =	sor.u32 @!p3 $0x200, s23;
	s24 =	sadd.s32 @!p3 s1, s24;
	[tilespmem:s12+$0xFFFFFDB0] =	vst v3  }
0xb2: {  	[tilespmem:s23], [sflag:$0x1] =	stream.strided.gather @!p3 [hbm4b:s24+s25], $0x2000, s26, s25, $0x38;
	[tilespmem:$0x18200] =	vst v63  }
0xb3: {  	s19 =	simm.s32 @!p1 $0x0;
	s23 =	simm.s32 $0x1  }
0xb4: {  	s19 =	simm.s32 @p1 $0x1;
	s23 =	simm.s32 @!p1 $0x0  }
0xb5: {  	[smem:$0x7F6] =	sst s19;
	s17 =	sadd.s32 s23, s17;
	s23 =	spop (v2sf);
	(v2sf) =	vpush v2, $0xB  }
0xb6: {  	s19 =	sand.u32 $0x7, s17;
	p5 =	seq.s32 s23, s22;
	p1 =	sne.s32 s23, s22  }
0xb7: {  	s24 =	sshll.u32 @!p5 s19, $0xD;
	s25 =	sshll.u32 @!p5 s23, $0x7;
	s26 =	simm.s32 @!p5 $0x400  }
0xb8: {  	s28 =	simm.s32 @!p5 $0xB71C00;
	s22 =	simm.s32 @!p1 $0x0;
	s25 =	sand.u32 @!p5 $0x1FFFFF80, s25  }
0xb9: {  	s24 =	sor.u32 @!p5 $0x200, s24;
	s22 =	simm.s32 @p1 $0x1;
	s25 =	sadd.s32 @!p5 s1, s25  }
0xba: {  	[tilespmem:s24], [sflag:$0x1] =	stream.strided.gather @!p5 [hbm4b:s25+s26], $0x2000, s28, s26, $0x38;
	[tilespmem:$0x18200] =	vst v63  }
0xbb: {  	[smem:$0x7F7] =	sst s22;
	s22 =	spop (v2sf);
	s24 =	simm.s32 $0x1  }
0xbc: {  	p6 =	seq.s32 s22, s23;
	s24 =	simm.s32 @!p1 $0x0  }
0xbd: {  	s30 =	sld [smem:$0x7F1];
	s26 =	sshll.u32 @!p6 s22, $0x7;
	s24 =	sadd.s32 s24, s17  }
0xbe: {  	s28 =	simm.s32 @!p6 $0x400;
	s29 =	simm.s32 @!p6 $0xB71C00;
	s17 =	sand.u32 $0x7, s24  }
0xbf: {  	p1 =	sne.s32 s22, s23;
	s26 =	sand.u32 @!p6 $0x1FFFFF80, s26;
	s25 =	sshll.u32 @!p6 s17, $0xD  }
0xc0: {  	s23 =	simm.s32 @!p1 $0x0;
	s26 =	sadd.s32 @!p6 s1, s26;
	s25 =	sor.u32 @!p6 $0x200, s25  }
0xc1: {  	[tilespmem:s25], [sflag:$0x1] =	stream.strided.gather @!p6 [hbm4b:s26+s28], $0x2000, s29, s28, $0x38;
	[tilespmem:$0x18200] =	vst v63  }
0xc2: {  	s23 =	simm.s32 @p1 $0x1;
	s25 =	simm.s32 $0x1  }
0xc3: {  	s26 =	smov.u32 s15;
	s25 =	simm.s32 @!p1 $0x0;
	p1 =	seq.s32 s30, $0x1  }
0xc4: {  	s26 =	smov.u32 @p1 s21;
	s21 =	spop (v2sf)  }
0xc5: {  	[smem:$0x7F8] =	sst s23;
	s23 =	sadd.s32 s25, s24;
	p1 =	seq.s32 s21, s22  }
0xc6: {  	s15 =	sand.u32 $0x7, s23;
	s24 =	sshll.u32 s26, $0x6;
	s25 =	simm.s32 @!p1 $0x0  }
0xc7: {  	v3 =	vmov s24;
	s28 =	sshll.u32 @!p1 s21, $0x7;
	s29 =	simm.s32 @!p1 $0x400;
	s25 =	simm.s32 @p1 $0x1  }
0xc8: {  	v20 =	vbroadcast v1, $0x4;
	v3 =	vshll.u32 v3, $0x7;
	s28 =	sand.u32 @!p1 $0x1FFFFF80, s28;
	[smem:$0x7FA] =	sst s25;
	s25 =	sshll.u32 @!p1 s15, $0xD  }
0xc9: {  	s30 =	simm.s32 @!p1 $0xB71C00;
	v3 =	vor.u32 v0, v3;
	s28 =	sadd.s32 @!p1 s1, s28;
	s25 =	sor.u32 @!p1 $0x200, s25  }
0xca: {  	v3 =	vor.u32 v20, v3;
	[tilespmem:s25], [sflag:$0x1] =	stream.strided.gather @!p1 [hbm4b:s28+s29], $0x2000, s30, s29, $0x38;
	[tilespmem:$0x18200] =	vst v63  }
0xcb: {  	s25 =	simm.s32 @!p2 $0x2  }
0xcc: {  	s31 =	sor.u32 $0x10, s24;
	_ =	swait.ge @!p2 [sflag:s25], $0x2000  }
0xcd: {  	v21 =	vmov s31;
	[sflag:s25] =	ssyncset.done @!p2 $0x0  }
0xce: {  	v5 =	vshll.u32 v21, $0x7;
	[sflag:s25] =	ssyncadd.s32 @!p2 $0xFFFFE000  }
0xcf: {  	v5 =	vor.u32 v0, v5;
	v3 =	vld.idx.msk [tilespmem:v3+s9+$0x0], $0xffff  }
0xd0: {  	v5 =	vor.u32 v20, v5;
	_ =	sdelay $0x1  }
0xd1: {  	s29 =	sor.u32 $0x20, s24  }
0xd2: {  	v22 =	vmov s29  }
0xd3: {  	[tilespmem:s12+$0xFFFFFE00] =	vst v3;
	v3 =	vshll.u32 v22, $0x7  }
0xd4: {  	v5 =	vld.idx.msk [tilespmem:v5+s9+$0x0], $0xffff;
	v3 =	vor.u32 v0, v3  }
0xd5: {  	v3 =	vor.u32 v20, v3;
	_ =	sdelay $0x1  }
0xd6: {  	s24 =	sor.u32 $0x30, s24  }
0xd7: {  	v23 =	vmov s24  }
0xd8: {  	v24 =	vshll.u32 v23, $0x7;
	[tilespmem:s12+$0xFFFFFE10] =	vst v5  }
0xd9: {  	v5 =	vor.u32 v0, v24;
	v3 =	vld.idx.msk [tilespmem:v3+s9+$0x0], $0xffff  }
0xda: {  	s30 =	sld [smem:$0x7F2];
	v4 =	vor.u32 v20, v5;
	_ =	sdelay $0x2  }
0xdb: {  	p1 =	seq.s32 s30, $0x1  }
0xdc: {  	s26 =	smov.u32 @p1 s18;
	[tilespmem:s12+$0xFFFFFE20] =	vst v3  }
0xdd: {  	s18 =	sshll.u32 s26, $0x6;
	v3 =	vld.idx.msk [tilespmem:v4+s9+$0x0], $0xffff  }
0xde: {  	v25 =	vmov s18  }
0xdf: {  	v26 =	vbroadcast v1, $0x5;
	v4 =	vshll.u32 v25, $0x7  }
0xe0: {  	v4 =	vor.u32 v0, v4  }
0xe1: {  	v4 =	vor.u32 v26, v4  }
0xe2: {  	s24 =	simm.s32 @!p4 $0x2;
	[tilespmem:s12+$0xFFFFFE30] =	vst v3  }
0xe3: {  	s31 =	sor.u32 $0x10, s18;
	_ =	swait.ge @!p4 [sflag:s24], $0x2000  }
0xe4: {  	v3 =	vmov s31;
	[sflag:s24] =	ssyncset.done @!p4 $0x0  }
0xe5: {  	v3 =	vshll.u32 v3, $0x7;
	[sflag:s24] =	ssyncadd.s32 @!p4 $0xFFFFE000  }
0xe6: {  	v3 =	vor.u32 v0, v3;
	v4 =	vld.idx.msk [tilespmem:v4+s9+$0x0], $0xffff  }
0xe7: {  	v3 =	vor.u32 v26, v3;
	_ =	sdelay $0x1  }
0xe8: {  	s28 =	sor.u32 $0x20, s18  }
0xe9: {  	v27 =	vmov s28  }
0xea: {  	v28 =	vshll.u32 v27, $0x7;
	[tilespmem:s12+$0xFFFFFE80] =	vst v4  }
0xeb: {  	v4 =	vor.u32 v0, v28;
	v3 =	vld.idx.msk [tilespmem:v3+s9+$0x0], $0xffff  }
0xec: {  	v4 =	vor.u32 v26, v4;
	_ =	sdelay $0x1  }
0xed: {  	s18 =	sor.u32 $0x30, s18  }
0xee: {  	v29 =	vmov s18  }
0xef: {  	[tilespmem:s12+$0xFFFFFE90] =	vst v3;
	v3 =	vshll.u32 v29, $0x7  }
0xf0: {  	v4 =	vld.idx.msk [tilespmem:v4+s9+$0x0], $0xffff;
	v3 =	vor.u32 v0, v3  }
0xf1: {  	s29 =	sld [smem:$0x7F3];
	v3 =	vor.u32 v26, v3;
	_ =	sdelay $0x2  }
0xf2: {  	p1 =	seq.s32 s29, $0x1  }
0xf3: {  	s26 =	smov.u32 @p1 s16;
	[tilespmem:s12+$0xFFFFFEA0] =	vst v4  }
0xf4: {  	s16 =	sshll.u32 s26, $0x6;
	v3 =	vld.idx.msk [tilespmem:v3+s9+$0x0], $0xffff  }
0xf5: {  	s30 =	sld [smem:$0x7F4];
	v30 =	vmov s16  }
0xf6: {  	v31 =	vbroadcast v1, $0x6;
	v4 =	vshll.u32 v30, $0x7  }
0xf7: {  	v4 =	vor.u32 v0, v4  }
0xf8: {  	p1 =	seq.s32 s30, $0x1;
	v4 =	vor.u32 v31, v4  }
0xf9: {  	s18 =	simm.s32 @!p1 $0x2;
	[tilespmem:s12+$0xFFFFFEB0] =	vst v3  }
0xfa: {  	s31 =	sor.u32 $0x10, s16;
	_ =	swait.ge @!p1 [sflag:s18], $0x2000  }
0xfb: {  	v3 =	vmov s31;
	[sflag:s18] =	ssyncset.done @!p1 $0x0  }
0xfc: {  	v3 =	vshll.u32 v3, $0x7;
	[sflag:s18] =	ssyncadd.s32 @!p1 $0xFFFFE000  }
0xfd: {  	v3 =	vor.u32 v0, v3;
	v4 =	vld.idx.msk [tilespmem:v4+s9+$0x0], $0xffff  }
0xfe: {  	v3 =	vor.u32 v31, v3;
	_ =	sdelay $0x1  }
0xff: {  	s24 =	sor.u32 $0x20, s16  }
0x100: {  	v32 =	vmov s24  }
0x101: {  	v33 =	vshll.u32 v32, $0x7;
	[tilespmem:s12+$0xFFFFFF00] =	vst v4  }
0x102: {  	v4 =	vor.u32 v0, v33;
	v3 =	vld.idx.msk [tilespmem:v3+s9+$0x0], $0xffff  }
0x103: {  	v4 =	vor.u32 v31, v4;
	_ =	sdelay $0x1  }
0x104: {  	s16 =	sor.u32 $0x30, s16  }
0x105: {  	v34 =	vmov s16  }
0x106: {  	[tilespmem:s12+$0xFFFFFF10] =	vst v3;
	v3 =	vshll.u32 v34, $0x7  }
0x107: {  	v4 =	vld.idx.msk [tilespmem:v4+s9+$0x0], $0xffff;
	v3 =	vor.u32 v0, v3  }
0x108: {  	v3 =	vor.u32 v31, v3;
	_ =	sdelay $0x2  }
0x109: {  	s16 =	smov.u32 s26  }
0x10a: {  	s16 =	smov.u32 @p0 s14;
	[tilespmem:s12+$0xFFFFFF20] =	vst v4  }
0x10b: {  	s14 =	sshll.u32 s16, $0x6;
	v3 =	vld.idx.msk [tilespmem:v3+s9+$0x0], $0xffff  }
0x10c: {  	v35 =	vmov s14;
	s25 =	sld [smem:$0x7F5]  }
0x10d: {  	v36 =	vbroadcast v1, $0x7;
	v4 =	vshll.u32 v35, $0x7  }
0x10e: {  	v4 =	vor.u32 v0, v4  }
0x10f: {  	p0 =	seq.s32 s25, $0x1;
	v4 =	vor.u32 v36, v4  }
0x110: {  	s18 =	simm.s32 @!p0 $0x2;
	[tilespmem:s12+$0xFFFFFF30] =	vst v3  }
0x111: {  	s26 =	sor.u32 $0x10, s14;
	_ =	swait.ge @!p0 [sflag:s18], $0x2000  }
0x112: {  	v3 =	vmov s26;
	[sflag:s18] =	ssyncset.done @!p0 $0x0  }
0x113: {  	v3 =	vshll.u32 v3, $0x7;
	[sflag:s18] =	ssyncadd.s32 @!p0 $0xFFFFE000  }
0x114: {  	v3 =	vor.u32 v0, v3;
	v4 =	vld.idx.msk [tilespmem:v4+s9+$0x0], $0xffff  }
0x115: {  	v3 =	vor.u32 v36, v3;
	_ =	sdelay $0x1  }
0x116: {  	s28 =	sor.u32 $0x20, s14;
	(v2sf) =	vpush v2, $0xC  }
0x117: {  	v37 =	vmov s28  }
0x118: {  	v38 =	vshll.u32 v37, $0x7;
	[tilespmem:s12+$0xFFFFFF80] =	vst v4  }
0x119: {  	v4 =	vor.u32 v0, v38;
	v3 =	vld.idx.msk [tilespmem:v3+s9+$0x0], $0xffff  }
0x11a: {  	v4 =	vor.u32 v36, v4;
	_ =	sdelay $0x1  }
0x11b: {  	s14 =	sor.u32 $0x30, s14  }
0x11c: {  	v39 =	vmov s14  }
0x11d: {  	(v2sf) =	vpush v2, $0xD;
	[tilespmem:s12+$0xFFFFFF90] =	vst v3;
	v3 =	vshll.u32 v39, $0x7  }
0x11e: {  	v4 =	vld.idx.msk [tilespmem:v4+s9+$0x0], $0xffff;
	v3 =	vor.u32 v0, v3  }
0x11f: {  	v3 =	vor.u32 v36, v3;
	_ =	sdelay $0x1  }
0x120: {  	p0 =	sne.s32 s21, s22  }
0x121: {  	s18 =	simm.s32 @!p0 $0x0  }
0x122: {  	s14 =	simm.s32 $0x1;
	s18 =	simm.s32 @p0 $0x1;
	[tilespmem:s12+$0xFFFFFFA0] =	vst v4  }
0x123: {  	s14 =	simm.s32 @!p0 $0x0;
	[smem:$0x7F9] =	sst s18;
	s18 =	spop (v2sf);
	(v2sf) =	vpush v2, $0xE;
	v3 =	vld.idx.msk [tilespmem:v3+s9+$0x0], $0xffff  }
0x124: {  	s14 =	sadd.s32 s14, s23  }
0x125: {  	s23 =	sand.u32 $0x7, s14;
	p0 =	seq.s32 s18, s21  }
0x126: {  	s22 =	sshll.u32 @!p0 s23, $0xD;
	s24 =	sshll.u32 @!p0 s18, $0x7;
	s25 =	simm.s32 @!p0 $0x400  }
0x127: {  	p1 =	sne.s32 s18, s21;
	s26 =	simm.s32 @!p0 $0xB71C00;
	s24 =	sand.u32 @!p0 $0x1FFFFF80, s24  }
0x128: {  	s21 =	simm.s32 @!p1 $0x0;
	s22 =	sor.u32 @!p0 $0x200, s22;
	s24 =	sadd.s32 @!p0 s1, s24;
	[tilespmem:s12+$0xFFFFFFB0] =	vst v3  }
0x129: {  	[tilespmem:s22], [sflag:$0x2] =	stream.strided.gather @!p0 [hbm4b:s24+s25], $0x2000, s26, s25, $0x38;
	[tilespmem:$0x18200] =	vst v63  }
0x12a: {  	s21 =	simm.s32 @p1 $0x1;
	s22 =	simm.s32 $0x1  }
0x12b: {  	[smem:$0x7FB] =	sst s21;
	s24 =	spop (v2sf);
	s22 =	simm.s32 @!p1 $0x0  }
0x12c: {  	p4 =	seq.s32 s24, s18;
	p1 =	sne.s32 s24, s18;
	s14 =	sadd.s32 s22, s14  }
0x12d: {  	(v2sf) =	vpush v2, $0xF;
	s25 =	sshll.u32 @!p4 s24, $0x7;
	s28 =	simm.s32 @!p4 $0xB71C00;
	s22 =	sand.u32 $0x7, s14  }
0x12e: {  	s26 =	simm.s32 @!p4 $0x400;
	s25 =	sand.u32 @!p4 $0x1FFFFF80, s25;
	s21 =	sshll.u32 @!p4 s22, $0xD  }
0x12f: {  	s18 =	simm.s32 @!p1 $0x0;
	s25 =	sadd.s32 @!p4 s1, s25;
	s21 =	sor.u32 @!p4 $0x200, s21  }
0x130: {  	[tilespmem:s21], [sflag:$0x2] =	stream.strided.gather @!p4 [hbm4b:s25+s26], $0x2000, s28, s26, $0x38;
	[tilespmem:$0x18200] =	vst v63  }
0x131: {  	s18 =	simm.s32 @p1 $0x1;
	s21 =	simm.s32 $0x1  }
0x132: {  	[smem:$0x7FC] =	sst s18;
	s18 =	spop (v2sf);
	s21 =	simm.s32 @!p1 $0x0  }
0x133: {  	p2 =	seq.s32 s18, s24;
	s14 =	sadd.s32 s21, s14  }
0x134: {  	s26 =	sshll.u32 @!p2 s18, $0x7;
	s29 =	simm.s32 @!p2 $0xB71C00;
	s21 =	sand.u32 $0x7, s14  }
0x135: {  	s28 =	simm.s32 @!p2 $0x400;
	s26 =	sand.u32 @!p2 $0x1FFFFF80, s26;
	s25 =	sshll.u32 @!p2 s21, $0xD  }
0x136: {  	p1 =	sne.s32 s18, s24;
	s26 =	sadd.s32 @!p2 s1, s26;
	s25 =	sor.u32 @!p2 $0x200, s25  }
0x137: {  	[tilespmem:s25], [sflag:$0x2] =	stream.strided.gather @!p2 [hbm4b:s26+s28], $0x2000, s29, s28, $0x38;
	[tilespmem:$0x18200] =	vst v63  }
0x138: {  	s24 =	simm.s32 @!p1 $0x0;
	s29 =	sld [smem:$0x7F6]  }
0x139: {  	s24 =	simm.s32 @p1 $0x1  }
0x13a: {  	[smem:$0x7FD] =	sst s24;
	s25 =	simm.s32 $0x1  }
0x13b: {  	s24 =	smov.u32 s16;
	s25 =	simm.s32 @!p1 $0x0;
	p1 =	seq.s32 s29, $0x1  }
0x13c: {  	s16 =	sadd.s32 s25, s14;
	s14 =	spop (v2sf);
	s24 =	smov.u32 @p1 s20  }
0x13d: {  	p1 =	seq.s32 s14, s18;
	s25 =	sshll.u32 s24, $0x6  }
0x13e: {  	s20 =	sand.u32 $0x7, s16;
	s28 =	sshll.u32 @!p1 s14, $0x7;
	v2 =	vmov s25  }
0x13f: {  	v3 =	vbroadcast v1, $0x8;
	s26 =	sshll.u32 @!p1 s20, $0xD;
	s29 =	simm.s32 @!p1 $0x400;
	s28 =	sand.u32 @!p1 $0x1FFFFF80, s28;
	v2 =	vshll.u32 v2, $0x7  }
0x140: {  	s30 =	simm.s32 @!p1 $0xB71C00;
	s26 =	sor.u32 @!p1 $0x200, s26;
	s28 =	sadd.s32 @!p1 s1, s28;
	v2 =	vor.u32 v0, v2  }
0x141: {  	[tilespmem:s26], [sflag:$0x2] =	stream.strided.gather @!p1 [hbm4b:s28+s29], $0x2000, s30, s29, $0x38;
	v2 =	vor.u32 v3, v2;
	[tilespmem:$0x18200] =	vst v63  }
0x142: {  	s26 =	simm.s32 @!p3 $0x1  }
0x143: {  	s30 =	sor.u32 $0x10, s25;
	_ =	swait.ge @!p3 [sflag:s26], $0x2000  }
0x144: {  	v40 =	vmov s30;
	[sflag:s26] =	ssyncset.done @!p3 $0x0  }
0x145: {  	v4 =	vshll.u32 v40, $0x7;
	[sflag:s26] =	ssyncadd.s32 @!p3 $0xFFFFE000  }
0x146: {  	v4 =	vor.u32 v0, v4;
	v2 =	vld.idx.msk [tilespmem:v2+s9+$0x0], $0xffff  }
0x147: {  	v4 =	vor.u32 v3, v4;
	_ =	sdelay $0x1  }
0x148: {  	s31 =	sor.u32 $0x20, s25  }
0x149: {  	v41 =	vmov s31  }
0x14a: {  	[tilespmem:s12+$0x0] =	vst v2;
	v2 =	vshll.u32 v41, $0x7  }
0x14b: {  	v4 =	vld.idx.msk [tilespmem:v4+s9+$0x0], $0xffff;
	v2 =	vor.u32 v0, v2  }
0x14c: {  	v2 =	vor.u32 v3, v2;
	_ =	sdelay $0x1  }
0x14d: {  	s25 =	sor.u32 $0x30, s25  }
0x14e: {  	v42 =	vmov s25  }
0x14f: {  	v43 =	vshll.u32 v42, $0x7;
	[tilespmem:s12+$0x10] =	vst v4  }
0x150: {  	v4 =	vor.u32 v0, v43;
	v2 =	vld.idx.msk [tilespmem:v2+s9+$0x0], $0xffff  }
0x151: {  	s26 =	sld [smem:$0x7F7];
	v3 =	vor.u32 v3, v4;
	_ =	sdelay $0x2  }
0x152: {  	p3 =	seq.s32 s26, $0x1  }
0x153: {  	s24 =	smov.u32 @p3 s19;
	[tilespmem:s12+$0x20] =	vst v2  }
0x154: {  	s19 =	sshll.u32 s24, $0x6;
	v2 =	vld.idx.msk [tilespmem:v3+s9+$0x0], $0xffff  }
0x155: {  	v3 =	vmov s19  }
0x156: {  	v44 =	vbroadcast v1, $0x9;
	v3 =	vshll.u32 v3, $0x7  }
0x157: {  	v3 =	vor.u32 v0, v3  }
0x158: {  	v3 =	vor.u32 v44, v3  }
0x159: {  	s25 =	simm.s32 @!p5 $0x1;
	[tilespmem:s12+$0x30] =	vst v2  }
0x15a: {  	s28 =	sor.u32 $0x10, s19;
	_ =	swait.ge @!p5 [sflag:s25], $0x2000  }
0x15b: {  	v2 =	vmov s28;
	[sflag:s25] =	ssyncset.done @!p5 $0x0  }
0x15c: {  	v2 =	vshll.u32 v2, $0x7;
	[sflag:s25] =	ssyncadd.s32 @!p5 $0xFFFFE000  }
0x15d: {  	v2 =	vor.u32 v0, v2;
	v3 =	vld.idx.msk [tilespmem:v3+s9+$0x0], $0xffff  }
0x15e: {  	v2 =	vor.u32 v44, v2;
	_ =	sdelay $0x1  }
0x15f: {  	s29 =	sor.u32 $0x20, s19  }
0x160: {  	v45 =	vmov s29  }
0x161: {  	[tilespmem:s12+$0x80] =	vst v3;
	v3 =	vshll.u32 v45, $0x7  }
0x162: {  	v2 =	vld.idx.msk [tilespmem:v2+s9+$0x0], $0xffff;
	v3 =	vor.u32 v0, v3  }
0x163: {  	v3 =	vor.u32 v44, v3;
	_ =	sdelay $0x1  }
0x164: {  	s19 =	sor.u32 $0x30, s19  }
0x165: {  	v46 =	vmov s19  }
0x166: {  	[tilespmem:s12+$0x90] =	vst v2;
	v2 =	vshll.u32 v46, $0x7  }
0x167: {  	v3 =	vld.idx.msk [tilespmem:v3+s9+$0x0], $0xffff;
	v2 =	vor.u32 v0, v2  }
0x168: {  	s30 =	sld [smem:$0x7F8];
	v2 =	vor.u32 v44, v2;
	_ =	sdelay $0x2  }
0x169: {  	p3 =	seq.s32 s30, $0x1  }
0x16a: {  	s24 =	smov.u32 @p3 s17;
	[tilespmem:s12+$0xA0] =	vst v3  }
0x16b: {  	s17 =	sshll.u32 s24, $0x6;
	v2 =	vld.idx.msk [tilespmem:v2+s9+$0x0], $0xffff  }
0x16c: {  	v3 =	vmov s17  }
0x16d: {  	v47 =	vbroadcast v1, $0xA;
	v3 =	vshll.u32 v3, $0x7  }
0x16e: {  	v3 =	vor.u32 v0, v3  }
0x16f: {  	v3 =	vor.u32 v47, v3  }
0x170: {  	s19 =	simm.s32 @!p6 $0x1;
	[tilespmem:s12+$0xB0] =	vst v2  }
0x171: {  	s31 =	sor.u32 $0x10, s17;
	_ =	swait.ge @!p6 [sflag:s19], $0x2000  }
0x172: {  	v2 =	vmov s31;
	[sflag:s19] =	ssyncset.done @!p6 $0x0  }
0x173: {  	v2 =	vshll.u32 v2, $0x7;
	[sflag:s19] =	ssyncadd.s32 @!p6 $0xFFFFE000  }
0x174: {  	v2 =	vor.u32 v0, v2;
	v3 =	vld.idx.msk [tilespmem:v3+s9+$0x0], $0xffff  }
0x175: {  	v2 =	vor.u32 v47, v2;
	_ =	sdelay $0x1  }
0x176: {  	s26 =	sor.u32 $0x20, s17  }
0x177: {  	v48 =	vmov s26  }
0x178: {  	[tilespmem:s12+$0x100] =	vst v3;
	v3 =	vshll.u32 v48, $0x7  }
0x179: {  	v2 =	vld.idx.msk [tilespmem:v2+s9+$0x0], $0xffff;
	v3 =	vor.u32 v0, v3  }
0x17a: {  	v3 =	vor.u32 v47, v3;
	_ =	sdelay $0x1  }
0x17b: {  	s17 =	sor.u32 $0x30, s17  }
0x17c: {  	v49 =	vmov s17  }
0x17d: {  	[tilespmem:s12+$0x110] =	vst v2;
	v2 =	vshll.u32 v49, $0x7  }
0x17e: {  	v3 =	vld.idx.msk [tilespmem:v3+s9+$0x0], $0xffff;
	v2 =	vor.u32 v0, v2  }
0x17f: {  	s28 =	sld [smem:$0x7F9];
	v2 =	vor.u32 v47, v2;
	_ =	sdelay $0x2  }
0x180: {  	p3 =	seq.s32 s28, $0x1  }
0x181: {  	s24 =	smov.u32 @p3 s15;
	[tilespmem:s12+$0x120] =	vst v3  }
0x182: {  	s15 =	sshll.u32 s24, $0x6;
	v2 =	vld.idx.msk [tilespmem:v2+s9+$0x0], $0xffff  }
0x183: {  	s29 =	sld [smem:$0x7FA];
	v3 =	vmov s15  }
0x184: {  	v50 =	vbroadcast v1, $0xB;
	v3 =	vshll.u32 v3, $0x7  }
0x185: {  	v3 =	vor.u32 v0, v3  }
0x186: {  	p3 =	seq.s32 s29, $0x1;
	v3 =	vor.u32 v50, v3  }
0x187: {  	s17 =	simm.s32 @!p3 $0x1;
	[tilespmem:s12+$0x130] =	vst v2  }
0x188: {  	s30 =	sor.u32 $0x10, s15;
	_ =	swait.ge @!p3 [sflag:s17], $0x2000  }
0x189: {  	v2 =	vmov s30;
	[sflag:s17] =	ssyncset.done @!p3 $0x0  }
0x18a: {  	v2 =	vshll.u32 v2, $0x7;
	[sflag:s17] =	ssyncadd.s32 @!p3 $0xFFFFE000  }
0x18b: {  	v2 =	vor.u32 v0, v2;
	v3 =	vld.idx.msk [tilespmem:v3+s9+$0x0], $0xffff  }
0x18c: {  	v2 =	vor.u32 v50, v2;
	_ =	sdelay $0x1  }
0x18d: {  	s31 =	sor.u32 $0x20, s15  }
0x18e: {  	v51 =	vmov s31  }
0x18f: {  	[tilespmem:s12+$0x180] =	vst v3;
	v3 =	vshll.u32 v51, $0x7  }
0x190: {  	v2 =	vld.idx.msk [tilespmem:v2+s9+$0x0], $0xffff;
	v3 =	vor.u32 v0, v3  }
0x191: {  	v3 =	vor.u32 v50, v3;
	_ =	sdelay $0x1  }
0x192: {  	s15 =	sor.u32 $0x30, s15  }
0x193: {  	v52 =	vmov s15  }
0x194: {  	[tilespmem:s12+$0x190] =	vst v2;
	v2 =	vshll.u32 v52, $0x7  }
0x195: {  	v3 =	vld.idx.msk [tilespmem:v3+s9+$0x0], $0xffff;
	v2 =	vor.u32 v0, v2  }
0x196: {  	s19 =	sld [smem:$0x7FB];
	v2 =	vor.u32 v50, v2;
	_ =	sdelay $0x2  }
0x197: {  	p3 =	seq.s32 s19, $0x1  }
0x198: {  	s24 =	smov.u32 @p3 s23;
	[tilespmem:s12+$0x1A0] =	vst v3  }
0x199: {  	s25 =	sshll.u32 s24, $0x6;
	v2 =	vld.idx.msk [tilespmem:v2+s9+$0x0], $0xffff  }
0x19a: {  	v3 =	vmov s25  }
0x19b: {  	v53 =	vbroadcast v1, $0xC;
	v3 =	vshll.u32 v3, $0x7  }
0x19c: {  	v3 =	vor.u32 v0, v3  }
0x19d: {  	v3 =	vor.u32 v53, v3  }
0x19e: {  	s17 =	simm.s32 @!p0 $0x2;
	[tilespmem:s12+$0x1B0] =	vst v2  }
0x19f: {  	s26 =	sor.u32 $0x10, s25;
	_ =	swait.ge @!p0 [sflag:s17], $0x2000  }
0x1a0: {  	v2 =	vmov s26;
	[sflag:s17] =	ssyncset.done @!p0 $0x0  }
0x1a1: {  	v2 =	vshll.u32 v2, $0x7;
	[sflag:s17] =	ssyncadd.s32 @!p0 $0xFFFFE000  }
0x1a2: {  	v2 =	vor.u32 v0, v2;
	v3 =	vld.idx.msk [tilespmem:v3+s9+$0x0], $0xffff  }
0x1a3: {  	v2 =	vor.u32 v53, v2;
	_ =	sdelay $0x1  }
0x1a4: {  	s28 =	sor.u32 $0x20, s25  }
0x1a5: {  	v54 =	vmov s28  }
0x1a6: {  	[tilespmem:s12+$0x200] =	vst v3;
	v3 =	vshll.u32 v54, $0x7  }
0x1a7: {  	v2 =	vld.idx.msk [tilespmem:v2+s9+$0x0], $0xffff;
	v3 =	vor.u32 v0, v3  }
0x1a8: {  	v3 =	vor.u32 v53, v3;
	_ =	sdelay $0x1  }
0x1a9: {  	s15 =	sor.u32 $0x30, s25  }
0x1aa: {  	v55 =	vmov s15  }
0x1ab: {  	[tilespmem:s12+$0x210] =	vst v2;
	v2 =	vshll.u32 v55, $0x7  }
0x1ac: {  	v3 =	vld.idx.msk [tilespmem:v3+s9+$0x0], $0xffff;
	v2 =	vor.u32 v0, v2  }
0x1ad: {  	s29 =	sld [smem:$0x7FC];
	v2 =	vor.u32 v53, v2;
	_ =	sdelay $0x2  }
0x1ae: {  	p0 =	seq.s32 s29, $0x1  }
0x1af: {  	s24 =	smov.u32 @p0 s22;
	[tilespmem:s12+$0x220] =	vst v3  }
0x1b0: {  	s30 =	sshll.u32 s24, $0x6;
	v2 =	vld.idx.msk [tilespmem:v2+s9+$0x0], $0xffff  }
0x1b1: {  	v3 =	vmov s30  }
0x1b2: {  	v56 =	vbroadcast v1, $0xD;
	v3 =	vshll.u32 v3, $0x7  }
0x1b3: {  	v3 =	vor.u32 v0, v3  }
0x1b4: {  	v3 =	vor.u32 v56, v3  }
0x1b5: {  	s17 =	simm.s32 @!p4 $0x2;
	[tilespmem:s12+$0x230] =	vst v2  }
0x1b6: {  	s31 =	sor.u32 $0x10, s30;
	_ =	swait.ge @!p4 [sflag:s17], $0x2000  }
0x1b7: {  	v2 =	vmov s31;
	[sflag:s17] =	ssyncset.done @!p4 $0x0  }
0x1b8: {  	v2 =	vshll.u32 v2, $0x7;
	[sflag:s17] =	ssyncadd.s32 @!p4 $0xFFFFE000  }
0x1b9: {  	v2 =	vor.u32 v0, v2;
	v3 =	vld.idx.msk [tilespmem:v3+s9+$0x0], $0xffff  }
0x1ba: {  	v2 =	vor.u32 v56, v2;
	_ =	sdelay $0x1  }
0x1bb: {  	s22 =	sor.u32 $0x20, s30  }
0x1bc: {  	v57 =	vmov s22  }
0x1bd: {  	[tilespmem:s12+$0x280] =	vst v3;
	v3 =	vshll.u32 v57, $0x7  }
0x1be: {  	v2 =	vld.idx.msk [tilespmem:v2+s9+$0x0], $0xffff;
	v3 =	vor.u32 v0, v3  }
0x1bf: {  	v3 =	vor.u32 v56, v3;
	_ =	sdelay $0x1  }
0x1c0: {  	s15 =	sor.u32 $0x30, s30  }
0x1c1: {  	v58 =	vmov s15  }
0x1c2: {  	[tilespmem:s12+$0x290] =	vst v2;
	v2 =	vshll.u32 v58, $0x7  }
0x1c3: {  	v3 =	vld.idx.msk [tilespmem:v3+s9+$0x0], $0xffff;
	v2 =	vor.u32 v0, v2  }
0x1c4: {  	s23 =	sld [smem:$0x7FD];
	v2 =	vor.u32 v56, v2;
	_ =	sdelay $0x2  }
0x1c5: {  	p0 =	seq.s32 s23, $0x1  }
0x1c6: {  	s24 =	smov.u32 @p0 s21;
	[tilespmem:s12+$0x2A0] =	vst v3  }
0x1c7: {  	s25 =	sshll.u32 s24, $0x6;
	v2 =	vld.idx.msk [tilespmem:v2+s9+$0x0], $0xffff  }
0x1c8: {  	v3 =	vmov s25  }
0x1c9: {  	v59 =	vbroadcast v1, $0xE;
	v3 =	vshll.u32 v3, $0x7  }
0x1ca: {  	v3 =	vor.u32 v0, v3  }
0x1cb: {  	v3 =	vor.u32 v59, v3  }
0x1cc: {  	s17 =	simm.s32 @!p2 $0x2;
	[tilespmem:s12+$0x2B0] =	vst v2  }
0x1cd: {  	s26 =	sor.u32 $0x10, s25;
	_ =	swait.ge @!p2 [sflag:s17], $0x2000  }
0x1ce: {  	v2 =	vmov s26;
	[sflag:s17] =	ssyncset.done @!p2 $0x0  }
0x1cf: {  	v2 =	vshll.u32 v2, $0x7;
	[sflag:s17] =	ssyncadd.s32 @!p2 $0xFFFFE000  }
0x1d0: {  	v2 =	vor.u32 v0, v2;
	v3 =	vld.idx.msk [tilespmem:v3+s9+$0x0], $0xffff  }
0x1d1: {  	v2 =	vor.u32 v59, v2;
	_ =	sdelay $0x1  }
0x1d2: {  	s28 =	sor.u32 $0x20, s25  }
0x1d3: {  	v60 =	vmov s28  }
0x1d4: {  	[tilespmem:s12+$0x300] =	vst v3;
	v3 =	vshll.u32 v60, $0x7  }
0x1d5: {  	v2 =	vld.idx.msk [tilespmem:v2+s9+$0x0], $0xffff;
	v3 =	vor.u32 v0, v3  }
0x1d6: {  	v3 =	vor.u32 v59, v3;
	_ =	sdelay $0x1  }
0x1d7: {  	s15 =	sor.u32 $0x30, s25  }
0x1d8: {  	v61 =	vmov s15  }
0x1d9: {  	[tilespmem:s12+$0x310] =	vst v2;
	v2 =	vshll.u32 v61, $0x7  }
0x1da: {  	v3 =	vld.idx.msk [tilespmem:v3+s9+$0x0], $0xffff;
	v2 =	vor.u32 v0, v2  }
0x1db: {  	v2 =	vor.u32 v59, v2;
	_ =	sdelay $0x2  }
0x1dc: {  	p0 =	sne.s32 s14, s18;
	s15 =	smov.u32 s24  }
0x1dd: {  	s15 =	smov.u32 @p0 s20;
	[tilespmem:s12+$0x320] =	vst v3  }
0x1de: {  	s29 =	sshll.u32 s15, $0x6;
	v2 =	vld.idx.msk [tilespmem:v2+s9+$0x0], $0xffff  }
0x1df: {  	v3 =	vmov s29  }
0x1e0: {  	v1 =	vbroadcast v1, $0xF;
	v3 =	vshll.u32 v3, $0x7  }
0x1e1: {  	v3 =	vor.u32 v0, v3  }
0x1e2: {  	v3 =	vor.u32 v1, v3  }
0x1e3: {  	s18 =	simm.s32 @!p1 $0x2;
	[tilespmem:s12+$0x330] =	vst v2  }
0x1e4: {  	s30 =	sor.u32 $0x10, s29;
	_ =	swait.ge @!p1 [sflag:s18], $0x2000  }
0x1e5: {  	v2 =	vmov s30;
	[sflag:s18] =	ssyncset.done @!p1 $0x0  }
0x1e6: {  	v2 =	vshll.u32 v2, $0x7;
	[sflag:s18] =	ssyncadd.s32 @!p1 $0xFFFFE000  }
0x1e7: {  	v2 =	vor.u32 v0, v2;
	v3 =	vld.idx.msk [tilespmem:v3+s9+$0x0], $0xffff  }
0x1e8: {  	v2 =	vor.u32 v1, v2;
	_ =	sdelay $0x1  }
0x1e9: {  	s31 =	sor.u32 $0x20, s29  }
0x1ea: {  	v62 =	vmov s31  }
0x1eb: {  	[tilespmem:s12+$0x380] =	vst v3;
	v3 =	vshll.u32 v62, $0x7  }
0x1ec: {  	v2 =	vld.idx.msk [tilespmem:v2+s9+$0x0], $0xffff;
	v3 =	vor.u32 v0, v3  }
0x1ed: {  	v3 =	vor.u32 v1, v3;
	_ =	sdelay $0x1  }
0x1ee: {  	s17 =	sor.u32 $0x30, s29  }
0x1ef: {  	v63 =	vmov s17  }
0x1f0: {  	[tilespmem:s12+$0x390] =	vst v2;
	v2 =	vshll.u32 v63, $0x7  }
0x1f1: {  	v3 =	vld.idx.msk [tilespmem:v3+s9+$0x0], $0xffff;
	v2 =	vor.u32 v0, v2  }
0x1f2: {  	v1 =	vor.u32 v1, v2;
	_ =	sdelay $0x3  }
0x1f3: {  	s13 =	sadd.s32 $0x40, s13;
	s17 =	simm.s32 $0x1;
	[tilespmem:s12+$0x3A0] =	vst v3  }
0x1f4: {  	s17 =	simm.s32 @!p0 $0x0;
	p0 =	sne.s32 s13, $0x400;
	v1 =	vld.idx.msk [tilespmem:v1+s9+$0x0], $0xffff  }
.Ltmp0:
0x1f5: {  	_ = 	snop;
	(pc) =	sbr.rel @p0 .LBB2_2-.Ltmp0, $2  }
0x1f6: {  	_ =	sdelay $0x2  }
0x1f7: {  	s16 =	sadd.s32 s17, s16;
	[tilespmem:s12+$0x3B0] =	vst v1;
	s12 =	sadd.s32 $0x800, s12  }
0x1f8: {  	s12 =	simm.s32 $0x0  }
0x1f9: {  	[hbm4b:s5+s12] =	stream.linear.scatter [tilespmem:s10], [sflag:$0x3], $0x8000, $0x38;
	[tilespmem:$0x18200] =	vst v63  }
0x1fa: {  	_ =	swait.ge [sflag:s8], $0x8000  }
0x1fb: {  	[sflag:s8] =	ssyncset.done $0x0  }
0x1fc: {  	s13 =	simm.s32 $0x10600;
	[sflag:s8] =	ssyncadd.s32 $0xFFFF8000  }
.LBB2_4:
0x1fd: {  	s17 =	sshra.s32 s12, $0x2  }
0x1fe: {  	v1 =	vld [tilespmem:s17+$0x100];
	_ =	sdelay $0x4  }
0x1ff: {  	v2 =	vshra.s32 v1, $0x7  }
0x200: {  	(v2sf) =	vpush v2, $0x0;
	_ =	sdelay $0x7  }
0x201: {  	(v2sf) =	vpush v2, $0x1;
	_ =	sdelay $0x6  }
0x202: {  	s17 =	spop (v2sf)  }
0x203: {  	s19 =	sand.u32 $0x7, s16;
	(v2sf) =	vpush v2, $0x2;
	p1 =	seq.s32 s17, s14  }
0x204: {  	p0 =	sne.s32 s17, s14;
	s18 =	sshll.u32 @!p1 s19, $0xD;
	s20 =	sshll.u32 @!p1 s17, $0x7  }
0x205: {  	s21 =	simm.s32 @!p1 $0x400;
	s22 =	simm.s32 @!p1 $0xB71C00;
	s14 =	simm.s32 @!p0 $0x0  }
0x206: {  	s18 =	sor.u32 @!p1 $0x200, s18;
	s20 =	sand.u32 @!p1 $0x1FFFFF80, s20;
	s14 =	simm.s32 @p0 $0x1  }
0x207: {  	s20 =	sadd.s32 @!p1 s1, s20;
	[smem:$0x7DC] =	sst s14;
	s14 =	simm.s32 $0x1  }
0x208: {  	[tilespmem:s18], [sflag:$0x1] =	stream.strided.gather @!p1 [hbm4b:s20+s21], $0x2000, s22, s21, $0x38;
	[tilespmem:$0x18200] =	vst v63  }
0x209: {  	s14 =	simm.s32 @!p0 $0x0  }
0x20a: {  	s14 =	sadd.s32 s14, s16;
	s16 =	spop (v2sf)  }
0x20b: {  	(v2sf) =	vpush v2, $0x3;
	p6 =	seq.s32 s16, s17;
	s24 =	sand.u32 $0x7, s14  }
0x20c: {  	p0 =	sne.s32 s16, s17;
	s18 =	sshll.u32 @!p6 s24, $0xD;
	s20 =	sshll.u32 @!p6 s16, $0x7  }
0x20d: {  	s21 =	simm.s32 @!p6 $0x400;
	s22 =	simm.s32 @!p6 $0xB71C00;
	s17 =	simm.s32 @!p0 $0x0  }
0x20e: {  	s18 =	sor.u32 @!p6 $0x200, s18;
	s20 =	sand.u32 @!p6 $0x1FFFFF80, s20;
	s17 =	simm.s32 @p0 $0x1  }
0x20f: {  	s20 =	sadd.s32 @!p6 s1, s20;
	[smem:$0x7DD] =	sst s17;
	s17 =	simm.s32 $0x1  }
0x210: {  	[tilespmem:s18], [sflag:$0x1] =	stream.strided.gather @!p6 [hbm4b:s20+s21], $0x2000, s22, s21, $0x38;
	[tilespmem:$0x18200] =	vst v63  }
0x211: {  	s17 =	simm.s32 @!p0 $0x0  }
0x212: {  	s14 =	sadd.s32 s17, s14;
	s18 =	spop (v2sf)  }
0x213: {  	s22 =	sand.u32 $0x7, s14;
	(v2sf) =	vpush v2, $0x4;
	p5 =	seq.s32 s18, s16  }
0x214: {  	p0 =	sne.s32 s18, s16;
	s17 =	sshll.u32 @!p5 s22, $0xD;
	s20 =	sshll.u32 @!p5 s18, $0x7  }
0x215: {  	s21 =	simm.s32 @!p5 $0x400;
	s23 =	simm.s32 @!p5 $0xB71C00;
	s16 =	simm.s32 @!p0 $0x0  }
0x216: {  	s17 =	sor.u32 @!p5 $0x200, s17;
	s20 =	sand.u32 @!p5 $0x1FFFFF80, s20;
	s16 =	simm.s32 @p0 $0x1  }
0x217: {  	s20 =	sadd.s32 @!p5 s1, s20;
	[smem:$0x7DE] =	sst s16;
	s16 =	simm.s32 $0x1  }
0x218: {  	[tilespmem:s17], [sflag:$0x1] =	stream.strided.gather @!p5 [hbm4b:s20+s21], $0x2000, s23, s21, $0x38;
	[tilespmem:$0x18200] =	vst v63  }
0x219: {  	s16 =	simm.s32 @!p0 $0x0  }
0x21a: {  	s14 =	sadd.s32 s16, s14;
	s16 =	spop (v2sf)  }
0x21b: {  	(v2sf) =	vpush v2, $0x5;
	p3 =	seq.s32 s16, s18  }
0x21c: {  	s17 =	sand.u32 $0x7, s14;
	s21 =	sshll.u32 @!p3 s16, $0x7  }
0x21d: {  	s20 =	sshll.u32 @!p3 s17, $0xD;
	s23 =	simm.s32 @!p3 $0x400;
	s21 =	sand.u32 @!p3 $0x1FFFFF80, s21  }
0x21e: {  	s25 =	simm.s32 @!p3 $0xB71C00;
	s20 =	sor.u32 @!p3 $0x200, s20;
	s21 =	sadd.s32 @!p3 s1, s21  }
0x21f: {  	[tilespmem:s20], [sflag:$0x1] =	stream.strided.gather @!p3 [hbm4b:s21+s23], $0x2000, s25, s23, $0x38;
	[tilespmem:$0x18200] =	vst v63  }
0x220: {  	p0 =	sne.s32 s16, s18;
	s20 =	simm.s32 $0x1  }
0x221: {  	s20 =	simm.s32 @!p0 $0x0  }
0x222: {  	s18 =	simm.s32 @!p0 $0x0;
	s14 =	sadd.s32 s20, s14;
	s20 =	spop (v2sf);
	(v2sf) =	vpush v2, $0x6  }
0x223: {  	s18 =	simm.s32 @p0 $0x1  }
0x224: {  	[smem:$0x7DF] =	sst s18;
	s21 =	sand.u32 $0x7, s14;
	p2 =	seq.s32 s20, s16  }
0x225: {  	s18 =	sshll.u32 @!p2 s21, $0xD;
	s23 =	sshll.u32 @!p2 s20, $0x7;
	s25 =	simm.s32 @!p2 $0x400  }
0x226: {  	p0 =	sne.s32 s20, s16;
	s26 =	simm.s32 @!p2 $0xB71C00;
	s23 =	sand.u32 @!p2 $0x1FFFFF80, s23  }
0x227: {  	s16 =	simm.s32 @!p0 $0x0;
	s18 =	sor.u32 @!p2 $0x200, s18;
	s23 =	sadd.s32 @!p2 s1, s23  }
0x228: {  	[tilespmem:s18], [sflag:$0x2] =	stream.strided.gather @!p2 [hbm4b:s23+s25], $0x2000, s26, s25, $0x38;
	[tilespmem:$0x18200] =	vst v63  }
0x229: {  	s16 =	simm.s32 @p0 $0x1;
	s18 =	simm.s32 $0x1  }
0x22a: {  	[smem:$0x7E0] =	sst s16;
	s18 =	simm.s32 @!p0 $0x0;
	s23 =	spop (v2sf)  }
0x22b: {  	s14 =	sadd.s32 s18, s14;
	p4 =	seq.s32 s23, s20;
	p0 =	sne.s32 s23, s20  }
0x22c: {  	s18 =	sand.u32 $0x7, s14;
	s25 =	sshll.u32 @!p4 s23, $0x7;
	s28 =	simm.s32 @!p4 $0xB71C00  }
0x22d: {  	(v2sf) =	vpush v2, $0x7;
	s26 =	simm.s32 @!p4 $0x400;
	s16 =	sshll.u32 @!p4 s18, $0xD;
	s25 =	sand.u32 @!p4 $0x1FFFFF80, s25  }
0x22e: {  	s20 =	simm.s32 @!p0 $0x0;
	s16 =	sor.u32 @!p4 $0x200, s16;
	s25 =	sadd.s32 @!p4 s1, s25  }
0x22f: {  	[tilespmem:s16], [sflag:$0x2] =	stream.strided.gather @!p4 [hbm4b:s25+s26], $0x2000, s28, s26, $0x38;
	[tilespmem:$0x18200] =	vst v63  }
0x230: {  	s20 =	simm.s32 @p0 $0x1;
	s16 =	simm.s32 $0x1  }
0x231: {  	[smem:$0x7E1] =	sst s20;
	s16 =	simm.s32 @!p0 $0x0;
	s20 =	spop (v2sf)  }
0x232: {  	s14 =	sadd.s32 s16, s14;
	p0 =	seq.s32 s20, s23  }
0x233: {  	s16 =	sand.u32 $0x7, s14;
	s25 =	simm.s32 @!p0 $0x0  }
0x234: {  	s26 =	sshll.u32 @!p0 s20, $0x7;
	s28 =	simm.s32 @!p0 $0x400;
	s25 =	simm.s32 @p0 $0x1  }
0x235: {  	s26 =	sand.u32 @!p0 $0x1FFFFF80, s26;
	[smem:$0x7E3] =	sst s25;
	s25 =	sshll.u32 @!p0 s16, $0xD  }
0x236: {  	s29 =	simm.s32 @!p0 $0xB71C00;
	s26 =	sadd.s32 @!p0 s1, s26;
	s25 =	sor.u32 @!p0 $0x200, s25  }
0x237: {  	[tilespmem:s25], [sflag:$0x2] =	stream.strided.gather @!p0 [hbm4b:s26+s28], $0x2000, s29, s28, $0x38;
	[tilespmem:$0x18200] =	vst v63  }
0x238: {  	s29 =	sld [smem:$0x7DC]  }
0x239: {  	p0 =	sne.s32 s20, s23  }
0x23a: {  	s25 =	simm.s32 $0x1;
	s23 =	simm.s32 @!p0 $0x0  }
0x23b: {  	s25 =	simm.s32 @!p0 $0x0;
	s23 =	simm.s32 @p0 $0x1;
	p0 =	seq.s32 s29, $0x1  }
0x23c: {  	s15 =	smov.u32 @p0 s19;
	s19 =	spop (v2sf)  }
0x23d: {  	[smem:$0x7E2] =	sst s23;
	s23 =	sadd.s32 s25, s14;
	p0 =	seq.s32 s19, s20  }
0x23e: {  	s14 =	sand.u32 $0x7, s23;
	s25 =	sshll.u32 s15, $0x6;
	s26 =	simm.s32 @!p0 $0x0  }
0x23f: {  	v1 =	vand.u32 $0x7F, v1;
	s28 =	sshll.u32 @!p0 s19, $0x7;
	v3 =	vmov s25;
	s29 =	simm.s32 @!p0 $0x400;
	s26 =	simm.s32 @p0 $0x1  }
0x240: {  	v4 =	vbroadcast v1, $0x0;
	s28 =	sand.u32 @!p0 $0x1FFFFF80, s28;
	v3 =	vshll.u32 v3, $0x7;
	[smem:$0x7E4] =	sst s26;
	s26 =	sshll.u32 @!p0 s14, $0xD  }
0x241: {  	s30 =	simm.s32 @!p0 $0xB71C00;
	s28 =	sadd.s32 @!p0 s1, s28;
	v3 =	vor.u32 v0, v3;
	s26 =	sor.u32 @!p0 $0x200, s26  }
0x242: {  	v3 =	vor.u32 v4, v3;
	[tilespmem:s26], [sflag:$0x2] =	stream.strided.gather @!p0 [hbm4b:s28+s29], $0x2000, s30, s29, $0x38;
	[tilespmem:$0x18200] =	vst v63  }
0x243: {  	s26 =	simm.s32 @!p1 $0x1  }
0x244: {  	s30 =	sor.u32 $0x10, s25;
	_ =	swait.ge @!p1 [sflag:s26], $0x2000  }
0x245: {  	v5 =	vmov s30;
	[sflag:s26] =	ssyncset.done @!p1 $0x0  }
0x246: {  	v5 =	vshll.u32 v5, $0x7;
	[sflag:s26] =	ssyncadd.s32 @!p1 $0xFFFFE000  }
0x247: {  	v5 =	vor.u32 v0, v5;
	v3 =	vld.idx.msk [tilespmem:v3+s9+$0x0], $0xffff  }
0x248: {  	v5 =	vor.u32 v4, v5;
	_ =	sdelay $0x1  }
0x249: {  	s31 =	sor.u32 $0x20, s25  }
0x24a: {  	v6 =	vmov s31  }
0x24b: {  	[tilespmem:s13+$0xFFFFFC00] =	vst v3;
	v3 =	vshll.u32 v6, $0x7  }
0x24c: {  	v5 =	vld.idx.msk [tilespmem:v5+s9+$0x0], $0xffff;
	v3 =	vor.u32 v0, v3  }
0x24d: {  	v3 =	vor.u32 v4, v3;
	_ =	sdelay $0x1  }
0x24e: {  	s25 =	sor.u32 $0x30, s25  }
0x24f: {  	v59 =	vmov s25  }
0x250: {  	v60 =	vshll.u32 v59, $0x7;
	[tilespmem:s13+$0xFFFFFC10] =	vst v5  }
0x251: {  	v5 =	vor.u32 v0, v60;
	v3 =	vld.idx.msk [tilespmem:v3+s9+$0x0], $0xffff  }
0x252: {  	s26 =	sld [smem:$0x7DD];
	v4 =	vor.u32 v4, v5;
	_ =	sdelay $0x2  }
0x253: {  	p0 =	seq.s32 s26, $0x1  }
0x254: {  	s15 =	smov.u32 @p0 s24;
	[tilespmem:s13+$0xFFFFFC20] =	vst v3  }
0x255: {  	s24 =	sshll.u32 s15, $0x6;
	v3 =	vld.idx.msk [tilespmem:v4+s9+$0x0], $0xffff  }
0x256: {  	v61 =	vmov s24  }
0x257: {  	v62 =	vbroadcast v1, $0x1;
	v4 =	vshll.u32 v61, $0x7  }
0x258: {  	v4 =	vor.u32 v0, v4  }
0x259: {  	v4 =	vor.u32 v62, v4  }
0x25a: {  	s25 =	simm.s32 @!p6 $0x1;
	[tilespmem:s13+$0xFFFFFC30] =	vst v3  }
0x25b: {  	s28 =	sor.u32 $0x10, s24;
	_ =	swait.ge @!p6 [sflag:s25], $0x2000  }
0x25c: {  	v3 =	vmov s28;
	[sflag:s25] =	ssyncset.done @!p6 $0x0  }
0x25d: {  	v3 =	vshll.u32 v3, $0x7;
	[sflag:s25] =	ssyncadd.s32 @!p6 $0xFFFFE000  }
0x25e: {  	v3 =	vor.u32 v0, v3;
	v4 =	vld.idx.msk [tilespmem:v4+s9+$0x0], $0xffff  }
0x25f: {  	v3 =	vor.u32 v62, v3;
	_ =	sdelay $0x1  }
0x260: {  	s29 =	sor.u32 $0x20, s24  }
0x261: {  	v63 =	vmov s29  }
0x262: {  	v8 =	vshll.u32 v63, $0x7;
	[tilespmem:s13+$0xFFFFFC80] =	vst v4  }
0x263: {  	v4 =	vor.u32 v0, v8;
	v3 =	vld.idx.msk [tilespmem:v3+s9+$0x0], $0xffff  }
0x264: {  	v4 =	vor.u32 v62, v4;
	_ =	sdelay $0x1  }
0x265: {  	s24 =	sor.u32 $0x30, s24  }
0x266: {  	v9 =	vmov s24  }
0x267: {  	[tilespmem:s13+$0xFFFFFC90] =	vst v3;
	v3 =	vshll.u32 v9, $0x7  }
0x268: {  	v4 =	vld.idx.msk [tilespmem:v4+s9+$0x0], $0xffff;
	v3 =	vor.u32 v0, v3  }
0x269: {  	s30 =	sld [smem:$0x7DE];
	v3 =	vor.u32 v62, v3;
	_ =	sdelay $0x2  }
0x26a: {  	p0 =	seq.s32 s30, $0x1  }
0x26b: {  	s15 =	smov.u32 @p0 s22;
	[tilespmem:s13+$0xFFFFFCA0] =	vst v4  }
0x26c: {  	s22 =	sshll.u32 s15, $0x6;
	v3 =	vld.idx.msk [tilespmem:v3+s9+$0x0], $0xffff  }
0x26d: {  	v10 =	vmov s22  }
0x26e: {  	v11 =	vbroadcast v1, $0x2;
	v4 =	vshll.u32 v10, $0x7  }
0x26f: {  	v4 =	vor.u32 v0, v4  }
0x270: {  	v4 =	vor.u32 v11, v4  }
0x271: {  	s24 =	simm.s32 @!p5 $0x1;
	[tilespmem:s13+$0xFFFFFCB0] =	vst v3  }
0x272: {  	s31 =	sor.u32 $0x10, s22;
	_ =	swait.ge @!p5 [sflag:s24], $0x2000  }
0x273: {  	v3 =	vmov s31;
	[sflag:s24] =	ssyncset.done @!p5 $0x0  }
0x274: {  	v3 =	vshll.u32 v3, $0x7;
	[sflag:s24] =	ssyncadd.s32 @!p5 $0xFFFFE000  }
0x275: {  	v3 =	vor.u32 v0, v3;
	v4 =	vld.idx.msk [tilespmem:v4+s9+$0x0], $0xffff  }
0x276: {  	v3 =	vor.u32 v11, v3;
	_ =	sdelay $0x1  }
0x277: {  	s25 =	sor.u32 $0x20, s22  }
0x278: {  	v12 =	vmov s25  }
0x279: {  	v13 =	vshll.u32 v12, $0x7;
	[tilespmem:s13+$0xFFFFFD00] =	vst v4  }
0x27a: {  	v4 =	vor.u32 v0, v13;
	v3 =	vld.idx.msk [tilespmem:v3+s9+$0x0], $0xffff  }
0x27b: {  	v4 =	vor.u32 v11, v4;
	_ =	sdelay $0x1  }
0x27c: {  	s22 =	sor.u32 $0x30, s22  }
0x27d: {  	v14 =	vmov s22  }
0x27e: {  	[tilespmem:s13+$0xFFFFFD10] =	vst v3;
	v3 =	vshll.u32 v14, $0x7  }
0x27f: {  	v4 =	vld.idx.msk [tilespmem:v4+s9+$0x0], $0xffff;
	v3 =	vor.u32 v0, v3  }
0x280: {  	s26 =	sld [smem:$0x7DF];
	v3 =	vor.u32 v11, v3;
	_ =	sdelay $0x2  }
0x281: {  	p0 =	seq.s32 s26, $0x1  }
0x282: {  	s15 =	smov.u32 @p0 s17;
	[tilespmem:s13+$0xFFFFFD20] =	vst v4  }
0x283: {  	s17 =	sshll.u32 s15, $0x6;
	v3 =	vld.idx.msk [tilespmem:v3+s9+$0x0], $0xffff  }
0x284: {  	v15 =	vmov s17  }
0x285: {  	v16 =	vbroadcast v1, $0x3;
	v4 =	vshll.u32 v15, $0x7  }
0x286: {  	v4 =	vor.u32 v0, v4  }
0x287: {  	v4 =	vor.u32 v16, v4  }
0x288: {  	s22 =	simm.s32 @!p3 $0x1;
	[tilespmem:s13+$0xFFFFFD30] =	vst v3  }
0x289: {  	s28 =	sor.u32 $0x10, s17;
	_ =	swait.ge @!p3 [sflag:s22], $0x2000  }
0x28a: {  	v3 =	vmov s28;
	[sflag:s22] =	ssyncset.done @!p3 $0x0  }
0x28b: {  	v3 =	vshll.u32 v3, $0x7;
	[sflag:s22] =	ssyncadd.s32 @!p3 $0xFFFFE000  }
0x28c: {  	v3 =	vor.u32 v0, v3;
	v4 =	vld.idx.msk [tilespmem:v4+s9+$0x0], $0xffff  }
0x28d: {  	v3 =	vor.u32 v16, v3;
	_ =	sdelay $0x1  }
0x28e: {  	s29 =	sor.u32 $0x20, s17;
	(v2sf) =	vpush v2, $0x8  }
0x28f: {  	v17 =	vmov s29  }
0x290: {  	v18 =	vshll.u32 v17, $0x7;
	[tilespmem:s13+$0xFFFFFD80] =	vst v4  }
0x291: {  	v4 =	vor.u32 v0, v18;
	v3 =	vld.idx.msk [tilespmem:v3+s9+$0x0], $0xffff  }
0x292: {  	v4 =	vor.u32 v16, v4;
	_ =	sdelay $0x1  }
0x293: {  	s17 =	sor.u32 $0x30, s17  }
0x294: {  	v19 =	vmov s17  }
0x295: {  	[tilespmem:s13+$0xFFFFFD90] =	vst v3;
	v3 =	vshll.u32 v19, $0x7  }
0x296: {  	(v2sf) =	vpush v2, $0x9;
	v4 =	vld.idx.msk [tilespmem:v4+s9+$0x0], $0xffff;
	v3 =	vor.u32 v0, v3  }
0x297: {  	v3 =	vor.u32 v16, v3;
	_ =	sdelay $0x3  }
0x298: {  	[tilespmem:s13+$0xFFFFFDA0] =	vst v4  }
0x299: {  	p0 =	sne.s32 s19, s20;
	s17 =	simm.s32 $0x1;
	s22 =	spop (v2sf);
	(v2sf) =	vpush v2, $0xA;
	v3 =	vld.idx.msk [tilespmem:v3+s9+$0x0], $0xffff  }
0x29a: {  	s17 =	simm.s32 @!p0 $0x0  }
0x29b: {  	s17 =	sadd.s32 s17, s23;
	p3 =	seq.s32 s22, s19  }
0x29c: {  	s20 =	sand.u32 $0x7, s17;
	p1 =	sne.s32 s22, s19;
	s24 =	sshll.u32 @!p3 s22, $0x7  }
0x29d: {  	s23 =	sshll.u32 @!p3 s20, $0xD;
	s25 =	simm.s32 @!p3 $0x400;
	s24 =	sand.u32 @!p3 $0x1FFFFF80, s24  }
0x29e: {  	s26 =	simm.s32 @!p3 $0xB71C00;
	s23 =	sor.u32 @!p3 $0x200, s23;
	s24 =	sadd.s32 @!p3 s1, s24;
	[tilespmem:s13+$0xFFFFFDB0] =	vst v3  }
0x29f: {  	[tilespmem:s23], [sflag:$0x1] =	stream.strided.gather @!p3 [hbm4b:s24+s25], $0x2000, s26, s25, $0x38;
	[tilespmem:$0x18200] =	vst v63  }
0x2a0: {  	s19 =	simm.s32 @!p1 $0x0;
	s23 =	simm.s32 $0x1  }
0x2a1: {  	s19 =	simm.s32 @p1 $0x1;
	s23 =	simm.s32 @!p1 $0x0  }
0x2a2: {  	[smem:$0x7E5] =	sst s19;
	s17 =	sadd.s32 s23, s17;
	s23 =	spop (v2sf);
	(v2sf) =	vpush v2, $0xB  }
0x2a3: {  	s19 =	sand.u32 $0x7, s17;
	p5 =	seq.s32 s23, s22;
	p1 =	sne.s32 s23, s22  }
0x2a4: {  	s24 =	sshll.u32 @!p5 s19, $0xD;
	s25 =	sshll.u32 @!p5 s23, $0x7;
	s26 =	simm.s32 @!p5 $0x400  }
0x2a5: {  	s28 =	simm.s32 @!p5 $0xB71C00;
	s22 =	simm.s32 @!p1 $0x0;
	s25 =	sand.u32 @!p5 $0x1FFFFF80, s25  }
0x2a6: {  	s24 =	sor.u32 @!p5 $0x200, s24;
	s22 =	simm.s32 @p1 $0x1;
	s25 =	sadd.s32 @!p5 s1, s25  }
0x2a7: {  	[tilespmem:s24], [sflag:$0x1] =	stream.strided.gather @!p5 [hbm4b:s25+s26], $0x2000, s28, s26, $0x38;
	[tilespmem:$0x18200] =	vst v63  }
0x2a8: {  	[smem:$0x7E6] =	sst s22;
	s22 =	spop (v2sf);
	s24 =	simm.s32 $0x1  }
0x2a9: {  	p6 =	seq.s32 s22, s23;
	s24 =	simm.s32 @!p1 $0x0  }
0x2aa: {  	s30 =	sld [smem:$0x7E0];
	s26 =	sshll.u32 @!p6 s22, $0x7;
	s24 =	sadd.s32 s24, s17  }
0x2ab: {  	s28 =	simm.s32 @!p6 $0x400;
	s29 =	simm.s32 @!p6 $0xB71C00;
	s17 =	sand.u32 $0x7, s24  }
0x2ac: {  	p1 =	sne.s32 s22, s23;
	s26 =	sand.u32 @!p6 $0x1FFFFF80, s26;
	s25 =	sshll.u32 @!p6 s17, $0xD  }
0x2ad: {  	s23 =	simm.s32 @!p1 $0x0;
	s26 =	sadd.s32 @!p6 s1, s26;
	s25 =	sor.u32 @!p6 $0x200, s25  }
0x2ae: {  	[tilespmem:s25], [sflag:$0x1] =	stream.strided.gather @!p6 [hbm4b:s26+s28], $0x2000, s29, s28, $0x38;
	[tilespmem:$0x18200] =	vst v63  }
0x2af: {  	s23 =	simm.s32 @p1 $0x1;
	s25 =	simm.s32 $0x1  }
0x2b0: {  	s26 =	smov.u32 s15;
	s25 =	simm.s32 @!p1 $0x0;
	p1 =	seq.s32 s30, $0x1  }
0x2b1: {  	s26 =	smov.u32 @p1 s21;
	s21 =	spop (v2sf)  }
0x2b2: {  	[smem:$0x7E7] =	sst s23;
	s23 =	sadd.s32 s25, s24;
	p1 =	seq.s32 s21, s22  }
0x2b3: {  	s15 =	sand.u32 $0x7, s23;
	s24 =	sshll.u32 s26, $0x6;
	s25 =	simm.s32 @!p1 $0x0  }
0x2b4: {  	v3 =	vmov s24;
	s28 =	sshll.u32 @!p1 s21, $0x7;
	s29 =	simm.s32 @!p1 $0x400;
	s25 =	simm.s32 @p1 $0x1  }
0x2b5: {  	v20 =	vbroadcast v1, $0x4;
	v3 =	vshll.u32 v3, $0x7;
	s28 =	sand.u32 @!p1 $0x1FFFFF80, s28;
	[smem:$0x7E9] =	sst s25;
	s25 =	sshll.u32 @!p1 s15, $0xD  }
0x2b6: {  	s30 =	simm.s32 @!p1 $0xB71C00;
	v3 =	vor.u32 v0, v3;
	s28 =	sadd.s32 @!p1 s1, s28;
	s25 =	sor.u32 @!p1 $0x200, s25  }
0x2b7: {  	v3 =	vor.u32 v20, v3;
	[tilespmem:s25], [sflag:$0x1] =	stream.strided.gather @!p1 [hbm4b:s28+s29], $0x2000, s30, s29, $0x38;
	[tilespmem:$0x18200] =	vst v63  }
0x2b8: {  	s25 =	simm.s32 @!p2 $0x2  }
0x2b9: {  	s31 =	sor.u32 $0x10, s24;
	_ =	swait.ge @!p2 [sflag:s25], $0x2000  }
0x2ba: {  	v21 =	vmov s31;
	[sflag:s25] =	ssyncset.done @!p2 $0x0  }
0x2bb: {  	v5 =	vshll.u32 v21, $0x7;
	[sflag:s25] =	ssyncadd.s32 @!p2 $0xFFFFE000  }
0x2bc: {  	v5 =	vor.u32 v0, v5;
	v3 =	vld.idx.msk [tilespmem:v3+s9+$0x0], $0xffff  }
0x2bd: {  	v5 =	vor.u32 v20, v5;
	_ =	sdelay $0x1  }
0x2be: {  	s29 =	sor.u32 $0x20, s24  }
0x2bf: {  	v22 =	vmov s29  }
0x2c0: {  	[tilespmem:s13+$0xFFFFFE00] =	vst v3;
	v3 =	vshll.u32 v22, $0x7  }
0x2c1: {  	v5 =	vld.idx.msk [tilespmem:v5+s9+$0x0], $0xffff;
	v3 =	vor.u32 v0, v3  }
0x2c2: {  	v3 =	vor.u32 v20, v3;
	_ =	sdelay $0x1  }
0x2c3: {  	s24 =	sor.u32 $0x30, s24  }
0x2c4: {  	v23 =	vmov s24  }
0x2c5: {  	v24 =	vshll.u32 v23, $0x7;
	[tilespmem:s13+$0xFFFFFE10] =	vst v5  }
0x2c6: {  	v5 =	vor.u32 v0, v24;
	v3 =	vld.idx.msk [tilespmem:v3+s9+$0x0], $0xffff  }
0x2c7: {  	s30 =	sld [smem:$0x7E1];
	v4 =	vor.u32 v20, v5;
	_ =	sdelay $0x2  }
0x2c8: {  	p1 =	seq.s32 s30, $0x1  }
0x2c9: {  	s26 =	smov.u32 @p1 s18;
	[tilespmem:s13+$0xFFFFFE20] =	vst v3  }
0x2ca: {  	s18 =	sshll.u32 s26, $0x6;
	v3 =	vld.idx.msk [tilespmem:v4+s9+$0x0], $0xffff  }
0x2cb: {  	v25 =	vmov s18  }
0x2cc: {  	v26 =	vbroadcast v1, $0x5;
	v4 =	vshll.u32 v25, $0x7  }
0x2cd: {  	v4 =	vor.u32 v0, v4  }
0x2ce: {  	v4 =	vor.u32 v26, v4  }
0x2cf: {  	s24 =	simm.s32 @!p4 $0x2;
	[tilespmem:s13+$0xFFFFFE30] =	vst v3  }
0x2d0: {  	s31 =	sor.u32 $0x10, s18;
	_ =	swait.ge @!p4 [sflag:s24], $0x2000  }
0x2d1: {  	v3 =	vmov s31;
	[sflag:s24] =	ssyncset.done @!p4 $0x0  }
0x2d2: {  	v3 =	vshll.u32 v3, $0x7;
	[sflag:s24] =	ssyncadd.s32 @!p4 $0xFFFFE000  }
0x2d3: {  	v3 =	vor.u32 v0, v3;
	v4 =	vld.idx.msk [tilespmem:v4+s9+$0x0], $0xffff  }
0x2d4: {  	v3 =	vor.u32 v26, v3;
	_ =	sdelay $0x1  }
0x2d5: {  	s28 =	sor.u32 $0x20, s18  }
0x2d6: {  	v27 =	vmov s28  }
0x2d7: {  	v28 =	vshll.u32 v27, $0x7;
	[tilespmem:s13+$0xFFFFFE80] =	vst v4  }
0x2d8: {  	v4 =	vor.u32 v0, v28;
	v3 =	vld.idx.msk [tilespmem:v3+s9+$0x0], $0xffff  }
0x2d9: {  	v4 =	vor.u32 v26, v4;
	_ =	sdelay $0x1  }
0x2da: {  	s18 =	sor.u32 $0x30, s18  }
0x2db: {  	v29 =	vmov s18  }
0x2dc: {  	[tilespmem:s13+$0xFFFFFE90] =	vst v3;
	v3 =	vshll.u32 v29, $0x7  }
0x2dd: {  	v4 =	vld.idx.msk [tilespmem:v4+s9+$0x0], $0xffff;
	v3 =	vor.u32 v0, v3  }
0x2de: {  	s29 =	sld [smem:$0x7E2];
	v3 =	vor.u32 v26, v3;
	_ =	sdelay $0x2  }
0x2df: {  	p1 =	seq.s32 s29, $0x1  }
0x2e0: {  	s26 =	smov.u32 @p1 s16;
	[tilespmem:s13+$0xFFFFFEA0] =	vst v4  }
0x2e1: {  	s16 =	sshll.u32 s26, $0x6;
	v3 =	vld.idx.msk [tilespmem:v3+s9+$0x0], $0xffff  }
0x2e2: {  	s30 =	sld [smem:$0x7E3];
	v30 =	vmov s16  }
0x2e3: {  	v31 =	vbroadcast v1, $0x6;
	v4 =	vshll.u32 v30, $0x7  }
0x2e4: {  	v4 =	vor.u32 v0, v4  }
0x2e5: {  	p1 =	seq.s32 s30, $0x1;
	v4 =	vor.u32 v31, v4  }
0x2e6: {  	s18 =	simm.s32 @!p1 $0x2;
	[tilespmem:s13+$0xFFFFFEB0] =	vst v3  }
0x2e7: {  	s31 =	sor.u32 $0x10, s16;
	_ =	swait.ge @!p1 [sflag:s18], $0x2000  }
0x2e8: {  	v3 =	vmov s31;
	[sflag:s18] =	ssyncset.done @!p1 $0x0  }
0x2e9: {  	v3 =	vshll.u32 v3, $0x7;
	[sflag:s18] =	ssyncadd.s32 @!p1 $0xFFFFE000  }
0x2ea: {  	v3 =	vor.u32 v0, v3;
	v4 =	vld.idx.msk [tilespmem:v4+s9+$0x0], $0xffff  }
0x2eb: {  	v3 =	vor.u32 v31, v3;
	_ =	sdelay $0x1  }
0x2ec: {  	s24 =	sor.u32 $0x20, s16  }
0x2ed: {  	v32 =	vmov s24  }
0x2ee: {  	v33 =	vshll.u32 v32, $0x7;
	[tilespmem:s13+$0xFFFFFF00] =	vst v4  }
0x2ef: {  	v4 =	vor.u32 v0, v33;
	v3 =	vld.idx.msk [tilespmem:v3+s9+$0x0], $0xffff  }
0x2f0: {  	v4 =	vor.u32 v31, v4;
	_ =	sdelay $0x1  }
0x2f1: {  	s16 =	sor.u32 $0x30, s16  }
0x2f2: {  	v34 =	vmov s16  }
0x2f3: {  	[tilespmem:s13+$0xFFFFFF10] =	vst v3;
	v3 =	vshll.u32 v34, $0x7  }
0x2f4: {  	v4 =	vld.idx.msk [tilespmem:v4+s9+$0x0], $0xffff;
	v3 =	vor.u32 v0, v3  }
0x2f5: {  	v3 =	vor.u32 v31, v3;
	_ =	sdelay $0x2  }
0x2f6: {  	s16 =	smov.u32 s26  }
0x2f7: {  	s16 =	smov.u32 @p0 s14;
	[tilespmem:s13+$0xFFFFFF20] =	vst v4  }
0x2f8: {  	s14 =	sshll.u32 s16, $0x6;
	v3 =	vld.idx.msk [tilespmem:v3+s9+$0x0], $0xffff  }
0x2f9: {  	v35 =	vmov s14;
	s25 =	sld [smem:$0x7E4]  }
0x2fa: {  	v36 =	vbroadcast v1, $0x7;
	v4 =	vshll.u32 v35, $0x7  }
0x2fb: {  	v4 =	vor.u32 v0, v4  }
0x2fc: {  	p0 =	seq.s32 s25, $0x1;
	v4 =	vor.u32 v36, v4  }
0x2fd: {  	s18 =	simm.s32 @!p0 $0x2;
	[tilespmem:s13+$0xFFFFFF30] =	vst v3  }
0x2fe: {  	s26 =	sor.u32 $0x10, s14;
	_ =	swait.ge @!p0 [sflag:s18], $0x2000  }
0x2ff: {  	v3 =	vmov s26;
	[sflag:s18] =	ssyncset.done @!p0 $0x0  }
0x300: {  	v3 =	vshll.u32 v3, $0x7;
	[sflag:s18] =	ssyncadd.s32 @!p0 $0xFFFFE000  }
0x301: {  	v3 =	vor.u32 v0, v3;
	v4 =	vld.idx.msk [tilespmem:v4+s9+$0x0], $0xffff  }
0x302: {  	v3 =	vor.u32 v36, v3;
	_ =	sdelay $0x1  }
0x303: {  	s28 =	sor.u32 $0x20, s14;
	(v2sf) =	vpush v2, $0xC  }
0x304: {  	v37 =	vmov s28  }
0x305: {  	v38 =	vshll.u32 v37, $0x7;
	[tilespmem:s13+$0xFFFFFF80] =	vst v4  }
0x306: {  	v4 =	vor.u32 v0, v38;
	v3 =	vld.idx.msk [tilespmem:v3+s9+$0x0], $0xffff  }
0x307: {  	v4 =	vor.u32 v36, v4;
	_ =	sdelay $0x1  }
0x308: {  	s14 =	sor.u32 $0x30, s14  }
0x309: {  	v39 =	vmov s14  }
0x30a: {  	(v2sf) =	vpush v2, $0xD;
	[tilespmem:s13+$0xFFFFFF90] =	vst v3;
	v3 =	vshll.u32 v39, $0x7  }
0x30b: {  	v4 =	vld.idx.msk [tilespmem:v4+s9+$0x0], $0xffff;
	v3 =	vor.u32 v0, v3  }
0x30c: {  	v3 =	vor.u32 v36, v3;
	_ =	sdelay $0x1  }
0x30d: {  	p0 =	sne.s32 s21, s22  }
0x30e: {  	s18 =	simm.s32 @!p0 $0x0  }
0x30f: {  	s14 =	simm.s32 $0x1;
	s18 =	simm.s32 @p0 $0x1;
	[tilespmem:s13+$0xFFFFFFA0] =	vst v4  }
0x310: {  	s14 =	simm.s32 @!p0 $0x0;
	[smem:$0x7E8] =	sst s18;
	s18 =	spop (v2sf);
	(v2sf) =	vpush v2, $0xE;
	v3 =	vld.idx.msk [tilespmem:v3+s9+$0x0], $0xffff  }
0x311: {  	s14 =	sadd.s32 s14, s23  }
0x312: {  	s23 =	sand.u32 $0x7, s14;
	p0 =	seq.s32 s18, s21  }
0x313: {  	s22 =	sshll.u32 @!p0 s23, $0xD;
	s24 =	sshll.u32 @!p0 s18, $0x7;
	s25 =	simm.s32 @!p0 $0x400  }
0x314: {  	p1 =	sne.s32 s18, s21;
	s26 =	simm.s32 @!p0 $0xB71C00;
	s24 =	sand.u32 @!p0 $0x1FFFFF80, s24  }
0x315: {  	s21 =	simm.s32 @!p1 $0x0;
	s22 =	sor.u32 @!p0 $0x200, s22;
	s24 =	sadd.s32 @!p0 s1, s24;
	[tilespmem:s13+$0xFFFFFFB0] =	vst v3  }
0x316: {  	[tilespmem:s22], [sflag:$0x2] =	stream.strided.gather @!p0 [hbm4b:s24+s25], $0x2000, s26, s25, $0x38;
	[tilespmem:$0x18200] =	vst v63  }
0x317: {  	s21 =	simm.s32 @p1 $0x1;
	s22 =	simm.s32 $0x1  }
0x318: {  	[smem:$0x7EA] =	sst s21;
	s24 =	spop (v2sf);
	s22 =	simm.s32 @!p1 $0x0  }
0x319: {  	p4 =	seq.s32 s24, s18;
	p1 =	sne.s32 s24, s18;
	s14 =	sadd.s32 s22, s14  }
0x31a: {  	(v2sf) =	vpush v2, $0xF;
	s25 =	sshll.u32 @!p4 s24, $0x7;
	s28 =	simm.s32 @!p4 $0xB71C00;
	s22 =	sand.u32 $0x7, s14  }
0x31b: {  	s26 =	simm.s32 @!p4 $0x400;
	s25 =	sand.u32 @!p4 $0x1FFFFF80, s25;
	s21 =	sshll.u32 @!p4 s22, $0xD  }
0x31c: {  	s18 =	simm.s32 @!p1 $0x0;
	s25 =	sadd.s32 @!p4 s1, s25;
	s21 =	sor.u32 @!p4 $0x200, s21  }
0x31d: {  	[tilespmem:s21], [sflag:$0x2] =	stream.strided.gather @!p4 [hbm4b:s25+s26], $0x2000, s28, s26, $0x38;
	[tilespmem:$0x18200] =	vst v63  }
0x31e: {  	s18 =	simm.s32 @p1 $0x1;
	s21 =	simm.s32 $0x1  }
0x31f: {  	[smem:$0x7EB] =	sst s18;
	s18 =	spop (v2sf);
	s21 =	simm.s32 @!p1 $0x0  }
0x320: {  	p2 =	seq.s32 s18, s24;
	s14 =	sadd.s32 s21, s14  }
0x321: {  	s26 =	sshll.u32 @!p2 s18, $0x7;
	s29 =	simm.s32 @!p2 $0xB71C00;
	s21 =	sand.u32 $0x7, s14  }
0x322: {  	s28 =	simm.s32 @!p2 $0x400;
	s26 =	sand.u32 @!p2 $0x1FFFFF80, s26;
	s25 =	sshll.u32 @!p2 s21, $0xD  }
0x323: {  	p1 =	sne.s32 s18, s24;
	s26 =	sadd.s32 @!p2 s1, s26;
	s25 =	sor.u32 @!p2 $0x200, s25  }
0x324: {  	[tilespmem:s25], [sflag:$0x2] =	stream.strided.gather @!p2 [hbm4b:s26+s28], $0x2000, s29, s28, $0x38;
	[tilespmem:$0x18200] =	vst v63  }
0x325: {  	s24 =	simm.s32 @!p1 $0x0;
	s29 =	sld [smem:$0x7E5]  }
0x326: {  	s24 =	simm.s32 @p1 $0x1  }
0x327: {  	[smem:$0x7EC] =	sst s24;
	s25 =	simm.s32 $0x1  }
0x328: {  	s24 =	smov.u32 s16;
	s25 =	simm.s32 @!p1 $0x0;
	p1 =	seq.s32 s29, $0x1  }
0x329: {  	s16 =	sadd.s32 s25, s14;
	s14 =	spop (v2sf);
	s24 =	smov.u32 @p1 s20  }
0x32a: {  	p1 =	seq.s32 s14, s18;
	s25 =	sshll.u32 s24, $0x6  }
0x32b: {  	s20 =	sand.u32 $0x7, s16;
	s28 =	sshll.u32 @!p1 s14, $0x7;
	v2 =	vmov s25  }
0x32c: {  	v3 =	vbroadcast v1, $0x8;
	s26 =	sshll.u32 @!p1 s20, $0xD;
	s29 =	simm.s32 @!p1 $0x400;
	s28 =	sand.u32 @!p1 $0x1FFFFF80, s28;
	v2 =	vshll.u32 v2, $0x7  }
0x32d: {  	s30 =	simm.s32 @!p1 $0xB71C00;
	s26 =	sor.u32 @!p1 $0x200, s26;
	s28 =	sadd.s32 @!p1 s1, s28;
	v2 =	vor.u32 v0, v2  }
0x32e: {  	[tilespmem:s26], [sflag:$0x2] =	stream.strided.gather @!p1 [hbm4b:s28+s29], $0x2000, s30, s29, $0x38;
	v2 =	vor.u32 v3, v2;
	[tilespmem:$0x18200] =	vst v63  }
0x32f: {  	s26 =	simm.s32 @!p3 $0x1  }
0x330: {  	s30 =	sor.u32 $0x10, s25;
	_ =	swait.ge @!p3 [sflag:s26], $0x2000  }
0x331: {  	v40 =	vmov s30;
	[sflag:s26] =	ssyncset.done @!p3 $0x0  }
0x332: {  	v4 =	vshll.u32 v40, $0x7;
	[sflag:s26] =	ssyncadd.s32 @!p3 $0xFFFFE000  }
0x333: {  	v4 =	vor.u32 v0, v4;
	v2 =	vld.idx.msk [tilespmem:v2+s9+$0x0], $0xffff  }
0x334: {  	v4 =	vor.u32 v3, v4;
	_ =	sdelay $0x1  }
0x335: {  	s31 =	sor.u32 $0x20, s25  }
0x336: {  	v41 =	vmov s31  }
0x337: {  	[tilespmem:s13+$0x0] =	vst v2;
	v2 =	vshll.u32 v41, $0x7  }
0x338: {  	v4 =	vld.idx.msk [tilespmem:v4+s9+$0x0], $0xffff;
	v2 =	vor.u32 v0, v2  }
0x339: {  	v2 =	vor.u32 v3, v2;
	_ =	sdelay $0x1  }
0x33a: {  	s25 =	sor.u32 $0x30, s25  }
0x33b: {  	v42 =	vmov s25  }
0x33c: {  	v43 =	vshll.u32 v42, $0x7;
	[tilespmem:s13+$0x10] =	vst v4  }
0x33d: {  	v4 =	vor.u32 v0, v43;
	v2 =	vld.idx.msk [tilespmem:v2+s9+$0x0], $0xffff  }
0x33e: {  	s26 =	sld [smem:$0x7E6];
	v3 =	vor.u32 v3, v4;
	_ =	sdelay $0x2  }
0x33f: {  	p3 =	seq.s32 s26, $0x1  }
0x340: {  	s24 =	smov.u32 @p3 s19;
	[tilespmem:s13+$0x20] =	vst v2  }
0x341: {  	s19 =	sshll.u32 s24, $0x6;
	v2 =	vld.idx.msk [tilespmem:v3+s9+$0x0], $0xffff  }
0x342: {  	v3 =	vmov s19  }
0x343: {  	v44 =	vbroadcast v1, $0x9;
	v3 =	vshll.u32 v3, $0x7  }
0x344: {  	v3 =	vor.u32 v0, v3  }
0x345: {  	v3 =	vor.u32 v44, v3  }
0x346: {  	s25 =	simm.s32 @!p5 $0x1;
	[tilespmem:s13+$0x30] =	vst v2  }
0x347: {  	s28 =	sor.u32 $0x10, s19;
	_ =	swait.ge @!p5 [sflag:s25], $0x2000  }
0x348: {  	v2 =	vmov s28;
	[sflag:s25] =	ssyncset.done @!p5 $0x0  }
0x349: {  	v2 =	vshll.u32 v2, $0x7;
	[sflag:s25] =	ssyncadd.s32 @!p5 $0xFFFFE000  }
0x34a: {  	v2 =	vor.u32 v0, v2;
	v3 =	vld.idx.msk [tilespmem:v3+s9+$0x0], $0xffff  }
0x34b: {  	v2 =	vor.u32 v44, v2;
	_ =	sdelay $0x1  }
0x34c: {  	s29 =	sor.u32 $0x20, s19  }
0x34d: {  	v45 =	vmov s29  }
0x34e: {  	[tilespmem:s13+$0x80] =	vst v3;
	v3 =	vshll.u32 v45, $0x7  }
0x34f: {  	v2 =	vld.idx.msk [tilespmem:v2+s9+$0x0], $0xffff;
	v3 =	vor.u32 v0, v3  }
0x350: {  	v3 =	vor.u32 v44, v3;
	_ =	sdelay $0x1  }
0x351: {  	s19 =	sor.u32 $0x30, s19  }
0x352: {  	v46 =	vmov s19  }
0x353: {  	[tilespmem:s13+$0x90] =	vst v2;
	v2 =	vshll.u32 v46, $0x7  }
0x354: {  	v3 =	vld.idx.msk [tilespmem:v3+s9+$0x0], $0xffff;
	v2 =	vor.u32 v0, v2  }
0x355: {  	s30 =	sld [smem:$0x7E7];
	v2 =	vor.u32 v44, v2;
	_ =	sdelay $0x2  }
0x356: {  	p3 =	seq.s32 s30, $0x1  }
0x357: {  	s24 =	smov.u32 @p3 s17;
	[tilespmem:s13+$0xA0] =	vst v3  }
0x358: {  	s17 =	sshll.u32 s24, $0x6;
	v2 =	vld.idx.msk [tilespmem:v2+s9+$0x0], $0xffff  }
0x359: {  	v3 =	vmov s17  }
0x35a: {  	v47 =	vbroadcast v1, $0xA;
	v3 =	vshll.u32 v3, $0x7  }
0x35b: {  	v3 =	vor.u32 v0, v3  }
0x35c: {  	v3 =	vor.u32 v47, v3  }
0x35d: {  	s19 =	simm.s32 @!p6 $0x1;
	[tilespmem:s13+$0xB0] =	vst v2  }
0x35e: {  	s31 =	sor.u32 $0x10, s17;
	_ =	swait.ge @!p6 [sflag:s19], $0x2000  }
0x35f: {  	v2 =	vmov s31;
	[sflag:s19] =	ssyncset.done @!p6 $0x0  }
0x360: {  	v2 =	vshll.u32 v2, $0x7;
	[sflag:s19] =	ssyncadd.s32 @!p6 $0xFFFFE000  }
0x361: {  	v2 =	vor.u32 v0, v2;
	v3 =	vld.idx.msk [tilespmem:v3+s9+$0x0], $0xffff  }
0x362: {  	v2 =	vor.u32 v47, v2;
	_ =	sdelay $0x1  }
0x363: {  	s26 =	sor.u32 $0x20, s17  }
0x364: {  	v48 =	vmov s26  }
0x365: {  	[tilespmem:s13+$0x100] =	vst v3;
	v3 =	vshll.u32 v48, $0x7  }
0x366: {  	v2 =	vld.idx.msk [tilespmem:v2+s9+$0x0], $0xffff;
	v3 =	vor.u32 v0, v3  }
0x367: {  	v3 =	vor.u32 v47, v3;
	_ =	sdelay $0x1  }
0x368: {  	s17 =	sor.u32 $0x30, s17  }
0x369: {  	v49 =	vmov s17  }
0x36a: {  	[tilespmem:s13+$0x110] =	vst v2;
	v2 =	vshll.u32 v49, $0x7  }
0x36b: {  	v3 =	vld.idx.msk [tilespmem:v3+s9+$0x0], $0xffff;
	v2 =	vor.u32 v0, v2  }
0x36c: {  	s28 =	sld [smem:$0x7E8];
	v2 =	vor.u32 v47, v2;
	_ =	sdelay $0x2  }
0x36d: {  	p3 =	seq.s32 s28, $0x1  }
0x36e: {  	s24 =	smov.u32 @p3 s15;
	[tilespmem:s13+$0x120] =	vst v3  }
0x36f: {  	s15 =	sshll.u32 s24, $0x6;
	v2 =	vld.idx.msk [tilespmem:v2+s9+$0x0], $0xffff  }
0x370: {  	s29 =	sld [smem:$0x7E9];
	v3 =	vmov s15  }
0x371: {  	v50 =	vbroadcast v1, $0xB;
	v3 =	vshll.u32 v3, $0x7  }
0x372: {  	v3 =	vor.u32 v0, v3  }
0x373: {  	p3 =	seq.s32 s29, $0x1;
	v3 =	vor.u32 v50, v3  }
0x374: {  	s17 =	simm.s32 @!p3 $0x1;
	[tilespmem:s13+$0x130] =	vst v2  }
0x375: {  	s30 =	sor.u32 $0x10, s15;
	_ =	swait.ge @!p3 [sflag:s17], $0x2000  }
0x376: {  	v2 =	vmov s30;
	[sflag:s17] =	ssyncset.done @!p3 $0x0  }
0x377: {  	v2 =	vshll.u32 v2, $0x7;
	[sflag:s17] =	ssyncadd.s32 @!p3 $0xFFFFE000  }
0x378: {  	v2 =	vor.u32 v0, v2;
	v3 =	vld.idx.msk [tilespmem:v3+s9+$0x0], $0xffff  }
0x379: {  	v2 =	vor.u32 v50, v2;
	_ =	sdelay $0x1  }
0x37a: {  	s31 =	sor.u32 $0x20, s15  }
0x37b: {  	v51 =	vmov s31  }
0x37c: {  	[tilespmem:s13+$0x180] =	vst v3;
	v3 =	vshll.u32 v51, $0x7  }
0x37d: {  	v2 =	vld.idx.msk [tilespmem:v2+s9+$0x0], $0xffff;
	v3 =	vor.u32 v0, v3  }
0x37e: {  	v3 =	vor.u32 v50, v3;
	_ =	sdelay $0x1  }
0x37f: {  	s15 =	sor.u32 $0x30, s15  }
0x380: {  	v52 =	vmov s15  }
0x381: {  	[tilespmem:s13+$0x190] =	vst v2;
	v2 =	vshll.u32 v52, $0x7  }
0x382: {  	v3 =	vld.idx.msk [tilespmem:v3+s9+$0x0], $0xffff;
	v2 =	vor.u32 v0, v2  }
0x383: {  	s19 =	sld [smem:$0x7EA];
	v2 =	vor.u32 v50, v2;
	_ =	sdelay $0x2  }
0x384: {  	p3 =	seq.s32 s19, $0x1  }
0x385: {  	s24 =	smov.u32 @p3 s23;
	[tilespmem:s13+$0x1A0] =	vst v3  }
0x386: {  	s25 =	sshll.u32 s24, $0x6;
	v2 =	vld.idx.msk [tilespmem:v2+s9+$0x0], $0xffff  }
0x387: {  	v3 =	vmov s25  }
0x388: {  	v53 =	vbroadcast v1, $0xC;
	v3 =	vshll.u32 v3, $0x7  }
0x389: {  	v3 =	vor.u32 v0, v3  }
0x38a: {  	v3 =	vor.u32 v53, v3  }
0x38b: {  	s17 =	simm.s32 @!p0 $0x2;
	[tilespmem:s13+$0x1B0] =	vst v2  }
0x38c: {  	s26 =	sor.u32 $0x10, s25;
	_ =	swait.ge @!p0 [sflag:s17], $0x2000  }
0x38d: {  	v2 =	vmov s26;
	[sflag:s17] =	ssyncset.done @!p0 $0x0  }
0x38e: {  	v2 =	vshll.u32 v2, $0x7;
	[sflag:s17] =	ssyncadd.s32 @!p0 $0xFFFFE000  }
0x38f: {  	v2 =	vor.u32 v0, v2;
	v3 =	vld.idx.msk [tilespmem:v3+s9+$0x0], $0xffff  }
0x390: {  	v2 =	vor.u32 v53, v2;
	_ =	sdelay $0x1  }
0x391: {  	s28 =	sor.u32 $0x20, s25  }
0x392: {  	v54 =	vmov s28  }
0x393: {  	[tilespmem:s13+$0x200] =	vst v3;
	v3 =	vshll.u32 v54, $0x7  }
0x394: {  	v2 =	vld.idx.msk [tilespmem:v2+s9+$0x0], $0xffff;
	v3 =	vor.u32 v0, v3  }
0x395: {  	v3 =	vor.u32 v53, v3;
	_ =	sdelay $0x1  }
0x396: {  	s15 =	sor.u32 $0x30, s25  }
0x397: {  	v55 =	vmov s15  }
0x398: {  	[tilespmem:s13+$0x210] =	vst v2;
	v2 =	vshll.u32 v55, $0x7  }
0x399: {  	v3 =	vld.idx.msk [tilespmem:v3+s9+$0x0], $0xffff;
	v2 =	vor.u32 v0, v2  }
0x39a: {  	s29 =	sld [smem:$0x7EB];
	v2 =	vor.u32 v53, v2;
	_ =	sdelay $0x2  }
0x39b: {  	p0 =	seq.s32 s29, $0x1  }
0x39c: {  	s24 =	smov.u32 @p0 s22;
	[tilespmem:s13+$0x220] =	vst v3  }
0x39d: {  	s30 =	sshll.u32 s24, $0x6;
	v2 =	vld.idx.msk [tilespmem:v2+s9+$0x0], $0xffff  }
0x39e: {  	v3 =	vmov s30  }
0x39f: {  	v56 =	vbroadcast v1, $0xD;
	v3 =	vshll.u32 v3, $0x7  }
0x3a0: {  	v3 =	vor.u32 v0, v3  }
0x3a1: {  	v3 =	vor.u32 v56, v3  }
0x3a2: {  	s17 =	simm.s32 @!p4 $0x2;
	[tilespmem:s13+$0x230] =	vst v2  }
0x3a3: {  	s31 =	sor.u32 $0x10, s30;
	_ =	swait.ge @!p4 [sflag:s17], $0x2000  }
0x3a4: {  	v2 =	vmov s31;
	[sflag:s17] =	ssyncset.done @!p4 $0x0  }
0x3a5: {  	v2 =	vshll.u32 v2, $0x7;
	[sflag:s17] =	ssyncadd.s32 @!p4 $0xFFFFE000  }
0x3a6: {  	v2 =	vor.u32 v0, v2;
	v3 =	vld.idx.msk [tilespmem:v3+s9+$0x0], $0xffff  }
0x3a7: {  	v2 =	vor.u32 v56, v2;
	_ =	sdelay $0x1  }
0x3a8: {  	s22 =	sor.u32 $0x20, s30  }
0x3a9: {  	v57 =	vmov s22  }
0x3aa: {  	[tilespmem:s13+$0x280] =	vst v3;
	v3 =	vshll.u32 v57, $0x7  }
0x3ab: {  	v2 =	vld.idx.msk [tilespmem:v2+s9+$0x0], $0xffff;
	v3 =	vor.u32 v0, v3  }
0x3ac: {  	v3 =	vor.u32 v56, v3;
	_ =	sdelay $0x1  }
0x3ad: {  	s15 =	sor.u32 $0x30, s30  }
0x3ae: {  	v58 =	vmov s15  }
0x3af: {  	[tilespmem:s13+$0x290] =	vst v2;
	v2 =	vshll.u32 v58, $0x7  }
0x3b0: {  	v3 =	vld.idx.msk [tilespmem:v3+s9+$0x0], $0xffff;
	v2 =	vor.u32 v0, v2  }
0x3b1: {  	s23 =	sld [smem:$0x7EC];
	v2 =	vor.u32 v56, v2;
	_ =	sdelay $0x2  }
0x3b2: {  	p0 =	seq.s32 s23, $0x1  }
0x3b3: {  	s24 =	smov.u32 @p0 s21;
	[tilespmem:s13+$0x2A0] =	vst v3  }
0x3b4: {  	s25 =	sshll.u32 s24, $0x6;
	v2 =	vld.idx.msk [tilespmem:v2+s9+$0x0], $0xffff  }
0x3b5: {  	v3 =	vmov s25  }
0x3b6: {  	v59 =	vbroadcast v1, $0xE;
	v3 =	vshll.u32 v3, $0x7  }
0x3b7: {  	v3 =	vor.u32 v0, v3  }
0x3b8: {  	v3 =	vor.u32 v59, v3  }
0x3b9: {  	s17 =	simm.s32 @!p2 $0x2;
	[tilespmem:s13+$0x2B0] =	vst v2  }
0x3ba: {  	s26 =	sor.u32 $0x10, s25;
	_ =	swait.ge @!p2 [sflag:s17], $0x2000  }
0x3bb: {  	v2 =	vmov s26;
	[sflag:s17] =	ssyncset.done @!p2 $0x0  }
0x3bc: {  	v2 =	vshll.u32 v2, $0x7;
	[sflag:s17] =	ssyncadd.s32 @!p2 $0xFFFFE000  }
0x3bd: {  	v2 =	vor.u32 v0, v2;
	v3 =	vld.idx.msk [tilespmem:v3+s9+$0x0], $0xffff  }
0x3be: {  	v2 =	vor.u32 v59, v2;
	_ =	sdelay $0x1  }
0x3bf: {  	s28 =	sor.u32 $0x20, s25  }
0x3c0: {  	v60 =	vmov s28  }
0x3c1: {  	[tilespmem:s13+$0x300] =	vst v3;
	v3 =	vshll.u32 v60, $0x7  }
0x3c2: {  	v2 =	vld.idx.msk [tilespmem:v2+s9+$0x0], $0xffff;
	v3 =	vor.u32 v0, v3  }
0x3c3: {  	v3 =	vor.u32 v59, v3;
	_ =	sdelay $0x1  }
0x3c4: {  	s15 =	sor.u32 $0x30, s25  }
0x3c5: {  	v61 =	vmov s15  }
0x3c6: {  	[tilespmem:s13+$0x310] =	vst v2;
	v2 =	vshll.u32 v61, $0x7  }
0x3c7: {  	v3 =	vld.idx.msk [tilespmem:v3+s9+$0x0], $0xffff;
	v2 =	vor.u32 v0, v2  }
0x3c8: {  	v2 =	vor.u32 v59, v2;
	_ =	sdelay $0x2  }
0x3c9: {  	p0 =	sne.s32 s14, s18;
	s15 =	smov.u32 s24  }
0x3ca: {  	s15 =	smov.u32 @p0 s20;
	[tilespmem:s13+$0x320] =	vst v3  }
0x3cb: {  	s29 =	sshll.u32 s15, $0x6;
	v2 =	vld.idx.msk [tilespmem:v2+s9+$0x0], $0xffff  }
0x3cc: {  	v3 =	vmov s29  }
0x3cd: {  	v1 =	vbroadcast v1, $0xF;
	v3 =	vshll.u32 v3, $0x7  }
0x3ce: {  	v3 =	vor.u32 v0, v3  }
0x3cf: {  	v3 =	vor.u32 v1, v3  }
0x3d0: {  	s18 =	simm.s32 @!p1 $0x2;
	[tilespmem:s13+$0x330] =	vst v2  }
0x3d1: {  	s30 =	sor.u32 $0x10, s29;
	_ =	swait.ge @!p1 [sflag:s18], $0x2000  }
0x3d2: {  	v2 =	vmov s30;
	[sflag:s18] =	ssyncset.done @!p1 $0x0  }
0x3d3: {  	v2 =	vshll.u32 v2, $0x7;
	[sflag:s18] =	ssyncadd.s32 @!p1 $0xFFFFE000  }
0x3d4: {  	v2 =	vor.u32 v0, v2;
	v3 =	vld.idx.msk [tilespmem:v3+s9+$0x0], $0xffff  }
0x3d5: {  	v2 =	vor.u32 v1, v2;
	_ =	sdelay $0x1  }
0x3d6: {  	s31 =	sor.u32 $0x20, s29  }
0x3d7: {  	v62 =	vmov s31  }
0x3d8: {  	[tilespmem:s13+$0x380] =	vst v3;
	v3 =	vshll.u32 v62, $0x7  }
0x3d9: {  	v2 =	vld.idx.msk [tilespmem:v2+s9+$0x0], $0xffff;
	v3 =	vor.u32 v0, v3  }
0x3da: {  	v3 =	vor.u32 v1, v3;
	_ =	sdelay $0x1  }
0x3db: {  	s17 =	sor.u32 $0x30, s29  }
0x3dc: {  	v63 =	vmov s17  }
0x3dd: {  	[tilespmem:s13+$0x390] =	vst v2;
	v2 =	vshll.u32 v63, $0x7  }
0x3de: {  	v3 =	vld.idx.msk [tilespmem:v3+s9+$0x0], $0xffff;
	v2 =	vor.u32 v0, v2  }
0x3df: {  	v1 =	vor.u32 v1, v2;
	_ =	sdelay $0x3  }
0x3e0: {  	s12 =	sadd.s32 $0x40, s12;
	s17 =	simm.s32 $0x1;
	[tilespmem:s13+$0x3A0] =	vst v3  }
0x3e1: {  	s17 =	simm.s32 @!p0 $0x0;
	p0 =	sne.s32 s12, $0x400;
	v1 =	vld.idx.msk [tilespmem:v1+s9+$0x0], $0xffff  }
.Ltmp1:
0x3e2: {  	_ = 	snop;
	(pc) =	sbr.rel @p0 .LBB2_4-.Ltmp1, $2  }
0x3e3: {  	_ =	sdelay $0x2  }
0x3e4: {  	s16 =	sadd.s32 s17, s16;
	[tilespmem:s13+$0x3B0] =	vst v1;
	s13 =	sadd.s32 $0x800, s13  }
0x3e5: {  	s11 =	sadd.s32 $0x1, s11  }
0x3e6: {  	p0 =	sne.s32 s11, s7  }
.Ltmp2:
0x3e7: {  	_ = 	snop;
	(pc) =	sbr.rel @p0 .LBB2_1-.Ltmp2, $4  }
0x3e8: {  	[hbm4b:s6+s3] =	stream.linear.scatter [tilespmem:s10], [sflag:$0x3], $0x8000, $0x38;
	[tilespmem:$0x18200] =	vst v63  }
0x3e9: {  	_ =	swait.ge [sflag:s8], $0x8000  }
0x3ea: {  	[sflag:s8] =	ssyncset.done $0x0  }
0x3eb: {  	[sflag:s8] =	ssyncadd.s32 $0xFFFF8000  }
0x3ec: {  	_ =	sfence.sel $0x180000  }
0x3ed: {  	[bflag:$0x0] =	sbarrier.arrive $0xFFFF  }
0x3ee: {  	p0 =	sne.s32 s2, $0x0;
	_ =	strace $0x90000047  }
0x3ef: {  	s0 =	sadd.s32 @!p0 $0x100000, s0;
	[bflag:$0x2] =	sbarrier.arrive $0xFFFF  }
0x3f0: {  	[sflag:s0] =	ssyncadd.tile.s32 @!p0 $0x1;
	_ =	shalt  }
.Lfunc_end2:
_tile_overlayer_lowered:
.L_overlay_start_2:
0x3f1: {  	(tag) =	ssettag $0x2  }
0x3f2: {  	s0 =	rddreg [dreg:$0x0];
	s2 =	stileid.u32  }
0x3f3: {  	s1 =	rddreg [dreg:$0x1];
	p0 =	sne.s32 s2, $0x0  }
0x3f4: {  	s3 =	rddreg [dreg:$0x2];
	[bflag:$0x3] =	sbarrier.arrive $0xFFFF;
	s2 =	simm.s32 @!p0 $0x1C03  }
0x3f5: {  	[timem:s3], [sflag:s2] =	dma.local @!p0 [hbm:s0], s1  }
0x3f6: {  	s0 =	simm.s32 @!p0 $0x3  }
0x3f7: {  	_ =	swait.ge @!p0 [sflag:s0], s1  }
0x3f8: {  	s1 =	ssub.s32 @!p0 $0x0, s1;
	[sflag:s0] =	ssyncset.done @!p0 $0x0  }
0x3f9: {  	[sflag:s0] =	ssyncadd.s32 @!p0 s1  }
0x3fa: {  	[bflag:$0x3] =	sbarrier.arrive $0xFFFF  }
0x3fb: {  	_ =	shalt  }

</sc_bundles>
